<compile_context>
chip_gen: v7x
topology: tpu7x:2x2x1
jax: 0.10.2.dev20260603
libtpu: 0.0.44.dev20260713+nightly
codegen_flags: <defaults>
</compile_context>

<pallas_src>
import functools

import jax
import jax.numpy as jnp
from jax import lax
from jax.experimental import pallas as pl
from jax.experimental.pallas import tpu as pltpu
from jax.experimental.pallas import tpu_sc as plsc

L = 16
NS = 16
NC = 2
K = 80
G = 10


def _full(v):
    return jnp.full((L,), v, dtype=jnp.int32)


def _rsqrt16(d):
    i = plsc.bitcast(d, jnp.int32)
    i = jnp.int32(0x5F3759DF) - lax.shift_right_logical(i, jnp.int32(1))
    y = plsc.bitcast(i, jnp.float32)
    for _ in range(3):
        y = y * (1.5 - 0.5 * d * y * y)
    return y


def _make_sc_kernel(n_nodes, n_feat, n_edges):
    fv = n_feat // L
    ep0 = n_edges // NS
    bk = G * K
    n0_blocks = ep0 // bk
    ep2 = n_edges // (NC * NS)
    n2 = ep2 // K
    nrc = n_nodes // L
    max_rc = (nrc + NS - 1) // NS
    zlen = (n_nodes // NS) // 8 * 8
    mesh = plsc.VectorSubcoreMesh(core_axis_name="c", subcore_axis_name="s")

    @functools.partial(
        pl.kernel,
        out_type=[
            jax.ShapeDtypeStruct((n_nodes, n_feat), jnp.float32),
            jax.ShapeDtypeStruct((n_nodes, n_feat), jnp.float32),
            jax.ShapeDtypeStruct((n_nodes,), jnp.float32),
        ],
        mesh=mesh,
        compiler_params=pltpu.CompilerParams(needs_layout_passes=False),
        scratch_types=[
            pltpu.HBM((n_nodes, n_feat), jnp.float32),
            pltpu.VMEM_SHARED((n_nodes,), jnp.float32),
            pltpu.VMEM_SHARED((n_nodes, n_feat), jnp.float32),
            pltpu.VMEM((G, K), jnp.int32),
            pltpu.VMEM((bk,), jnp.int32),
            pltpu.VMEM((bk,), jnp.float32),
            pltpu.VMEM((K,), jnp.int32),
            pltpu.VMEM((K,), jnp.int32),
            pltpu.VMEM((K,), jnp.float32),
            pltpu.VMEM((K,), jnp.int32),
            pltpu.VMEM((K, n_feat), jnp.float32),
            pltpu.VMEM((K,), jnp.int32),
            pltpu.VMEM((K,), jnp.int32),
            pltpu.VMEM((K,), jnp.float32),
            pltpu.VMEM((K,), jnp.int32),
            pltpu.VMEM((K, n_feat), jnp.float32),
            pltpu.VMEM((L, n_feat), jnp.float32),
            pltpu.VMEM((L, n_feat), jnp.float32),
            pltpu.VMEM((L, n_feat), jnp.float32),
            pltpu.VMEM((L,), jnp.float32),
            pltpu.VMEM((L,), jnp.float32),
            pltpu.VMEM((zlen,), jnp.float32),
            pltpu.SemaphoreType.DMA,
            pltpu.SemaphoreType.DMA,
            pltpu.SemaphoreType.DMA,
            pltpu.SemaphoreType.DMA,
            pltpu.SemaphoreType.DMA,
            pltpu.SemaphoreType.DMA,
            pltpu.SemaphoreType.DMA,
            pltpu.SemaphoreType.DMA,
        ],
    )
    def gcn(x_hbm, src_hbm, dst_hbm, ew_hbm,
            a0_hbm, a1_hbm, dinv_hbm,
            y_hbm, deg_sh, acc_sh, dstm_v, dstb_v, ewb_v,
            src0, dst0, ew0, si0, rows0, src1, dst1, ew1, si1, rows1,
            x_v, y_v, z_v, d_v, dv_v, zero_v,
            sem, sem0, ld0, ld1, g0, g1, sc0, sc1):
        c = lax.axis_index("c")
        s = lax.axis_index("s")
        zeros16 = jnp.zeros((L,), jnp.float32)

        for t in range(zlen // L):
            zero_v[pl.ds(t * L, L)] = zeros16
        for r in range(L):
            for k in range(fv):
                z_v[r, pl.ds(k * L, L)] = zeros16
        off = pl.multiple_of(s * zlen, 8)
        pltpu.sync_copy(zero_v.at[pl.ds(0, zlen)], deg_sh.at[pl.ds(off, zlen)])

        @pl.when(s == 0)
        def _():
            rem = n_nodes - NS * zlen
            if rem:
                pltpu.sync_copy(zero_v.at[pl.ds(0, rem)],
                                deg_sh.at[pl.ds(NS * zlen, rem)])

        plsc.subcore_barrier()

        def p0_block(i, carry):
            e0 = pl.multiple_of(s * ep0 + i * bk, 8)
            pltpu.sync_copy(dst_hbm.at[pl.ds(e0, bk)], dstb_v)
            pltpu.sync_copy(ew_hbm.at[pl.ds(e0, bk)], ewb_v)
            for g in range(G):
                for t in range(K // L):
                    dstm_v[g, pl.ds(t * L, L)] = dstb_v[pl.ds(g * K + t * L, L)]
            for g in range(G):
                pltpu.async_copy(ewb_v.at[pl.ds(g * K, K)],
                                 deg_sh.at[dstm_v.at[g]], sem0, add=True)
            pltpu.make_async_copy(ew_hbm.at[pl.ds(0, bk)], ewb_v, sem0).wait()
            return carry

        lax.fori_loop(0, n0_blocks, p0_block, 0)
        plsc.subcore_barrier()

        def p1_chunk(jj, carry):
            j = s + NS * jj

            @pl.when(j < nrc)
            def _():
                rb = j * L
                pltpu.sync_copy(deg_sh.at[pl.ds(rb, L)], d_v)
                dinv = _rsqrt16(d_v[...] + 1.0)
                dv_v[...] = dinv
                pltpu.sync_copy(x_hbm.at[pl.ds(rb, L)], x_v)
                lane = lax.iota(jnp.int32, L)
                for f in range(n_feat):
                    col = plsc.load_gather(x_v, [lane, _full(f)])
                    plsc.store_scatter(y_v, [lane, _full(f)], col * dinv)
                pltpu.sync_copy(y_v, y_hbm.at[pl.ds(rb, L)])

                @pl.when(c == 0)
                def _():
                    pltpu.sync_copy(y_v, acc_sh.at[pl.ds(rb, L)])
                    pltpu.sync_copy(dv_v, dinv_hbm.at[pl.ds(rb, L)])

                @pl.when(c == 1)
                def _():
                    pltpu.sync_copy(z_v, acc_sh.at[pl.ds(rb, L)])

            return carry

        lax.fori_loop(0, max_rc, p1_chunk, 0)
        plsc.subcore_barrier()

        wbase = (c * NS + s) * ep2
        sets = ((src0, dst0, ew0, si0, rows0, ld0, g0, sc0),
                (src1, dst1, ew1, si1, rows1, ld1, g1, sc1))

        def start_loads(i, st):
            sv, dv, ev = st[0], st[1], st[2]
            e0 = pl.multiple_of(wbase + i * K, 8)
            pltpu.async_copy(src_hbm.at[pl.ds(e0, K)], sv, st[5])
            pltpu.async_copy(dst_hbm.at[pl.ds(e0, K)], dv, st[5])
            pltpu.async_copy(ew_hbm.at[pl.ds(e0, K)], ev, st[5])

        def drain_loads(st):
            pltpu.make_async_copy(src_hbm.at[pl.ds(0, K)], st[0], st[5]).wait()
            pltpu.make_async_copy(dst_hbm.at[pl.ds(0, K)], st[1], st[5]).wait()
            pltpu.make_async_copy(ew_hbm.at[pl.ds(0, K)], st[2], st[5]).wait()

        def p2_body(i, P, Q):
            @pl.when(i > 0)
            def _():
                pltpu.make_async_copy(y_hbm.at[pl.ds(0, K)], Q[4], Q[7]).wait()

            @pl.when(i + 1 < n2)
            def _():
                drain_loads(Q)
                pltpu.async_copy(y_hbm.at[Q[0]], Q[4], Q[6])

            pltpu.make_async_copy(y_hbm.at[pl.ds(0, K)], P[4], P[6]).wait()

            rows, ewv = P[4], P[2]

            def grp(g, gc):
                eidx = lax.iota(jnp.int32, L) + g * L
                ew16 = plsc.load_gather(ewv, [eidx])
                for f in range(n_feat):
                    col = plsc.load_gather(rows, [eidx, _full(f)])
                    plsc.store_scatter(rows, [eidx, _full(f)], col * ew16)
                return gc

            lax.fori_loop(0, K // L, grp, 0)
            for g in range(K // L):
                P[3][pl.ds(g * L, L)] = P[1][pl.ds(g * L, L)]

            pltpu.async_copy(P[4], acc_sh.at[P[3]], P[7], add=True)

            @pl.when(i + 2 < n2)
            def _():
                start_loads(i + 2, P)

        def p2_chunk(i, carry):
            @pl.when(i % 2 == 0)
            def _():
                p2_body(i, sets[0], sets[1])

            @pl.when(i % 2 == 1)
            def _():
                p2_body(i, sets[1], sets[0])

            return carry

        if False:
         start_loads(0, sets[0])
         drain_loads(sets[0])
         pltpu.async_copy(y_hbm.at[sets[0][0]], sets[0][4], sets[0][6])
         start_loads(1, sets[1])
         lax.fori_loop(0, n2, p2_chunk, 0)
         last = sets[(n2 - 1) % 2]
         pltpu.make_async_copy(y_hbm.at[pl.ds(0, K)], last[4], last[7]).wait()
        plsc.subcore_barrier()

        def p3_chunk(jj, carry):
            j = s + NS * jj

            @pl.when(j < nrc)
            def _():
                rb = j * L
                pltpu.sync_copy(acc_sh.at[pl.ds(rb, L)], y_v)

                @pl.when(c == 0)
                def _():
                    pltpu.sync_copy(y_v, a0_hbm.at[pl.ds(rb, L)])

                @pl.when(c == 1)
                def _():
                    pltpu.sync_copy(y_v, a1_hbm.at[pl.ds(rb, L)])

            return carry

        lax.fori_loop(0, max_rc, p3_chunk, 0)

    return gcn


def _combine_body(a0_ref, a1_ref, d_ref, o_ref):
    o_ref[...] = (a0_ref[...] + a1_ref[...]) * d_ref[...]


def _combine(a0, a1, dinv):
    n_nodes, n_feat = a0.shape
    blk = 400
    return pl.pallas_call(
        _combine_body,
        out_shape=jax.ShapeDtypeStruct((n_nodes, n_feat), jnp.float32),
        grid=(n_nodes // blk,),
        in_specs=[
            pl.BlockSpec((blk, n_feat), lambda i: (i, 0)),
            pl.BlockSpec((blk, n_feat), lambda i: (i, 0)),
            pl.BlockSpec((blk, 1), lambda i: (i, 0)),
        ],
        out_specs=pl.BlockSpec((blk, n_feat), lambda i: (i, 0)),
    )(a0, a1, dinv)


def kernel(x, edge_index, edge_weight):
    n_nodes, n_feat = x.shape
    n_edges = edge_weight.shape[0]
    src = edge_index[0].astype(jnp.int32)
    dst = edge_index[1].astype(jnp.int32)
    ew = edge_weight.astype(jnp.float32)
    gcn = _make_sc_kernel(n_nodes, n_feat, n_edges)
    a0, a1, dinv = gcn(x, src, dst, ew)
    return _combine(a0, a1, dinv.reshape(n_nodes, 1))

# --- scband reference (transcript-rebuilt; emitter-appended) ---
"""Pipeline reference for scband-modelfree-gcn-89008902243170 (READ-ONLY COPY).

The authoritative reference and input builder live on the scoring server;
editing this copy changes nothing except your own understanding.
"""

import jax, jax.numpy as jnp
import numpy as np

N_NODES = 10000
N_EDGES = 320000
D_FEAT = 128


def setup_inputs(seed: int = 0) -> dict:
    key = jax.random.key(seed)
    k1, k2, k3 = jax.random.split(key, 3)
    x = jax.random.normal(k1, (N_NODES, D_FEAT), dtype=jnp.float32)
    edge_index = jax.random.randint(k2, (2, N_EDGES), 0, N_NODES, dtype=jnp.int64)
    edge_weight = jax.random.uniform(k3, (N_EDGES,), dtype=jnp.float32)
    return {"x": x, "edge_index": edge_index, "edge_weight": edge_weight}


def reference(x, edge_index, edge_weight):
    # ModelfreeGCN forward: GCNConv with the linear weight forced to identity,
    # normalize=True, add_self_loops=True, improved=False, bias=False.
    N = x.shape[0]
    src = edge_index[0]
    dst = edge_index[1]

    # add self loops with fill_value = 1.0 (improved=False)
    loop = jnp.arange(N, dtype=edge_index.dtype)
    src = jnp.concatenate([src, loop])
    dst = jnp.concatenate([dst, loop])
    ew = jnp.concatenate([edge_weight, jnp.ones((N,), dtype=x.dtype)])

    # symmetric GCN normalization: D^{-1/2} A D^{-1/2}
    deg = jnp.zeros((N,), dtype=x.dtype).at[dst].add(ew)
    deg_inv_sqrt = jnp.where(deg > 0, jax.lax.rsqrt(deg), 0.0)
    norm = deg_inv_sqrt[src] * ew * deg_inv_sqrt[dst]

    # lin.weight is overwritten with identity -> linear transform is a no-op
    # message passing: gather from src, weight, scatter-add into dst
    msgs = x[src] * norm[:, None]
    out = jnp.zeros_like(x).at[dst].add(msgs)
    return out

if __name__ == "__main__":
    import jax
    _d = setup_inputs()
    print(jax.jit(kernel)(*tuple(_d.values())))

</pallas_src>

<mosaic_0001>
#map = affine_map<(d0, d1) -> (0, 0)>
#map1 = affine_map<(d0, d1) -> (0)>
module attributes {stable_mosaic.version = 14 : i64} {
  func.func @gcn(%arg0: i32, %arg1: i32, %arg2: memref<10000x128xf32, #tpu.memory_space<hbm>>, %arg3: memref<320000xi32, #tpu.memory_space<hbm>>, %arg4: memref<320000xi32, #tpu.memory_space<hbm>>, %arg5: memref<320000xf32, #tpu.memory_space<hbm>>, %arg6: memref<10000x128xf32, #tpu.memory_space<hbm>>, %arg7: memref<10000x128xf32, #tpu.memory_space<hbm>>, %arg8: memref<10000xf32, #tpu.memory_space<hbm>>, %arg9: memref<10000x128xf32, #tpu.memory_space<hbm>>, %arg10: memref<10000xf32, #tpu.memory_space<vmem_shared>>, %arg11: memref<10000x128xf32, #tpu.memory_space<vmem_shared>>, %arg12: memref<10x80xi32, #tpu.memory_space<vmem>>, %arg13: memref<800xi32, #tpu.memory_space<vmem>>, %arg14: memref<800xf32, #tpu.memory_space<vmem>>, %arg15: memref<80xi32, #tpu.memory_space<vmem>>, %arg16: memref<80xi32, #tpu.memory_space<vmem>>, %arg17: memref<80xf32, #tpu.memory_space<vmem>>, %arg18: memref<80xi32, #tpu.memory_space<vmem>>, %arg19: memref<80x128xf32, #tpu.memory_space<vmem>>, %arg20: memref<80xi32, #tpu.memory_space<vmem>>, %arg21: memref<80xi32, #tpu.memory_space<vmem>>, %arg22: memref<80xf32, #tpu.memory_space<vmem>>, %arg23: memref<80xi32, #tpu.memory_space<vmem>>, %arg24: memref<80x128xf32, #tpu.memory_space<vmem>>, %arg25: memref<16x128xf32, #tpu.memory_space<vmem>>, %arg26: memref<16x128xf32, #tpu.memory_space<vmem>>, %arg27: memref<16x128xf32, #tpu.memory_space<vmem>>, %arg28: memref<16xf32, #tpu.memory_space<vmem>>, %arg29: memref<16xf32, #tpu.memory_space<vmem>>, %arg30: memref<624xf32, #tpu.memory_space<vmem>>, %arg31: memref<!tpu.dma_semaphore, #tpu.memory_space<semaphore_mem>>, %arg32: memref<!tpu.dma_semaphore, #tpu.memory_space<semaphore_mem>>, %arg33: memref<!tpu.dma_semaphore, #tpu.memory_space<semaphore_mem>>, %arg34: memref<!tpu.dma_semaphore, #tpu.memory_space<semaphore_mem>>, %arg35: memref<!tpu.dma_semaphore, #tpu.memory_space<semaphore_mem>>, %arg36: memref<!tpu.dma_semaphore, #tpu.memory_space<semaphore_mem>>, %arg37: memref<!tpu.dma_semaphore, #tpu.memory_space<semaphore_mem>>, %arg38: memref<!tpu.dma_semaphore, #tpu.memory_space<semaphore_mem>>) attributes {dimension_semantics = [#tpu.dimension_semantics<core_parallel>, #tpu.dimension_semantics<subcore_parallel>], iteration_bounds = array<i64: 2, 16>, scalar_prefetch = 0 : i64, scratch_operands = 30 : i64, tpu.core_type = #tpu.core_type<sc_vector_subcore>, window_params = [{transform_indices = #map}, {transform_indices = #map1}, {transform_indices = #map1}, {transform_indices = #map1}, {transform_indices = #map}, {transform_indices = #map}, {transform_indices = #map1}]} {
    %broadcast_in_dim3A = arith.constant 0.000000e+00 : f32
    %broadcast_in_dim3A_0 = vector.broadcast %broadcast_in_dim3A : f32 to vector<16xf32>
    %swap3A = arith.constant 0 : index
    %swap3A_1 = tpu.vector_load %arg30[%swap3A] {strides = array<i32>} : memref<624xf32, #tpu.memory_space<vmem>>, vector<16xf32>,
    tpu.vector_store %arg30[%swap3A], %broadcast_in_dim3A_0 {strides = array<i32>} : memref<624xf32, #tpu.memory_space<vmem>>, vector<16xf32>,
    %swap3A_2 = arith.constant 16 : index
    %swap3A_3 = tpu.vector_load %arg30[%swap3A_2] {strides = array<i32>} : memref<624xf32, #tpu.memory_space<vmem>>, vector<16xf32>,
    tpu.vector_store %arg30[%swap3A_2], %broadcast_in_dim3A_0 {strides = array<i32>} : memref<624xf32, #tpu.memory_space<vmem>>, vector<16xf32>,
    %swap3A_4 = arith.constant 32 : index
    %swap3A_5 = tpu.vector_load %arg30[%swap3A_4] {strides = array<i32>} : memref<624xf32, #tpu.memory_space<vmem>>, vector<16xf32>,
    tpu.vector_store %arg30[%swap3A_4], %broadcast_in_dim3A_0 {strides = array<i32>} : memref<624xf32, #tpu.memory_space<vmem>>, vector<16xf32>,
    %swap3A_6 = arith.constant 48 : index
    %swap3A_7 = tpu.vector_load %arg30[%swap3A_6] {strides = array<i32>} : memref<624xf32, #tpu.memory_space<vmem>>, vector<16xf32>,
    tpu.vector_store %arg30[%swap3A_6], %broadcast_in_dim3A_0 {strides = array<i32>} : memref<624xf32, #tpu.memory_space<vmem>>, vector<16xf32>,
    %swap3A_8 = arith.constant 64 : index
    %swap3A_9 = tpu.vector_load %arg30[%swap3A_8] {strides = array<i32>} : memref<624xf32, #tpu.memory_space<vmem>>, vector<16xf32>,
    tpu.vector_store %arg30[%swap3A_8], %broadcast_in_dim3A_0 {strides = array<i32>} : memref<624xf32, #tpu.memory_space<vmem>>, vector<16xf32>,
    %swap3A_10 = arith.constant 80 : index
    %swap3A_11 = tpu.vector_load %arg30[%swap3A_10] {strides = array<i32>} : memref<624xf32, #tpu.memory_space<vmem>>, vector<16xf32>,
    tpu.vector_store %arg30[%swap3A_10], %broadcast_in_dim3A_0 {strides = array<i32>} : memref<624xf32, #tpu.memory_space<vmem>>, vector<16xf32>,
    %swap3A_12 = arith.constant 96 : index
    %swap3A_13 = tpu.vector_load %arg30[%swap3A_12] {strides = array<i32>} : memref<624xf32, #tpu.memory_space<vmem>>, vector<16xf32>,
    tpu.vector_store %arg30[%swap3A_12], %broadcast_in_dim3A_0 {strides = array<i32>} : memref<624xf32, #tpu.memory_space<vmem>>, vector<16xf32>,
    %swap3A_14 = arith.constant 112 : index
    %swap3A_15 = tpu.vector_load %arg30[%swap3A_14] {strides = array<i32>} : memref<624xf32, #tpu.memory_space<vmem>>, vector<16xf32>,
    tpu.vector_store %arg30[%swap3A_14], %broadcast_in_dim3A_0 {strides = array<i32>} : memref<624xf32, #tpu.memory_space<vmem>>, vector<16xf32>,
    %swap3A_16 = arith.constant 128 : index
    %swap3A_17 = tpu.vector_load %arg30[%swap3A_16] {strides = array<i32>} : memref<624xf32, #tpu.memory_space<vmem>>, vector<16xf32>,
    tpu.vector_store %arg30[%swap3A_16], %broadcast_in_dim3A_0 {strides = array<i32>} : memref<624xf32, #tpu.memory_space<vmem>>, vector<16xf32>,
    %swap3A_18 = arith.constant 144 : index
    %swap3A_19 = tpu.vector_load %arg30[%swap3A_18] {strides = array<i32>} : memref<624xf32, #tpu.memory_space<vmem>>, vector<16xf32>,
    tpu.vector_store %arg30[%swap3A_18], %broadcast_in_dim3A_0 {strides = array<i32>} : memref<624xf32, #tpu.memory_space<vmem>>, vector<16xf32>,
    %swap3A_20 = arith.constant 160 : index
    %swap3A_21 = tpu.vector_load %arg30[%swap3A_20] {strides = array<i32>} : memref<624xf32, #tpu.memory_space<vmem>>, vector<16xf32>,
    tpu.vector_store %arg30[%swap3A_20], %broadcast_in_dim3A_0 {strides = array<i32>} : memref<624xf32, #tpu.memory_space<vmem>>, vector<16xf32>,
    %swap3A_22 = arith.constant 176 : index
    %swap3A_23 = tpu.vector_load %arg30[%swap3A_22] {strides = array<i32>} : memref<624xf32, #tpu.memory_space<vmem>>, vector<16xf32>,
    tpu.vector_store %arg30[%swap3A_22], %broadcast_in_dim3A_0 {strides = array<i32>} : memref<624xf32, #tpu.memory_space<vmem>>, vector<16xf32>,
    %swap3A_24 = arith.constant 192 : index
    %swap3A_25 = tpu.vector_load %arg30[%swap3A_24] {strides = array<i32>} : memref<624xf32, #tpu.memory_space<vmem>>, vector<16xf32>,
    tpu.vector_store %arg30[%swap3A_24], %broadcast_in_dim3A_0 {strides = array<i32>} : memref<624xf32, #tpu.memory_space<vmem>>, vector<16xf32>,
    %swap3A_26 = arith.constant 208 : index
    %swap3A_27 = tpu.vector_load %arg30[%swap3A_26] {strides = array<i32>} : memref<624xf32, #tpu.memory_space<vmem>>, vector<16xf32>,
    tpu.vector_store %arg30[%swap3A_26], %broadcast_in_dim3A_0 {strides = array<i32>} : memref<624xf32, #tpu.memory_space<vmem>>, vector<16xf32>,
    %swap3A_28 = arith.constant 224 : index
    %swap3A_29 = tpu.vector_load %arg30[%swap3A_28] {strides = array<i32>} : memref<624xf32, #tpu.memory_space<vmem>>, vector<16xf32>,
    tpu.vector_store %arg30[%swap3A_28], %broadcast_in_dim3A_0 {strides = array<i32>} : memref<624xf32, #tpu.memory_space<vmem>>, vector<16xf32>,
    %swap3A_30 = arith.constant 240 : index
    %swap3A_31 = tpu.vector_load %arg30[%swap3A_30] {strides = array<i32>} : memref<624xf32, #tpu.memory_space<vmem>>, vector<16xf32>,
    tpu.vector_store %arg30[%swap3A_30], %broadcast_in_dim3A_0 {strides = array<i32>} : memref<624xf32, #tpu.memory_space<vmem>>, vector<16xf32>,
    %swap3A_32 = arith.constant 256 : index
    %swap3A_33 = tpu.vector_load %arg30[%swap3A_32] {strides = array<i32>} : memref<624xf32, #tpu.memory_space<vmem>>, vector<16xf32>,
    tpu.vector_store %arg30[%swap3A_32], %broadcast_in_dim3A_0 {strides = array<i32>} : memref<624xf32, #tpu.memory_space<vmem>>, vector<16xf32>,
    %swap3A_34 = arith.constant 272 : index
    %swap3A_35 = tpu.vector_load %arg30[%swap3A_34] {strides = array<i32>} : memref<624xf32, #tpu.memory_space<vmem>>, vector<16xf32>,
    tpu.vector_store %arg30[%swap3A_34], %broadcast_in_dim3A_0 {strides = array<i32>} : memref<624xf32, #tpu.memory_space<vmem>>, vector<16xf32>,
    %swap3A_36 = arith.constant 288 : index
    %swap3A_37 = tpu.vector_load %arg30[%swap3A_36] {strides = array<i32>} : memref<624xf32, #tpu.memory_space<vmem>>, vector<16xf32>,
    tpu.vector_store %arg30[%swap3A_36], %broadcast_in_dim3A_0 {strides = array<i32>} : memref<624xf32, #tpu.memory_space<vmem>>, vector<16xf32>,
    %swap3A_38 = arith.constant 304 : index
    %swap3A_39 = tpu.vector_load %arg30[%swap3A_38] {strides = array<i32>} : memref<624xf32, #tpu.memory_space<vmem>>, vector<16xf32>,
    tpu.vector_store %arg30[%swap3A_38], %broadcast_in_dim3A_0 {strides = array<i32>} : memref<624xf32, #tpu.memory_space<vmem>>, vector<16xf32>,
    %swap3A_40 = arith.constant 320 : index
    %swap3A_41 = tpu.vector_load %arg30[%swap3A_40] {strides = array<i32>} : memref<624xf32, #tpu.memory_space<vmem>>, vector<16xf32>,
    tpu.vector_store %arg30[%swap3A_40], %broadcast_in_dim3A_0 {strides = array<i32>} : memref<624xf32, #tpu.memory_space<vmem>>, vector<16xf32>,
    %swap3A_42 = arith.constant 336 : index
    %swap3A_43 = tpu.vector_load %arg30[%swap3A_42] {strides = array<i32>} : memref<624xf32, #tpu.memory_space<vmem>>, vector<16xf32>,
    tpu.vector_store %arg30[%swap3A_42], %broadcast_in_dim3A_0 {strides = array<i32>} : memref<624xf32, #tpu.memory_space<vmem>>, vector<16xf32>,
    %swap3A_44 = arith.constant 352 : index
    %swap3A_45 = tpu.vector_load %arg30[%swap3A_44] {strides = array<i32>} : memref<624xf32, #tpu.memory_space<vmem>>, vector<16xf32>,
    tpu.vector_store %arg30[%swap3A_44], %broadcast_in_dim3A_0 {strides = array<i32>} : memref<624xf32, #tpu.memory_space<vmem>>, vector<16xf32>,
    %swap3A_46 = arith.constant 368 : index
    %swap3A_47 = tpu.vector_load %arg30[%swap3A_46] {strides = array<i32>} : memref<624xf32, #tpu.memory_space<vmem>>, vector<16xf32>,
    tpu.vector_store %arg30[%swap3A_46], %broadcast_in_dim3A_0 {strides = array<i32>} : memref<624xf32, #tpu.memory_space<vmem>>, vector<16xf32>,
    %swap3A_48 = arith.constant 384 : index
    %swap3A_49 = tpu.vector_load %arg30[%swap3A_48] {strides = array<i32>} : memref<624xf32, #tpu.memory_space<vmem>>, vector<16xf32>,
    tpu.vector_store %arg30[%swap3A_48], %broadcast_in_dim3A_0 {strides = array<i32>} : memref<624xf32, #tpu.memory_space<vmem>>, vector<16xf32>,
    %swap3A_50 = arith.constant 400 : index
    %swap3A_51 = tpu.vector_load %arg30[%swap3A_50] {strides = array<i32>} : memref<624xf32, #tpu.memory_space<vmem>>, vector<16xf32>,
    tpu.vector_store %arg30[%swap3A_50], %broadcast_in_dim3A_0 {strides = array<i32>} : memref<624xf32, #tpu.memory_space<vmem>>, vector<16xf32>,
    %swap3A_52 = arith.constant 416 : index
    %swap3A_53 = tpu.vector_load %arg30[%swap3A_52] {strides = array<i32>} : memref<624xf32, #tpu.memory_space<vmem>>, vector<16xf32>,
    tpu.vector_store %arg30[%swap3A_52], %broadcast_in_dim3A_0 {strides = array<i32>} : memref<624xf32, #tpu.memory_space<vmem>>, vector<16xf32>,
    %swap3A_54 = arith.constant 432 : index
    %swap3A_55 = tpu.vector_load %arg30[%swap3A_54] {strides = array<i32>} : memref<624xf32, #tpu.memory_space<vmem>>, vector<16xf32>,
    tpu.vector_store %arg30[%swap3A_54], %broadcast_in_dim3A_0 {strides = array<i32>} : memref<624xf32, #tpu.memory_space<vmem>>, vector<16xf32>,
    %swap3A_56 = arith.constant 448 : index
    %swap3A_57 = tpu.vector_load %arg30[%swap3A_56] {strides = array<i32>} : memref<624xf32, #tpu.memory_space<vmem>>, vector<16xf32>,
    tpu.vector_store %arg30[%swap3A_56], %broadcast_in_dim3A_0 {strides = array<i32>} : memref<624xf32, #tpu.memory_space<vmem>>, vector<16xf32>,
    %swap3A_58 = arith.constant 464 : index
    %swap3A_59 = tpu.vector_load %arg30[%swap3A_58] {strides = array<i32>} : memref<624xf32, #tpu.memory_space<vmem>>, vector<16xf32>,
    tpu.vector_store %arg30[%swap3A_58], %broadcast_in_dim3A_0 {strides = array<i32>} : memref<624xf32, #tpu.memory_space<vmem>>, vector<16xf32>,
    %swap3A_60 = arith.constant 480 : index
    %swap3A_61 = tpu.vector_load %arg30[%swap3A_60] {strides = array<i32>} : memref<624xf32, #tpu.memory_space<vmem>>, vector<16xf32>,
    tpu.vector_store %arg30[%swap3A_60], %broadcast_in_dim3A_0 {strides = array<i32>} : memref<624xf32, #tpu.memory_space<vmem>>, vector<16xf32>,
    %swap3A_62 = arith.constant 496 : index
    %swap3A_63 = tpu.vector_load %arg30[%swap3A_62] {strides = array<i32>} : memref<624xf32, #tpu.memory_space<vmem>>, vector<16xf32>,
    tpu.vector_store %arg30[%swap3A_62], %broadcast_in_dim3A_0 {strides = array<i32>} : memref<624xf32, #tpu.memory_space<vmem>>, vector<16xf32>,
    %swap3A_64 = arith.constant 512 : index
    %swap3A_65 = tpu.vector_load %arg30[%swap3A_64] {strides = array<i32>} : memref<624xf32, #tpu.memory_space<vmem>>, vector<16xf32>,
    tpu.vector_store %arg30[%swap3A_64], %broadcast_in_dim3A_0 {strides = array<i32>} : memref<624xf32, #tpu.memory_space<vmem>>, vector<16xf32>,
    %swap3A_66 = arith.constant 528 : index
    %swap3A_67 = tpu.vector_load %arg30[%swap3A_66] {strides = array<i32>} : memref<624xf32, #tpu.memory_space<vmem>>, vector<16xf32>,
    tpu.vector_store %arg30[%swap3A_66], %broadcast_in_dim3A_0 {strides = array<i32>} : memref<624xf32, #tpu.memory_space<vmem>>, vector<16xf32>,
    %swap3A_68 = arith.constant 544 : index
    %swap3A_69 = tpu.vector_load %arg30[%swap3A_68] {strides = array<i32>} : memref<624xf32, #tpu.memory_space<vmem>>, vector<16xf32>,
    tpu.vector_store %arg30[%swap3A_68], %broadcast_in_dim3A_0 {strides = array<i32>} : memref<624xf32, #tpu.memory_space<vmem>>, vector<16xf32>,
    %swap3A_70 = arith.constant 560 : index
    %swap3A_71 = tpu.vector_load %arg30[%swap3A_70] {strides = array<i32>} : memref<624xf32, #tpu.memory_space<vmem>>, vector<16xf32>,
    tpu.vector_store %arg30[%swap3A_70], %broadcast_in_dim3A_0 {strides = array<i32>} : memref<624xf32, #tpu.memory_space<vmem>>, vector<16xf32>,
    %swap3A_72 = arith.constant 576 : index
    %swap3A_73 = tpu.vector_load %arg30[%swap3A_72] {strides = array<i32>} : memref<624xf32, #tpu.memory_space<vmem>>, vector<16xf32>,
    tpu.vector_store %arg30[%swap3A_72], %broadcast_in_dim3A_0 {strides = array<i32>} : memref<624xf32, #tpu.memory_space<vmem>>, vector<16xf32>,
    %swap3A_74 = arith.constant 592 : index
    %swap3A_75 = tpu.vector_load %arg30[%swap3A_74] {strides = array<i32>} : memref<624xf32, #tpu.memory_space<vmem>>, vector<16xf32>,
    tpu.vector_store %arg30[%swap3A_74], %broadcast_in_dim3A_0 {strides = array<i32>} : memref<624xf32, #tpu.memory_space<vmem>>, vector<16xf32>,
    %swap3A_76 = arith.constant 608 : index
    %swap3A_77 = tpu.vector_load %arg30[%swap3A_76] {strides = array<i32>} : memref<624xf32, #tpu.memory_space<vmem>>, vector<16xf32>,
    tpu.vector_store %arg30[%swap3A_76], %broadcast_in_dim3A_0 {strides = array<i32>} : memref<624xf32, #tpu.memory_space<vmem>>, vector<16xf32>,
    %swap3A_78 = arith.constant 0 : i32
    %swap3A_79 = arith.index_cast %swap3A_78 : i32 to index
    %swap3A_80 = arith.constant 0 : index
    %swap3A_81 = tpu.vector_load %arg27[%swap3A_79, %swap3A_80] {strides = array<i32>} : memref<16x128xf32, #tpu.memory_space<vmem>>, vector<16xf32>,
    tpu.vector_store %arg27[%swap3A_79, %swap3A_80], %broadcast_in_dim3A_0 {strides = array<i32>} : memref<16x128xf32, #tpu.memory_space<vmem>>, vector<16xf32>,
    %swap3A_82 = arith.constant 0 : i32
    %swap3A_83 = arith.index_cast %swap3A_82 : i32 to index
    %swap3A_84 = arith.constant 16 : index
    %swap3A_85 = tpu.vector_load %arg27[%swap3A_83, %swap3A_84] {strides = array<i32>} : memref<16x128xf32, #tpu.memory_space<vmem>>, vector<16xf32>,
    tpu.vector_store %arg27[%swap3A_83, %swap3A_84], %broadcast_in_dim3A_0 {strides = array<i32>} : memref<16x128xf32, #tpu.memory_space<vmem>>, vector<16xf32>,
    %swap3A_86 = arith.constant 0 : i32
    %swap3A_87 = arith.index_cast %swap3A_86 : i32 to index
    %swap3A_88 = arith.constant 32 : index
    %swap3A_89 = tpu.vector_load %arg27[%swap3A_87, %swap3A_88] {strides = array<i32>} : memref<16x128xf32, #tpu.memory_space<vmem>>, vector<16xf32>,
    tpu.vector_store %arg27[%swap3A_87, %swap3A_88], %broadcast_in_dim3A_0 {strides = array<i32>} : memref<16x128xf32, #tpu.memory_space<vmem>>, vector<16xf32>,
    %swap3A_90 = arith.constant 0 : i32
    %swap3A_91 = arith.index_cast %swap3A_90 : i32 to index
    %swap3A_92 = arith.constant 48 : index
    %swap3A_93 = tpu.vector_load %arg27[%swap3A_91, %swap3A_92] {strides = array<i32>} : memref<16x128xf32, #tpu.memory_space<vmem>>, vector<16xf32>,
    tpu.vector_store %arg27[%swap3A_91, %swap3A_92], %broadcast_in_dim3A_0 {strides = array<i32>} : memref<16x128xf32, #tpu.memory_space<vmem>>, vector<16xf32>,
    %swap3A_94 = arith.constant 0 : i32
    %swap3A_95 = arith.index_cast %swap3A_94 : i32 to index
    %swap3A_96 = arith.constant 64 : index
    %swap3A_97 = tpu.vector_load %arg27[%swap3A_95, %swap3A_96] {strides = array<i32>} : memref<16x128xf32, #tpu.memory_space<vmem>>, vector<16xf32>,
    tpu.vector_store %arg27[%swap3A_95, %swap3A_96], %broadcast_in_dim3A_0 {strides = array<i32>} : memref<16x128xf32, #tpu.memory_space<vmem>>, vector<16xf32>,
    %swap3A_98 = arith.constant 0 : i32
    %swap3A_99 = arith.index_cast %swap3A_98 : i32 to index
    %swap3A_100 = arith.constant 80 : index
    %swap3A_101 = tpu.vector_load %arg27[%swap3A_99, %swap3A_100] {strides = array<i32>} : memref<16x128xf32, #tpu.memory_space<vmem>>, vector<16xf32>,
    tpu.vector_store %arg27[%swap3A_99, %swap3A_100], %broadcast_in_dim3A_0 {strides = array<i32>} : memref<16x128xf32, #tpu.memory_space<vmem>>, vector<16xf32>,
    %swap3A_102 = arith.constant 0 : i32
    %swap3A_103 = arith.index_cast %swap3A_102 : i32 to index
    %swap3A_104 = arith.constant 96 : index
    %swap3A_105 = tpu.vector_load %arg27[%swap3A_103, %swap3A_104] {strides = array<i32>} : memref<16x128xf32, #tpu.memory_space<vmem>>, vector<16xf32>,
    tpu.vector_store %arg27[%swap3A_103, %swap3A_104], %broadcast_in_dim3A_0 {strides = array<i32>} : memref<16x128xf32, #tpu.memory_space<vmem>>, vector<16xf32>,
    %swap3A_106 = arith.constant 0 : i32
    %swap3A_107 = arith.index_cast %swap3A_106 : i32 to index
    %swap3A_108 = arith.constant 112 : index
    %swap3A_109 = tpu.vector_load %arg27[%swap3A_107, %swap3A_108] {strides = array<i32>} : memref<16x128xf32, #tpu.memory_space<vmem>>, vector<16xf32>,
    tpu.vector_store %arg27[%swap3A_107, %swap3A_108], %broadcast_in_dim3A_0 {strides = array<i32>} : memref<16x128xf32, #tpu.memory_space<vmem>>, vector<16xf32>,
    %swap3A_110 = arith.constant 1 : i32
    %swap3A_111 = arith.index_cast %swap3A_110 : i32 to index
    %swap3A_112 = arith.constant 0 : index
    %swap3A_113 = tpu.vector_load %arg27[%swap3A_111, %swap3A_112] {strides = array<i32>} : memref<16x128xf32, #tpu.memory_space<vmem>>, vector<16xf32>,
    tpu.vector_store %arg27[%swap3A_111, %swap3A_112], %broadcast_in_dim3A_0 {strides = array<i32>} : memref<16x128xf32, #tpu.memory_space<vmem>>, vector<16xf32>,
    %swap3A_114 = arith.constant 1 : i32
    %swap3A_115 = arith.index_cast %swap3A_114 : i32 to index
    %swap3A_116 = arith.constant 16 : index
    %swap3A_117 = tpu.vector_load %arg27[%swap3A_115, %swap3A_116] {strides = array<i32>} : memref<16x128xf32, #tpu.memory_space<vmem>>, vector<16xf32>,
    tpu.vector_store %arg27[%swap3A_115, %swap3A_116], %broadcast_in_dim3A_0 {strides = array<i32>} : memref<16x128xf32, #tpu.memory_space<vmem>>, vector<16xf32>,
    %swap3A_118 = arith.constant 1 : i32
    %swap3A_119 = arith.index_cast %swap3A_118 : i32 to index
    %swap3A_120 = arith.constant 32 : index
    %swap3A_121 = tpu.vector_load %arg27[%swap3A_119, %swap3A_120] {strides = array<i32>} : memref<16x128xf32, #tpu.memory_space<vmem>>, vector<16xf32>,
    tpu.vector_store %arg27[%swap3A_119, %swap3A_120], %broadcast_in_dim3A_0 {strides = array<i32>} : memref<16x128xf32, #tpu.memory_space<vmem>>, vector<16xf32>,
    %swap3A_122 = arith.constant 1 : i32
    %swap3A_123 = arith.index_cast %swap3A_122 : i32 to index
    %swap3A_124 = arith.constant 48 : index
    %swap3A_125 = tpu.vector_load %arg27[%swap3A_123, %swap3A_124] {strides = array<i32>} : memref<16x128xf32, #tpu.memory_space<vmem>>, vector<16xf32>,
    tpu.vector_store %arg27[%swap3A_123, %swap3A_124], %broadcast_in_dim3A_0 {strides = array<i32>} : memref<16x128xf32, #tpu.memory_space<vmem>>, vector<16xf32>,
    %swap3A_126 = arith.constant 1 : i32
    %swap3A_127 = arith.index_cast %swap3A_126 : i32 to index
    %swap3A_128 = arith.constant 64 : index
    %swap3A_129 = tpu.vector_load %arg27[%swap3A_127, %swap3A_128] {strides = array<i32>} : memref<16x128xf32, #tpu.memory_space<vmem>>, vector<16xf32>,
    tpu.vector_store %arg27[%swap3A_127, %swap3A_128], %broadcast_in_dim3A_0 {strides = array<i32>} : memref<16x128xf32, #tpu.memory_space<vmem>>, vector<16xf32>,
    %swap3A_130 = arith.constant 1 : i32
    %swap3A_131 = arith.index_cast %swap3A_130 : i32 to index
    %swap3A_132 = arith.constant 80 : index
    %swap3A_133 = tpu.vector_load %arg27[%swap3A_131, %swap3A_132] {strides = array<i32>} : memref<16x128xf32, #tpu.memory_space<vmem>>, vector<16xf32>,
    tpu.vector_store %arg27[%swap3A_131, %swap3A_132], %broadcast_in_dim3A_0 {strides = array<i32>} : memref<16x128xf32, #tpu.memory_space<vmem>>, vector<16xf32>,
    %swap3A_134 = arith.constant 1 : i32
    %swap3A_135 = arith.index_cast %swap3A_134 : i32 to index
    %swap3A_136 = arith.constant 96 : index
    %swap3A_137 = tpu.vector_load %arg27[%swap3A_135, %swap3A_136] {strides = array<i32>} : memref<16x128xf32, #tpu.memory_space<vmem>>, vector<16xf32>,
    tpu.vector_store %arg27[%swap3A_135, %swap3A_136], %broadcast_in_dim3A_0 {strides = array<i32>} : memref<16x128xf32, #tpu.memory_space<vmem>>, vector<16xf32>,
    %swap3A_138 = arith.constant 1 : i32
    %swap3A_139 = arith.index_cast %swap3A_138 : i32 to index
    %swap3A_140 = arith.constant 112 : index
    %swap3A_141 = tpu.vector_load %arg27[%swap3A_139, %swap3A_140] {strides = array<i32>} : memref<16x128xf32, #tpu.memory_space<vmem>>, vector<16xf32>,
    tpu.vector_store %arg27[%swap3A_139, %swap3A_140], %broadcast_in_dim3A_0 {strides = array<i32>} : memref<16x128xf32, #tpu.memory_space<vmem>>, vector<16xf32>,
    %swap3A_142 = arith.constant 2 : i32
    %swap3A_143 = arith.index_cast %swap3A_142 : i32 to index
    %swap3A_144 = arith.constant 0 : index
    %swap3A_145 = tpu.vector_load %arg27[%swap3A_143, %swap3A_144] {strides = array<i32>} : memref<16x128xf32, #tpu.memory_space<vmem>>, vector<16xf32>,
    tpu.vector_store %arg27[%swap3A_143, %swap3A_144], %broadcast_in_dim3A_0 {strides = array<i32>} : memref<16x128xf32, #tpu.memory_space<vmem>>, vector<16xf32>,
    %swap3A_146 = arith.constant 2 : i32
    %swap3A_147 = arith.index_cast %swap3A_146 : i32 to index
    %swap3A_148 = arith.constant 16 : index
    %swap3A_149 = tpu.vector_load %arg27[%swap3A_147, %swap3A_148] {strides = array<i32>} : memref<16x128xf32, #tpu.memory_space<vmem>>, vector<16xf32>,
    tpu.vector_store %arg27[%swap3A_147, %swap3A_148], %broadcast_in_dim3A_0 {strides = array<i32>} : memref<16x128xf32, #tpu.memory_space<vmem>>, vector<16xf32>,
    %swap3A_150 = arith.constant 2 : i32
    %swap3A_151 = arith.index_cast %swap3A_150 : i32 to index
    %swap3A_152 = arith.constant 32 : index
    %swap3A_153 = tpu.vector_load %arg27[%swap3A_151, %swap3A_152] {strides = array<i32>} : memref<16x128xf32, #tpu.memory_space<vmem>>, vector<16xf32>,
    tpu.vector_store %arg27[%swap3A_151, %swap3A_152], %broadcast_in_dim3A_0 {strides = array<i32>} : memref<16x128xf32, #tpu.memory_space<vmem>>, vector<16xf32>,
    %swap3A_154 = arith.constant 2 : i32
    %swap3A_155 = arith.index_cast %swap3A_154 : i32 to index
    %swap3A_156 = arith.constant 48 : index
    %swap3A_157 = tpu.vector_load %arg27[%swap3A_155, %swap3A_156] {strides = array<i32>} : memref<16x128xf32, #tpu.memory_space<vmem>>, vector<16xf32>,
    tpu.vector_store %arg27[%swap3A_155, %swap3A_156], %broadcast_in_dim3A_0 {strides = array<i32>} : memref<16x128xf32, #tpu.memory_space<vmem>>, vector<16xf32>,
    %swap3A_158 = arith.constant 2 : i32
    %swap3A_159 = arith.index_cast %swap3A_158 : i32 to index
    %swap3A_160 = arith.constant 64 : index
    %swap3A_161 = tpu.vector_load %arg27[%swap3A_159, %swap3A_160] {strides = array<i32>} : memref<16x128xf32, #tpu.memory_space<vmem>>, vector<16xf32>,
    tpu.vector_store %arg27[%swap3A_159, %swap3A_160], %broadcast_in_dim3A_0 {strides = array<i32>} : memref<16x128xf32, #tpu.memory_space<vmem>>, vector<16xf32>,
    %swap3A_162 = arith.constant 2 : i32
    %swap3A_163 = arith.index_cast %swap3A_162 : i32 to index
    %swap3A_164 = arith.constant 80 : index
    %swap3A_165 = tpu.vector_load %arg27[%swap3A_163, %swap3A_164] {strides = array<i32>} : memref<16x128xf32, #tpu.memory_space<vmem>>, vector<16xf32>,
    tpu.vector_store %arg27[%swap3A_163, %swap3A_164], %broadcast_in_dim3A_0 {strides = array<i32>} : memref<16x128xf32, #tpu.memory_space<vmem>>, vector<16xf32>,
    %swap3A_166 = arith.constant 2 : i32
    %swap3A_167 = arith.index_cast %swap3A_166 : i32 to index
    %swap3A_168 = arith.constant 96 : index
    %swap3A_169 = tpu.vector_load %arg27[%swap3A_167, %swap3A_168] {strides = array<i32>} : memref<16x128xf32, #tpu.memory_space<vmem>>, vector<16xf32>,
    tpu.vector_store %arg27[%swap3A_167, %swap3A_168], %broadcast_in_dim3A_0 {strides = array<i32>} : memref<16x128xf32, #tpu.memory_space<vmem>>, vector<16xf32>,
    %swap3A_170 = arith.constant 2 : i32
    %swap3A_171 = arith.index_cast %swap3A_170 : i32 to index
    %swap3A_172 = arith.constant 112 : index
    %swap3A_173 = tpu.vector_load %arg27[%swap3A_171, %swap3A_172] {strides = array<i32>} : memref<16x128xf32, #tpu.memory_space<vmem>>, vector<16xf32>,
    tpu.vector_store %arg27[%swap3A_171, %swap3A_172], %broadcast_in_dim3A_0 {strides = array<i32>} : memref<16x128xf32, #tpu.memory_space<vmem>>, vector<16xf32>,
    %swap3A_174 = arith.constant 3 : i32
    %swap3A_175 = arith.index_cast %swap3A_174 : i32 to index
    %swap3A_176 = arith.constant 0 : index
    %swap3A_177 = tpu.vector_load %arg27[%swap3A_175, %swap3A_176] {strides = array<i32>} : memref<16x128xf32, #tpu.memory_space<vmem>>, vector<16xf32>,
    tpu.vector_store %arg27[%swap3A_175, %swap3A_176], %broadcast_in_dim3A_0 {strides = array<i32>} : memref<16x128xf32, #tpu.memory_space<vmem>>, vector<16xf32>,
    %swap3A_178 = arith.constant 3 : i32
    %swap3A_179 = arith.index_cast %swap3A_178 : i32 to index
    %swap3A_180 = arith.constant 16 : index
    %swap3A_181 = tpu.vector_load %arg27[%swap3A_179, %swap3A_180] {strides = array<i32>} : memref<16x128xf32, #tpu.memory_space<vmem>>, vector<16xf32>,
    tpu.vector_store %arg27[%swap3A_179, %swap3A_180], %broadcast_in_dim3A_0 {strides = array<i32>} : memref<16x128xf32, #tpu.memory_space<vmem>>, vector<16xf32>,
    %swap3A_182 = arith.constant 3 : i32
    %swap3A_183 = arith.index_cast %swap3A_182 : i32 to index
    %swap3A_184 = arith.constant 32 : index
    %swap3A_185 = tpu.vector_load %arg27[%swap3A_183, %swap3A_184] {strides = array<i32>} : memref<16x128xf32, #tpu.memory_space<vmem>>, vector<16xf32>,
    tpu.vector_store %arg27[%swap3A_183, %swap3A_184], %broadcast_in_dim3A_0 {strides = array<i32>} : memref<16x128xf32, #tpu.memory_space<vmem>>, vector<16xf32>,
    %swap3A_186 = arith.constant 3 : i32
    %swap3A_187 = arith.index_cast %swap3A_186 : i32 to index
    %swap3A_188 = arith.constant 48 : index
    %swap3A_189 = tpu.vector_load %arg27[%swap3A_187, %swap3A_188] {strides = array<i32>} : memref<16x128xf32, #tpu.memory_space<vmem>>, vector<16xf32>,
    tpu.vector_store %arg27[%swap3A_187, %swap3A_188], %broadcast_in_dim3A_0 {strides = array<i32>} : memref<16x128xf32, #tpu.memory_space<vmem>>, vector<16xf32>,
    %swap3A_190 = arith.constant 3 : i32
    %swap3A_191 = arith.index_cast %swap3A_190 : i32 to index
    %swap3A_192 = arith.constant 64 : index
    %swap3A_193 = tpu.vector_load %arg27[%swap3A_191, %swap3A_192] {strides = array<i32>} : memref<16x128xf32, #tpu.memory_space<vmem>>, vector<16xf32>,
    tpu.vector_store %arg27[%swap3A_191, %swap3A_192], %broadcast_in_dim3A_0 {strides = array<i32>} : memref<16x128xf32, #tpu.memory_space<vmem>>, vector<16xf32>,
    %swap3A_194 = arith.constant 3 : i32
    %swap3A_195 = arith.index_cast %swap3A_194 : i32 to index
    %swap3A_196 = arith.constant 80 : index
    %swap3A_197 = tpu.vector_load %arg27[%swap3A_195, %swap3A_196] {strides = array<i32>} : memref<16x128xf32, #tpu.memory_space<vmem>>, vector<16xf32>,
    tpu.vector_store %arg27[%swap3A_195, %swap3A_196], %broadcast_in_dim3A_0 {strides = array<i32>} : memref<16x128xf32, #tpu.memory_space<vmem>>, vector<16xf32>,
    %swap3A_198 = arith.constant 3 : i32
    %swap3A_199 = arith.index_cast %swap3A_198 : i32 to index
    %swap3A_200 = arith.constant 96 : index
    %swap3A_201 = tpu.vector_load %arg27[%swap3A_199, %swap3A_200] {strides = array<i32>} : memref<16x128xf32, #tpu.memory_space<vmem>>, vector<16xf32>,
    tpu.vector_store %arg27[%swap3A_199, %swap3A_200], %broadcast_in_dim3A_0 {strides = array<i32>} : memref<16x128xf32, #tpu.memory_space<vmem>>, vector<16xf32>,
    %swap3A_202 = arith.constant 3 : i32
    %swap3A_203 = arith.index_cast %swap3A_202 : i32 to index
    %swap3A_204 = arith.constant 112 : index
    %swap3A_205 = tpu.vector_load %arg27[%swap3A_203, %swap3A_204] {strides = array<i32>} : memref<16x128xf32, #tpu.memory_space<vmem>>, vector<16xf32>,
    tpu.vector_store %arg27[%swap3A_203, %swap3A_204], %broadcast_in_dim3A_0 {strides = array<i32>} : memref<16x128xf32, #tpu.memory_space<vmem>>, vector<16xf32>,
    %swap3A_206 = arith.constant 4 : i32
    %swap3A_207 = arith.index_cast %swap3A_206 : i32 to index
    %swap3A_208 = arith.constant 0 : index
    %swap3A_209 = tpu.vector_load %arg27[%swap3A_207, %swap3A_208] {strides = array<i32>} : memref<16x128xf32, #tpu.memory_space<vmem>>, vector<16xf32>,
    tpu.vector_store %arg27[%swap3A_207, %swap3A_208], %broadcast_in_dim3A_0 {strides = array<i32>} : memref<16x128xf32, #tpu.memory_space<vmem>>, vector<16xf32>,
    %swap3A_210 = arith.constant 4 : i32
    %swap3A_211 = arith.index_cast %swap3A_210 : i32 to index
    %swap3A_212 = arith.constant 16 : index
    %swap3A_213 = tpu.vector_load %arg27[%swap3A_211, %swap3A_212] {strides = array<i32>} : memref<16x128xf32, #tpu.memory_space<vmem>>, vector<16xf32>,
    tpu.vector_store %arg27[%swap3A_211, %swap3A_212], %broadcast_in_dim3A_0 {strides = array<i32>} : memref<16x128xf32, #tpu.memory_space<vmem>>, vector<16xf32>,
    %swap3A_214 = arith.constant 4 : i32
    %swap3A_215 = arith.index_cast %swap3A_214 : i32 to index
    %swap3A_216 = arith.constant 32 : index
    %swap3A_217 = tpu.vector_load %arg27[%swap3A_215, %swap3A_216] {strides = array<i32>} : memref<16x128xf32, #tpu.memory_space<vmem>>, vector<16xf32>,
    tpu.vector_store %arg27[%swap3A_215, %swap3A_216], %broadcast_in_dim3A_0 {strides = array<i32>} : memref<16x128xf32, #tpu.memory_space<vmem>>, vector<16xf32>,
    %swap3A_218 = arith.constant 4 : i32
    %swap3A_219 = arith.index_cast %swap3A_218 : i32 to index
    %swap3A_220 = arith.constant 48 : index
    %swap3A_221 = tpu.vector_load %arg27[%swap3A_219, %swap3A_220] {strides = array<i32>} : memref<16x128xf32, #tpu.memory_space<vmem>>, vector<16xf32>,
    tpu.vector_store %arg27[%swap3A_219, %swap3A_220], %broadcast_in_dim3A_0 {strides = array<i32>} : memref<16x128xf32, #tpu.memory_space<vmem>>, vector<16xf32>,
    %swap3A_222 = arith.constant 4 : i32
    %swap3A_223 = arith.index_cast %swap3A_222 : i32 to index
    %swap3A_224 = arith.constant 64 : index
    %swap3A_225 = tpu.vector_load %arg27[%swap3A_223, %swap3A_224] {strides = array<i32>} : memref<16x128xf32, #tpu.memory_space<vmem>>, vector<16xf32>,
    tpu.vector_store %arg27[%swap3A_223, %swap3A_224], %broadcast_in_dim3A_0 {strides = array<i32>} : memref<16x128xf32, #tpu.memory_space<vmem>>, vector<16xf32>,
    %swap3A_226 = arith.constant 4 : i32
    %swap3A_227 = arith.index_cast %swap3A_226 : i32 to index
    %swap3A_228 = arith.constant 80 : index
    %swap3A_229 = tpu.vector_load %arg27[%swap3A_227, %swap3A_228] {strides = array<i32>} : memref<16x128xf32, #tpu.memory_space<vmem>>, vector<16xf32>,
    tpu.vector_store %arg27[%swap3A_227, %swap3A_228], %broadcast_in_dim3A_0 {strides = array<i32>} : memref<16x128xf32, #tpu.memory_space<vmem>>, vector<16xf32>,
    %swap3A_230 = arith.constant 4 : i32
    %swap3A_231 = arith.index_cast %swap3A_230 : i32 to index
    %swap3A_232 = arith.constant 96 : index
    %swap3A_233 = tpu.vector_load %arg27[%swap3A_231, %swap3A_232] {strides = array<i32>} : memref<16x128xf32, #tpu.memory_space<vmem>>, vector<16xf32>,
    tpu.vector_store %arg27[%swap3A_231, %swap3A_232], %broadcast_in_dim3A_0 {strides = array<i32>} : memref<16x128xf32, #tpu.memory_space<vmem>>, vector<16xf32>,
    %swap3A_234 = arith.constant 4 : i32
    %swap3A_235 = arith.index_cast %swap3A_234 : i32 to index
    %swap3A_236 = arith.constant 112 : index
    %swap3A_237 = tpu.vector_load %arg27[%swap3A_235, %swap3A_236] {strides = array<i32>} : memref<16x128xf32, #tpu.memory_space<vmem>>, vector<16xf32>,
    tpu.vector_store %arg27[%swap3A_235, %swap3A_236], %broadcast_in_dim3A_0 {strides = array<i32>} : memref<16x128xf32, #tpu.memory_space<vmem>>, vector<16xf32>,
    %swap3A_238 = arith.constant 5 : i32
    %swap3A_239 = arith.index_cast %swap3A_238 : i32 to index
    %swap3A_240 = arith.constant 0 : index
    %swap3A_241 = tpu.vector_load %arg27[%swap3A_239, %swap3A_240] {strides = array<i32>} : memref<16x128xf32, #tpu.memory_space<vmem>>, vector<16xf32>,
    tpu.vector_store %arg27[%swap3A_239, %swap3A_240], %broadcast_in_dim3A_0 {strides = array<i32>} : memref<16x128xf32, #tpu.memory_space<vmem>>, vector<16xf32>,
    %swap3A_242 = arith.constant 5 : i32
    %swap3A_243 = arith.index_cast %swap3A_242 : i32 to index
    %swap3A_244 = arith.constant 16 : index
    %swap3A_245 = tpu.vector_load %arg27[%swap3A_243, %swap3A_244] {strides = array<i32>} : memref<16x128xf32, #tpu.memory_space<vmem>>, vector<16xf32>,
    tpu.vector_store %arg27[%swap3A_243, %swap3A_244], %broadcast_in_dim3A_0 {strides = array<i32>} : memref<16x128xf32, #tpu.memory_space<vmem>>, vector<16xf32>,
    %swap3A_246 = arith.constant 5 : i32
    %swap3A_247 = arith.index_cast %swap3A_246 : i32 to index
    %swap3A_248 = arith.constant 32 : index
    %swap3A_249 = tpu.vector_load %arg27[%swap3A_247, %swap3A_248] {strides = array<i32>} : memref<16x128xf32, #tpu.memory_space<vmem>>, vector<16xf32>,
    tpu.vector_store %arg27[%swap3A_247, %swap3A_248], %broadcast_in_dim3A_0 {strides = array<i32>} : memref<16x128xf32, #tpu.memory_space<vmem>>, vector<16xf32>,
    %swap3A_250 = arith.constant 5 : i32
    %swap3A_251 = arith.index_cast %swap3A_250 : i32 to index
    %swap3A_252 = arith.constant 48 : index
    %swap3A_253 = tpu.vector_load %arg27[%swap3A_251, %swap3A_252] {strides = array<i32>} : memref<16x128xf32, #tpu.memory_space<vmem>>, vector<16xf32>,
    tpu.vector_store %arg27[%swap3A_251, %swap3A_252], %broadcast_in_dim3A_0 {strides = array<i32>} : memref<16x128xf32, #tpu.memory_space<vmem>>, vector<16xf32>,
    %swap3A_254 = arith.constant 5 : i32
    %swap3A_255 = arith.index_cast %swap3A_254 : i32 to index
    %swap3A_256 = arith.constant 64 : index
    %swap3A_257 = tpu.vector_load %arg27[%swap3A_255, %swap3A_256] {strides = array<i32>} : memref<16x128xf32, #tpu.memory_space<vmem>>, vector<16xf32>,
    tpu.vector_store %arg27[%swap3A_255, %swap3A_256], %broadcast_in_dim3A_0 {strides = array<i32>} : memref<16x128xf32, #tpu.memory_space<vmem>>, vector<16xf32>,
    %swap3A_258 = arith.constant 5 : i32
    %swap3A_259 = arith.index_cast %swap3A_258 : i32 to index
    %swap3A_260 = arith.constant 80 : index
    %swap3A_261 = tpu.vector_load %arg27[%swap3A_259, %swap3A_260] {strides = array<i32>} : memref<16x128xf32, #tpu.memory_space<vmem>>, vector<16xf32>,
    tpu.vector_store %arg27[%swap3A_259, %swap3A_260], %broadcast_in_dim3A_0 {strides = array<i32>} : memref<16x128xf32, #tpu.memory_space<vmem>>, vector<16xf32>,
    %swap3A_262 = arith.constant 5 : i32
    %swap3A_263 = arith.index_cast %swap3A_262 : i32 to index
    %swap3A_264 = arith.constant 96 : index
    %swap3A_265 = tpu.vector_load %arg27[%swap3A_263, %swap3A_264] {strides = array<i32>} : memref<16x128xf32, #tpu.memory_space<vmem>>, vector<16xf32>,
    tpu.vector_store %arg27[%swap3A_263, %swap3A_264], %broadcast_in_dim3A_0 {strides = array<i32>} : memref<16x128xf32, #tpu.memory_space<vmem>>, vector<16xf32>,
    %swap3A_266 = arith.constant 5 : i32
    %swap3A_267 = arith.index_cast %swap3A_266 : i32 to index
    %swap3A_268 = arith.constant 112 : index
    %swap3A_269 = tpu.vector_load %arg27[%swap3A_267, %swap3A_268] {strides = array<i32>} : memref<16x128xf32, #tpu.memory_space<vmem>>, vector<16xf32>,
    tpu.vector_store %arg27[%swap3A_267, %swap3A_268], %broadcast_in_dim3A_0 {strides = array<i32>} : memref<16x128xf32, #tpu.memory_space<vmem>>, vector<16xf32>,
    %swap3A_270 = arith.constant 6 : i32
    %swap3A_271 = arith.index_cast %swap3A_270 : i32 to index
    %swap3A_272 = arith.constant 0 : index
    %swap3A_273 = tpu.vector_load %arg27[%swap3A_271, %swap3A_272] {strides = array<i32>} : memref<16x128xf32, #tpu.memory_space<vmem>>, vector<16xf32>,
    tpu.vector_store %arg27[%swap3A_271, %swap3A_272], %broadcast_in_dim3A_0 {strides = array<i32>} : memref<16x128xf32, #tpu.memory_space<vmem>>, vector<16xf32>,
    %swap3A_274 = arith.constant 6 : i32
    %swap3A_275 = arith.index_cast %swap3A_274 : i32 to index
    %swap3A_276 = arith.constant 16 : index
    %swap3A_277 = tpu.vector_load %arg27[%swap3A_275, %swap3A_276] {strides = array<i32>} : memref<16x128xf32, #tpu.memory_space<vmem>>, vector<16xf32>,
    tpu.vector_store %arg27[%swap3A_275, %swap3A_276], %broadcast_in_dim3A_0 {strides = array<i32>} : memref<16x128xf32, #tpu.memory_space<vmem>>, vector<16xf32>,
    %swap3A_278 = arith.constant 6 : i32
    %swap3A_279 = arith.index_cast %swap3A_278 : i32 to index
    %swap3A_280 = arith.constant 32 : index
    %swap3A_281 = tpu.vector_load %arg27[%swap3A_279, %swap3A_280] {strides = array<i32>} : memref<16x128xf32, #tpu.memory_space<vmem>>, vector<16xf32>,
    tpu.vector_store %arg27[%swap3A_279, %swap3A_280], %broadcast_in_dim3A_0 {strides = array<i32>} : memref<16x128xf32, #tpu.memory_space<vmem>>, vector<16xf32>,
    %swap3A_282 = arith.constant 6 : i32
    %swap3A_283 = arith.index_cast %swap3A_282 : i32 to index
    %swap3A_284 = arith.constant 48 : index
    %swap3A_285 = tpu.vector_load %arg27[%swap3A_283, %swap3A_284] {strides = array<i32>} : memref<16x128xf32, #tpu.memory_space<vmem>>, vector<16xf32>,
    tpu.vector_store %arg27[%swap3A_283, %swap3A_284], %broadcast_in_dim3A_0 {strides = array<i32>} : memref<16x128xf32, #tpu.memory_space<vmem>>, vector<16xf32>,
    %swap3A_286 = arith.constant 6 : i32
    %swap3A_287 = arith.index_cast %swap3A_286 : i32 to index
    %swap3A_288 = arith.constant 64 : index
    %swap3A_289 = tpu.vector_load %arg27[%swap3A_287, %swap3A_288] {strides = array<i32>} : memref<16x128xf32, #tpu.memory_space<vmem>>, vector<16xf32>,
    tpu.vector_store %arg27[%swap3A_287, %swap3A_288], %broadcast_in_dim3A_0 {strides = array<i32>} : memref<16x128xf32, #tpu.memory_space<vmem>>, vector<16xf32>,
    %swap3A_290 = arith.constant 6 : i32
    %swap3A_291 = arith.index_cast %swap3A_290 : i32 to index
    %swap3A_292 = arith.constant 80 : index
    %swap3A_293 = tpu.vector_load %arg27[%swap3A_291, %swap3A_292] {strides = array<i32>} : memref<16x128xf32, #tpu.memory_space<vmem>>, vector<16xf32>,
    tpu.vector_store %arg27[%swap3A_291, %swap3A_292], %broadcast_in_dim3A_0 {strides = array<i32>} : memref<16x128xf32, #tpu.memory_space<vmem>>, vector<16xf32>,
    %swap3A_294 = arith.constant 6 : i32
    %swap3A_295 = arith.index_cast %swap3A_294 : i32 to index
    %swap3A_296 = arith.constant 96 : index
    %swap3A_297 = tpu.vector_load %arg27[%swap3A_295, %swap3A_296] {strides = array<i32>} : memref<16x128xf32, #tpu.memory_space<vmem>>, vector<16xf32>,
    tpu.vector_store %arg27[%swap3A_295, %swap3A_296], %broadcast_in_dim3A_0 {strides = array<i32>} : memref<16x128xf32, #tpu.memory_space<vmem>>, vector<16xf32>,
    %swap3A_298 = arith.constant 6 : i32
    %swap3A_299 = arith.index_cast %swap3A_298 : i32 to index
    %swap3A_300 = arith.constant 112 : index
    %swap3A_301 = tpu.vector_load %arg27[%swap3A_299, %swap3A_300] {strides = array<i32>} : memref<16x128xf32, #tpu.memory_space<vmem>>, vector<16xf32>,
    tpu.vector_store %arg27[%swap3A_299, %swap3A_300], %broadcast_in_dim3A_0 {strides = array<i32>} : memref<16x128xf32, #tpu.memory_space<vmem>>, vector<16xf32>,
    %swap3A_302 = arith.constant 7 : i32
    %swap3A_303 = arith.index_cast %swap3A_302 : i32 to index
    %swap3A_304 = arith.constant 0 : index
    %swap3A_305 = tpu.vector_load %arg27[%swap3A_303, %swap3A_304] {strides = array<i32>} : memref<16x128xf32, #tpu.memory_space<vmem>>, vector<16xf32>,
    tpu.vector_store %arg27[%swap3A_303, %swap3A_304], %broadcast_in_dim3A_0 {strides = array<i32>} : memref<16x128xf32, #tpu.memory_space<vmem>>, vector<16xf32>,
    %swap3A_306 = arith.constant 7 : i32
    %swap3A_307 = arith.index_cast %swap3A_306 : i32 to index
    %swap3A_308 = arith.constant 16 : index
    %swap3A_309 = tpu.vector_load %arg27[%swap3A_307, %swap3A_308] {strides = array<i32>} : memref<16x128xf32, #tpu.memory_space<vmem>>, vector<16xf32>,
    tpu.vector_store %arg27[%swap3A_307, %swap3A_308], %broadcast_in_dim3A_0 {strides = array<i32>} : memref<16x128xf32, #tpu.memory_space<vmem>>, vector<16xf32>,
    %swap3A_310 = arith.constant 7 : i32
    %swap3A_311 = arith.index_cast %swap3A_310 : i32 to index
    %swap3A_312 = arith.constant 32 : index
    %swap3A_313 = tpu.vector_load %arg27[%swap3A_311, %swap3A_312] {strides = array<i32>} : memref<16x128xf32, #tpu.memory_space<vmem>>, vector<16xf32>,
    tpu.vector_store %arg27[%swap3A_311, %swap3A_312], %broadcast_in_dim3A_0 {strides = array<i32>} : memref<16x128xf32, #tpu.memory_space<vmem>>, vector<16xf32>,
    %swap3A_314 = arith.constant 7 : i32
    %swap3A_315 = arith.index_cast %swap3A_314 : i32 to index
    %swap3A_316 = arith.constant 48 : index
    %swap3A_317 = tpu.vector_load %arg27[%swap3A_315, %swap3A_316] {strides = array<i32>} : memref<16x128xf32, #tpu.memory_space<vmem>>, vector<16xf32>,
    tpu.vector_store %arg27[%swap3A_315, %swap3A_316], %broadcast_in_dim3A_0 {strides = array<i32>} : memref<16x128xf32, #tpu.memory_space<vmem>>, vector<16xf32>,
    %swap3A_318 = arith.constant 7 : i32
    %swap3A_319 = arith.index_cast %swap3A_318 : i32 to index
    %swap3A_320 = arith.constant 64 : index
    %swap3A_321 = tpu.vector_load %arg27[%swap3A_319, %swap3A_320] {strides = array<i32>} : memref<16x128xf32, #tpu.memory_space<vmem>>, vector<16xf32>,
    tpu.vector_store %arg27[%swap3A_319, %swap3A_320], %broadcast_in_dim3A_0 {strides = array<i32>} : memref<16x128xf32, #tpu.memory_space<vmem>>, vector<16xf32>,
    %swap3A_322 = arith.constant 7 : i32
    %swap3A_323 = arith.index_cast %swap3A_322 : i32 to index
    %swap3A_324 = arith.constant 80 : index
    %swap3A_325 = tpu.vector_load %arg27[%swap3A_323, %swap3A_324] {strides = array<i32>} : memref<16x128xf32, #tpu.memory_space<vmem>>, vector<16xf32>,
    tpu.vector_store %arg27[%swap3A_323, %swap3A_324], %broadcast_in_dim3A_0 {strides = array<i32>} : memref<16x128xf32, #tpu.memory_space<vmem>>, vector<16xf32>,
    %swap3A_326 = arith.constant 7 : i32
    %swap3A_327 = arith.index_cast %swap3A_326 : i32 to index
    %swap3A_328 = arith.constant 96 : index
    %swap3A_329 = tpu.vector_load %arg27[%swap3A_327, %swap3A_328] {strides = array<i32>} : memref<16x128xf32, #tpu.memory_space<vmem>>, vector<16xf32>,
    tpu.vector_store %arg27[%swap3A_327, %swap3A_328], %broadcast_in_dim3A_0 {strides = array<i32>} : memref<16x128xf32, #tpu.memory_space<vmem>>, vector<16xf32>,
    %swap3A_330 = arith.constant 7 : i32
    %swap3A_331 = arith.index_cast %swap3A_330 : i32 to index
    %swap3A_332 = arith.constant 112 : index
    %swap3A_333 = tpu.vector_load %arg27[%swap3A_331, %swap3A_332] {strides = array<i32>} : memref<16x128xf32, #tpu.memory_space<vmem>>, vector<16xf32>,
    tpu.vector_store %arg27[%swap3A_331, %swap3A_332], %broadcast_in_dim3A_0 {strides = array<i32>} : memref<16x128xf32, #tpu.memory_space<vmem>>, vector<16xf32>,
    %swap3A_334 = arith.constant 8 : i32
    %swap3A_335 = arith.index_cast %swap3A_334 : i32 to index
    %swap3A_336 = arith.constant 0 : index
    %swap3A_337 = tpu.vector_load %arg27[%swap3A_335, %swap3A_336] {strides = array<i32>} : memref<16x128xf32, #tpu.memory_space<vmem>>, vector<16xf32>,
    tpu.vector_store %arg27[%swap3A_335, %swap3A_336], %broadcast_in_dim3A_0 {strides = array<i32>} : memref<16x128xf32, #tpu.memory_space<vmem>>, vector<16xf32>,
    %swap3A_338 = arith.constant 8 : i32
    %swap3A_339 = arith.index_cast %swap3A_338 : i32 to index
    %swap3A_340 = arith.constant 16 : index
    %swap3A_341 = tpu.vector_load %arg27[%swap3A_339, %swap3A_340] {strides = array<i32>} : memref<16x128xf32, #tpu.memory_space<vmem>>, vector<16xf32>,
    tpu.vector_store %arg27[%swap3A_339, %swap3A_340], %broadcast_in_dim3A_0 {strides = array<i32>} : memref<16x128xf32, #tpu.memory_space<vmem>>, vector<16xf32>,
    %swap3A_342 = arith.constant 8 : i32
    %swap3A_343 = arith.index_cast %swap3A_342 : i32 to index
    %swap3A_344 = arith.constant 32 : index
    %swap3A_345 = tpu.vector_load %arg27[%swap3A_343, %swap3A_344] {strides = array<i32>} : memref<16x128xf32, #tpu.memory_space<vmem>>, vector<16xf32>,
    tpu.vector_store %arg27[%swap3A_343, %swap3A_344], %broadcast_in_dim3A_0 {strides = array<i32>} : memref<16x128xf32, #tpu.memory_space<vmem>>, vector<16xf32>,
    %swap3A_346 = arith.constant 8 : i32
    %swap3A_347 = arith.index_cast %swap3A_346 : i32 to index
    %swap3A_348 = arith.constant 48 : index
    %swap3A_349 = tpu.vector_load %arg27[%swap3A_347, %swap3A_348] {strides = array<i32>} : memref<16x128xf32, #tpu.memory_space<vmem>>, vector<16xf32>,
    tpu.vector_store %arg27[%swap3A_347, %swap3A_348], %broadcast_in_dim3A_0 {strides = array<i32>} : memref<16x128xf32, #tpu.memory_space<vmem>>, vector<16xf32>,
    %swap3A_350 = arith.constant 8 : i32
    %swap3A_351 = arith.index_cast %swap3A_350 : i32 to index
    %swap3A_352 = arith.constant 64 : index
    %swap3A_353 = tpu.vector_load %arg27[%swap3A_351, %swap3A_352] {strides = array<i32>} : memref<16x128xf32, #tpu.memory_space<vmem>>, vector<16xf32>,
    tpu.vector_store %arg27[%swap3A_351, %swap3A_352], %broadcast_in_dim3A_0 {strides = array<i32>} : memref<16x128xf32, #tpu.memory_space<vmem>>, vector<16xf32>,
    %swap3A_354 = arith.constant 8 : i32
    %swap3A_355 = arith.index_cast %swap3A_354 : i32 to index
    %swap3A_356 = arith.constant 80 : index
    %swap3A_357 = tpu.vector_load %arg27[%swap3A_355, %swap3A_356] {strides = array<i32>} : memref<16x128xf32, #tpu.memory_space<vmem>>, vector<16xf32>,
    tpu.vector_store %arg27[%swap3A_355, %swap3A_356], %broadcast_in_dim3A_0 {strides = array<i32>} : memref<16x128xf32, #tpu.memory_space<vmem>>, vector<16xf32>,
    %swap3A_358 = arith.constant 8 : i32
    %swap3A_359 = arith.index_cast %swap3A_358 : i32 to index
    %swap3A_360 = arith.constant 96 : index
    %swap3A_361 = tpu.vector_load %arg27[%swap3A_359, %swap3A_360] {strides = array<i32>} : memref<16x128xf32, #tpu.memory_space<vmem>>, vector<16xf32>,
    tpu.vector_store %arg27[%swap3A_359, %swap3A_360], %broadcast_in_dim3A_0 {strides = array<i32>} : memref<16x128xf32, #tpu.memory_space<vmem>>, vector<16xf32>,
    %swap3A_362 = arith.constant 8 : i32
    %swap3A_363 = arith.index_cast %swap3A_362 : i32 to index
    %swap3A_364 = arith.constant 112 : index
    %swap3A_365 = tpu.vector_load %arg27[%swap3A_363, %swap3A_364] {strides = array<i32>} : memref<16x128xf32, #tpu.memory_space<vmem>>, vector<16xf32>,
    tpu.vector_store %arg27[%swap3A_363, %swap3A_364], %broadcast_in_dim3A_0 {strides = array<i32>} : memref<16x128xf32, #tpu.memory_space<vmem>>, vector<16xf32>,
    %swap3A_366 = arith.constant 9 : i32
    %swap3A_367 = arith.index_cast %swap3A_366 : i32 to index
    %swap3A_368 = arith.constant 0 : index
    %swap3A_369 = tpu.vector_load %arg27[%swap3A_367, %swap3A_368] {strides = array<i32>} : memref<16x128xf32, #tpu.memory_space<vmem>>, vector<16xf32>,
    tpu.vector_store %arg27[%swap3A_367, %swap3A_368], %broadcast_in_dim3A_0 {strides = array<i32>} : memref<16x128xf32, #tpu.memory_space<vmem>>, vector<16xf32>,
    %swap3A_370 = arith.constant 9 : i32
    %swap3A_371 = arith.index_cast %swap3A_370 : i32 to index
    %swap3A_372 = arith.constant 16 : index
    %swap3A_373 = tpu.vector_load %arg27[%swap3A_371, %swap3A_372] {strides = array<i32>} : memref<16x128xf32, #tpu.memory_space<vmem>>, vector<16xf32>,
    tpu.vector_store %arg27[%swap3A_371, %swap3A_372], %broadcast_in_dim3A_0 {strides = array<i32>} : memref<16x128xf32, #tpu.memory_space<vmem>>, vector<16xf32>,
    %swap3A_374 = arith.constant 9 : i32
    %swap3A_375 = arith.index_cast %swap3A_374 : i32 to index
    %swap3A_376 = arith.constant 32 : index
    %swap3A_377 = tpu.vector_load %arg27[%swap3A_375, %swap3A_376] {strides = array<i32>} : memref<16x128xf32, #tpu.memory_space<vmem>>, vector<16xf32>,
    tpu.vector_store %arg27[%swap3A_375, %swap3A_376], %broadcast_in_dim3A_0 {strides = array<i32>} : memref<16x128xf32, #tpu.memory_space<vmem>>, vector<16xf32>,
    %swap3A_378 = arith.constant 9 : i32
    %swap3A_379 = arith.index_cast %swap3A_378 : i32 to index
    %swap3A_380 = arith.constant 48 : index
    %swap3A_381 = tpu.vector_load %arg27[%swap3A_379, %swap3A_380] {strides = array<i32>} : memref<16x128xf32, #tpu.memory_space<vmem>>, vector<16xf32>,
    tpu.vector_store %arg27[%swap3A_379, %swap3A_380], %broadcast_in_dim3A_0 {strides = array<i32>} : memref<16x128xf32, #tpu.memory_space<vmem>>, vector<16xf32>,
    %swap3A_382 = arith.constant 9 : i32
    %swap3A_383 = arith.index_cast %swap3A_382 : i32 to index
    %swap3A_384 = arith.constant 64 : index
    %swap3A_385 = tpu.vector_load %arg27[%swap3A_383, %swap3A_384] {strides = array<i32>} : memref<16x128xf32, #tpu.memory_space<vmem>>, vector<16xf32>,
    tpu.vector_store %arg27[%swap3A_383, %swap3A_384], %broadcast_in_dim3A_0 {strides = array<i32>} : memref<16x128xf32, #tpu.memory_space<vmem>>, vector<16xf32>,
    %swap3A_386 = arith.constant 9 : i32
    %swap3A_387 = arith.index_cast %swap3A_386 : i32 to index
    %swap3A_388 = arith.constant 80 : index
    %swap3A_389 = tpu.vector_load %arg27[%swap3A_387, %swap3A_388] {strides = array<i32>} : memref<16x128xf32, #tpu.memory_space<vmem>>, vector<16xf32>,
    tpu.vector_store %arg27[%swap3A_387, %swap3A_388], %broadcast_in_dim3A_0 {strides = array<i32>} : memref<16x128xf32, #tpu.memory_space<vmem>>, vector<16xf32>,
    %swap3A_390 = arith.constant 9 : i32
    %swap3A_391 = arith.index_cast %swap3A_390 : i32 to index
    %swap3A_392 = arith.constant 96 : index
    %swap3A_393 = tpu.vector_load %arg27[%swap3A_391, %swap3A_392] {strides = array<i32>} : memref<16x128xf32, #tpu.memory_space<vmem>>, vector<16xf32>,
    tpu.vector_store %arg27[%swap3A_391, %swap3A_392], %broadcast_in_dim3A_0 {strides = array<i32>} : memref<16x128xf32, #tpu.memory_space<vmem>>, vector<16xf32>,
    %swap3A_394 = arith.constant 9 : i32
    %swap3A_395 = arith.index_cast %swap3A_394 : i32 to index
    %swap3A_396 = arith.constant 112 : index
    %swap3A_397 = tpu.vector_load %arg27[%swap3A_395, %swap3A_396] {strides = array<i32>} : memref<16x128xf32, #tpu.memory_space<vmem>>, vector<16xf32>,
    tpu.vector_store %arg27[%swap3A_395, %swap3A_396], %broadcast_in_dim3A_0 {strides = array<i32>} : memref<16x128xf32, #tpu.memory_space<vmem>>, vector<16xf32>,
    %swap3A_398 = arith.constant 10 : i32
    %swap3A_399 = arith.index_cast %swap3A_398 : i32 to index
    %swap3A_400 = arith.constant 0 : index
    %swap3A_401 = tpu.vector_load %arg27[%swap3A_399, %swap3A_400] {strides = array<i32>} : memref<16x128xf32, #tpu.memory_space<vmem>>, vector<16xf32>,
    tpu.vector_store %arg27[%swap3A_399, %swap3A_400], %broadcast_in_dim3A_0 {strides = array<i32>} : memref<16x128xf32, #tpu.memory_space<vmem>>, vector<16xf32>,
    %swap3A_402 = arith.constant 10 : i32
    %swap3A_403 = arith.index_cast %swap3A_402 : i32 to index
    %swap3A_404 = arith.constant 16 : index
    %swap3A_405 = tpu.vector_load %arg27[%swap3A_403, %swap3A_404] {strides = array<i32>} : memref<16x128xf32, #tpu.memory_space<vmem>>, vector<16xf32>,
    tpu.vector_store %arg27[%swap3A_403, %swap3A_404], %broadcast_in_dim3A_0 {strides = array<i32>} : memref<16x128xf32, #tpu.memory_space<vmem>>, vector<16xf32>,
    %swap3A_406 = arith.constant 10 : i32
    %swap3A_407 = arith.index_cast %swap3A_406 : i32 to index
    %swap3A_408 = arith.constant 32 : index
    %swap3A_409 = tpu.vector_load %arg27[%swap3A_407, %swap3A_408] {strides = array<i32>} : memref<16x128xf32, #tpu.memory_space<vmem>>, vector<16xf32>,
    tpu.vector_store %arg27[%swap3A_407, %swap3A_408], %broadcast_in_dim3A_0 {strides = array<i32>} : memref<16x128xf32, #tpu.memory_space<vmem>>, vector<16xf32>,
    %swap3A_410 = arith.constant 10 : i32
    %swap3A_411 = arith.index_cast %swap3A_410 : i32 to index
    %swap3A_412 = arith.constant 48 : index
    %swap3A_413 = tpu.vector_load %arg27[%swap3A_411, %swap3A_412] {strides = array<i32>} : memref<16x128xf32, #tpu.memory_space<vmem>>, vector<16xf32>,
    tpu.vector_store %arg27[%swap3A_411, %swap3A_412], %broadcast_in_dim3A_0 {strides = array<i32>} : memref<16x128xf32, #tpu.memory_space<vmem>>, vector<16xf32>,
    %swap3A_414 = arith.constant 10 : i32
    %swap3A_415 = arith.index_cast %swap3A_414 : i32 to index
    %swap3A_416 = arith.constant 64 : index
    %swap3A_417 = tpu.vector_load %arg27[%swap3A_415, %swap3A_416] {strides = array<i32>} : memref<16x128xf32, #tpu.memory_space<vmem>>, vector<16xf32>,
    tpu.vector_store %arg27[%swap3A_415, %swap3A_416], %broadcast_in_dim3A_0 {strides = array<i32>} : memref<16x128xf32, #tpu.memory_space<vmem>>, vector<16xf32>,
    %swap3A_418 = arith.constant 10 : i32
    %swap3A_419 = arith.index_cast %swap3A_418 : i32 to index
    %swap3A_420 = arith.constant 80 : index
    %swap3A_421 = tpu.vector_load %arg27[%swap3A_419, %swap3A_420] {strides = array<i32>} : memref<16x128xf32, #tpu.memory_space<vmem>>, vector<16xf32>,
    tpu.vector_store %arg27[%swap3A_419, %swap3A_420], %broadcast_in_dim3A_0 {strides = array<i32>} : memref<16x128xf32, #tpu.memory_space<vmem>>, vector<16xf32>,
    %swap3A_422 = arith.constant 10 : i32
    %swap3A_423 = arith.index_cast %swap3A_422 : i32 to index
    %swap3A_424 = arith.constant 96 : index
    %swap3A_425 = tpu.vector_load %arg27[%swap3A_423, %swap3A_424] {strides = array<i32>} : memref<16x128xf32, #tpu.memory_space<vmem>>, vector<16xf32>,
    tpu.vector_store %arg27[%swap3A_423, %swap3A_424], %broadcast_in_dim3A_0 {strides = array<i32>} : memref<16x128xf32, #tpu.memory_space<vmem>>, vector<16xf32>,
    %swap3A_426 = arith.constant 10 : i32
    %swap3A_427 = arith.index_cast %swap3A_426 : i32 to index
    %swap3A_428 = arith.constant 112 : index
    %swap3A_429 = tpu.vector_load %arg27[%swap3A_427, %swap3A_428] {strides = array<i32>} : memref<16x128xf32, #tpu.memory_space<vmem>>, vector<16xf32>,
    tpu.vector_store %arg27[%swap3A_427, %swap3A_428], %broadcast_in_dim3A_0 {strides = array<i32>} : memref<16x128xf32, #tpu.memory_space<vmem>>, vector<16xf32>,
    %swap3A_430 = arith.constant 11 : i32
    %swap3A_431 = arith.index_cast %swap3A_430 : i32 to index
    %swap3A_432 = arith.constant 0 : index
    %swap3A_433 = tpu.vector_load %arg27[%swap3A_431, %swap3A_432] {strides = array<i32>} : memref<16x128xf32, #tpu.memory_space<vmem>>, vector<16xf32>,
    tpu.vector_store %arg27[%swap3A_431, %swap3A_432], %broadcast_in_dim3A_0 {strides = array<i32>} : memref<16x128xf32, #tpu.memory_space<vmem>>, vector<16xf32>,
    %swap3A_434 = arith.constant 11 : i32
    %swap3A_435 = arith.index_cast %swap3A_434 : i32 to index
    %swap3A_436 = arith.constant 16 : index
    %swap3A_437 = tpu.vector_load %arg27[%swap3A_435, %swap3A_436] {strides = array<i32>} : memref<16x128xf32, #tpu.memory_space<vmem>>, vector<16xf32>,
    tpu.vector_store %arg27[%swap3A_435, %swap3A_436], %broadcast_in_dim3A_0 {strides = array<i32>} : memref<16x128xf32, #tpu.memory_space<vmem>>, vector<16xf32>,
    %swap3A_438 = arith.constant 11 : i32
    %swap3A_439 = arith.index_cast %swap3A_438 : i32 to index
    %swap3A_440 = arith.constant 32 : index
    %swap3A_441 = tpu.vector_load %arg27[%swap3A_439, %swap3A_440] {strides = array<i32>} : memref<16x128xf32, #tpu.memory_space<vmem>>, vector<16xf32>,
    tpu.vector_store %arg27[%swap3A_439, %swap3A_440], %broadcast_in_dim3A_0 {strides = array<i32>} : memref<16x128xf32, #tpu.memory_space<vmem>>, vector<16xf32>,
    %swap3A_442 = arith.constant 11 : i32
    %swap3A_443 = arith.index_cast %swap3A_442 : i32 to index
    %swap3A_444 = arith.constant 48 : index
    %swap3A_445 = tpu.vector_load %arg27[%swap3A_443, %swap3A_444] {strides = array<i32>} : memref<16x128xf32, #tpu.memory_space<vmem>>, vector<16xf32>,
    tpu.vector_store %arg27[%swap3A_443, %swap3A_444], %broadcast_in_dim3A_0 {strides = array<i32>} : memref<16x128xf32, #tpu.memory_space<vmem>>, vector<16xf32>,
    %swap3A_446 = arith.constant 11 : i32
    %swap3A_447 = arith.index_cast %swap3A_446 : i32 to index
    %swap3A_448 = arith.constant 64 : index
    %swap3A_449 = tpu.vector_load %arg27[%swap3A_447, %swap3A_448] {strides = array<i32>} : memref<16x128xf32, #tpu.memory_space<vmem>>, vector<16xf32>,
    tpu.vector_store %arg27[%swap3A_447, %swap3A_448], %broadcast_in_dim3A_0 {strides = array<i32>} : memref<16x128xf32, #tpu.memory_space<vmem>>, vector<16xf32>,
    %swap3A_450 = arith.constant 11 : i32
    %swap3A_451 = arith.index_cast %swap3A_450 : i32 to index
    %swap3A_452 = arith.constant 80 : index
    %swap3A_453 = tpu.vector_load %arg27[%swap3A_451, %swap3A_452] {strides = array<i32>} : memref<16x128xf32, #tpu.memory_space<vmem>>, vector<16xf32>,
    tpu.vector_store %arg27[%swap3A_451, %swap3A_452], %broadcast_in_dim3A_0 {strides = array<i32>} : memref<16x128xf32, #tpu.memory_space<vmem>>, vector<16xf32>,
    %swap3A_454 = arith.constant 11 : i32
    %swap3A_455 = arith.index_cast %swap3A_454 : i32 to index
    %swap3A_456 = arith.constant 96 : index
    %swap3A_457 = tpu.vector_load %arg27[%swap3A_455, %swap3A_456] {strides = array<i32>} : memref<16x128xf32, #tpu.memory_space<vmem>>, vector<16xf32>,
    tpu.vector_store %arg27[%swap3A_455, %swap3A_456], %broadcast_in_dim3A_0 {strides = array<i32>} : memref<16x128xf32, #tpu.memory_space<vmem>>, vector<16xf32>,
    %swap3A_458 = arith.constant 11 : i32
    %swap3A_459 = arith.index_cast %swap3A_458 : i32 to index
    %swap3A_460 = arith.constant 112 : index
    %swap3A_461 = tpu.vector_load %arg27[%swap3A_459, %swap3A_460] {strides = array<i32>} : memref<16x128xf32, #tpu.memory_space<vmem>>, vector<16xf32>,
    tpu.vector_store %arg27[%swap3A_459, %swap3A_460], %broadcast_in_dim3A_0 {strides = array<i32>} : memref<16x128xf32, #tpu.memory_space<vmem>>, vector<16xf32>,
    %swap3A_462 = arith.constant 12 : i32
    %swap3A_463 = arith.index_cast %swap3A_462 : i32 to index
    %swap3A_464 = arith.constant 0 : index
    %swap3A_465 = tpu.vector_load %arg27[%swap3A_463, %swap3A_464] {strides = array<i32>} : memref<16x128xf32, #tpu.memory_space<vmem>>, vector<16xf32>,
    tpu.vector_store %arg27[%swap3A_463, %swap3A_464], %broadcast_in_dim3A_0 {strides = array<i32>} : memref<16x128xf32, #tpu.memory_space<vmem>>, vector<16xf32>,
    %swap3A_466 = arith.constant 12 : i32
    %swap3A_467 = arith.index_cast %swap3A_466 : i32 to index
    %swap3A_468 = arith.constant 16 : index
    %swap3A_469 = tpu.vector_load %arg27[%swap3A_467, %swap3A_468] {strides = array<i32>} : memref<16x128xf32, #tpu.memory_space<vmem>>, vector<16xf32>,
    tpu.vector_store %arg27[%swap3A_467, %swap3A_468], %broadcast_in_dim3A_0 {strides = array<i32>} : memref<16x128xf32, #tpu.memory_space<vmem>>, vector<16xf32>,
    %swap3A_470 = arith.constant 12 : i32
    %swap3A_471 = arith.index_cast %swap3A_470 : i32 to index
    %swap3A_472 = arith.constant 32 : index
    %swap3A_473 = tpu.vector_load %arg27[%swap3A_471, %swap3A_472] {strides = array<i32>} : memref<16x128xf32, #tpu.memory_space<vmem>>, vector<16xf32>,
    tpu.vector_store %arg27[%swap3A_471, %swap3A_472], %broadcast_in_dim3A_0 {strides = array<i32>} : memref<16x128xf32, #tpu.memory_space<vmem>>, vector<16xf32>,
    %swap3A_474 = arith.constant 12 : i32
    %swap3A_475 = arith.index_cast %swap3A_474 : i32 to index
    %swap3A_476 = arith.constant 48 : index
    %swap3A_477 = tpu.vector_load %arg27[%swap3A_475, %swap3A_476] {strides = array<i32>} : memref<16x128xf32, #tpu.memory_space<vmem>>, vector<16xf32>,
    tpu.vector_store %arg27[%swap3A_475, %swap3A_476], %broadcast_in_dim3A_0 {strides = array<i32>} : memref<16x128xf32, #tpu.memory_space<vmem>>, vector<16xf32>,
    %swap3A_478 = arith.constant 12 : i32
    %swap3A_479 = arith.index_cast %swap3A_478 : i32 to index
    %swap3A_480 = arith.constant 64 : index
    %swap3A_481 = tpu.vector_load %arg27[%swap3A_479, %swap3A_480] {strides = array<i32>} : memref<16x128xf32, #tpu.memory_space<vmem>>, vector<16xf32>,
    tpu.vector_store %arg27[%swap3A_479, %swap3A_480], %broadcast_in_dim3A_0 {strides = array<i32>} : memref<16x128xf32, #tpu.memory_space<vmem>>, vector<16xf32>,
    %swap3A_482 = arith.constant 12 : i32
    %swap3A_483 = arith.index_cast %swap3A_482 : i32 to index
    %swap3A_484 = arith.constant 80 : index
    %swap3A_485 = tpu.vector_load %arg27[%swap3A_483, %swap3A_484] {strides = array<i32>} : memref<16x128xf32, #tpu.memory_space<vmem>>, vector<16xf32>,
    tpu.vector_store %arg27[%swap3A_483, %swap3A_484], %broadcast_in_dim3A_0 {strides = array<i32>} : memref<16x128xf32, #tpu.memory_space<vmem>>, vector<16xf32>,
    %swap3A_486 = arith.constant 12 : i32
    %swap3A_487 = arith.index_cast %swap3A_486 : i32 to index
    %swap3A_488 = arith.constant 96 : index
    %swap3A_489 = tpu.vector_load %arg27[%swap3A_487, %swap3A_488] {strides = array<i32>} : memref<16x128xf32, #tpu.memory_space<vmem>>, vector<16xf32>,
    tpu.vector_store %arg27[%swap3A_487, %swap3A_488], %broadcast_in_dim3A_0 {strides = array<i32>} : memref<16x128xf32, #tpu.memory_space<vmem>>, vector<16xf32>,
    %swap3A_490 = arith.constant 12 : i32
    %swap3A_491 = arith.index_cast %swap3A_490 : i32 to index
    %swap3A_492 = arith.constant 112 : index
    %swap3A_493 = tpu.vector_load %arg27[%swap3A_491, %swap3A_492] {strides = array<i32>} : memref<16x128xf32, #tpu.memory_space<vmem>>, vector<16xf32>,
    tpu.vector_store %arg27[%swap3A_491, %swap3A_492], %broadcast_in_dim3A_0 {strides = array<i32>} : memref<16x128xf32, #tpu.memory_space<vmem>>, vector<16xf32>,
    %swap3A_494 = arith.constant 13 : i32
    %swap3A_495 = arith.index_cast %swap3A_494 : i32 to index
    %swap3A_496 = arith.constant 0 : index
    %swap3A_497 = tpu.vector_load %arg27[%swap3A_495, %swap3A_496] {strides = array<i32>} : memref<16x128xf32, #tpu.memory_space<vmem>>, vector<16xf32>,
    tpu.vector_store %arg27[%swap3A_495, %swap3A_496], %broadcast_in_dim3A_0 {strides = array<i32>} : memref<16x128xf32, #tpu.memory_space<vmem>>, vector<16xf32>,
    %swap3A_498 = arith.constant 13 : i32
    %swap3A_499 = arith.index_cast %swap3A_498 : i32 to index
    %swap3A_500 = arith.constant 16 : index
    %swap3A_501 = tpu.vector_load %arg27[%swap3A_499, %swap3A_500] {strides = array<i32>} : memref<16x128xf32, #tpu.memory_space<vmem>>, vector<16xf32>,
    tpu.vector_store %arg27[%swap3A_499, %swap3A_500], %broadcast_in_dim3A_0 {strides = array<i32>} : memref<16x128xf32, #tpu.memory_space<vmem>>, vector<16xf32>,
    %swap3A_502 = arith.constant 13 : i32
    %swap3A_503 = arith.index_cast %swap3A_502 : i32 to index
    %swap3A_504 = arith.constant 32 : index
    %swap3A_505 = tpu.vector_load %arg27[%swap3A_503, %swap3A_504] {strides = array<i32>} : memref<16x128xf32, #tpu.memory_space<vmem>>, vector<16xf32>,
    tpu.vector_store %arg27[%swap3A_503, %swap3A_504], %broadcast_in_dim3A_0 {strides = array<i32>} : memref<16x128xf32, #tpu.memory_space<vmem>>, vector<16xf32>,
    %swap3A_506 = arith.constant 13 : i32
    %swap3A_507 = arith.index_cast %swap3A_506 : i32 to index
    %swap3A_508 = arith.constant 48 : index
    %swap3A_509 = tpu.vector_load %arg27[%swap3A_507, %swap3A_508] {strides = array<i32>} : memref<16x128xf32, #tpu.memory_space<vmem>>, vector<16xf32>,
    tpu.vector_store %arg27[%swap3A_507, %swap3A_508], %broadcast_in_dim3A_0 {strides = array<i32>} : memref<16x128xf32, #tpu.memory_space<vmem>>, vector<16xf32>,
    %swap3A_510 = arith.constant 13 : i32
    %swap3A_511 = arith.index_cast %swap3A_510 : i32 to index
    %swap3A_512 = arith.constant 64 : index
    %swap3A_513 = tpu.vector_load %arg27[%swap3A_511, %swap3A_512] {strides = array<i32>} : memref<16x128xf32, #tpu.memory_space<vmem>>, vector<16xf32>,
    tpu.vector_store %arg27[%swap3A_511, %swap3A_512], %broadcast_in_dim3A_0 {strides = array<i32>} : memref<16x128xf32, #tpu.memory_space<vmem>>, vector<16xf32>,
    %swap3A_514 = arith.constant 13 : i32
    %swap3A_515 = arith.index_cast %swap3A_514 : i32 to index
    %swap3A_516 = arith.constant 80 : index
    %swap3A_517 = tpu.vector_load %arg27[%swap3A_515, %swap3A_516] {strides = array<i32>} : memref<16x128xf32, #tpu.memory_space<vmem>>, vector<16xf32>,
    tpu.vector_store %arg27[%swap3A_515, %swap3A_516], %broadcast_in_dim3A_0 {strides = array<i32>} : memref<16x128xf32, #tpu.memory_space<vmem>>, vector<16xf32>,
    %swap3A_518 = arith.constant 13 : i32
    %swap3A_519 = arith.index_cast %swap3A_518 : i32 to index
    %swap3A_520 = arith.constant 96 : index
    %swap3A_521 = tpu.vector_load %arg27[%swap3A_519, %swap3A_520] {strides = array<i32>} : memref<16x128xf32, #tpu.memory_space<vmem>>, vector<16xf32>,
    tpu.vector_store %arg27[%swap3A_519, %swap3A_520], %broadcast_in_dim3A_0 {strides = array<i32>} : memref<16x128xf32, #tpu.memory_space<vmem>>, vector<16xf32>,
    %swap3A_522 = arith.constant 13 : i32
    %swap3A_523 = arith.index_cast %swap3A_522 : i32 to index
    %swap3A_524 = arith.constant 112 : index
    %swap3A_525 = tpu.vector_load %arg27[%swap3A_523, %swap3A_524] {strides = array<i32>} : memref<16x128xf32, #tpu.memory_space<vmem>>, vector<16xf32>,
    tpu.vector_store %arg27[%swap3A_523, %swap3A_524], %broadcast_in_dim3A_0 {strides = array<i32>} : memref<16x128xf32, #tpu.memory_space<vmem>>, vector<16xf32>,
    %swap3A_526 = arith.constant 14 : i32
    %swap3A_527 = arith.index_cast %swap3A_526 : i32 to index
    %swap3A_528 = arith.constant 0 : index
    %swap3A_529 = tpu.vector_load %arg27[%swap3A_527, %swap3A_528] {strides = array<i32>} : memref<16x128xf32, #tpu.memory_space<vmem>>, vector<16xf32>,
    tpu.vector_store %arg27[%swap3A_527, %swap3A_528], %broadcast_in_dim3A_0 {strides = array<i32>} : memref<16x128xf32, #tpu.memory_space<vmem>>, vector<16xf32>,
    %swap3A_530 = arith.constant 14 : i32
    %swap3A_531 = arith.index_cast %swap3A_530 : i32 to index
    %swap3A_532 = arith.constant 16 : index
    %swap3A_533 = tpu.vector_load %arg27[%swap3A_531, %swap3A_532] {strides = array<i32>} : memref<16x128xf32, #tpu.memory_space<vmem>>, vector<16xf32>,
    tpu.vector_store %arg27[%swap3A_531, %swap3A_532], %broadcast_in_dim3A_0 {strides = array<i32>} : memref<16x128xf32, #tpu.memory_space<vmem>>, vector<16xf32>,
    %swap3A_534 = arith.constant 14 : i32
    %swap3A_535 = arith.index_cast %swap3A_534 : i32 to index
    %swap3A_536 = arith.constant 32 : index
    %swap3A_537 = tpu.vector_load %arg27[%swap3A_535, %swap3A_536] {strides = array<i32>} : memref<16x128xf32, #tpu.memory_space<vmem>>, vector<16xf32>,
    tpu.vector_store %arg27[%swap3A_535, %swap3A_536], %broadcast_in_dim3A_0 {strides = array<i32>} : memref<16x128xf32, #tpu.memory_space<vmem>>, vector<16xf32>,
    %swap3A_538 = arith.constant 14 : i32
    %swap3A_539 = arith.index_cast %swap3A_538 : i32 to index
    %swap3A_540 = arith.constant 48 : index
    %swap3A_541 = tpu.vector_load %arg27[%swap3A_539, %swap3A_540] {strides = array<i32>} : memref<16x128xf32, #tpu.memory_space<vmem>>, vector<16xf32>,
    tpu.vector_store %arg27[%swap3A_539, %swap3A_540], %broadcast_in_dim3A_0 {strides = array<i32>} : memref<16x128xf32, #tpu.memory_space<vmem>>, vector<16xf32>,
    %swap3A_542 = arith.constant 14 : i32
    %swap3A_543 = arith.index_cast %swap3A_542 : i32 to index
    %swap3A_544 = arith.constant 64 : index
    %swap3A_545 = tpu.vector_load %arg27[%swap3A_543, %swap3A_544] {strides = array<i32>} : memref<16x128xf32, #tpu.memory_space<vmem>>, vector<16xf32>,
    tpu.vector_store %arg27[%swap3A_543, %swap3A_544], %broadcast_in_dim3A_0 {strides = array<i32>} : memref<16x128xf32, #tpu.memory_space<vmem>>, vector<16xf32>,
    %swap3A_546 = arith.constant 14 : i32
    %swap3A_547 = arith.index_cast %swap3A_546 : i32 to index
    %swap3A_548 = arith.constant 80 : index
    %swap3A_549 = tpu.vector_load %arg27[%swap3A_547, %swap3A_548] {strides = array<i32>} : memref<16x128xf32, #tpu.memory_space<vmem>>, vector<16xf32>,
    tpu.vector_store %arg27[%swap3A_547, %swap3A_548], %broadcast_in_dim3A_0 {strides = array<i32>} : memref<16x128xf32, #tpu.memory_space<vmem>>, vector<16xf32>,
    %swap3A_550 = arith.constant 14 : i32
    %swap3A_551 = arith.index_cast %swap3A_550 : i32 to index
    %swap3A_552 = arith.constant 96 : index
    %swap3A_553 = tpu.vector_load %arg27[%swap3A_551, %swap3A_552] {strides = array<i32>} : memref<16x128xf32, #tpu.memory_space<vmem>>, vector<16xf32>,
    tpu.vector_store %arg27[%swap3A_551, %swap3A_552], %broadcast_in_dim3A_0 {strides = array<i32>} : memref<16x128xf32, #tpu.memory_space<vmem>>, vector<16xf32>,
    %swap3A_554 = arith.constant 14 : i32
    %swap3A_555 = arith.index_cast %swap3A_554 : i32 to index
    %swap3A_556 = arith.constant 112 : index
    %swap3A_557 = tpu.vector_load %arg27[%swap3A_555, %swap3A_556] {strides = array<i32>} : memref<16x128xf32, #tpu.memory_space<vmem>>, vector<16xf32>,
    tpu.vector_store %arg27[%swap3A_555, %swap3A_556], %broadcast_in_dim3A_0 {strides = array<i32>} : memref<16x128xf32, #tpu.memory_space<vmem>>, vector<16xf32>,
    %swap3A_558 = arith.constant 15 : i32
    %swap3A_559 = arith.index_cast %swap3A_558 : i32 to index
    %swap3A_560 = arith.constant 0 : index
    %swap3A_561 = tpu.vector_load %arg27[%swap3A_559, %swap3A_560] {strides = array<i32>} : memref<16x128xf32, #tpu.memory_space<vmem>>, vector<16xf32>,
    tpu.vector_store %arg27[%swap3A_559, %swap3A_560], %broadcast_in_dim3A_0 {strides = array<i32>} : memref<16x128xf32, #tpu.memory_space<vmem>>, vector<16xf32>,
    %swap3A_562 = arith.constant 15 : i32
    %swap3A_563 = arith.index_cast %swap3A_562 : i32 to index
    %swap3A_564 = arith.constant 16 : index
    %swap3A_565 = tpu.vector_load %arg27[%swap3A_563, %swap3A_564] {strides = array<i32>} : memref<16x128xf32, #tpu.memory_space<vmem>>, vector<16xf32>,
    tpu.vector_store %arg27[%swap3A_563, %swap3A_564], %broadcast_in_dim3A_0 {strides = array<i32>} : memref<16x128xf32, #tpu.memory_space<vmem>>, vector<16xf32>,
    %swap3A_566 = arith.constant 15 : i32
    %swap3A_567 = arith.index_cast %swap3A_566 : i32 to index
    %swap3A_568 = arith.constant 32 : index
    %swap3A_569 = tpu.vector_load %arg27[%swap3A_567, %swap3A_568] {strides = array<i32>} : memref<16x128xf32, #tpu.memory_space<vmem>>, vector<16xf32>,
    tpu.vector_store %arg27[%swap3A_567, %swap3A_568], %broadcast_in_dim3A_0 {strides = array<i32>} : memref<16x128xf32, #tpu.memory_space<vmem>>, vector<16xf32>,
    %swap3A_570 = arith.constant 15 : i32
    %swap3A_571 = arith.index_cast %swap3A_570 : i32 to index
    %swap3A_572 = arith.constant 48 : index
    %swap3A_573 = tpu.vector_load %arg27[%swap3A_571, %swap3A_572] {strides = array<i32>} : memref<16x128xf32, #tpu.memory_space<vmem>>, vector<16xf32>,
    tpu.vector_store %arg27[%swap3A_571, %swap3A_572], %broadcast_in_dim3A_0 {strides = array<i32>} : memref<16x128xf32, #tpu.memory_space<vmem>>, vector<16xf32>,
    %swap3A_574 = arith.constant 15 : i32
    %swap3A_575 = arith.index_cast %swap3A_574 : i32 to index
    %swap3A_576 = arith.constant 64 : index
    %swap3A_577 = tpu.vector_load %arg27[%swap3A_575, %swap3A_576] {strides = array<i32>} : memref<16x128xf32, #tpu.memory_space<vmem>>, vector<16xf32>,
    tpu.vector_store %arg27[%swap3A_575, %swap3A_576], %broadcast_in_dim3A_0 {strides = array<i32>} : memref<16x128xf32, #tpu.memory_space<vmem>>, vector<16xf32>,
    %swap3A_578 = arith.constant 15 : i32
    %swap3A_579 = arith.index_cast %swap3A_578 : i32 to index
    %swap3A_580 = arith.constant 80 : index
    %swap3A_581 = tpu.vector_load %arg27[%swap3A_579, %swap3A_580] {strides = array<i32>} : memref<16x128xf32, #tpu.memory_space<vmem>>, vector<16xf32>,
    tpu.vector_store %arg27[%swap3A_579, %swap3A_580], %broadcast_in_dim3A_0 {strides = array<i32>} : memref<16x128xf32, #tpu.memory_space<vmem>>, vector<16xf32>,
    %swap3A_582 = arith.constant 15 : i32
    %swap3A_583 = arith.index_cast %swap3A_582 : i32 to index
    %swap3A_584 = arith.constant 96 : index
    %swap3A_585 = tpu.vector_load %arg27[%swap3A_583, %swap3A_584] {strides = array<i32>} : memref<16x128xf32, #tpu.memory_space<vmem>>, vector<16xf32>,
    tpu.vector_store %arg27[%swap3A_583, %swap3A_584], %broadcast_in_dim3A_0 {strides = array<i32>} : memref<16x128xf32, #tpu.memory_space<vmem>>, vector<16xf32>,
    %swap3A_586 = arith.constant 15 : i32
    %swap3A_587 = arith.index_cast %swap3A_586 : i32 to index
    %swap3A_588 = arith.constant 112 : index
    %swap3A_589 = tpu.vector_load %arg27[%swap3A_587, %swap3A_588] {strides = array<i32>} : memref<16x128xf32, #tpu.memory_space<vmem>>, vector<16xf32>,
    tpu.vector_store %arg27[%swap3A_587, %swap3A_588], %broadcast_in_dim3A_0 {strides = array<i32>} : memref<16x128xf32, #tpu.memory_space<vmem>>, vector<16xf32>,
    %mul3A = arith.constant 624 : i32
    %mul3A_590 = arith.muli %arg1, %mul3A : i32
    %multiple_of3A = tpu.assume_multiple %mul3A_590, 8 : i32
    "tpu.region"() ({
      %run_scoped3A = tpu.sem_alloc : memref<!tpu.dma_semaphore, #tpu.memory_space<semaphore_mem>>
      %dma_start3A = arith.constant 0 : i32
      %dma_start3A_617 = tpu.memref_slice %arg30[%dma_start3A] : memref<624xf32, #tpu.memory_space<vmem>> -> memref<624xf32, #tpu.memory_space<vmem>>
      %dma_start3A_618 = tpu.memref_slice %arg10[%multiple_of3A] : memref<10000xf32, #tpu.memory_space<vmem_shared>> -> memref<624xf32, #tpu.memory_space<vmem_shared>>
      %dma_start3A_619 = tpu.memref_slice %arg10[%multiple_of3A] : memref<10000xf32, #tpu.memory_space<vmem_shared>> -> memref<624xf32, #tpu.memory_space<vmem_shared>>
      %dma_start3A_620 = arith.constant 0 : i32
      %dma_start3A_621 = tpu.memref_slice %arg30[%dma_start3A_620] : memref<624xf32, #tpu.memory_space<vmem>> -> memref<624xf32, #tpu.memory_space<vmem>>
      tpu.enqueue_dma source(%dma_start3A_621 : memref<624xf32, #tpu.memory_space<vmem>>) target(%dma_start3A_619 : memref<624xf32, #tpu.memory_space<vmem_shared>>) target_semaphore(%run_scoped3A : memref<!tpu.dma_semaphore, #tpu.memory_space<semaphore_mem>>)
      %dma_wait3A = arith.constant 0 : i32
      %dma_wait3A_622 = tpu.memref_slice %arg30[%dma_wait3A] : memref<624xf32, #tpu.memory_space<vmem>> -> memref<624xf32, #tpu.memory_space<vmem>>
      %dma_wait3A_623 = tpu.memref_slice %arg10[%multiple_of3A] : memref<10000xf32, #tpu.memory_space<vmem_shared>> -> memref<624xf32, #tpu.memory_space<vmem_shared>>
      %dma_wait3A_624 = tpu.memref_slice %arg10[%multiple_of3A] : memref<10000xf32, #tpu.memory_space<vmem_shared>> -> memref<624xf32, #tpu.memory_space<vmem_shared>>
      %dma_wait3A_625 = arith.constant 0 : i32
      %dma_wait3A_626 = tpu.memref_slice %arg30[%dma_wait3A_625] : memref<624xf32, #tpu.memory_space<vmem>> -> memref<624xf32, #tpu.memory_space<vmem>>
      tpu.wait_dma2 semaphore(%run_scoped3A : memref<!tpu.dma_semaphore, #tpu.memory_space<semaphore_mem>>) src(%dma_wait3A_626 : memref<624xf32, #tpu.memory_space<vmem>>) dst(%dma_wait3A_624 : memref<624xf32, #tpu.memory_space<vmem_shared>>)
      tpu.yield
    }) : () -> ()
    %eq3A = arith.constant 0 : i32
    %eq3A_591 = arith.cmpi eq, %arg1, %eq3A : i32
    %convert_element_type3A = arith.extui %eq3A_591 : i1 to i32
    %cond3A = arith.constant 0 : i32
    %cond3A_592 = arith.cmpi ne, %convert_element_type3A, %cond3A : i32
    scf.if %cond3A_592 {
      "tpu.region"() ({
        %run_scoped3A = tpu.sem_alloc : memref<!tpu.dma_semaphore, #tpu.memory_space<semaphore_mem>>
        %dma_start3A = arith.constant 0 : i32
        %dma_start3A_617 = tpu.memref_slice %arg30[%dma_start3A] : memref<624xf32, #tpu.memory_space<vmem>> -> memref<16xf32, #tpu.memory_space<vmem>>
        %dma_start3A_618 = arith.constant 9984 : i32
        %dma_start3A_619 = tpu.memref_slice %arg10[%dma_start3A_618] : memref<10000xf32, #tpu.memory_space<vmem_shared>> -> memref<16xf32, #tpu.memory_space<vmem_shared>>
        %dma_start3A_620 = arith.constant 9984 : i32
        %dma_start3A_621 = tpu.memref_slice %arg10[%dma_start3A_620] : memref<10000xf32, #tpu.memory_space<vmem_shared>> -> memref<16xf32, #tpu.memory_space<vmem_shared>>
        %dma_start3A_622 = arith.constant 0 : i32
        %dma_start3A_623 = tpu.memref_slice %arg30[%dma_start3A_622] : memref<624xf32, #tpu.memory_space<vmem>> -> memref<16xf32, #tpu.memory_space<vmem>>
        tpu.enqueue_dma source(%dma_start3A_623 : memref<16xf32, #tpu.memory_space<vmem>>) target(%dma_start3A_621 : memref<16xf32, #tpu.memory_space<vmem_shared>>) target_semaphore(%run_scoped3A : memref<!tpu.dma_semaphore, #tpu.memory_space<semaphore_mem>>)
        %dma_wait3A = arith.constant 0 : i32
        %dma_wait3A_624 = tpu.memref_slice %arg30[%dma_wait3A] : memref<624xf32, #tpu.memory_space<vmem>> -> memref<16xf32, #tpu.memory_space<vmem>>
        %dma_wait3A_625 = arith.constant 9984 : i32
        %dma_wait3A_626 = tpu.memref_slice %arg10[%dma_wait3A_625] : memref<10000xf32, #tpu.memory_space<vmem_shared>> -> memref<16xf32, #tpu.memory_space<vmem_shared>>
        %dma_wait3A_627 = arith.constant 9984 : i32
        %dma_wait3A_628 = tpu.memref_slice %arg10[%dma_wait3A_627] : memref<10000xf32, #tpu.memory_space<vmem_shared>> -> memref<16xf32, #tpu.memory_space<vmem_shared>>
        %dma_wait3A_629 = arith.constant 0 : i32
        %dma_wait3A_630 = tpu.memref_slice %arg30[%dma_wait3A_629] : memref<624xf32, #tpu.memory_space<vmem>> -> memref<16xf32, #tpu.memory_space<vmem>>
        tpu.wait_dma2 semaphore(%run_scoped3A : memref<!tpu.dma_semaphore, #tpu.memory_space<semaphore_mem>>) src(%dma_wait3A_630 : memref<16xf32, #tpu.memory_space<vmem>>) dst(%dma_wait3A_628 : memref<16xf32, #tpu.memory_space<vmem_shared>>)
        tpu.yield
      }) : () -> ()
    } else {
    }
    %barrier3A = arith.constant 0 : index
    tpu.barrier barrier_id(%barrier3A)
    %scan3A = arith.constant 0 : i32
    %scan3A_593 = arith.constant 0 : i32
    %scan3A_594 = arith.constant 25 : i32
    %scan3A_595 = arith.addi %scan3A_593, %scan3A_594 : i32
    %scan3A_596 = arith.constant 1 : i32
    scf.for %scan3A_617 = %scan3A_593 to %scan3A_595 step %scan3A_596  : i32 {
      %mul3A_618 = arith.constant 20000 : i32
      %mul3A_619 = arith.muli %arg1, %mul3A_618 : i32
      %mul3A_620 = arith.constant 800 : i32
      %mul3A_621 = arith.muli %scan3A_617, %mul3A_620 : i32
      %add3A_622 = arith.addi %mul3A_619, %mul3A_621 : i32
      %multiple_of3A_623 = tpu.assume_multiple %add3A_622, 8 : i32
      "tpu.region"() ({
        %run_scoped3A = tpu.sem_alloc : memref<!tpu.dma_semaphore, #tpu.memory_space<semaphore_mem>>
        %dma_start3A_1005 = tpu.memref_slice %arg4[%multiple_of3A_623] : memref<320000xi32, #tpu.memory_space<hbm>> -> memref<800xi32, #tpu.memory_space<hbm>>
        %dma_start3A_1006 = tpu.memref_slice %arg4[%multiple_of3A_623] : memref<320000xi32, #tpu.memory_space<hbm>> -> memref<800xi32, #tpu.memory_space<hbm>>
        tpu.enqueue_dma source(%dma_start3A_1006 : memref<800xi32, #tpu.memory_space<hbm>>) target(%arg13 : memref<800xi32, #tpu.memory_space<vmem>>) target_semaphore(%run_scoped3A : memref<!tpu.dma_semaphore, #tpu.memory_space<semaphore_mem>>)
        %dma_wait3A_1007 = tpu.memref_slice %arg4[%multiple_of3A_623] : memref<320000xi32, #tpu.memory_space<hbm>> -> memref<800xi32, #tpu.memory_space<hbm>>
        %dma_wait3A_1008 = tpu.memref_slice %arg4[%multiple_of3A_623] : memref<320000xi32, #tpu.memory_space<hbm>> -> memref<800xi32, #tpu.memory_space<hbm>>
        tpu.wait_dma2 semaphore(%run_scoped3A : memref<!tpu.dma_semaphore, #tpu.memory_space<semaphore_mem>>) src(%dma_wait3A_1008 : memref<800xi32, #tpu.memory_space<hbm>>) dst(%arg13 : memref<800xi32, #tpu.memory_space<vmem>>)
        tpu.yield
      }) : () -> ()
      "tpu.region"() ({
        %run_scoped3A = tpu.sem_alloc : memref<!tpu.dma_semaphore, #tpu.memory_space<semaphore_mem>>
        %dma_start3A_1005 = tpu.memref_slice %arg5[%multiple_of3A_623] : memref<320000xf32, #tpu.memory_space<hbm>> -> memref<800xf32, #tpu.memory_space<hbm>>
        %dma_start3A_1006 = tpu.memref_slice %arg5[%multiple_of3A_623] : memref<320000xf32, #tpu.memory_space<hbm>> -> memref<800xf32, #tpu.memory_space<hbm>>
        tpu.enqueue_dma source(%dma_start3A_1006 : memref<800xf32, #tpu.memory_space<hbm>>) target(%arg14 : memref<800xf32, #tpu.memory_space<vmem>>) target_semaphore(%run_scoped3A : memref<!tpu.dma_semaphore, #tpu.memory_space<semaphore_mem>>)
        %dma_wait3A_1007 = tpu.memref_slice %arg5[%multiple_of3A_623] : memref<320000xf32, #tpu.memory_space<hbm>> -> memref<800xf32, #tpu.memory_space<hbm>>
        %dma_wait3A_1008 = tpu.memref_slice %arg5[%multiple_of3A_623] : memref<320000xf32, #tpu.memory_space<hbm>> -> memref<800xf32, #tpu.memory_space<hbm>>
        tpu.wait_dma2 semaphore(%run_scoped3A : memref<!tpu.dma_semaphore, #tpu.memory_space<semaphore_mem>>) src(%dma_wait3A_1008 : memref<800xf32, #tpu.memory_space<hbm>>) dst(%arg14 : memref<800xf32, #tpu.memory_space<vmem>>)
        tpu.yield
      }) : () -> ()
      %get3A = arith.constant 0 : index
      %get3A_624 = tpu.vector_load %arg13[%get3A] {strides = array<i32>} : memref<800xi32, #tpu.memory_space<vmem>>, vector<16xi32>,
      %swap3A_625 = arith.constant 0 : i32
      %swap3A_626 = arith.index_cast %swap3A_625 : i32 to index
      %swap3A_627 = arith.constant 0 : index
      %swap3A_628 = tpu.vector_load %arg12[%swap3A_626, %swap3A_627] {strides = array<i32>} : memref<10x80xi32, #tpu.memory_space<vmem>>, vector<16xi32>,
      tpu.vector_store %arg12[%swap3A_626, %swap3A_627], %get3A_624 {strides = array<i32>} : memref<10x80xi32, #tpu.memory_space<vmem>>, vector<16xi32>,
      %get3A_629 = arith.constant 16 : index
      %get3A_630 = tpu.vector_load %arg13[%get3A_629] {strides = array<i32>} : memref<800xi32, #tpu.memory_space<vmem>>, vector<16xi32>,
      %swap3A_631 = arith.constant 0 : i32
      %swap3A_632 = arith.index_cast %swap3A_631 : i32 to index
      %swap3A_633 = arith.constant 16 : index
      %swap3A_634 = tpu.vector_load %arg12[%swap3A_632, %swap3A_633] {strides = array<i32>} : memref<10x80xi32, #tpu.memory_space<vmem>>, vector<16xi32>,
      tpu.vector_store %arg12[%swap3A_632, %swap3A_633], %get3A_630 {strides = array<i32>} : memref<10x80xi32, #tpu.memory_space<vmem>>, vector<16xi32>,
      %get3A_635 = arith.constant 32 : index
      %get3A_636 = tpu.vector_load %arg13[%get3A_635] {strides = array<i32>} : memref<800xi32, #tpu.memory_space<vmem>>, vector<16xi32>,
      %swap3A_637 = arith.constant 0 : i32
      %swap3A_638 = arith.index_cast %swap3A_637 : i32 to index
      %swap3A_639 = arith.constant 32 : index
      %swap3A_640 = tpu.vector_load %arg12[%swap3A_638, %swap3A_639] {strides = array<i32>} : memref<10x80xi32, #tpu.memory_space<vmem>>, vector<16xi32>,
      tpu.vector_store %arg12[%swap3A_638, %swap3A_639], %get3A_636 {strides = array<i32>} : memref<10x80xi32, #tpu.memory_space<vmem>>, vector<16xi32>,
      %get3A_641 = arith.constant 48 : index
      %get3A_642 = tpu.vector_load %arg13[%get3A_641] {strides = array<i32>} : memref<800xi32, #tpu.memory_space<vmem>>, vector<16xi32>,
      %swap3A_643 = arith.constant 0 : i32
      %swap3A_644 = arith.index_cast %swap3A_643 : i32 to index
      %swap3A_645 = arith.constant 48 : index
      %swap3A_646 = tpu.vector_load %arg12[%swap3A_644, %swap3A_645] {strides = array<i32>} : memref<10x80xi32, #tpu.memory_space<vmem>>, vector<16xi32>,
      tpu.vector_store %arg12[%swap3A_644, %swap3A_645], %get3A_642 {strides = array<i32>} : memref<10x80xi32, #tpu.memory_space<vmem>>, vector<16xi32>,
      %get3A_647 = arith.constant 64 : index
      %get3A_648 = tpu.vector_load %arg13[%get3A_647] {strides = array<i32>} : memref<800xi32, #tpu.memory_space<vmem>>, vector<16xi32>,
      %swap3A_649 = arith.constant 0 : i32
      %swap3A_650 = arith.index_cast %swap3A_649 : i32 to index
      %swap3A_651 = arith.constant 64 : index
      %swap3A_652 = tpu.vector_load %arg12[%swap3A_650, %swap3A_651] {strides = array<i32>} : memref<10x80xi32, #tpu.memory_space<vmem>>, vector<16xi32>,
      tpu.vector_store %arg12[%swap3A_650, %swap3A_651], %get3A_648 {strides = array<i32>} : memref<10x80xi32, #tpu.memory_space<vmem>>, vector<16xi32>,
      %get3A_653 = arith.constant 80 : index
      %get3A_654 = tpu.vector_load %arg13[%get3A_653] {strides = array<i32>} : memref<800xi32, #tpu.memory_space<vmem>>, vector<16xi32>,
      %swap3A_655 = arith.constant 1 : i32
      %swap3A_656 = arith.index_cast %swap3A_655 : i32 to index
      %swap3A_657 = arith.constant 0 : index
      %swap3A_658 = tpu.vector_load %arg12[%swap3A_656, %swap3A_657] {strides = array<i32>} : memref<10x80xi32, #tpu.memory_space<vmem>>, vector<16xi32>,
      tpu.vector_store %arg12[%swap3A_656, %swap3A_657], %get3A_654 {strides = array<i32>} : memref<10x80xi32, #tpu.memory_space<vmem>>, vector<16xi32>,
      %get3A_659 = arith.constant 96 : index
      %get3A_660 = tpu.vector_load %arg13[%get3A_659] {strides = array<i32>} : memref<800xi32, #tpu.memory_space<vmem>>, vector<16xi32>,
      %swap3A_661 = arith.constant 1 : i32
      %swap3A_662 = arith.index_cast %swap3A_661 : i32 to index
      %swap3A_663 = arith.constant 16 : index
      %swap3A_664 = tpu.vector_load %arg12[%swap3A_662, %swap3A_663] {strides = array<i32>} : memref<10x80xi32, #tpu.memory_space<vmem>>, vector<16xi32>,
      tpu.vector_store %arg12[%swap3A_662, %swap3A_663], %get3A_660 {strides = array<i32>} : memref<10x80xi32, #tpu.memory_space<vmem>>, vector<16xi32>,
      %get3A_665 = arith.constant 112 : index
      %get3A_666 = tpu.vector_load %arg13[%get3A_665] {strides = array<i32>} : memref<800xi32, #tpu.memory_space<vmem>>, vector<16xi32>,
      %swap3A_667 = arith.constant 1 : i32
      %swap3A_668 = arith.index_cast %swap3A_667 : i32 to index
      %swap3A_669 = arith.constant 32 : index
      %swap3A_670 = tpu.vector_load %arg12[%swap3A_668, %swap3A_669] {strides = array<i32>} : memref<10x80xi32, #tpu.memory_space<vmem>>, vector<16xi32>,
      tpu.vector_store %arg12[%swap3A_668, %swap3A_669], %get3A_666 {strides = array<i32>} : memref<10x80xi32, #tpu.memory_space<vmem>>, vector<16xi32>,
      %get3A_671 = arith.constant 128 : index
      %get3A_672 = tpu.vector_load %arg13[%get3A_671] {strides = array<i32>} : memref<800xi32, #tpu.memory_space<vmem>>, vector<16xi32>,
      %swap3A_673 = arith.constant 1 : i32
      %swap3A_674 = arith.index_cast %swap3A_673 : i32 to index
      %swap3A_675 = arith.constant 48 : index
      %swap3A_676 = tpu.vector_load %arg12[%swap3A_674, %swap3A_675] {strides = array<i32>} : memref<10x80xi32, #tpu.memory_space<vmem>>, vector<16xi32>,
      tpu.vector_store %arg12[%swap3A_674, %swap3A_675], %get3A_672 {strides = array<i32>} : memref<10x80xi32, #tpu.memory_space<vmem>>, vector<16xi32>,
      %get3A_677 = arith.constant 144 : index
      %get3A_678 = tpu.vector_load %arg13[%get3A_677] {strides = array<i32>} : memref<800xi32, #tpu.memory_space<vmem>>, vector<16xi32>,
      %swap3A_679 = arith.constant 1 : i32
      %swap3A_680 = arith.index_cast %swap3A_679 : i32 to index
      %swap3A_681 = arith.constant 64 : index
      %swap3A_682 = tpu.vector_load %arg12[%swap3A_680, %swap3A_681] {strides = array<i32>} : memref<10x80xi32, #tpu.memory_space<vmem>>, vector<16xi32>,
      tpu.vector_store %arg12[%swap3A_680, %swap3A_681], %get3A_678 {strides = array<i32>} : memref<10x80xi32, #tpu.memory_space<vmem>>, vector<16xi32>,
      %get3A_683 = arith.constant 160 : index
      %get3A_684 = tpu.vector_load %arg13[%get3A_683] {strides = array<i32>} : memref<800xi32, #tpu.memory_space<vmem>>, vector<16xi32>,
      %swap3A_685 = arith.constant 2 : i32
      %swap3A_686 = arith.index_cast %swap3A_685 : i32 to index
      %swap3A_687 = arith.constant 0 : index
      %swap3A_688 = tpu.vector_load %arg12[%swap3A_686, %swap3A_687] {strides = array<i32>} : memref<10x80xi32, #tpu.memory_space<vmem>>, vector<16xi32>,
      tpu.vector_store %arg12[%swap3A_686, %swap3A_687], %get3A_684 {strides = array<i32>} : memref<10x80xi32, #tpu.memory_space<vmem>>, vector<16xi32>,
      %get3A_689 = arith.constant 176 : index
      %get3A_690 = tpu.vector_load %arg13[%get3A_689] {strides = array<i32>} : memref<800xi32, #tpu.memory_space<vmem>>, vector<16xi32>,
      %swap3A_691 = arith.constant 2 : i32
      %swap3A_692 = arith.index_cast %swap3A_691 : i32 to index
      %swap3A_693 = arith.constant 16 : index
      %swap3A_694 = tpu.vector_load %arg12[%swap3A_692, %swap3A_693] {strides = array<i32>} : memref<10x80xi32, #tpu.memory_space<vmem>>, vector<16xi32>,
      tpu.vector_store %arg12[%swap3A_692, %swap3A_693], %get3A_690 {strides = array<i32>} : memref<10x80xi32, #tpu.memory_space<vmem>>, vector<16xi32>,
      %get3A_695 = arith.constant 192 : index
      %get3A_696 = tpu.vector_load %arg13[%get3A_695] {strides = array<i32>} : memref<800xi32, #tpu.memory_space<vmem>>, vector<16xi32>,
      %swap3A_697 = arith.constant 2 : i32
      %swap3A_698 = arith.index_cast %swap3A_697 : i32 to index
      %swap3A_699 = arith.constant 32 : index
      %swap3A_700 = tpu.vector_load %arg12[%swap3A_698, %swap3A_699] {strides = array<i32>} : memref<10x80xi32, #tpu.memory_space<vmem>>, vector<16xi32>,
      tpu.vector_store %arg12[%swap3A_698, %swap3A_699], %get3A_696 {strides = array<i32>} : memref<10x80xi32, #tpu.memory_space<vmem>>, vector<16xi32>,
      %get3A_701 = arith.constant 208 : index
      %get3A_702 = tpu.vector_load %arg13[%get3A_701] {strides = array<i32>} : memref<800xi32, #tpu.memory_space<vmem>>, vector<16xi32>,
      %swap3A_703 = arith.constant 2 : i32
      %swap3A_704 = arith.index_cast %swap3A_703 : i32 to index
      %swap3A_705 = arith.constant 48 : index
      %swap3A_706 = tpu.vector_load %arg12[%swap3A_704, %swap3A_705] {strides = array<i32>} : memref<10x80xi32, #tpu.memory_space<vmem>>, vector<16xi32>,
      tpu.vector_store %arg12[%swap3A_704, %swap3A_705], %get3A_702 {strides = array<i32>} : memref<10x80xi32, #tpu.memory_space<vmem>>, vector<16xi32>,
      %get3A_707 = arith.constant 224 : index
      %get3A_708 = tpu.vector_load %arg13[%get3A_707] {strides = array<i32>} : memref<800xi32, #tpu.memory_space<vmem>>, vector<16xi32>,
      %swap3A_709 = arith.constant 2 : i32
      %swap3A_710 = arith.index_cast %swap3A_709 : i32 to index
      %swap3A_711 = arith.constant 64 : index
      %swap3A_712 = tpu.vector_load %arg12[%swap3A_710, %swap3A_711] {strides = array<i32>} : memref<10x80xi32, #tpu.memory_space<vmem>>, vector<16xi32>,
      tpu.vector_store %arg12[%swap3A_710, %swap3A_711], %get3A_708 {strides = array<i32>} : memref<10x80xi32, #tpu.memory_space<vmem>>, vector<16xi32>,
      %get3A_713 = arith.constant 240 : index
      %get3A_714 = tpu.vector_load %arg13[%get3A_713] {strides = array<i32>} : memref<800xi32, #tpu.memory_space<vmem>>, vector<16xi32>,
      %swap3A_715 = arith.constant 3 : i32
      %swap3A_716 = arith.index_cast %swap3A_715 : i32 to index
      %swap3A_717 = arith.constant 0 : index
      %swap3A_718 = tpu.vector_load %arg12[%swap3A_716, %swap3A_717] {strides = array<i32>} : memref<10x80xi32, #tpu.memory_space<vmem>>, vector<16xi32>,
      tpu.vector_store %arg12[%swap3A_716, %swap3A_717], %get3A_714 {strides = array<i32>} : memref<10x80xi32, #tpu.memory_space<vmem>>, vector<16xi32>,
      %get3A_719 = arith.constant 256 : index
      %get3A_720 = tpu.vector_load %arg13[%get3A_719] {strides = array<i32>} : memref<800xi32, #tpu.memory_space<vmem>>, vector<16xi32>,
      %swap3A_721 = arith.constant 3 : i32
      %swap3A_722 = arith.index_cast %swap3A_721 : i32 to index
      %swap3A_723 = arith.constant 16 : index
      %swap3A_724 = tpu.vector_load %arg12[%swap3A_722, %swap3A_723] {strides = array<i32>} : memref<10x80xi32, #tpu.memory_space<vmem>>, vector<16xi32>,
      tpu.vector_store %arg12[%swap3A_722, %swap3A_723], %get3A_720 {strides = array<i32>} : memref<10x80xi32, #tpu.memory_space<vmem>>, vector<16xi32>,
      %get3A_725 = arith.constant 272 : index
      %get3A_726 = tpu.vector_load %arg13[%get3A_725] {strides = array<i32>} : memref<800xi32, #tpu.memory_space<vmem>>, vector<16xi32>,
      %swap3A_727 = arith.constant 3 : i32
      %swap3A_728 = arith.index_cast %swap3A_727 : i32 to index
      %swap3A_729 = arith.constant 32 : index
      %swap3A_730 = tpu.vector_load %arg12[%swap3A_728, %swap3A_729] {strides = array<i32>} : memref<10x80xi32, #tpu.memory_space<vmem>>, vector<16xi32>,
      tpu.vector_store %arg12[%swap3A_728, %swap3A_729], %get3A_726 {strides = array<i32>} : memref<10x80xi32, #tpu.memory_space<vmem>>, vector<16xi32>,
      %get3A_731 = arith.constant 288 : index
      %get3A_732 = tpu.vector_load %arg13[%get3A_731] {strides = array<i32>} : memref<800xi32, #tpu.memory_space<vmem>>, vector<16xi32>,
      %swap3A_733 = arith.constant 3 : i32
      %swap3A_734 = arith.index_cast %swap3A_733 : i32 to index
      %swap3A_735 = arith.constant 48 : index
      %swap3A_736 = tpu.vector_load %arg12[%swap3A_734, %swap3A_735] {strides = array<i32>} : memref<10x80xi32, #tpu.memory_space<vmem>>, vector<16xi32>,
      tpu.vector_store %arg12[%swap3A_734, %swap3A_735], %get3A_732 {strides = array<i32>} : memref<10x80xi32, #tpu.memory_space<vmem>>, vector<16xi32>,
      %get3A_737 = arith.constant 304 : index
      %get3A_738 = tpu.vector_load %arg13[%get3A_737] {strides = array<i32>} : memref<800xi32, #tpu.memory_space<vmem>>, vector<16xi32>,
      %swap3A_739 = arith.constant 3 : i32
      %swap3A_740 = arith.index_cast %swap3A_739 : i32 to index
      %swap3A_741 = arith.constant 64 : index
      %swap3A_742 = tpu.vector_load %arg12[%swap3A_740, %swap3A_741] {strides = array<i32>} : memref<10x80xi32, #tpu.memory_space<vmem>>, vector<16xi32>,
      tpu.vector_store %arg12[%swap3A_740, %swap3A_741], %get3A_738 {strides = array<i32>} : memref<10x80xi32, #tpu.memory_space<vmem>>, vector<16xi32>,
      %get3A_743 = arith.constant 320 : index
      %get3A_744 = tpu.vector_load %arg13[%get3A_743] {strides = array<i32>} : memref<800xi32, #tpu.memory_space<vmem>>, vector<16xi32>,
      %swap3A_745 = arith.constant 4 : i32
      %swap3A_746 = arith.index_cast %swap3A_745 : i32 to index
      %swap3A_747 = arith.constant 0 : index
      %swap3A_748 = tpu.vector_load %arg12[%swap3A_746, %swap3A_747] {strides = array<i32>} : memref<10x80xi32, #tpu.memory_space<vmem>>, vector<16xi32>,
      tpu.vector_store %arg12[%swap3A_746, %swap3A_747], %get3A_744 {strides = array<i32>} : memref<10x80xi32, #tpu.memory_space<vmem>>, vector<16xi32>,
      %get3A_749 = arith.constant 336 : index
      %get3A_750 = tpu.vector_load %arg13[%get3A_749] {strides = array<i32>} : memref<800xi32, #tpu.memory_space<vmem>>, vector<16xi32>,
      %swap3A_751 = arith.constant 4 : i32
      %swap3A_752 = arith.index_cast %swap3A_751 : i32 to index
      %swap3A_753 = arith.constant 16 : index
      %swap3A_754 = tpu.vector_load %arg12[%swap3A_752, %swap3A_753] {strides = array<i32>} : memref<10x80xi32, #tpu.memory_space<vmem>>, vector<16xi32>,
      tpu.vector_store %arg12[%swap3A_752, %swap3A_753], %get3A_750 {strides = array<i32>} : memref<10x80xi32, #tpu.memory_space<vmem>>, vector<16xi32>,
      %get3A_755 = arith.constant 352 : index
      %get3A_756 = tpu.vector_load %arg13[%get3A_755] {strides = array<i32>} : memref<800xi32, #tpu.memory_space<vmem>>, vector<16xi32>,
      %swap3A_757 = arith.constant 4 : i32
      %swap3A_758 = arith.index_cast %swap3A_757 : i32 to index
      %swap3A_759 = arith.constant 32 : index
      %swap3A_760 = tpu.vector_load %arg12[%swap3A_758, %swap3A_759] {strides = array<i32>} : memref<10x80xi32, #tpu.memory_space<vmem>>, vector<16xi32>,
      tpu.vector_store %arg12[%swap3A_758, %swap3A_759], %get3A_756 {strides = array<i32>} : memref<10x80xi32, #tpu.memory_space<vmem>>, vector<16xi32>,
      %get3A_761 = arith.constant 368 : index
      %get3A_762 = tpu.vector_load %arg13[%get3A_761] {strides = array<i32>} : memref<800xi32, #tpu.memory_space<vmem>>, vector<16xi32>,
      %swap3A_763 = arith.constant 4 : i32
      %swap3A_764 = arith.index_cast %swap3A_763 : i32 to index
      %swap3A_765 = arith.constant 48 : index
      %swap3A_766 = tpu.vector_load %arg12[%swap3A_764, %swap3A_765] {strides = array<i32>} : memref<10x80xi32, #tpu.memory_space<vmem>>, vector<16xi32>,
      tpu.vector_store %arg12[%swap3A_764, %swap3A_765], %get3A_762 {strides = array<i32>} : memref<10x80xi32, #tpu.memory_space<vmem>>, vector<16xi32>,
      %get3A_767 = arith.constant 384 : index
      %get3A_768 = tpu.vector_load %arg13[%get3A_767] {strides = array<i32>} : memref<800xi32, #tpu.memory_space<vmem>>, vector<16xi32>,
      %swap3A_769 = arith.constant 4 : i32
      %swap3A_770 = arith.index_cast %swap3A_769 : i32 to index
      %swap3A_771 = arith.constant 64 : index
      %swap3A_772 = tpu.vector_load %arg12[%swap3A_770, %swap3A_771] {strides = array<i32>} : memref<10x80xi32, #tpu.memory_space<vmem>>, vector<16xi32>,
      tpu.vector_store %arg12[%swap3A_770, %swap3A_771], %get3A_768 {strides = array<i32>} : memref<10x80xi32, #tpu.memory_space<vmem>>, vector<16xi32>,
      %get3A_773 = arith.constant 400 : index
      %get3A_774 = tpu.vector_load %arg13[%get3A_773] {strides = array<i32>} : memref<800xi32, #tpu.memory_space<vmem>>, vector<16xi32>,
      %swap3A_775 = arith.constant 5 : i32
      %swap3A_776 = arith.index_cast %swap3A_775 : i32 to index
      %swap3A_777 = arith.constant 0 : index
      %swap3A_778 = tpu.vector_load %arg12[%swap3A_776, %swap3A_777] {strides = array<i32>} : memref<10x80xi32, #tpu.memory_space<vmem>>, vector<16xi32>,
      tpu.vector_store %arg12[%swap3A_776, %swap3A_777], %get3A_774 {strides = array<i32>} : memref<10x80xi32, #tpu.memory_space<vmem>>, vector<16xi32>,
      %get3A_779 = arith.constant 416 : index
      %get3A_780 = tpu.vector_load %arg13[%get3A_779] {strides = array<i32>} : memref<800xi32, #tpu.memory_space<vmem>>, vector<16xi32>,
      %swap3A_781 = arith.constant 5 : i32
      %swap3A_782 = arith.index_cast %swap3A_781 : i32 to index
      %swap3A_783 = arith.constant 16 : index
      %swap3A_784 = tpu.vector_load %arg12[%swap3A_782, %swap3A_783] {strides = array<i32>} : memref<10x80xi32, #tpu.memory_space<vmem>>, vector<16xi32>,
      tpu.vector_store %arg12[%swap3A_782, %swap3A_783], %get3A_780 {strides = array<i32>} : memref<10x80xi32, #tpu.memory_space<vmem>>, vector<16xi32>,
      %get3A_785 = arith.constant 432 : index
      %get3A_786 = tpu.vector_load %arg13[%get3A_785] {strides = array<i32>} : memref<800xi32, #tpu.memory_space<vmem>>, vector<16xi32>,
      %swap3A_787 = arith.constant 5 : i32
      %swap3A_788 = arith.index_cast %swap3A_787 : i32 to index
      %swap3A_789 = arith.constant 32 : index
      %swap3A_790 = tpu.vector_load %arg12[%swap3A_788, %swap3A_789] {strides = array<i32>} : memref<10x80xi32, #tpu.memory_space<vmem>>, vector<16xi32>,
      tpu.vector_store %arg12[%swap3A_788, %swap3A_789], %get3A_786 {strides = array<i32>} : memref<10x80xi32, #tpu.memory_space<vmem>>, vector<16xi32>,
      %get3A_791 = arith.constant 448 : index
      %get3A_792 = tpu.vector_load %arg13[%get3A_791] {strides = array<i32>} : memref<800xi32, #tpu.memory_space<vmem>>, vector<16xi32>,
      %swap3A_793 = arith.constant 5 : i32
      %swap3A_794 = arith.index_cast %swap3A_793 : i32 to index
      %swap3A_795 = arith.constant 48 : index
      %swap3A_796 = tpu.vector_load %arg12[%swap3A_794, %swap3A_795] {strides = array<i32>} : memref<10x80xi32, #tpu.memory_space<vmem>>, vector<16xi32>,
      tpu.vector_store %arg12[%swap3A_794, %swap3A_795], %get3A_792 {strides = array<i32>} : memref<10x80xi32, #tpu.memory_space<vmem>>, vector<16xi32>,
      %get3A_797 = arith.constant 464 : index
      %get3A_798 = tpu.vector_load %arg13[%get3A_797] {strides = array<i32>} : memref<800xi32, #tpu.memory_space<vmem>>, vector<16xi32>,
      %swap3A_799 = arith.constant 5 : i32
      %swap3A_800 = arith.index_cast %swap3A_799 : i32 to index
      %swap3A_801 = arith.constant 64 : index
      %swap3A_802 = tpu.vector_load %arg12[%swap3A_800, %swap3A_801] {strides = array<i32>} : memref<10x80xi32, #tpu.memory_space<vmem>>, vector<16xi32>,
      tpu.vector_store %arg12[%swap3A_800, %swap3A_801], %get3A_798 {strides = array<i32>} : memref<10x80xi32, #tpu.memory_space<vmem>>, vector<16xi32>,
      %get3A_803 = arith.constant 480 : index
      %get3A_804 = tpu.vector_load %arg13[%get3A_803] {strides = array<i32>} : memref<800xi32, #tpu.memory_space<vmem>>, vector<16xi32>,
      %swap3A_805 = arith.constant 6 : i32
      %swap3A_806 = arith.index_cast %swap3A_805 : i32 to index
      %swap3A_807 = arith.constant 0 : index
      %swap3A_808 = tpu.vector_load %arg12[%swap3A_806, %swap3A_807] {strides = array<i32>} : memref<10x80xi32, #tpu.memory_space<vmem>>, vector<16xi32>,
      tpu.vector_store %arg12[%swap3A_806, %swap3A_807], %get3A_804 {strides = array<i32>} : memref<10x80xi32, #tpu.memory_space<vmem>>, vector<16xi32>,
      %get3A_809 = arith.constant 496 : index
      %get3A_810 = tpu.vector_load %arg13[%get3A_809] {strides = array<i32>} : memref<800xi32, #tpu.memory_space<vmem>>, vector<16xi32>,
      %swap3A_811 = arith.constant 6 : i32
      %swap3A_812 = arith.index_cast %swap3A_811 : i32 to index
      %swap3A_813 = arith.constant 16 : index
      %swap3A_814 = tpu.vector_load %arg12[%swap3A_812, %swap3A_813] {strides = array<i32>} : memref<10x80xi32, #tpu.memory_space<vmem>>, vector<16xi32>,
      tpu.vector_store %arg12[%swap3A_812, %swap3A_813], %get3A_810 {strides = array<i32>} : memref<10x80xi32, #tpu.memory_space<vmem>>, vector<16xi32>,
      %get3A_815 = arith.constant 512 : index
      %get3A_816 = tpu.vector_load %arg13[%get3A_815] {strides = array<i32>} : memref<800xi32, #tpu.memory_space<vmem>>, vector<16xi32>,
      %swap3A_817 = arith.constant 6 : i32
      %swap3A_818 = arith.index_cast %swap3A_817 : i32 to index
      %swap3A_819 = arith.constant 32 : index
      %swap3A_820 = tpu.vector_load %arg12[%swap3A_818, %swap3A_819] {strides = array<i32>} : memref<10x80xi32, #tpu.memory_space<vmem>>, vector<16xi32>,
      tpu.vector_store %arg12[%swap3A_818, %swap3A_819], %get3A_816 {strides = array<i32>} : memref<10x80xi32, #tpu.memory_space<vmem>>, vector<16xi32>,
      %get3A_821 = arith.constant 528 : index
      %get3A_822 = tpu.vector_load %arg13[%get3A_821] {strides = array<i32>} : memref<800xi32, #tpu.memory_space<vmem>>, vector<16xi32>,
      %swap3A_823 = arith.constant 6 : i32
      %swap3A_824 = arith.index_cast %swap3A_823 : i32 to index
      %swap3A_825 = arith.constant 48 : index
      %swap3A_826 = tpu.vector_load %arg12[%swap3A_824, %swap3A_825] {strides = array<i32>} : memref<10x80xi32, #tpu.memory_space<vmem>>, vector<16xi32>,
      tpu.vector_store %arg12[%swap3A_824, %swap3A_825], %get3A_822 {strides = array<i32>} : memref<10x80xi32, #tpu.memory_space<vmem>>, vector<16xi32>,
      %get3A_827 = arith.constant 544 : index
      %get3A_828 = tpu.vector_load %arg13[%get3A_827] {strides = array<i32>} : memref<800xi32, #tpu.memory_space<vmem>>, vector<16xi32>,
      %swap3A_829 = arith.constant 6 : i32
      %swap3A_830 = arith.index_cast %swap3A_829 : i32 to index
      %swap3A_831 = arith.constant 64 : index
      %swap3A_832 = tpu.vector_load %arg12[%swap3A_830, %swap3A_831] {strides = array<i32>} : memref<10x80xi32, #tpu.memory_space<vmem>>, vector<16xi32>,
      tpu.vector_store %arg12[%swap3A_830, %swap3A_831], %get3A_828 {strides = array<i32>} : memref<10x80xi32, #tpu.memory_space<vmem>>, vector<16xi32>,
      %get3A_833 = arith.constant 560 : index
      %get3A_834 = tpu.vector_load %arg13[%get3A_833] {strides = array<i32>} : memref<800xi32, #tpu.memory_space<vmem>>, vector<16xi32>,
      %swap3A_835 = arith.constant 7 : i32
      %swap3A_836 = arith.index_cast %swap3A_835 : i32 to index
      %swap3A_837 = arith.constant 0 : index
      %swap3A_838 = tpu.vector_load %arg12[%swap3A_836, %swap3A_837] {strides = array<i32>} : memref<10x80xi32, #tpu.memory_space<vmem>>, vector<16xi32>,
      tpu.vector_store %arg12[%swap3A_836, %swap3A_837], %get3A_834 {strides = array<i32>} : memref<10x80xi32, #tpu.memory_space<vmem>>, vector<16xi32>,
      %get3A_839 = arith.constant 576 : index
      %get3A_840 = tpu.vector_load %arg13[%get3A_839] {strides = array<i32>} : memref<800xi32, #tpu.memory_space<vmem>>, vector<16xi32>,
      %swap3A_841 = arith.constant 7 : i32
      %swap3A_842 = arith.index_cast %swap3A_841 : i32 to index
      %swap3A_843 = arith.constant 16 : index
      %swap3A_844 = tpu.vector_load %arg12[%swap3A_842, %swap3A_843] {strides = array<i32>} : memref<10x80xi32, #tpu.memory_space<vmem>>, vector<16xi32>,
      tpu.vector_store %arg12[%swap3A_842, %swap3A_843], %get3A_840 {strides = array<i32>} : memref<10x80xi32, #tpu.memory_space<vmem>>, vector<16xi32>,
      %get3A_845 = arith.constant 592 : index
      %get3A_846 = tpu.vector_load %arg13[%get3A_845] {strides = array<i32>} : memref<800xi32, #tpu.memory_space<vmem>>, vector<16xi32>,
      %swap3A_847 = arith.constant 7 : i32
      %swap3A_848 = arith.index_cast %swap3A_847 : i32 to index
      %swap3A_849 = arith.constant 32 : index
      %swap3A_850 = tpu.vector_load %arg12[%swap3A_848, %swap3A_849] {strides = array<i32>} : memref<10x80xi32, #tpu.memory_space<vmem>>, vector<16xi32>,
      tpu.vector_store %arg12[%swap3A_848, %swap3A_849], %get3A_846 {strides = array<i32>} : memref<10x80xi32, #tpu.memory_space<vmem>>, vector<16xi32>,
      %get3A_851 = arith.constant 608 : index
      %get3A_852 = tpu.vector_load %arg13[%get3A_851] {strides = array<i32>} : memref<800xi32, #tpu.memory_space<vmem>>, vector<16xi32>,
      %swap3A_853 = arith.constant 7 : i32
      %swap3A_854 = arith.index_cast %swap3A_853 : i32 to index
      %swap3A_855 = arith.constant 48 : index
      %swap3A_856 = tpu.vector_load %arg12[%swap3A_854, %swap3A_855] {strides = array<i32>} : memref<10x80xi32, #tpu.memory_space<vmem>>, vector<16xi32>,
      tpu.vector_store %arg12[%swap3A_854, %swap3A_855], %get3A_852 {strides = array<i32>} : memref<10x80xi32, #tpu.memory_space<vmem>>, vector<16xi32>,
      %get3A_857 = arith.constant 624 : index
      %get3A_858 = tpu.vector_load %arg13[%get3A_857] {strides = array<i32>} : memref<800xi32, #tpu.memory_space<vmem>>, vector<16xi32>,
      %swap3A_859 = arith.constant 7 : i32
      %swap3A_860 = arith.index_cast %swap3A_859 : i32 to index
      %swap3A_861 = arith.constant 64 : index
      %swap3A_862 = tpu.vector_load %arg12[%swap3A_860, %swap3A_861] {strides = array<i32>} : memref<10x80xi32, #tpu.memory_space<vmem>>, vector<16xi32>,
      tpu.vector_store %arg12[%swap3A_860, %swap3A_861], %get3A_858 {strides = array<i32>} : memref<10x80xi32, #tpu.memory_space<vmem>>, vector<16xi32>,
      %get3A_863 = arith.constant 640 : index
      %get3A_864 = tpu.vector_load %arg13[%get3A_863] {strides = array<i32>} : memref<800xi32, #tpu.memory_space<vmem>>, vector<16xi32>,
      %swap3A_865 = arith.constant 8 : i32
      %swap3A_866 = arith.index_cast %swap3A_865 : i32 to index
      %swap3A_867 = arith.constant 0 : index
      %swap3A_868 = tpu.vector_load %arg12[%swap3A_866, %swap3A_867] {strides = array<i32>} : memref<10x80xi32, #tpu.memory_space<vmem>>, vector<16xi32>,
      tpu.vector_store %arg12[%swap3A_866, %swap3A_867], %get3A_864 {strides = array<i32>} : memref<10x80xi32, #tpu.memory_space<vmem>>, vector<16xi32>,
      %get3A_869 = arith.constant 656 : index
      %get3A_870 = tpu.vector_load %arg13[%get3A_869] {strides = array<i32>} : memref<800xi32, #tpu.memory_space<vmem>>, vector<16xi32>,
      %swap3A_871 = arith.constant 8 : i32
      %swap3A_872 = arith.index_cast %swap3A_871 : i32 to index
      %swap3A_873 = arith.constant 16 : index
      %swap3A_874 = tpu.vector_load %arg12[%swap3A_872, %swap3A_873] {strides = array<i32>} : memref<10x80xi32, #tpu.memory_space<vmem>>, vector<16xi32>,
      tpu.vector_store %arg12[%swap3A_872, %swap3A_873], %get3A_870 {strides = array<i32>} : memref<10x80xi32, #tpu.memory_space<vmem>>, vector<16xi32>,
      %get3A_875 = arith.constant 672 : index
      %get3A_876 = tpu.vector_load %arg13[%get3A_875] {strides = array<i32>} : memref<800xi32, #tpu.memory_space<vmem>>, vector<16xi32>,
      %swap3A_877 = arith.constant 8 : i32
      %swap3A_878 = arith.index_cast %swap3A_877 : i32 to index
      %swap3A_879 = arith.constant 32 : index
      %swap3A_880 = tpu.vector_load %arg12[%swap3A_878, %swap3A_879] {strides = array<i32>} : memref<10x80xi32, #tpu.memory_space<vmem>>, vector<16xi32>,
      tpu.vector_store %arg12[%swap3A_878, %swap3A_879], %get3A_876 {strides = array<i32>} : memref<10x80xi32, #tpu.memory_space<vmem>>, vector<16xi32>,
      %get3A_881 = arith.constant 688 : index
      %get3A_882 = tpu.vector_load %arg13[%get3A_881] {strides = array<i32>} : memref<800xi32, #tpu.memory_space<vmem>>, vector<16xi32>,
      %swap3A_883 = arith.constant 8 : i32
      %swap3A_884 = arith.index_cast %swap3A_883 : i32 to index
      %swap3A_885 = arith.constant 48 : index
      %swap3A_886 = tpu.vector_load %arg12[%swap3A_884, %swap3A_885] {strides = array<i32>} : memref<10x80xi32, #tpu.memory_space<vmem>>, vector<16xi32>,
      tpu.vector_store %arg12[%swap3A_884, %swap3A_885], %get3A_882 {strides = array<i32>} : memref<10x80xi32, #tpu.memory_space<vmem>>, vector<16xi32>,
      %get3A_887 = arith.constant 704 : index
      %get3A_888 = tpu.vector_load %arg13[%get3A_887] {strides = array<i32>} : memref<800xi32, #tpu.memory_space<vmem>>, vector<16xi32>,
      %swap3A_889 = arith.constant 8 : i32
      %swap3A_890 = arith.index_cast %swap3A_889 : i32 to index
      %swap3A_891 = arith.constant 64 : index
      %swap3A_892 = tpu.vector_load %arg12[%swap3A_890, %swap3A_891] {strides = array<i32>} : memref<10x80xi32, #tpu.memory_space<vmem>>, vector<16xi32>,
      tpu.vector_store %arg12[%swap3A_890, %swap3A_891], %get3A_888 {strides = array<i32>} : memref<10x80xi32, #tpu.memory_space<vmem>>, vector<16xi32>,
      %get3A_893 = arith.constant 720 : index
      %get3A_894 = tpu.vector_load %arg13[%get3A_893] {strides = array<i32>} : memref<800xi32, #tpu.memory_space<vmem>>, vector<16xi32>,
      %swap3A_895 = arith.constant 9 : i32
      %swap3A_896 = arith.index_cast %swap3A_895 : i32 to index
      %swap3A_897 = arith.constant 0 : index
      %swap3A_898 = tpu.vector_load %arg12[%swap3A_896, %swap3A_897] {strides = array<i32>} : memref<10x80xi32, #tpu.memory_space<vmem>>, vector<16xi32>,
      tpu.vector_store %arg12[%swap3A_896, %swap3A_897], %get3A_894 {strides = array<i32>} : memref<10x80xi32, #tpu.memory_space<vmem>>, vector<16xi32>,
      %get3A_899 = arith.constant 736 : index
      %get3A_900 = tpu.vector_load %arg13[%get3A_899] {strides = array<i32>} : memref<800xi32, #tpu.memory_space<vmem>>, vector<16xi32>,
      %swap3A_901 = arith.constant 9 : i32
      %swap3A_902 = arith.index_cast %swap3A_901 : i32 to index
      %swap3A_903 = arith.constant 16 : index
      %swap3A_904 = tpu.vector_load %arg12[%swap3A_902, %swap3A_903] {strides = array<i32>} : memref<10x80xi32, #tpu.memory_space<vmem>>, vector<16xi32>,
      tpu.vector_store %arg12[%swap3A_902, %swap3A_903], %get3A_900 {strides = array<i32>} : memref<10x80xi32, #tpu.memory_space<vmem>>, vector<16xi32>,
      %get3A_905 = arith.constant 752 : index
      %get3A_906 = tpu.vector_load %arg13[%get3A_905] {strides = array<i32>} : memref<800xi32, #tpu.memory_space<vmem>>, vector<16xi32>,
      %swap3A_907 = arith.constant 9 : i32
      %swap3A_908 = arith.index_cast %swap3A_907 : i32 to index
      %swap3A_909 = arith.constant 32 : index
      %swap3A_910 = tpu.vector_load %arg12[%swap3A_908, %swap3A_909] {strides = array<i32>} : memref<10x80xi32, #tpu.memory_space<vmem>>, vector<16xi32>,
      tpu.vector_store %arg12[%swap3A_908, %swap3A_909], %get3A_906 {strides = array<i32>} : memref<10x80xi32, #tpu.memory_space<vmem>>, vector<16xi32>,
      %get3A_911 = arith.constant 768 : index
      %get3A_912 = tpu.vector_load %arg13[%get3A_911] {strides = array<i32>} : memref<800xi32, #tpu.memory_space<vmem>>, vector<16xi32>,
      %swap3A_913 = arith.constant 9 : i32
      %swap3A_914 = arith.index_cast %swap3A_913 : i32 to index
      %swap3A_915 = arith.constant 48 : index
      %swap3A_916 = tpu.vector_load %arg12[%swap3A_914, %swap3A_915] {strides = array<i32>} : memref<10x80xi32, #tpu.memory_space<vmem>>, vector<16xi32>,
      tpu.vector_store %arg12[%swap3A_914, %swap3A_915], %get3A_912 {strides = array<i32>} : memref<10x80xi32, #tpu.memory_space<vmem>>, vector<16xi32>,
      %get3A_917 = arith.constant 784 : index
      %get3A_918 = tpu.vector_load %arg13[%get3A_917] {strides = array<i32>} : memref<800xi32, #tpu.memory_space<vmem>>, vector<16xi32>,
      %swap3A_919 = arith.constant 9 : i32
      %swap3A_920 = arith.index_cast %swap3A_919 : i32 to index
      %swap3A_921 = arith.constant 64 : index
      %swap3A_922 = tpu.vector_load %arg12[%swap3A_920, %swap3A_921] {strides = array<i32>} : memref<10x80xi32, #tpu.memory_space<vmem>>, vector<16xi32>,
      tpu.vector_store %arg12[%swap3A_920, %swap3A_921], %get3A_918 {strides = array<i32>} : memref<10x80xi32, #tpu.memory_space<vmem>>, vector<16xi32>,
      %dma_start3A = arith.constant 0 : i32
      %dma_start3A_923 = arith.constant 0 : i32
      %dma_start3A_924 = tpu.memref_slice %arg14[%dma_start3A_923] : memref<800xf32, #tpu.memory_space<vmem>> -> memref<80xf32, #tpu.memory_space<vmem>>
      %dma_start3A_925 = arith.constant 0 : i32
      %dma_start3A_926 = tpu.memref_slice %arg12[%dma_start3A, %dma_start3A_925] : memref<10x80xi32, #tpu.memory_space<vmem>> -> memref<1x80xi32, #tpu.memory_space<vmem>>
      %dma_start3A_927 = tpu.memref_squeeze %dma_start3A_926 : memref<1x80xi32, #tpu.memory_space<vmem>> -> memref<80xi32, #tpu.memory_space<vmem>>
      %dma_start3A_928 = arith.constant 0 : i32
      %dma_start3A_929 = tpu.memref_slice %arg10[%dma_start3A_928] : memref<10000xf32, #tpu.memory_space<vmem_shared>> -> memref<10000xf32, #tpu.memory_space<vmem_shared>>
      tpu.enqueue_indirect_dma source(%dma_start3A_924 : memref<80xf32, #tpu.memory_space<vmem>>) target(%dma_start3A_929 : memref<10000xf32, #tpu.memory_space<vmem_shared>>) offsets(%dma_start3A_927 : memref<80xi32, #tpu.memory_space<vmem>>) semaphore(%arg32 : memref<!tpu.dma_semaphore, #tpu.memory_space<semaphore_mem>>) {add = true}
      %dma_start3A_930 = arith.constant 1 : i32
      %dma_start3A_931 = arith.constant 80 : i32
      %dma_start3A_932 = tpu.memref_slice %arg14[%dma_start3A_931] : memref<800xf32, #tpu.memory_space<vmem>> -> memref<80xf32, #tpu.memory_space<vmem>>
      %dma_start3A_933 = arith.constant 0 : i32
      %dma_start3A_934 = tpu.memref_slice %arg12[%dma_start3A_930, %dma_start3A_933] : memref<10x80xi32, #tpu.memory_space<vmem>> -> memref<1x80xi32, #tpu.memory_space<vmem>>
      %dma_start3A_935 = tpu.memref_squeeze %dma_start3A_934 : memref<1x80xi32, #tpu.memory_space<vmem>> -> memref<80xi32, #tpu.memory_space<vmem>>
      %dma_start3A_936 = arith.constant 0 : i32
      %dma_start3A_937 = tpu.memref_slice %arg10[%dma_start3A_936] : memref<10000xf32, #tpu.memory_space<vmem_shared>> -> memref<10000xf32, #tpu.memory_space<vmem_shared>>
      tpu.enqueue_indirect_dma source(%dma_start3A_932 : memref<80xf32, #tpu.memory_space<vmem>>) target(%dma_start3A_937 : memref<10000xf32, #tpu.memory_space<vmem_shared>>) offsets(%dma_start3A_935 : memref<80xi32, #tpu.memory_space<vmem>>) semaphore(%arg32 : memref<!tpu.dma_semaphore, #tpu.memory_space<semaphore_mem>>) {add = true}
      %dma_start3A_938 = arith.constant 2 : i32
      %dma_start3A_939 = arith.constant 160 : i32
      %dma_start3A_940 = tpu.memref_slice %arg14[%dma_start3A_939] : memref<800xf32, #tpu.memory_space<vmem>> -> memref<80xf32, #tpu.memory_space<vmem>>
      %dma_start3A_941 = arith.constant 0 : i32
      %dma_start3A_942 = tpu.memref_slice %arg12[%dma_start3A_938, %dma_start3A_941] : memref<10x80xi32, #tpu.memory_space<vmem>> -> memref<1x80xi32, #tpu.memory_space<vmem>>
      %dma_start3A_943 = tpu.memref_squeeze %dma_start3A_942 : memref<1x80xi32, #tpu.memory_space<vmem>> -> memref<80xi32, #tpu.memory_space<vmem>>
      %dma_start3A_944 = arith.constant 0 : i32
      %dma_start3A_945 = tpu.memref_slice %arg10[%dma_start3A_944] : memref<10000xf32, #tpu.memory_space<vmem_shared>> -> memref<10000xf32, #tpu.memory_space<vmem_shared>>
      tpu.enqueue_indirect_dma source(%dma_start3A_940 : memref<80xf32, #tpu.memory_space<vmem>>) target(%dma_start3A_945 : memref<10000xf32, #tpu.memory_space<vmem_shared>>) offsets(%dma_start3A_943 : memref<80xi32, #tpu.memory_space<vmem>>) semaphore(%arg32 : memref<!tpu.dma_semaphore, #tpu.memory_space<semaphore_mem>>) {add = true}
      %dma_start3A_946 = arith.constant 3 : i32
      %dma_start3A_947 = arith.constant 240 : i32
      %dma_start3A_948 = tpu.memref_slice %arg14[%dma_start3A_947] : memref<800xf32, #tpu.memory_space<vmem>> -> memref<80xf32, #tpu.memory_space<vmem>>
      %dma_start3A_949 = arith.constant 0 : i32
      %dma_start3A_950 = tpu.memref_slice %arg12[%dma_start3A_946, %dma_start3A_949] : memref<10x80xi32, #tpu.memory_space<vmem>> -> memref<1x80xi32, #tpu.memory_space<vmem>>
      %dma_start3A_951 = tpu.memref_squeeze %dma_start3A_950 : memref<1x80xi32, #tpu.memory_space<vmem>> -> memref<80xi32, #tpu.memory_space<vmem>>
      %dma_start3A_952 = arith.constant 0 : i32
      %dma_start3A_953 = tpu.memref_slice %arg10[%dma_start3A_952] : memref<10000xf32, #tpu.memory_space<vmem_shared>> -> memref<10000xf32, #tpu.memory_space<vmem_shared>>
      tpu.enqueue_indirect_dma source(%dma_start3A_948 : memref<80xf32, #tpu.memory_space<vmem>>) target(%dma_start3A_953 : memref<10000xf32, #tpu.memory_space<vmem_shared>>) offsets(%dma_start3A_951 : memref<80xi32, #tpu.memory_space<vmem>>) semaphore(%arg32 : memref<!tpu.dma_semaphore, #tpu.memory_space<semaphore_mem>>) {add = true}
      %dma_start3A_954 = arith.constant 4 : i32
      %dma_start3A_955 = arith.constant 320 : i32
      %dma_start3A_956 = tpu.memref_slice %arg14[%dma_start3A_955] : memref<800xf32, #tpu.memory_space<vmem>> -> memref<80xf32, #tpu.memory_space<vmem>>
      %dma_start3A_957 = arith.constant 0 : i32
      %dma_start3A_958 = tpu.memref_slice %arg12[%dma_start3A_954, %dma_start3A_957] : memref<10x80xi32, #tpu.memory_space<vmem>> -> memref<1x80xi32, #tpu.memory_space<vmem>>
      %dma_start3A_959 = tpu.memref_squeeze %dma_start3A_958 : memref<1x80xi32, #tpu.memory_space<vmem>> -> memref<80xi32, #tpu.memory_space<vmem>>
      %dma_start3A_960 = arith.constant 0 : i32
      %dma_start3A_961 = tpu.memref_slice %arg10[%dma_start3A_960] : memref<10000xf32, #tpu.memory_space<vmem_shared>> -> memref<10000xf32, #tpu.memory_space<vmem_shared>>
      tpu.enqueue_indirect_dma source(%dma_start3A_956 : memref<80xf32, #tpu.memory_space<vmem>>) target(%dma_start3A_961 : memref<10000xf32, #tpu.memory_space<vmem_shared>>) offsets(%dma_start3A_959 : memref<80xi32, #tpu.memory_space<vmem>>) semaphore(%arg32 : memref<!tpu.dma_semaphore, #tpu.memory_space<semaphore_mem>>) {add = true}
      %dma_start3A_962 = arith.constant 5 : i32
      %dma_start3A_963 = arith.constant 400 : i32
      %dma_start3A_964 = tpu.memref_slice %arg14[%dma_start3A_963] : memref<800xf32, #tpu.memory_space<vmem>> -> memref<80xf32, #tpu.memory_space<vmem>>
      %dma_start3A_965 = arith.constant 0 : i32
      %dma_start3A_966 = tpu.memref_slice %arg12[%dma_start3A_962, %dma_start3A_965] : memref<10x80xi32, #tpu.memory_space<vmem>> -> memref<1x80xi32, #tpu.memory_space<vmem>>
      %dma_start3A_967 = tpu.memref_squeeze %dma_start3A_966 : memref<1x80xi32, #tpu.memory_space<vmem>> -> memref<80xi32, #tpu.memory_space<vmem>>
      %dma_start3A_968 = arith.constant 0 : i32
      %dma_start3A_969 = tpu.memref_slice %arg10[%dma_start3A_968] : memref<10000xf32, #tpu.memory_space<vmem_shared>> -> memref<10000xf32, #tpu.memory_space<vmem_shared>>
      tpu.enqueue_indirect_dma source(%dma_start3A_964 : memref<80xf32, #tpu.memory_space<vmem>>) target(%dma_start3A_969 : memref<10000xf32, #tpu.memory_space<vmem_shared>>) offsets(%dma_start3A_967 : memref<80xi32, #tpu.memory_space<vmem>>) semaphore(%arg32 : memref<!tpu.dma_semaphore, #tpu.memory_space<semaphore_mem>>) {add = true}
      %dma_start3A_970 = arith.constant 6 : i32
      %dma_start3A_971 = arith.constant 480 : i32
      %dma_start3A_972 = tpu.memref_slice %arg14[%dma_start3A_971] : memref<800xf32, #tpu.memory_space<vmem>> -> memref<80xf32, #tpu.memory_space<vmem>>
      %dma_start3A_973 = arith.constant 0 : i32
      %dma_start3A_974 = tpu.memref_slice %arg12[%dma_start3A_970, %dma_start3A_973] : memref<10x80xi32, #tpu.memory_space<vmem>> -> memref<1x80xi32, #tpu.memory_space<vmem>>
      %dma_start3A_975 = tpu.memref_squeeze %dma_start3A_974 : memref<1x80xi32, #tpu.memory_space<vmem>> -> memref<80xi32, #tpu.memory_space<vmem>>
      %dma_start3A_976 = arith.constant 0 : i32
      %dma_start3A_977 = tpu.memref_slice %arg10[%dma_start3A_976] : memref<10000xf32, #tpu.memory_space<vmem_shared>> -> memref<10000xf32, #tpu.memory_space<vmem_shared>>
      tpu.enqueue_indirect_dma source(%dma_start3A_972 : memref<80xf32, #tpu.memory_space<vmem>>) target(%dma_start3A_977 : memref<10000xf32, #tpu.memory_space<vmem_shared>>) offsets(%dma_start3A_975 : memref<80xi32, #tpu.memory_space<vmem>>) semaphore(%arg32 : memref<!tpu.dma_semaphore, #tpu.memory_space<semaphore_mem>>) {add = true}
      %dma_start3A_978 = arith.constant 7 : i32
      %dma_start3A_979 = arith.constant 560 : i32
      %dma_start3A_980 = tpu.memref_slice %arg14[%dma_start3A_979] : memref<800xf32, #tpu.memory_space<vmem>> -> memref<80xf32, #tpu.memory_space<vmem>>
      %dma_start3A_981 = arith.constant 0 : i32
      %dma_start3A_982 = tpu.memref_slice %arg12[%dma_start3A_978, %dma_start3A_981] : memref<10x80xi32, #tpu.memory_space<vmem>> -> memref<1x80xi32, #tpu.memory_space<vmem>>
      %dma_start3A_983 = tpu.memref_squeeze %dma_start3A_982 : memref<1x80xi32, #tpu.memory_space<vmem>> -> memref<80xi32, #tpu.memory_space<vmem>>
      %dma_start3A_984 = arith.constant 0 : i32
      %dma_start3A_985 = tpu.memref_slice %arg10[%dma_start3A_984] : memref<10000xf32, #tpu.memory_space<vmem_shared>> -> memref<10000xf32, #tpu.memory_space<vmem_shared>>
      tpu.enqueue_indirect_dma source(%dma_start3A_980 : memref<80xf32, #tpu.memory_space<vmem>>) target(%dma_start3A_985 : memref<10000xf32, #tpu.memory_space<vmem_shared>>) offsets(%dma_start3A_983 : memref<80xi32, #tpu.memory_space<vmem>>) semaphore(%arg32 : memref<!tpu.dma_semaphore, #tpu.memory_space<semaphore_mem>>) {add = true}
      %dma_start3A_986 = arith.constant 8 : i32
      %dma_start3A_987 = arith.constant 640 : i32
      %dma_start3A_988 = tpu.memref_slice %arg14[%dma_start3A_987] : memref<800xf32, #tpu.memory_space<vmem>> -> memref<80xf32, #tpu.memory_space<vmem>>
      %dma_start3A_989 = arith.constant 0 : i32
      %dma_start3A_990 = tpu.memref_slice %arg12[%dma_start3A_986, %dma_start3A_989] : memref<10x80xi32, #tpu.memory_space<vmem>> -> memref<1x80xi32, #tpu.memory_space<vmem>>
      %dma_start3A_991 = tpu.memref_squeeze %dma_start3A_990 : memref<1x80xi32, #tpu.memory_space<vmem>> -> memref<80xi32, #tpu.memory_space<vmem>>
      %dma_start3A_992 = arith.constant 0 : i32
      %dma_start3A_993 = tpu.memref_slice %arg10[%dma_start3A_992] : memref<10000xf32, #tpu.memory_space<vmem_shared>> -> memref<10000xf32, #tpu.memory_space<vmem_shared>>
      tpu.enqueue_indirect_dma source(%dma_start3A_988 : memref<80xf32, #tpu.memory_space<vmem>>) target(%dma_start3A_993 : memref<10000xf32, #tpu.memory_space<vmem_shared>>) offsets(%dma_start3A_991 : memref<80xi32, #tpu.memory_space<vmem>>) semaphore(%arg32 : memref<!tpu.dma_semaphore, #tpu.memory_space<semaphore_mem>>) {add = true}
      %dma_start3A_994 = arith.constant 9 : i32
      %dma_start3A_995 = arith.constant 720 : i32
      %dma_start3A_996 = tpu.memref_slice %arg14[%dma_start3A_995] : memref<800xf32, #tpu.memory_space<vmem>> -> memref<80xf32, #tpu.memory_space<vmem>>
      %dma_start3A_997 = arith.constant 0 : i32
      %dma_start3A_998 = tpu.memref_slice %arg12[%dma_start3A_994, %dma_start3A_997] : memref<10x80xi32, #tpu.memory_space<vmem>> -> memref<1x80xi32, #tpu.memory_space<vmem>>
      %dma_start3A_999 = tpu.memref_squeeze %dma_start3A_998 : memref<1x80xi32, #tpu.memory_space<vmem>> -> memref<80xi32, #tpu.memory_space<vmem>>
      %dma_start3A_1000 = arith.constant 0 : i32
      %dma_start3A_1001 = tpu.memref_slice %arg10[%dma_start3A_1000] : memref<10000xf32, #tpu.memory_space<vmem_shared>> -> memref<10000xf32, #tpu.memory_space<vmem_shared>>
      tpu.enqueue_indirect_dma source(%dma_start3A_996 : memref<80xf32, #tpu.memory_space<vmem>>) target(%dma_start3A_1001 : memref<10000xf32, #tpu.memory_space<vmem_shared>>) offsets(%dma_start3A_999 : memref<80xi32, #tpu.memory_space<vmem>>) semaphore(%arg32 : memref<!tpu.dma_semaphore, #tpu.memory_space<semaphore_mem>>) {add = true}
      %dma_wait3A = arith.constant 0 : i32
      %dma_wait3A_1002 = tpu.memref_slice %arg5[%dma_wait3A] : memref<320000xf32, #tpu.memory_space<hbm>> -> memref<800xf32, #tpu.memory_space<hbm>>
      %dma_wait3A_1003 = arith.constant 0 : i32
      %dma_wait3A_1004 = tpu.memref_slice %arg5[%dma_wait3A_1003] : memref<320000xf32, #tpu.memory_space<hbm>> -> memref<800xf32, #tpu.memory_space<hbm>>
      tpu.wait_dma2 semaphore(%arg32 : memref<!tpu.dma_semaphore, #tpu.memory_space<semaphore_mem>>) src(%dma_wait3A_1004 : memref<800xf32, #tpu.memory_space<hbm>>) dst(%arg14 : memref<800xf32, #tpu.memory_space<vmem>>)
    }
    %scan3A_597 = arith.constant 25 : i32
    %barrier3A_598 = arith.constant 0 : index
    tpu.barrier barrier_id(%barrier3A_598)
    %scan3A_599 = arith.constant 0 : i32
    %scan3A_600 = arith.constant 0 : i32
    %scan3A_601 = arith.constant 40 : i32
    %scan3A_602 = arith.addi %scan3A_600, %scan3A_601 : i32
    %scan3A_603 = arith.constant 1 : i32
    scf.for %scan3A_617 = %scan3A_600 to %scan3A_602 step %scan3A_603  : i32 {
      %mul3A_618 = arith.constant 16 : i32
      %mul3A_619 = arith.muli %mul3A_618, %scan3A_617 : i32
      %add3A_620 = arith.addi %arg1, %mul3A_619 : i32
      %lt3A = arith.constant 625 : i32
      %lt3A_621 = arith.cmpi slt, %add3A_620, %lt3A : i32
      %convert_element_type3A_622 = arith.extui %lt3A_621 : i1 to i32
      %cond3A_623 = arith.constant 0 : i32
      %cond3A_624 = arith.cmpi ne, %convert_element_type3A_622, %cond3A_623 : i32
      scf.if %cond3A_624 {
        %mul3A_625 = arith.constant 16 : i32
        %mul3A_626 = arith.muli %add3A_620, %mul3A_625 : i32
        "tpu.region"() ({
          %run_scoped3A = tpu.sem_alloc : memref<!tpu.dma_semaphore, #tpu.memory_space<semaphore_mem>>
          %dma_start3A = tpu.memref_slice %arg10[%mul3A_626] : memref<10000xf32, #tpu.memory_space<vmem_shared>> -> memref<16xf32, #tpu.memory_space<vmem_shared>>
          %dma_start3A_1442 = tpu.memref_slice %arg10[%mul3A_626] : memref<10000xf32, #tpu.memory_space<vmem_shared>> -> memref<16xf32, #tpu.memory_space<vmem_shared>>
          tpu.enqueue_dma source(%dma_start3A_1442 : memref<16xf32, #tpu.memory_space<vmem_shared>>) target(%arg28 : memref<16xf32, #tpu.memory_space<vmem>>) target_semaphore(%run_scoped3A : memref<!tpu.dma_semaphore, #tpu.memory_space<semaphore_mem>>)
          %dma_wait3A = tpu.memref_slice %arg10[%mul3A_626] : memref<10000xf32, #tpu.memory_space<vmem_shared>> -> memref<16xf32, #tpu.memory_space<vmem_shared>>
          %dma_wait3A_1443 = tpu.memref_slice %arg10[%mul3A_626] : memref<10000xf32, #tpu.memory_space<vmem_shared>> -> memref<16xf32, #tpu.memory_space<vmem_shared>>
          tpu.wait_dma2 semaphore(%run_scoped3A : memref<!tpu.dma_semaphore, #tpu.memory_space<semaphore_mem>>) src(%dma_wait3A_1443 : memref<16xf32, #tpu.memory_space<vmem_shared>>) dst(%arg28 : memref<16xf32, #tpu.memory_space<vmem>>)
          tpu.yield
        }) : () -> ()
        %get3A = arith.constant 0 : index
        %get3A_627 = tpu.vector_load %arg28[%get3A] {strides = array<i32>} : memref<16xf32, #tpu.memory_space<vmem>>, vector<16xf32>,
        %add3A_628 = arith.constant 1.000000e+00 : f32
        %add3A_629 = vector.broadcast %add3A_628 : f32 to vector<16xf32>
        %add3A_630 = arith.addf %get3A_627, %add3A_629 : vector<16xf32>
        %bitcast3A = vector.bitcast %add3A_630 : vector<16xf32> to vector<16xi32>
        %shift_right_logical3A = arith.constant 1 : i32
        %shift_right_logical3A_631 = vector.broadcast %shift_right_logical3A : i32 to vector<16xi32>
        %shift_right_logical3A_632 = arith.shrui %bitcast3A, %shift_right_logical3A_631 : vector<16xi32>
        %sub3A = arith.constant 1597463007 : i32
        %sub3A_633 = vector.broadcast %sub3A : i32 to vector<16xi32>
        %sub3A_634 = arith.subi %sub3A_633, %shift_right_logical3A_632 : vector<16xi32>
        %bitcast3A_635 = vector.bitcast %sub3A_634 : vector<16xi32> to vector<16xf32>
        %mul3A_636 = arith.constant 5.000000e-01 : f32
        %mul3A_637 = vector.broadcast %mul3A_636 : f32 to vector<16xf32>
        %mul3A_638 = arith.mulf %mul3A_637, %add3A_630 : vector<16xf32>
        %mul3A_639 = arith.mulf %mul3A_638, %bitcast3A_635 : vector<16xf32>
        %mul3A_640 = arith.mulf %mul3A_639, %bitcast3A_635 : vector<16xf32>
        %sub3A_641 = arith.constant 1.500000e+00 : f32
        %sub3A_642 = vector.broadcast %sub3A_641 : f32 to vector<16xf32>
        %sub3A_643 = arith.subf %sub3A_642, %mul3A_640 : vector<16xf32>
        %mul3A_644 = arith.mulf %bitcast3A_635, %sub3A_643 : vector<16xf32>
        %mul3A_645 = arith.constant 5.000000e-01 : f32
        %mul3A_646 = vector.broadcast %mul3A_645 : f32 to vector<16xf32>
        %mul3A_647 = arith.mulf %mul3A_646, %add3A_630 : vector<16xf32>
        %mul3A_648 = arith.mulf %mul3A_647, %mul3A_644 : vector<16xf32>
        %mul3A_649 = arith.mulf %mul3A_648, %mul3A_644 : vector<16xf32>
        %sub3A_650 = arith.constant 1.500000e+00 : f32
        %sub3A_651 = vector.broadcast %sub3A_650 : f32 to vector<16xf32>
        %sub3A_652 = arith.subf %sub3A_651, %mul3A_649 : vector<16xf32>
        %mul3A_653 = arith.mulf %mul3A_644, %sub3A_652 : vector<16xf32>
        %mul3A_654 = arith.constant 5.000000e-01 : f32
        %mul3A_655 = vector.broadcast %mul3A_654 : f32 to vector<16xf32>
        %mul3A_656 = arith.mulf %mul3A_655, %add3A_630 : vector<16xf32>
        %mul3A_657 = arith.mulf %mul3A_656, %mul3A_653 : vector<16xf32>
        %mul3A_658 = arith.mulf %mul3A_657, %mul3A_653 : vector<16xf32>
        %sub3A_659 = arith.constant 1.500000e+00 : f32
        %sub3A_660 = vector.broadcast %sub3A_659 : f32 to vector<16xf32>
        %sub3A_661 = arith.subf %sub3A_660, %mul3A_658 : vector<16xf32>
        %mul3A_662 = arith.mulf %mul3A_653, %sub3A_661 : vector<16xf32>
        %swap3A_663 = arith.constant 0 : index
        %swap3A_664 = tpu.vector_load %arg29[%swap3A_663] {strides = array<i32>} : memref<16xf32, #tpu.memory_space<vmem>>, vector<16xf32>,
        tpu.vector_store %arg29[%swap3A_663], %mul3A_662 {strides = array<i32>} : memref<16xf32, #tpu.memory_space<vmem>>, vector<16xf32>,
        "tpu.region"() ({
          %run_scoped3A = tpu.sem_alloc : memref<!tpu.dma_semaphore, #tpu.memory_space<semaphore_mem>>
          %dma_start3A = arith.constant 0 : i32
          %dma_start3A_1442 = tpu.memref_slice %arg2[%mul3A_626, %dma_start3A] : memref<10000x128xf32, #tpu.memory_space<hbm>> -> memref<16x128xf32, #tpu.memory_space<hbm>>
          %dma_start3A_1443 = arith.constant 0 : i32
          %dma_start3A_1444 = tpu.memref_slice %arg2[%mul3A_626, %dma_start3A_1443] : memref<10000x128xf32, #tpu.memory_space<hbm>> -> memref<16x128xf32, #tpu.memory_space<hbm>>
          tpu.enqueue_dma source(%dma_start3A_1444 : memref<16x128xf32, #tpu.memory_space<hbm>>) target(%arg25 : memref<16x128xf32, #tpu.memory_space<vmem>>) target_semaphore(%run_scoped3A : memref<!tpu.dma_semaphore, #tpu.memory_space<semaphore_mem>>)
          %dma_wait3A = arith.constant 0 : i32
          %dma_wait3A_1445 = tpu.memref_slice %arg2[%mul3A_626, %dma_wait3A] : memref<10000x128xf32, #tpu.memory_space<hbm>> -> memref<16x128xf32, #tpu.memory_space<hbm>>
          %dma_wait3A_1446 = arith.constant 0 : i32
          %dma_wait3A_1447 = tpu.memref_slice %arg2[%mul3A_626, %dma_wait3A_1446] : memref<10000x128xf32, #tpu.memory_space<hbm>> -> memref<16x128xf32, #tpu.memory_space<hbm>>
          tpu.wait_dma2 semaphore(%run_scoped3A : memref<!tpu.dma_semaphore, #tpu.memory_space<semaphore_mem>>) src(%dma_wait3A_1447 : memref<16x128xf32, #tpu.memory_space<hbm>>) dst(%arg25 : memref<16x128xf32, #tpu.memory_space<vmem>>)
          tpu.yield
        }) : () -> ()
        %iota3A = tpu.iota {dimensions = array<i32: 0>} : vector<16xi32>
        %broadcast_in_dim3A_665 = arith.constant 0 : i32
        %broadcast_in_dim3A_666 = vector.broadcast %broadcast_in_dim3A_665 : i32 to vector<16xi32>
        %gather3A = tpu.vector_load_idx %arg25[%iota3A, %broadcast_in_dim3A_666] : memref<16x128xf32, #tpu.memory_space<vmem>>[vector<16xi32>, vector<16xi32>], vector<16xf32>,
        %broadcast_in_dim3A_667 = arith.constant 0 : i32
        %broadcast_in_dim3A_668 = vector.broadcast %broadcast_in_dim3A_667 : i32 to vector<16xi32>
        %mul3A_669 = arith.mulf %gather3A, %mul3A_662 : vector<16xf32>
        tpu.vector_store_idx %arg26[%iota3A, %broadcast_in_dim3A_668], %mul3A_669 : memref<16x128xf32, #tpu.memory_space<vmem>>[vector<16xi32>, vector<16xi32>], vector<16xf32>,
        %broadcast_in_dim3A_670 = arith.constant 1 : i32
        %broadcast_in_dim3A_671 = vector.broadcast %broadcast_in_dim3A_670 : i32 to vector<16xi32>
        %gather3A_672 = tpu.vector_load_idx %arg25[%iota3A, %broadcast_in_dim3A_671] : memref<16x128xf32, #tpu.memory_space<vmem>>[vector<16xi32>, vector<16xi32>], vector<16xf32>,
        %broadcast_in_dim3A_673 = arith.constant 1 : i32
        %broadcast_in_dim3A_674 = vector.broadcast %broadcast_in_dim3A_673 : i32 to vector<16xi32>
        %mul3A_675 = arith.mulf %gather3A_672, %mul3A_662 : vector<16xf32>
        tpu.vector_store_idx %arg26[%iota3A, %broadcast_in_dim3A_674], %mul3A_675 : memref<16x128xf32, #tpu.memory_space<vmem>>[vector<16xi32>, vector<16xi32>], vector<16xf32>,
        %broadcast_in_dim3A_676 = arith.constant 2 : i32
        %broadcast_in_dim3A_677 = vector.broadcast %broadcast_in_dim3A_676 : i32 to vector<16xi32>
        %gather3A_678 = tpu.vector_load_idx %arg25[%iota3A, %broadcast_in_dim3A_677] : memref<16x128xf32, #tpu.memory_space<vmem>>[vector<16xi32>, vector<16xi32>], vector<16xf32>,
        %broadcast_in_dim3A_679 = arith.constant 2 : i32
        %broadcast_in_dim3A_680 = vector.broadcast %broadcast_in_dim3A_679 : i32 to vector<16xi32>
        %mul3A_681 = arith.mulf %gather3A_678, %mul3A_662 : vector<16xf32>
        tpu.vector_store_idx %arg26[%iota3A, %broadcast_in_dim3A_680], %mul3A_681 : memref<16x128xf32, #tpu.memory_space<vmem>>[vector<16xi32>, vector<16xi32>], vector<16xf32>,
        %broadcast_in_dim3A_682 = arith.constant 3 : i32
        %broadcast_in_dim3A_683 = vector.broadcast %broadcast_in_dim3A_682 : i32 to vector<16xi32>
        %gather3A_684 = tpu.vector_load_idx %arg25[%iota3A, %broadcast_in_dim3A_683] : memref<16x128xf32, #tpu.memory_space<vmem>>[vector<16xi32>, vector<16xi32>], vector<16xf32>,
        %broadcast_in_dim3A_685 = arith.constant 3 : i32
        %broadcast_in_dim3A_686 = vector.broadcast %broadcast_in_dim3A_685 : i32 to vector<16xi32>
        %mul3A_687 = arith.mulf %gather3A_684, %mul3A_662 : vector<16xf32>
        tpu.vector_store_idx %arg26[%iota3A, %broadcast_in_dim3A_686], %mul3A_687 : memref<16x128xf32, #tpu.memory_space<vmem>>[vector<16xi32>, vector<16xi32>], vector<16xf32>,
        %broadcast_in_dim3A_688 = arith.constant 4 : i32
        %broadcast_in_dim3A_689 = vector.broadcast %broadcast_in_dim3A_688 : i32 to vector<16xi32>
        %gather3A_690 = tpu.vector_load_idx %arg25[%iota3A, %broadcast_in_dim3A_689] : memref<16x128xf32, #tpu.memory_space<vmem>>[vector<16xi32>, vector<16xi32>], vector<16xf32>,
        %broadcast_in_dim3A_691 = arith.constant 4 : i32
        %broadcast_in_dim3A_692 = vector.broadcast %broadcast_in_dim3A_691 : i32 to vector<16xi32>
        %mul3A_693 = arith.mulf %gather3A_690, %mul3A_662 : vector<16xf32>
        tpu.vector_store_idx %arg26[%iota3A, %broadcast_in_dim3A_692], %mul3A_693 : memref<16x128xf32, #tpu.memory_space<vmem>>[vector<16xi32>, vector<16xi32>], vector<16xf32>,
        %broadcast_in_dim3A_694 = arith.constant 5 : i32
        %broadcast_in_dim3A_695 = vector.broadcast %broadcast_in_dim3A_694 : i32 to vector<16xi32>
        %gather3A_696 = tpu.vector_load_idx %arg25[%iota3A, %broadcast_in_dim3A_695] : memref<16x128xf32, #tpu.memory_space<vmem>>[vector<16xi32>, vector<16xi32>], vector<16xf32>,
        %broadcast_in_dim3A_697 = arith.constant 5 : i32
        %broadcast_in_dim3A_698 = vector.broadcast %broadcast_in_dim3A_697 : i32 to vector<16xi32>
        %mul3A_699 = arith.mulf %gather3A_696, %mul3A_662 : vector<16xf32>
        tpu.vector_store_idx %arg26[%iota3A, %broadcast_in_dim3A_698], %mul3A_699 : memref<16x128xf32, #tpu.memory_space<vmem>>[vector<16xi32>, vector<16xi32>], vector<16xf32>,
        %broadcast_in_dim3A_700 = arith.constant 6 : i32
        %broadcast_in_dim3A_701 = vector.broadcast %broadcast_in_dim3A_700 : i32 to vector<16xi32>
        %gather3A_702 = tpu.vector_load_idx %arg25[%iota3A, %broadcast_in_dim3A_701] : memref<16x128xf32, #tpu.memory_space<vmem>>[vector<16xi32>, vector<16xi32>], vector<16xf32>,
        %broadcast_in_dim3A_703 = arith.constant 6 : i32
        %broadcast_in_dim3A_704 = vector.broadcast %broadcast_in_dim3A_703 : i32 to vector<16xi32>
        %mul3A_705 = arith.mulf %gather3A_702, %mul3A_662 : vector<16xf32>
        tpu.vector_store_idx %arg26[%iota3A, %broadcast_in_dim3A_704], %mul3A_705 : memref<16x128xf32, #tpu.memory_space<vmem>>[vector<16xi32>, vector<16xi32>], vector<16xf32>,
        %broadcast_in_dim3A_706 = arith.constant 7 : i32
        %broadcast_in_dim3A_707 = vector.broadcast %broadcast_in_dim3A_706 : i32 to vector<16xi32>
        %gather3A_708 = tpu.vector_load_idx %arg25[%iota3A, %broadcast_in_dim3A_707] : memref<16x128xf32, #tpu.memory_space<vmem>>[vector<16xi32>, vector<16xi32>], vector<16xf32>,
        %broadcast_in_dim3A_709 = arith.constant 7 : i32
        %broadcast_in_dim3A_710 = vector.broadcast %broadcast_in_dim3A_709 : i32 to vector<16xi32>
        %mul3A_711 = arith.mulf %gather3A_708, %mul3A_662 : vector<16xf32>
        tpu.vector_store_idx %arg26[%iota3A, %broadcast_in_dim3A_710], %mul3A_711 : memref<16x128xf32, #tpu.memory_space<vmem>>[vector<16xi32>, vector<16xi32>], vector<16xf32>,
        %broadcast_in_dim3A_712 = arith.constant 8 : i32
        %broadcast_in_dim3A_713 = vector.broadcast %broadcast_in_dim3A_712 : i32 to vector<16xi32>
        %gather3A_714 = tpu.vector_load_idx %arg25[%iota3A, %broadcast_in_dim3A_713] : memref<16x128xf32, #tpu.memory_space<vmem>>[vector<16xi32>, vector<16xi32>], vector<16xf32>,
        %broadcast_in_dim3A_715 = arith.constant 8 : i32
        %broadcast_in_dim3A_716 = vector.broadcast %broadcast_in_dim3A_715 : i32 to vector<16xi32>
        %mul3A_717 = arith.mulf %gather3A_714, %mul3A_662 : vector<16xf32>
        tpu.vector_store_idx %arg26[%iota3A, %broadcast_in_dim3A_716], %mul3A_717 : memref<16x128xf32, #tpu.memory_space<vmem>>[vector<16xi32>, vector<16xi32>], vector<16xf32>,
        %broadcast_in_dim3A_718 = arith.constant 9 : i32
        %broadcast_in_dim3A_719 = vector.broadcast %broadcast_in_dim3A_718 : i32 to vector<16xi32>
        %gather3A_720 = tpu.vector_load_idx %arg25[%iota3A, %broadcast_in_dim3A_719] : memref<16x128xf32, #tpu.memory_space<vmem>>[vector<16xi32>, vector<16xi32>], vector<16xf32>,
        %broadcast_in_dim3A_721 = arith.constant 9 : i32
        %broadcast_in_dim3A_722 = vector.broadcast %broadcast_in_dim3A_721 : i32 to vector<16xi32>
        %mul3A_723 = arith.mulf %gather3A_720, %mul3A_662 : vector<16xf32>
        tpu.vector_store_idx %arg26[%iota3A, %broadcast_in_dim3A_722], %mul3A_723 : memref<16x128xf32, #tpu.memory_space<vmem>>[vector<16xi32>, vector<16xi32>], vector<16xf32>,
        %broadcast_in_dim3A_724 = arith.constant 10 : i32
        %broadcast_in_dim3A_725 = vector.broadcast %broadcast_in_dim3A_724 : i32 to vector<16xi32>
        %gather3A_726 = tpu.vector_load_idx %arg25[%iota3A, %broadcast_in_dim3A_725] : memref<16x128xf32, #tpu.memory_space<vmem>>[vector<16xi32>, vector<16xi32>], vector<16xf32>,
        %broadcast_in_dim3A_727 = arith.constant 10 : i32
        %broadcast_in_dim3A_728 = vector.broadcast %broadcast_in_dim3A_727 : i32 to vector<16xi32>
        %mul3A_729 = arith.mulf %gather3A_726, %mul3A_662 : vector<16xf32>
        tpu.vector_store_idx %arg26[%iota3A, %broadcast_in_dim3A_728], %mul3A_729 : memref<16x128xf32, #tpu.memory_space<vmem>>[vector<16xi32>, vector<16xi32>], vector<16xf32>,
        %broadcast_in_dim3A_730 = arith.constant 11 : i32
        %broadcast_in_dim3A_731 = vector.broadcast %broadcast_in_dim3A_730 : i32 to vector<16xi32>
        %gather3A_732 = tpu.vector_load_idx %arg25[%iota3A, %broadcast_in_dim3A_731] : memref<16x128xf32, #tpu.memory_space<vmem>>[vector<16xi32>, vector<16xi32>], vector<16xf32>,
        %broadcast_in_dim3A_733 = arith.constant 11 : i32
        %broadcast_in_dim3A_734 = vector.broadcast %broadcast_in_dim3A_733 : i32 to vector<16xi32>
        %mul3A_735 = arith.mulf %gather3A_732, %mul3A_662 : vector<16xf32>
        tpu.vector_store_idx %arg26[%iota3A, %broadcast_in_dim3A_734], %mul3A_735 : memref<16x128xf32, #tpu.memory_space<vmem>>[vector<16xi32>, vector<16xi32>], vector<16xf32>,
        %broadcast_in_dim3A_736 = arith.constant 12 : i32
        %broadcast_in_dim3A_737 = vector.broadcast %broadcast_in_dim3A_736 : i32 to vector<16xi32>
        %gather3A_738 = tpu.vector_load_idx %arg25[%iota3A, %broadcast_in_dim3A_737] : memref<16x128xf32, #tpu.memory_space<vmem>>[vector<16xi32>, vector<16xi32>], vector<16xf32>,
        %broadcast_in_dim3A_739 = arith.constant 12 : i32
        %broadcast_in_dim3A_740 = vector.broadcast %broadcast_in_dim3A_739 : i32 to vector<16xi32>
        %mul3A_741 = arith.mulf %gather3A_738, %mul3A_662 : vector<16xf32>
        tpu.vector_store_idx %arg26[%iota3A, %broadcast_in_dim3A_740], %mul3A_741 : memref<16x128xf32, #tpu.memory_space<vmem>>[vector<16xi32>, vector<16xi32>], vector<16xf32>,
        %broadcast_in_dim3A_742 = arith.constant 13 : i32
        %broadcast_in_dim3A_743 = vector.broadcast %broadcast_in_dim3A_742 : i32 to vector<16xi32>
        %gather3A_744 = tpu.vector_load_idx %arg25[%iota3A, %broadcast_in_dim3A_743] : memref<16x128xf32, #tpu.memory_space<vmem>>[vector<16xi32>, vector<16xi32>], vector<16xf32>,
        %broadcast_in_dim3A_745 = arith.constant 13 : i32
        %broadcast_in_dim3A_746 = vector.broadcast %broadcast_in_dim3A_745 : i32 to vector<16xi32>
        %mul3A_747 = arith.mulf %gather3A_744, %mul3A_662 : vector<16xf32>
        tpu.vector_store_idx %arg26[%iota3A, %broadcast_in_dim3A_746], %mul3A_747 : memref<16x128xf32, #tpu.memory_space<vmem>>[vector<16xi32>, vector<16xi32>], vector<16xf32>,
        %broadcast_in_dim3A_748 = arith.constant 14 : i32
        %broadcast_in_dim3A_749 = vector.broadcast %broadcast_in_dim3A_748 : i32 to vector<16xi32>
        %gather3A_750 = tpu.vector_load_idx %arg25[%iota3A, %broadcast_in_dim3A_749] : memref<16x128xf32, #tpu.memory_space<vmem>>[vector<16xi32>, vector<16xi32>], vector<16xf32>,
        %broadcast_in_dim3A_751 = arith.constant 14 : i32
        %broadcast_in_dim3A_752 = vector.broadcast %broadcast_in_dim3A_751 : i32 to vector<16xi32>
        %mul3A_753 = arith.mulf %gather3A_750, %mul3A_662 : vector<16xf32>
        tpu.vector_store_idx %arg26[%iota3A, %broadcast_in_dim3A_752], %mul3A_753 : memref<16x128xf32, #tpu.memory_space<vmem>>[vector<16xi32>, vector<16xi32>], vector<16xf32>,
        %broadcast_in_dim3A_754 = arith.constant 15 : i32
        %broadcast_in_dim3A_755 = vector.broadcast %broadcast_in_dim3A_754 : i32 to vector<16xi32>
        %gather3A_756 = tpu.vector_load_idx %arg25[%iota3A, %broadcast_in_dim3A_755] : memref<16x128xf32, #tpu.memory_space<vmem>>[vector<16xi32>, vector<16xi32>], vector<16xf32>,
        %broadcast_in_dim3A_757 = arith.constant 15 : i32
        %broadcast_in_dim3A_758 = vector.broadcast %broadcast_in_dim3A_757 : i32 to vector<16xi32>
        %mul3A_759 = arith.mulf %gather3A_756, %mul3A_662 : vector<16xf32>
        tpu.vector_store_idx %arg26[%iota3A, %broadcast_in_dim3A_758], %mul3A_759 : memref<16x128xf32, #tpu.memory_space<vmem>>[vector<16xi32>, vector<16xi32>], vector<16xf32>,
        %broadcast_in_dim3A_760 = arith.constant 16 : i32
        %broadcast_in_dim3A_761 = vector.broadcast %broadcast_in_dim3A_760 : i32 to vector<16xi32>
        %gather3A_762 = tpu.vector_load_idx %arg25[%iota3A, %broadcast_in_dim3A_761] : memref<16x128xf32, #tpu.memory_space<vmem>>[vector<16xi32>, vector<16xi32>], vector<16xf32>,
        %broadcast_in_dim3A_763 = arith.constant 16 : i32
        %broadcast_in_dim3A_764 = vector.broadcast %broadcast_in_dim3A_763 : i32 to vector<16xi32>
        %mul3A_765 = arith.mulf %gather3A_762, %mul3A_662 : vector<16xf32>
        tpu.vector_store_idx %arg26[%iota3A, %broadcast_in_dim3A_764], %mul3A_765 : memref<16x128xf32, #tpu.memory_space<vmem>>[vector<16xi32>, vector<16xi32>], vector<16xf32>,
        %broadcast_in_dim3A_766 = arith.constant 17 : i32
        %broadcast_in_dim3A_767 = vector.broadcast %broadcast_in_dim3A_766 : i32 to vector<16xi32>
        %gather3A_768 = tpu.vector_load_idx %arg25[%iota3A, %broadcast_in_dim3A_767] : memref<16x128xf32, #tpu.memory_space<vmem>>[vector<16xi32>, vector<16xi32>], vector<16xf32>,
        %broadcast_in_dim3A_769 = arith.constant 17 : i32
        %broadcast_in_dim3A_770 = vector.broadcast %broadcast_in_dim3A_769 : i32 to vector<16xi32>
        %mul3A_771 = arith.mulf %gather3A_768, %mul3A_662 : vector<16xf32>
        tpu.vector_store_idx %arg26[%iota3A, %broadcast_in_dim3A_770], %mul3A_771 : memref<16x128xf32, #tpu.memory_space<vmem>>[vector<16xi32>, vector<16xi32>], vector<16xf32>,
        %broadcast_in_dim3A_772 = arith.constant 18 : i32
        %broadcast_in_dim3A_773 = vector.broadcast %broadcast_in_dim3A_772 : i32 to vector<16xi32>
        %gather3A_774 = tpu.vector_load_idx %arg25[%iota3A, %broadcast_in_dim3A_773] : memref<16x128xf32, #tpu.memory_space<vmem>>[vector<16xi32>, vector<16xi32>], vector<16xf32>,
        %broadcast_in_dim3A_775 = arith.constant 18 : i32
        %broadcast_in_dim3A_776 = vector.broadcast %broadcast_in_dim3A_775 : i32 to vector<16xi32>
        %mul3A_777 = arith.mulf %gather3A_774, %mul3A_662 : vector<16xf32>
        tpu.vector_store_idx %arg26[%iota3A, %broadcast_in_dim3A_776], %mul3A_777 : memref<16x128xf32, #tpu.memory_space<vmem>>[vector<16xi32>, vector<16xi32>], vector<16xf32>,
        %broadcast_in_dim3A_778 = arith.constant 19 : i32
        %broadcast_in_dim3A_779 = vector.broadcast %broadcast_in_dim3A_778 : i32 to vector<16xi32>
        %gather3A_780 = tpu.vector_load_idx %arg25[%iota3A, %broadcast_in_dim3A_779] : memref<16x128xf32, #tpu.memory_space<vmem>>[vector<16xi32>, vector<16xi32>], vector<16xf32>,
        %broadcast_in_dim3A_781 = arith.constant 19 : i32
        %broadcast_in_dim3A_782 = vector.broadcast %broadcast_in_dim3A_781 : i32 to vector<16xi32>
        %mul3A_783 = arith.mulf %gather3A_780, %mul3A_662 : vector<16xf32>
        tpu.vector_store_idx %arg26[%iota3A, %broadcast_in_dim3A_782], %mul3A_783 : memref<16x128xf32, #tpu.memory_space<vmem>>[vector<16xi32>, vector<16xi32>], vector<16xf32>,
        %broadcast_in_dim3A_784 = arith.constant 20 : i32
        %broadcast_in_dim3A_785 = vector.broadcast %broadcast_in_dim3A_784 : i32 to vector<16xi32>
        %gather3A_786 = tpu.vector_load_idx %arg25[%iota3A, %broadcast_in_dim3A_785] : memref<16x128xf32, #tpu.memory_space<vmem>>[vector<16xi32>, vector<16xi32>], vector<16xf32>,
        %broadcast_in_dim3A_787 = arith.constant 20 : i32
        %broadcast_in_dim3A_788 = vector.broadcast %broadcast_in_dim3A_787 : i32 to vector<16xi32>
        %mul3A_789 = arith.mulf %gather3A_786, %mul3A_662 : vector<16xf32>
        tpu.vector_store_idx %arg26[%iota3A, %broadcast_in_dim3A_788], %mul3A_789 : memref<16x128xf32, #tpu.memory_space<vmem>>[vector<16xi32>, vector<16xi32>], vector<16xf32>,
        %broadcast_in_dim3A_790 = arith.constant 21 : i32
        %broadcast_in_dim3A_791 = vector.broadcast %broadcast_in_dim3A_790 : i32 to vector<16xi32>
        %gather3A_792 = tpu.vector_load_idx %arg25[%iota3A, %broadcast_in_dim3A_791] : memref<16x128xf32, #tpu.memory_space<vmem>>[vector<16xi32>, vector<16xi32>], vector<16xf32>,
        %broadcast_in_dim3A_793 = arith.constant 21 : i32
        %broadcast_in_dim3A_794 = vector.broadcast %broadcast_in_dim3A_793 : i32 to vector<16xi32>
        %mul3A_795 = arith.mulf %gather3A_792, %mul3A_662 : vector<16xf32>
        tpu.vector_store_idx %arg26[%iota3A, %broadcast_in_dim3A_794], %mul3A_795 : memref<16x128xf32, #tpu.memory_space<vmem>>[vector<16xi32>, vector<16xi32>], vector<16xf32>,
        %broadcast_in_dim3A_796 = arith.constant 22 : i32
        %broadcast_in_dim3A_797 = vector.broadcast %broadcast_in_dim3A_796 : i32 to vector<16xi32>
        %gather3A_798 = tpu.vector_load_idx %arg25[%iota3A, %broadcast_in_dim3A_797] : memref<16x128xf32, #tpu.memory_space<vmem>>[vector<16xi32>, vector<16xi32>], vector<16xf32>,
        %broadcast_in_dim3A_799 = arith.constant 22 : i32
        %broadcast_in_dim3A_800 = vector.broadcast %broadcast_in_dim3A_799 : i32 to vector<16xi32>
        %mul3A_801 = arith.mulf %gather3A_798, %mul3A_662 : vector<16xf32>
        tpu.vector_store_idx %arg26[%iota3A, %broadcast_in_dim3A_800], %mul3A_801 : memref<16x128xf32, #tpu.memory_space<vmem>>[vector<16xi32>, vector<16xi32>], vector<16xf32>,
        %broadcast_in_dim3A_802 = arith.constant 23 : i32
        %broadcast_in_dim3A_803 = vector.broadcast %broadcast_in_dim3A_802 : i32 to vector<16xi32>
        %gather3A_804 = tpu.vector_load_idx %arg25[%iota3A, %broadcast_in_dim3A_803] : memref<16x128xf32, #tpu.memory_space<vmem>>[vector<16xi32>, vector<16xi32>], vector<16xf32>,
        %broadcast_in_dim3A_805 = arith.constant 23 : i32
        %broadcast_in_dim3A_806 = vector.broadcast %broadcast_in_dim3A_805 : i32 to vector<16xi32>
        %mul3A_807 = arith.mulf %gather3A_804, %mul3A_662 : vector<16xf32>
        tpu.vector_store_idx %arg26[%iota3A, %broadcast_in_dim3A_806], %mul3A_807 : memref<16x128xf32, #tpu.memory_space<vmem>>[vector<16xi32>, vector<16xi32>], vector<16xf32>,
        %broadcast_in_dim3A_808 = arith.constant 24 : i32
        %broadcast_in_dim3A_809 = vector.broadcast %broadcast_in_dim3A_808 : i32 to vector<16xi32>
        %gather3A_810 = tpu.vector_load_idx %arg25[%iota3A, %broadcast_in_dim3A_809] : memref<16x128xf32, #tpu.memory_space<vmem>>[vector<16xi32>, vector<16xi32>], vector<16xf32>,
        %broadcast_in_dim3A_811 = arith.constant 24 : i32
        %broadcast_in_dim3A_812 = vector.broadcast %broadcast_in_dim3A_811 : i32 to vector<16xi32>
        %mul3A_813 = arith.mulf %gather3A_810, %mul3A_662 : vector<16xf32>
        tpu.vector_store_idx %arg26[%iota3A, %broadcast_in_dim3A_812], %mul3A_813 : memref<16x128xf32, #tpu.memory_space<vmem>>[vector<16xi32>, vector<16xi32>], vector<16xf32>,
        %broadcast_in_dim3A_814 = arith.constant 25 : i32
        %broadcast_in_dim3A_815 = vector.broadcast %broadcast_in_dim3A_814 : i32 to vector<16xi32>
        %gather3A_816 = tpu.vector_load_idx %arg25[%iota3A, %broadcast_in_dim3A_815] : memref<16x128xf32, #tpu.memory_space<vmem>>[vector<16xi32>, vector<16xi32>], vector<16xf32>,
        %broadcast_in_dim3A_817 = arith.constant 25 : i32
        %broadcast_in_dim3A_818 = vector.broadcast %broadcast_in_dim3A_817 : i32 to vector<16xi32>
        %mul3A_819 = arith.mulf %gather3A_816, %mul3A_662 : vector<16xf32>
        tpu.vector_store_idx %arg26[%iota3A, %broadcast_in_dim3A_818], %mul3A_819 : memref<16x128xf32, #tpu.memory_space<vmem>>[vector<16xi32>, vector<16xi32>], vector<16xf32>,
        %broadcast_in_dim3A_820 = arith.constant 26 : i32
        %broadcast_in_dim3A_821 = vector.broadcast %broadcast_in_dim3A_820 : i32 to vector<16xi32>
        %gather3A_822 = tpu.vector_load_idx %arg25[%iota3A, %broadcast_in_dim3A_821] : memref<16x128xf32, #tpu.memory_space<vmem>>[vector<16xi32>, vector<16xi32>], vector<16xf32>,
        %broadcast_in_dim3A_823 = arith.constant 26 : i32
        %broadcast_in_dim3A_824 = vector.broadcast %broadcast_in_dim3A_823 : i32 to vector<16xi32>
        %mul3A_825 = arith.mulf %gather3A_822, %mul3A_662 : vector<16xf32>
        tpu.vector_store_idx %arg26[%iota3A, %broadcast_in_dim3A_824], %mul3A_825 : memref<16x128xf32, #tpu.memory_space<vmem>>[vector<16xi32>, vector<16xi32>], vector<16xf32>,
        %broadcast_in_dim3A_826 = arith.constant 27 : i32
        %broadcast_in_dim3A_827 = vector.broadcast %broadcast_in_dim3A_826 : i32 to vector<16xi32>
        %gather3A_828 = tpu.vector_load_idx %arg25[%iota3A, %broadcast_in_dim3A_827] : memref<16x128xf32, #tpu.memory_space<vmem>>[vector<16xi32>, vector<16xi32>], vector<16xf32>,
        %broadcast_in_dim3A_829 = arith.constant 27 : i32
        %broadcast_in_dim3A_830 = vector.broadcast %broadcast_in_dim3A_829 : i32 to vector<16xi32>
        %mul3A_831 = arith.mulf %gather3A_828, %mul3A_662 : vector<16xf32>
        tpu.vector_store_idx %arg26[%iota3A, %broadcast_in_dim3A_830], %mul3A_831 : memref<16x128xf32, #tpu.memory_space<vmem>>[vector<16xi32>, vector<16xi32>], vector<16xf32>,
        %broadcast_in_dim3A_832 = arith.constant 28 : i32
        %broadcast_in_dim3A_833 = vector.broadcast %broadcast_in_dim3A_832 : i32 to vector<16xi32>
        %gather3A_834 = tpu.vector_load_idx %arg25[%iota3A, %broadcast_in_dim3A_833] : memref<16x128xf32, #tpu.memory_space<vmem>>[vector<16xi32>, vector<16xi32>], vector<16xf32>,
        %broadcast_in_dim3A_835 = arith.constant 28 : i32
        %broadcast_in_dim3A_836 = vector.broadcast %broadcast_in_dim3A_835 : i32 to vector<16xi32>
        %mul3A_837 = arith.mulf %gather3A_834, %mul3A_662 : vector<16xf32>
        tpu.vector_store_idx %arg26[%iota3A, %broadcast_in_dim3A_836], %mul3A_837 : memref<16x128xf32, #tpu.memory_space<vmem>>[vector<16xi32>, vector<16xi32>], vector<16xf32>,
        %broadcast_in_dim3A_838 = arith.constant 29 : i32
        %broadcast_in_dim3A_839 = vector.broadcast %broadcast_in_dim3A_838 : i32 to vector<16xi32>
        %gather3A_840 = tpu.vector_load_idx %arg25[%iota3A, %broadcast_in_dim3A_839] : memref<16x128xf32, #tpu.memory_space<vmem>>[vector<16xi32>, vector<16xi32>], vector<16xf32>,
        %broadcast_in_dim3A_841 = arith.constant 29 : i32
        %broadcast_in_dim3A_842 = vector.broadcast %broadcast_in_dim3A_841 : i32 to vector<16xi32>
        %mul3A_843 = arith.mulf %gather3A_840, %mul3A_662 : vector<16xf32>
        tpu.vector_store_idx %arg26[%iota3A, %broadcast_in_dim3A_842], %mul3A_843 : memref<16x128xf32, #tpu.memory_space<vmem>>[vector<16xi32>, vector<16xi32>], vector<16xf32>,
        %broadcast_in_dim3A_844 = arith.constant 30 : i32
        %broadcast_in_dim3A_845 = vector.broadcast %broadcast_in_dim3A_844 : i32 to vector<16xi32>
        %gather3A_846 = tpu.vector_load_idx %arg25[%iota3A, %broadcast_in_dim3A_845] : memref<16x128xf32, #tpu.memory_space<vmem>>[vector<16xi32>, vector<16xi32>], vector<16xf32>,
        %broadcast_in_dim3A_847 = arith.constant 30 : i32
        %broadcast_in_dim3A_848 = vector.broadcast %broadcast_in_dim3A_847 : i32 to vector<16xi32>
        %mul3A_849 = arith.mulf %gather3A_846, %mul3A_662 : vector<16xf32>
        tpu.vector_store_idx %arg26[%iota3A, %broadcast_in_dim3A_848], %mul3A_849 : memref<16x128xf32, #tpu.memory_space<vmem>>[vector<16xi32>, vector<16xi32>], vector<16xf32>,
        %broadcast_in_dim3A_850 = arith.constant 31 : i32
        %broadcast_in_dim3A_851 = vector.broadcast %broadcast_in_dim3A_850 : i32 to vector<16xi32>
        %gather3A_852 = tpu.vector_load_idx %arg25[%iota3A, %broadcast_in_dim3A_851] : memref<16x128xf32, #tpu.memory_space<vmem>>[vector<16xi32>, vector<16xi32>], vector<16xf32>,
        %broadcast_in_dim3A_853 = arith.constant 31 : i32
        %broadcast_in_dim3A_854 = vector.broadcast %broadcast_in_dim3A_853 : i32 to vector<16xi32>
        %mul3A_855 = arith.mulf %gather3A_852, %mul3A_662 : vector<16xf32>
        tpu.vector_store_idx %arg26[%iota3A, %broadcast_in_dim3A_854], %mul3A_855 : memref<16x128xf32, #tpu.memory_space<vmem>>[vector<16xi32>, vector<16xi32>], vector<16xf32>,
        %broadcast_in_dim3A_856 = arith.constant 32 : i32
        %broadcast_in_dim3A_857 = vector.broadcast %broadcast_in_dim3A_856 : i32 to vector<16xi32>
        %gather3A_858 = tpu.vector_load_idx %arg25[%iota3A, %broadcast_in_dim3A_857] : memref<16x128xf32, #tpu.memory_space<vmem>>[vector<16xi32>, vector<16xi32>], vector<16xf32>,
        %broadcast_in_dim3A_859 = arith.constant 32 : i32
        %broadcast_in_dim3A_860 = vector.broadcast %broadcast_in_dim3A_859 : i32 to vector<16xi32>
        %mul3A_861 = arith.mulf %gather3A_858, %mul3A_662 : vector<16xf32>
        tpu.vector_store_idx %arg26[%iota3A, %broadcast_in_dim3A_860], %mul3A_861 : memref<16x128xf32, #tpu.memory_space<vmem>>[vector<16xi32>, vector<16xi32>], vector<16xf32>,
        %broadcast_in_dim3A_862 = arith.constant 33 : i32
        %broadcast_in_dim3A_863 = vector.broadcast %broadcast_in_dim3A_862 : i32 to vector<16xi32>
        %gather3A_864 = tpu.vector_load_idx %arg25[%iota3A, %broadcast_in_dim3A_863] : memref<16x128xf32, #tpu.memory_space<vmem>>[vector<16xi32>, vector<16xi32>], vector<16xf32>,
        %broadcast_in_dim3A_865 = arith.constant 33 : i32
        %broadcast_in_dim3A_866 = vector.broadcast %broadcast_in_dim3A_865 : i32 to vector<16xi32>
        %mul3A_867 = arith.mulf %gather3A_864, %mul3A_662 : vector<16xf32>
        tpu.vector_store_idx %arg26[%iota3A, %broadcast_in_dim3A_866], %mul3A_867 : memref<16x128xf32, #tpu.memory_space<vmem>>[vector<16xi32>, vector<16xi32>], vector<16xf32>,
        %broadcast_in_dim3A_868 = arith.constant 34 : i32
        %broadcast_in_dim3A_869 = vector.broadcast %broadcast_in_dim3A_868 : i32 to vector<16xi32>
        %gather3A_870 = tpu.vector_load_idx %arg25[%iota3A, %broadcast_in_dim3A_869] : memref<16x128xf32, #tpu.memory_space<vmem>>[vector<16xi32>, vector<16xi32>], vector<16xf32>,
        %broadcast_in_dim3A_871 = arith.constant 34 : i32
        %broadcast_in_dim3A_872 = vector.broadcast %broadcast_in_dim3A_871 : i32 to vector<16xi32>
        %mul3A_873 = arith.mulf %gather3A_870, %mul3A_662 : vector<16xf32>
        tpu.vector_store_idx %arg26[%iota3A, %broadcast_in_dim3A_872], %mul3A_873 : memref<16x128xf32, #tpu.memory_space<vmem>>[vector<16xi32>, vector<16xi32>], vector<16xf32>,
        %broadcast_in_dim3A_874 = arith.constant 35 : i32
        %broadcast_in_dim3A_875 = vector.broadcast %broadcast_in_dim3A_874 : i32 to vector<16xi32>
        %gather3A_876 = tpu.vector_load_idx %arg25[%iota3A, %broadcast_in_dim3A_875] : memref<16x128xf32, #tpu.memory_space<vmem>>[vector<16xi32>, vector<16xi32>], vector<16xf32>,
        %broadcast_in_dim3A_877 = arith.constant 35 : i32
        %broadcast_in_dim3A_878 = vector.broadcast %broadcast_in_dim3A_877 : i32 to vector<16xi32>
        %mul3A_879 = arith.mulf %gather3A_876, %mul3A_662 : vector<16xf32>
        tpu.vector_store_idx %arg26[%iota3A, %broadcast_in_dim3A_878], %mul3A_879 : memref<16x128xf32, #tpu.memory_space<vmem>>[vector<16xi32>, vector<16xi32>], vector<16xf32>,
        %broadcast_in_dim3A_880 = arith.constant 36 : i32
        %broadcast_in_dim3A_881 = vector.broadcast %broadcast_in_dim3A_880 : i32 to vector<16xi32>
        %gather3A_882 = tpu.vector_load_idx %arg25[%iota3A, %broadcast_in_dim3A_881] : memref<16x128xf32, #tpu.memory_space<vmem>>[vector<16xi32>, vector<16xi32>], vector<16xf32>,
        %broadcast_in_dim3A_883 = arith.constant 36 : i32
        %broadcast_in_dim3A_884 = vector.broadcast %broadcast_in_dim3A_883 : i32 to vector<16xi32>
        %mul3A_885 = arith.mulf %gather3A_882, %mul3A_662 : vector<16xf32>
        tpu.vector_store_idx %arg26[%iota3A, %broadcast_in_dim3A_884], %mul3A_885 : memref<16x128xf32, #tpu.memory_space<vmem>>[vector<16xi32>, vector<16xi32>], vector<16xf32>,
        %broadcast_in_dim3A_886 = arith.constant 37 : i32
        %broadcast_in_dim3A_887 = vector.broadcast %broadcast_in_dim3A_886 : i32 to vector<16xi32>
        %gather3A_888 = tpu.vector_load_idx %arg25[%iota3A, %broadcast_in_dim3A_887] : memref<16x128xf32, #tpu.memory_space<vmem>>[vector<16xi32>, vector<16xi32>], vector<16xf32>,
        %broadcast_in_dim3A_889 = arith.constant 37 : i32
        %broadcast_in_dim3A_890 = vector.broadcast %broadcast_in_dim3A_889 : i32 to vector<16xi32>
        %mul3A_891 = arith.mulf %gather3A_888, %mul3A_662 : vector<16xf32>
        tpu.vector_store_idx %arg26[%iota3A, %broadcast_in_dim3A_890], %mul3A_891 : memref<16x128xf32, #tpu.memory_space<vmem>>[vector<16xi32>, vector<16xi32>], vector<16xf32>,
        %broadcast_in_dim3A_892 = arith.constant 38 : i32
        %broadcast_in_dim3A_893 = vector.broadcast %broadcast_in_dim3A_892 : i32 to vector<16xi32>
        %gather3A_894 = tpu.vector_load_idx %arg25[%iota3A, %broadcast_in_dim3A_893] : memref<16x128xf32, #tpu.memory_space<vmem>>[vector<16xi32>, vector<16xi32>], vector<16xf32>,
        %broadcast_in_dim3A_895 = arith.constant 38 : i32
        %broadcast_in_dim3A_896 = vector.broadcast %broadcast_in_dim3A_895 : i32 to vector<16xi32>
        %mul3A_897 = arith.mulf %gather3A_894, %mul3A_662 : vector<16xf32>
        tpu.vector_store_idx %arg26[%iota3A, %broadcast_in_dim3A_896], %mul3A_897 : memref<16x128xf32, #tpu.memory_space<vmem>>[vector<16xi32>, vector<16xi32>], vector<16xf32>,
        %broadcast_in_dim3A_898 = arith.constant 39 : i32
        %broadcast_in_dim3A_899 = vector.broadcast %broadcast_in_dim3A_898 : i32 to vector<16xi32>
        %gather3A_900 = tpu.vector_load_idx %arg25[%iota3A, %broadcast_in_dim3A_899] : memref<16x128xf32, #tpu.memory_space<vmem>>[vector<16xi32>, vector<16xi32>], vector<16xf32>,
        %broadcast_in_dim3A_901 = arith.constant 39 : i32
        %broadcast_in_dim3A_902 = vector.broadcast %broadcast_in_dim3A_901 : i32 to vector<16xi32>
        %mul3A_903 = arith.mulf %gather3A_900, %mul3A_662 : vector<16xf32>
        tpu.vector_store_idx %arg26[%iota3A, %broadcast_in_dim3A_902], %mul3A_903 : memref<16x128xf32, #tpu.memory_space<vmem>>[vector<16xi32>, vector<16xi32>], vector<16xf32>,
        %broadcast_in_dim3A_904 = arith.constant 40 : i32
        %broadcast_in_dim3A_905 = vector.broadcast %broadcast_in_dim3A_904 : i32 to vector<16xi32>
        %gather3A_906 = tpu.vector_load_idx %arg25[%iota3A, %broadcast_in_dim3A_905] : memref<16x128xf32, #tpu.memory_space<vmem>>[vector<16xi32>, vector<16xi32>], vector<16xf32>,
        %broadcast_in_dim3A_907 = arith.constant 40 : i32
        %broadcast_in_dim3A_908 = vector.broadcast %broadcast_in_dim3A_907 : i32 to vector<16xi32>
        %mul3A_909 = arith.mulf %gather3A_906, %mul3A_662 : vector<16xf32>
        tpu.vector_store_idx %arg26[%iota3A, %broadcast_in_dim3A_908], %mul3A_909 : memref<16x128xf32, #tpu.memory_space<vmem>>[vector<16xi32>, vector<16xi32>], vector<16xf32>,
        %broadcast_in_dim3A_910 = arith.constant 41 : i32
        %broadcast_in_dim3A_911 = vector.broadcast %broadcast_in_dim3A_910 : i32 to vector<16xi32>
        %gather3A_912 = tpu.vector_load_idx %arg25[%iota3A, %broadcast_in_dim3A_911] : memref<16x128xf32, #tpu.memory_space<vmem>>[vector<16xi32>, vector<16xi32>], vector<16xf32>,
        %broadcast_in_dim3A_913 = arith.constant 41 : i32
        %broadcast_in_dim3A_914 = vector.broadcast %broadcast_in_dim3A_913 : i32 to vector<16xi32>
        %mul3A_915 = arith.mulf %gather3A_912, %mul3A_662 : vector<16xf32>
        tpu.vector_store_idx %arg26[%iota3A, %broadcast_in_dim3A_914], %mul3A_915 : memref<16x128xf32, #tpu.memory_space<vmem>>[vector<16xi32>, vector<16xi32>], vector<16xf32>,
        %broadcast_in_dim3A_916 = arith.constant 42 : i32
        %broadcast_in_dim3A_917 = vector.broadcast %broadcast_in_dim3A_916 : i32 to vector<16xi32>
        %gather3A_918 = tpu.vector_load_idx %arg25[%iota3A, %broadcast_in_dim3A_917] : memref<16x128xf32, #tpu.memory_space<vmem>>[vector<16xi32>, vector<16xi32>], vector<16xf32>,
        %broadcast_in_dim3A_919 = arith.constant 42 : i32
        %broadcast_in_dim3A_920 = vector.broadcast %broadcast_in_dim3A_919 : i32 to vector<16xi32>
        %mul3A_921 = arith.mulf %gather3A_918, %mul3A_662 : vector<16xf32>
        tpu.vector_store_idx %arg26[%iota3A, %broadcast_in_dim3A_920], %mul3A_921 : memref<16x128xf32, #tpu.memory_space<vmem>>[vector<16xi32>, vector<16xi32>], vector<16xf32>,
        %broadcast_in_dim3A_922 = arith.constant 43 : i32
        %broadcast_in_dim3A_923 = vector.broadcast %broadcast_in_dim3A_922 : i32 to vector<16xi32>
        %gather3A_924 = tpu.vector_load_idx %arg25[%iota3A, %broadcast_in_dim3A_923] : memref<16x128xf32, #tpu.memory_space<vmem>>[vector<16xi32>, vector<16xi32>], vector<16xf32>,
        %broadcast_in_dim3A_925 = arith.constant 43 : i32
        %broadcast_in_dim3A_926 = vector.broadcast %broadcast_in_dim3A_925 : i32 to vector<16xi32>
        %mul3A_927 = arith.mulf %gather3A_924, %mul3A_662 : vector<16xf32>
        tpu.vector_store_idx %arg26[%iota3A, %broadcast_in_dim3A_926], %mul3A_927 : memref<16x128xf32, #tpu.memory_space<vmem>>[vector<16xi32>, vector<16xi32>], vector<16xf32>,
        %broadcast_in_dim3A_928 = arith.constant 44 : i32
        %broadcast_in_dim3A_929 = vector.broadcast %broadcast_in_dim3A_928 : i32 to vector<16xi32>
        %gather3A_930 = tpu.vector_load_idx %arg25[%iota3A, %broadcast_in_dim3A_929] : memref<16x128xf32, #tpu.memory_space<vmem>>[vector<16xi32>, vector<16xi32>], vector<16xf32>,
        %broadcast_in_dim3A_931 = arith.constant 44 : i32
        %broadcast_in_dim3A_932 = vector.broadcast %broadcast_in_dim3A_931 : i32 to vector<16xi32>
        %mul3A_933 = arith.mulf %gather3A_930, %mul3A_662 : vector<16xf32>
        tpu.vector_store_idx %arg26[%iota3A, %broadcast_in_dim3A_932], %mul3A_933 : memref<16x128xf32, #tpu.memory_space<vmem>>[vector<16xi32>, vector<16xi32>], vector<16xf32>,
        %broadcast_in_dim3A_934 = arith.constant 45 : i32
        %broadcast_in_dim3A_935 = vector.broadcast %broadcast_in_dim3A_934 : i32 to vector<16xi32>
        %gather3A_936 = tpu.vector_load_idx %arg25[%iota3A, %broadcast_in_dim3A_935] : memref<16x128xf32, #tpu.memory_space<vmem>>[vector<16xi32>, vector<16xi32>], vector<16xf32>,
        %broadcast_in_dim3A_937 = arith.constant 45 : i32
        %broadcast_in_dim3A_938 = vector.broadcast %broadcast_in_dim3A_937 : i32 to vector<16xi32>
        %mul3A_939 = arith.mulf %gather3A_936, %mul3A_662 : vector<16xf32>
        tpu.vector_store_idx %arg26[%iota3A, %broadcast_in_dim3A_938], %mul3A_939 : memref<16x128xf32, #tpu.memory_space<vmem>>[vector<16xi32>, vector<16xi32>], vector<16xf32>,
        %broadcast_in_dim3A_940 = arith.constant 46 : i32
        %broadcast_in_dim3A_941 = vector.broadcast %broadcast_in_dim3A_940 : i32 to vector<16xi32>
        %gather3A_942 = tpu.vector_load_idx %arg25[%iota3A, %broadcast_in_dim3A_941] : memref<16x128xf32, #tpu.memory_space<vmem>>[vector<16xi32>, vector<16xi32>], vector<16xf32>,
        %broadcast_in_dim3A_943 = arith.constant 46 : i32
        %broadcast_in_dim3A_944 = vector.broadcast %broadcast_in_dim3A_943 : i32 to vector<16xi32>
        %mul3A_945 = arith.mulf %gather3A_942, %mul3A_662 : vector<16xf32>
        tpu.vector_store_idx %arg26[%iota3A, %broadcast_in_dim3A_944], %mul3A_945 : memref<16x128xf32, #tpu.memory_space<vmem>>[vector<16xi32>, vector<16xi32>], vector<16xf32>,
        %broadcast_in_dim3A_946 = arith.constant 47 : i32
        %broadcast_in_dim3A_947 = vector.broadcast %broadcast_in_dim3A_946 : i32 to vector<16xi32>
        %gather3A_948 = tpu.vector_load_idx %arg25[%iota3A, %broadcast_in_dim3A_947] : memref<16x128xf32, #tpu.memory_space<vmem>>[vector<16xi32>, vector<16xi32>], vector<16xf32>,
        %broadcast_in_dim3A_949 = arith.constant 47 : i32
        %broadcast_in_dim3A_950 = vector.broadcast %broadcast_in_dim3A_949 : i32 to vector<16xi32>
        %mul3A_951 = arith.mulf %gather3A_948, %mul3A_662 : vector<16xf32>
        tpu.vector_store_idx %arg26[%iota3A, %broadcast_in_dim3A_950], %mul3A_951 : memref<16x128xf32, #tpu.memory_space<vmem>>[vector<16xi32>, vector<16xi32>], vector<16xf32>,
        %broadcast_in_dim3A_952 = arith.constant 48 : i32
        %broadcast_in_dim3A_953 = vector.broadcast %broadcast_in_dim3A_952 : i32 to vector<16xi32>
        %gather3A_954 = tpu.vector_load_idx %arg25[%iota3A, %broadcast_in_dim3A_953] : memref<16x128xf32, #tpu.memory_space<vmem>>[vector<16xi32>, vector<16xi32>], vector<16xf32>,
        %broadcast_in_dim3A_955 = arith.constant 48 : i32
        %broadcast_in_dim3A_956 = vector.broadcast %broadcast_in_dim3A_955 : i32 to vector<16xi32>
        %mul3A_957 = arith.mulf %gather3A_954, %mul3A_662 : vector<16xf32>
        tpu.vector_store_idx %arg26[%iota3A, %broadcast_in_dim3A_956], %mul3A_957 : memref<16x128xf32, #tpu.memory_space<vmem>>[vector<16xi32>, vector<16xi32>], vector<16xf32>,
        %broadcast_in_dim3A_958 = arith.constant 49 : i32
        %broadcast_in_dim3A_959 = vector.broadcast %broadcast_in_dim3A_958 : i32 to vector<16xi32>
        %gather3A_960 = tpu.vector_load_idx %arg25[%iota3A, %broadcast_in_dim3A_959] : memref<16x128xf32, #tpu.memory_space<vmem>>[vector<16xi32>, vector<16xi32>], vector<16xf32>,
        %broadcast_in_dim3A_961 = arith.constant 49 : i32
        %broadcast_in_dim3A_962 = vector.broadcast %broadcast_in_dim3A_961 : i32 to vector<16xi32>
        %mul3A_963 = arith.mulf %gather3A_960, %mul3A_662 : vector<16xf32>
        tpu.vector_store_idx %arg26[%iota3A, %broadcast_in_dim3A_962], %mul3A_963 : memref<16x128xf32, #tpu.memory_space<vmem>>[vector<16xi32>, vector<16xi32>], vector<16xf32>,
        %broadcast_in_dim3A_964 = arith.constant 50 : i32
        %broadcast_in_dim3A_965 = vector.broadcast %broadcast_in_dim3A_964 : i32 to vector<16xi32>
        %gather3A_966 = tpu.vector_load_idx %arg25[%iota3A, %broadcast_in_dim3A_965] : memref<16x128xf32, #tpu.memory_space<vmem>>[vector<16xi32>, vector<16xi32>], vector<16xf32>,
        %broadcast_in_dim3A_967 = arith.constant 50 : i32
        %broadcast_in_dim3A_968 = vector.broadcast %broadcast_in_dim3A_967 : i32 to vector<16xi32>
        %mul3A_969 = arith.mulf %gather3A_966, %mul3A_662 : vector<16xf32>
        tpu.vector_store_idx %arg26[%iota3A, %broadcast_in_dim3A_968], %mul3A_969 : memref<16x128xf32, #tpu.memory_space<vmem>>[vector<16xi32>, vector<16xi32>], vector<16xf32>,
        %broadcast_in_dim3A_970 = arith.constant 51 : i32
        %broadcast_in_dim3A_971 = vector.broadcast %broadcast_in_dim3A_970 : i32 to vector<16xi32>
        %gather3A_972 = tpu.vector_load_idx %arg25[%iota3A, %broadcast_in_dim3A_971] : memref<16x128xf32, #tpu.memory_space<vmem>>[vector<16xi32>, vector<16xi32>], vector<16xf32>,
        %broadcast_in_dim3A_973 = arith.constant 51 : i32
        %broadcast_in_dim3A_974 = vector.broadcast %broadcast_in_dim3A_973 : i32 to vector<16xi32>
        %mul3A_975 = arith.mulf %gather3A_972, %mul3A_662 : vector<16xf32>
        tpu.vector_store_idx %arg26[%iota3A, %broadcast_in_dim3A_974], %mul3A_975 : memref<16x128xf32, #tpu.memory_space<vmem>>[vector<16xi32>, vector<16xi32>], vector<16xf32>,
        %broadcast_in_dim3A_976 = arith.constant 52 : i32
        %broadcast_in_dim3A_977 = vector.broadcast %broadcast_in_dim3A_976 : i32 to vector<16xi32>
        %gather3A_978 = tpu.vector_load_idx %arg25[%iota3A, %broadcast_in_dim3A_977] : memref<16x128xf32, #tpu.memory_space<vmem>>[vector<16xi32>, vector<16xi32>], vector<16xf32>,
        %broadcast_in_dim3A_979 = arith.constant 52 : i32
        %broadcast_in_dim3A_980 = vector.broadcast %broadcast_in_dim3A_979 : i32 to vector<16xi32>
        %mul3A_981 = arith.mulf %gather3A_978, %mul3A_662 : vector<16xf32>
        tpu.vector_store_idx %arg26[%iota3A, %broadcast_in_dim3A_980], %mul3A_981 : memref<16x128xf32, #tpu.memory_space<vmem>>[vector<16xi32>, vector<16xi32>], vector<16xf32>,
        %broadcast_in_dim3A_982 = arith.constant 53 : i32
        %broadcast_in_dim3A_983 = vector.broadcast %broadcast_in_dim3A_982 : i32 to vector<16xi32>
        %gather3A_984 = tpu.vector_load_idx %arg25[%iota3A, %broadcast_in_dim3A_983] : memref<16x128xf32, #tpu.memory_space<vmem>>[vector<16xi32>, vector<16xi32>], vector<16xf32>,
        %broadcast_in_dim3A_985 = arith.constant 53 : i32
        %broadcast_in_dim3A_986 = vector.broadcast %broadcast_in_dim3A_985 : i32 to vector<16xi32>
        %mul3A_987 = arith.mulf %gather3A_984, %mul3A_662 : vector<16xf32>
        tpu.vector_store_idx %arg26[%iota3A, %broadcast_in_dim3A_986], %mul3A_987 : memref<16x128xf32, #tpu.memory_space<vmem>>[vector<16xi32>, vector<16xi32>], vector<16xf32>,
        %broadcast_in_dim3A_988 = arith.constant 54 : i32
        %broadcast_in_dim3A_989 = vector.broadcast %broadcast_in_dim3A_988 : i32 to vector<16xi32>
        %gather3A_990 = tpu.vector_load_idx %arg25[%iota3A, %broadcast_in_dim3A_989] : memref<16x128xf32, #tpu.memory_space<vmem>>[vector<16xi32>, vector<16xi32>], vector<16xf32>,
        %broadcast_in_dim3A_991 = arith.constant 54 : i32
        %broadcast_in_dim3A_992 = vector.broadcast %broadcast_in_dim3A_991 : i32 to vector<16xi32>
        %mul3A_993 = arith.mulf %gather3A_990, %mul3A_662 : vector<16xf32>
        tpu.vector_store_idx %arg26[%iota3A, %broadcast_in_dim3A_992], %mul3A_993 : memref<16x128xf32, #tpu.memory_space<vmem>>[vector<16xi32>, vector<16xi32>], vector<16xf32>,
        %broadcast_in_dim3A_994 = arith.constant 55 : i32
        %broadcast_in_dim3A_995 = vector.broadcast %broadcast_in_dim3A_994 : i32 to vector<16xi32>
        %gather3A_996 = tpu.vector_load_idx %arg25[%iota3A, %broadcast_in_dim3A_995] : memref<16x128xf32, #tpu.memory_space<vmem>>[vector<16xi32>, vector<16xi32>], vector<16xf32>,
        %broadcast_in_dim3A_997 = arith.constant 55 : i32
        %broadcast_in_dim3A_998 = vector.broadcast %broadcast_in_dim3A_997 : i32 to vector<16xi32>
        %mul3A_999 = arith.mulf %gather3A_996, %mul3A_662 : vector<16xf32>
        tpu.vector_store_idx %arg26[%iota3A, %broadcast_in_dim3A_998], %mul3A_999 : memref<16x128xf32, #tpu.memory_space<vmem>>[vector<16xi32>, vector<16xi32>], vector<16xf32>,
        %broadcast_in_dim3A_1000 = arith.constant 56 : i32
        %broadcast_in_dim3A_1001 = vector.broadcast %broadcast_in_dim3A_1000 : i32 to vector<16xi32>
        %gather3A_1002 = tpu.vector_load_idx %arg25[%iota3A, %broadcast_in_dim3A_1001] : memref<16x128xf32, #tpu.memory_space<vmem>>[vector<16xi32>, vector<16xi32>], vector<16xf32>,
        %broadcast_in_dim3A_1003 = arith.constant 56 : i32
        %broadcast_in_dim3A_1004 = vector.broadcast %broadcast_in_dim3A_1003 : i32 to vector<16xi32>
        %mul3A_1005 = arith.mulf %gather3A_1002, %mul3A_662 : vector<16xf32>
        tpu.vector_store_idx %arg26[%iota3A, %broadcast_in_dim3A_1004], %mul3A_1005 : memref<16x128xf32, #tpu.memory_space<vmem>>[vector<16xi32>, vector<16xi32>], vector<16xf32>,
        %broadcast_in_dim3A_1006 = arith.constant 57 : i32
        %broadcast_in_dim3A_1007 = vector.broadcast %broadcast_in_dim3A_1006 : i32 to vector<16xi32>
        %gather3A_1008 = tpu.vector_load_idx %arg25[%iota3A, %broadcast_in_dim3A_1007] : memref<16x128xf32, #tpu.memory_space<vmem>>[vector<16xi32>, vector<16xi32>], vector<16xf32>,
        %broadcast_in_dim3A_1009 = arith.constant 57 : i32
        %broadcast_in_dim3A_1010 = vector.broadcast %broadcast_in_dim3A_1009 : i32 to vector<16xi32>
        %mul3A_1011 = arith.mulf %gather3A_1008, %mul3A_662 : vector<16xf32>
        tpu.vector_store_idx %arg26[%iota3A, %broadcast_in_dim3A_1010], %mul3A_1011 : memref<16x128xf32, #tpu.memory_space<vmem>>[vector<16xi32>, vector<16xi32>], vector<16xf32>,
        %broadcast_in_dim3A_1012 = arith.constant 58 : i32
        %broadcast_in_dim3A_1013 = vector.broadcast %broadcast_in_dim3A_1012 : i32 to vector<16xi32>
        %gather3A_1014 = tpu.vector_load_idx %arg25[%iota3A, %broadcast_in_dim3A_1013] : memref<16x128xf32, #tpu.memory_space<vmem>>[vector<16xi32>, vector<16xi32>], vector<16xf32>,
        %broadcast_in_dim3A_1015 = arith.constant 58 : i32
        %broadcast_in_dim3A_1016 = vector.broadcast %broadcast_in_dim3A_1015 : i32 to vector<16xi32>
        %mul3A_1017 = arith.mulf %gather3A_1014, %mul3A_662 : vector<16xf32>
        tpu.vector_store_idx %arg26[%iota3A, %broadcast_in_dim3A_1016], %mul3A_1017 : memref<16x128xf32, #tpu.memory_space<vmem>>[vector<16xi32>, vector<16xi32>], vector<16xf32>,
        %broadcast_in_dim3A_1018 = arith.constant 59 : i32
        %broadcast_in_dim3A_1019 = vector.broadcast %broadcast_in_dim3A_1018 : i32 to vector<16xi32>
        %gather3A_1020 = tpu.vector_load_idx %arg25[%iota3A, %broadcast_in_dim3A_1019] : memref<16x128xf32, #tpu.memory_space<vmem>>[vector<16xi32>, vector<16xi32>], vector<16xf32>,
        %broadcast_in_dim3A_1021 = arith.constant 59 : i32
        %broadcast_in_dim3A_1022 = vector.broadcast %broadcast_in_dim3A_1021 : i32 to vector<16xi32>
        %mul3A_1023 = arith.mulf %gather3A_1020, %mul3A_662 : vector<16xf32>
        tpu.vector_store_idx %arg26[%iota3A, %broadcast_in_dim3A_1022], %mul3A_1023 : memref<16x128xf32, #tpu.memory_space<vmem>>[vector<16xi32>, vector<16xi32>], vector<16xf32>,
        %broadcast_in_dim3A_1024 = arith.constant 60 : i32
        %broadcast_in_dim3A_1025 = vector.broadcast %broadcast_in_dim3A_1024 : i32 to vector<16xi32>
        %gather3A_1026 = tpu.vector_load_idx %arg25[%iota3A, %broadcast_in_dim3A_1025] : memref<16x128xf32, #tpu.memory_space<vmem>>[vector<16xi32>, vector<16xi32>], vector<16xf32>,
        %broadcast_in_dim3A_1027 = arith.constant 60 : i32
        %broadcast_in_dim3A_1028 = vector.broadcast %broadcast_in_dim3A_1027 : i32 to vector<16xi32>
        %mul3A_1029 = arith.mulf %gather3A_1026, %mul3A_662 : vector<16xf32>
        tpu.vector_store_idx %arg26[%iota3A, %broadcast_in_dim3A_1028], %mul3A_1029 : memref<16x128xf32, #tpu.memory_space<vmem>>[vector<16xi32>, vector<16xi32>], vector<16xf32>,
        %broadcast_in_dim3A_1030 = arith.constant 61 : i32
        %broadcast_in_dim3A_1031 = vector.broadcast %broadcast_in_dim3A_1030 : i32 to vector<16xi32>
        %gather3A_1032 = tpu.vector_load_idx %arg25[%iota3A, %broadcast_in_dim3A_1031] : memref<16x128xf32, #tpu.memory_space<vmem>>[vector<16xi32>, vector<16xi32>], vector<16xf32>,
        %broadcast_in_dim3A_1033 = arith.constant 61 : i32
        %broadcast_in_dim3A_1034 = vector.broadcast %broadcast_in_dim3A_1033 : i32 to vector<16xi32>
        %mul3A_1035 = arith.mulf %gather3A_1032, %mul3A_662 : vector<16xf32>
        tpu.vector_store_idx %arg26[%iota3A, %broadcast_in_dim3A_1034], %mul3A_1035 : memref<16x128xf32, #tpu.memory_space<vmem>>[vector<16xi32>, vector<16xi32>], vector<16xf32>,
        %broadcast_in_dim3A_1036 = arith.constant 62 : i32
        %broadcast_in_dim3A_1037 = vector.broadcast %broadcast_in_dim3A_1036 : i32 to vector<16xi32>
        %gather3A_1038 = tpu.vector_load_idx %arg25[%iota3A, %broadcast_in_dim3A_1037] : memref<16x128xf32, #tpu.memory_space<vmem>>[vector<16xi32>, vector<16xi32>], vector<16xf32>,
        %broadcast_in_dim3A_1039 = arith.constant 62 : i32
        %broadcast_in_dim3A_1040 = vector.broadcast %broadcast_in_dim3A_1039 : i32 to vector<16xi32>
        %mul3A_1041 = arith.mulf %gather3A_1038, %mul3A_662 : vector<16xf32>
        tpu.vector_store_idx %arg26[%iota3A, %broadcast_in_dim3A_1040], %mul3A_1041 : memref<16x128xf32, #tpu.memory_space<vmem>>[vector<16xi32>, vector<16xi32>], vector<16xf32>,
        %broadcast_in_dim3A_1042 = arith.constant 63 : i32
        %broadcast_in_dim3A_1043 = vector.broadcast %broadcast_in_dim3A_1042 : i32 to vector<16xi32>
        %gather3A_1044 = tpu.vector_load_idx %arg25[%iota3A, %broadcast_in_dim3A_1043] : memref<16x128xf32, #tpu.memory_space<vmem>>[vector<16xi32>, vector<16xi32>], vector<16xf32>,
        %broadcast_in_dim3A_1045 = arith.constant 63 : i32
        %broadcast_in_dim3A_1046 = vector.broadcast %broadcast_in_dim3A_1045 : i32 to vector<16xi32>
        %mul3A_1047 = arith.mulf %gather3A_1044, %mul3A_662 : vector<16xf32>
        tpu.vector_store_idx %arg26[%iota3A, %broadcast_in_dim3A_1046], %mul3A_1047 : memref<16x128xf32, #tpu.memory_space<vmem>>[vector<16xi32>, vector<16xi32>], vector<16xf32>,
        %broadcast_in_dim3A_1048 = arith.constant 64 : i32
        %broadcast_in_dim3A_1049 = vector.broadcast %broadcast_in_dim3A_1048 : i32 to vector<16xi32>
        %gather3A_1050 = tpu.vector_load_idx %arg25[%iota3A, %broadcast_in_dim3A_1049] : memref<16x128xf32, #tpu.memory_space<vmem>>[vector<16xi32>, vector<16xi32>], vector<16xf32>,
        %broadcast_in_dim3A_1051 = arith.constant 64 : i32
        %broadcast_in_dim3A_1052 = vector.broadcast %broadcast_in_dim3A_1051 : i32 to vector<16xi32>
        %mul3A_1053 = arith.mulf %gather3A_1050, %mul3A_662 : vector<16xf32>
        tpu.vector_store_idx %arg26[%iota3A, %broadcast_in_dim3A_1052], %mul3A_1053 : memref<16x128xf32, #tpu.memory_space<vmem>>[vector<16xi32>, vector<16xi32>], vector<16xf32>,
        %broadcast_in_dim3A_1054 = arith.constant 65 : i32
        %broadcast_in_dim3A_1055 = vector.broadcast %broadcast_in_dim3A_1054 : i32 to vector<16xi32>
        %gather3A_1056 = tpu.vector_load_idx %arg25[%iota3A, %broadcast_in_dim3A_1055] : memref<16x128xf32, #tpu.memory_space<vmem>>[vector<16xi32>, vector<16xi32>], vector<16xf32>,
        %broadcast_in_dim3A_1057 = arith.constant 65 : i32
        %broadcast_in_dim3A_1058 = vector.broadcast %broadcast_in_dim3A_1057 : i32 to vector<16xi32>
        %mul3A_1059 = arith.mulf %gather3A_1056, %mul3A_662 : vector<16xf32>
        tpu.vector_store_idx %arg26[%iota3A, %broadcast_in_dim3A_1058], %mul3A_1059 : memref<16x128xf32, #tpu.memory_space<vmem>>[vector<16xi32>, vector<16xi32>], vector<16xf32>,
        %broadcast_in_dim3A_1060 = arith.constant 66 : i32
        %broadcast_in_dim3A_1061 = vector.broadcast %broadcast_in_dim3A_1060 : i32 to vector<16xi32>
        %gather3A_1062 = tpu.vector_load_idx %arg25[%iota3A, %broadcast_in_dim3A_1061] : memref<16x128xf32, #tpu.memory_space<vmem>>[vector<16xi32>, vector<16xi32>], vector<16xf32>,
        %broadcast_in_dim3A_1063 = arith.constant 66 : i32
        %broadcast_in_dim3A_1064 = vector.broadcast %broadcast_in_dim3A_1063 : i32 to vector<16xi32>
        %mul3A_1065 = arith.mulf %gather3A_1062, %mul3A_662 : vector<16xf32>
        tpu.vector_store_idx %arg26[%iota3A, %broadcast_in_dim3A_1064], %mul3A_1065 : memref<16x128xf32, #tpu.memory_space<vmem>>[vector<16xi32>, vector<16xi32>], vector<16xf32>,
        %broadcast_in_dim3A_1066 = arith.constant 67 : i32
        %broadcast_in_dim3A_1067 = vector.broadcast %broadcast_in_dim3A_1066 : i32 to vector<16xi32>
        %gather3A_1068 = tpu.vector_load_idx %arg25[%iota3A, %broadcast_in_dim3A_1067] : memref<16x128xf32, #tpu.memory_space<vmem>>[vector<16xi32>, vector<16xi32>], vector<16xf32>,
        %broadcast_in_dim3A_1069 = arith.constant 67 : i32
        %broadcast_in_dim3A_1070 = vector.broadcast %broadcast_in_dim3A_1069 : i32 to vector<16xi32>
        %mul3A_1071 = arith.mulf %gather3A_1068, %mul3A_662 : vector<16xf32>
        tpu.vector_store_idx %arg26[%iota3A, %broadcast_in_dim3A_1070], %mul3A_1071 : memref<16x128xf32, #tpu.memory_space<vmem>>[vector<16xi32>, vector<16xi32>], vector<16xf32>,
        %broadcast_in_dim3A_1072 = arith.constant 68 : i32
        %broadcast_in_dim3A_1073 = vector.broadcast %broadcast_in_dim3A_1072 : i32 to vector<16xi32>
        %gather3A_1074 = tpu.vector_load_idx %arg25[%iota3A, %broadcast_in_dim3A_1073] : memref<16x128xf32, #tpu.memory_space<vmem>>[vector<16xi32>, vector<16xi32>], vector<16xf32>,
        %broadcast_in_dim3A_1075 = arith.constant 68 : i32
        %broadcast_in_dim3A_1076 = vector.broadcast %broadcast_in_dim3A_1075 : i32 to vector<16xi32>
        %mul3A_1077 = arith.mulf %gather3A_1074, %mul3A_662 : vector<16xf32>
        tpu.vector_store_idx %arg26[%iota3A, %broadcast_in_dim3A_1076], %mul3A_1077 : memref<16x128xf32, #tpu.memory_space<vmem>>[vector<16xi32>, vector<16xi32>], vector<16xf32>,
        %broadcast_in_dim3A_1078 = arith.constant 69 : i32
        %broadcast_in_dim3A_1079 = vector.broadcast %broadcast_in_dim3A_1078 : i32 to vector<16xi32>
        %gather3A_1080 = tpu.vector_load_idx %arg25[%iota3A, %broadcast_in_dim3A_1079] : memref<16x128xf32, #tpu.memory_space<vmem>>[vector<16xi32>, vector<16xi32>], vector<16xf32>,
        %broadcast_in_dim3A_1081 = arith.constant 69 : i32
        %broadcast_in_dim3A_1082 = vector.broadcast %broadcast_in_dim3A_1081 : i32 to vector<16xi32>
        %mul3A_1083 = arith.mulf %gather3A_1080, %mul3A_662 : vector<16xf32>
        tpu.vector_store_idx %arg26[%iota3A, %broadcast_in_dim3A_1082], %mul3A_1083 : memref<16x128xf32, #tpu.memory_space<vmem>>[vector<16xi32>, vector<16xi32>], vector<16xf32>,
        %broadcast_in_dim3A_1084 = arith.constant 70 : i32
        %broadcast_in_dim3A_1085 = vector.broadcast %broadcast_in_dim3A_1084 : i32 to vector<16xi32>
        %gather3A_1086 = tpu.vector_load_idx %arg25[%iota3A, %broadcast_in_dim3A_1085] : memref<16x128xf32, #tpu.memory_space<vmem>>[vector<16xi32>, vector<16xi32>], vector<16xf32>,
        %broadcast_in_dim3A_1087 = arith.constant 70 : i32
        %broadcast_in_dim3A_1088 = vector.broadcast %broadcast_in_dim3A_1087 : i32 to vector<16xi32>
        %mul3A_1089 = arith.mulf %gather3A_1086, %mul3A_662 : vector<16xf32>
        tpu.vector_store_idx %arg26[%iota3A, %broadcast_in_dim3A_1088], %mul3A_1089 : memref<16x128xf32, #tpu.memory_space<vmem>>[vector<16xi32>, vector<16xi32>], vector<16xf32>,
        %broadcast_in_dim3A_1090 = arith.constant 71 : i32
        %broadcast_in_dim3A_1091 = vector.broadcast %broadcast_in_dim3A_1090 : i32 to vector<16xi32>
        %gather3A_1092 = tpu.vector_load_idx %arg25[%iota3A, %broadcast_in_dim3A_1091] : memref<16x128xf32, #tpu.memory_space<vmem>>[vector<16xi32>, vector<16xi32>], vector<16xf32>,
        %broadcast_in_dim3A_1093 = arith.constant 71 : i32
        %broadcast_in_dim3A_1094 = vector.broadcast %broadcast_in_dim3A_1093 : i32 to vector<16xi32>
        %mul3A_1095 = arith.mulf %gather3A_1092, %mul3A_662 : vector<16xf32>
        tpu.vector_store_idx %arg26[%iota3A, %broadcast_in_dim3A_1094], %mul3A_1095 : memref<16x128xf32, #tpu.memory_space<vmem>>[vector<16xi32>, vector<16xi32>], vector<16xf32>,
        %broadcast_in_dim3A_1096 = arith.constant 72 : i32
        %broadcast_in_dim3A_1097 = vector.broadcast %broadcast_in_dim3A_1096 : i32 to vector<16xi32>
        %gather3A_1098 = tpu.vector_load_idx %arg25[%iota3A, %broadcast_in_dim3A_1097] : memref<16x128xf32, #tpu.memory_space<vmem>>[vector<16xi32>, vector<16xi32>], vector<16xf32>,
        %broadcast_in_dim3A_1099 = arith.constant 72 : i32
        %broadcast_in_dim3A_1100 = vector.broadcast %broadcast_in_dim3A_1099 : i32 to vector<16xi32>
        %mul3A_1101 = arith.mulf %gather3A_1098, %mul3A_662 : vector<16xf32>
        tpu.vector_store_idx %arg26[%iota3A, %broadcast_in_dim3A_1100], %mul3A_1101 : memref<16x128xf32, #tpu.memory_space<vmem>>[vector<16xi32>, vector<16xi32>], vector<16xf32>,
        %broadcast_in_dim3A_1102 = arith.constant 73 : i32
        %broadcast_in_dim3A_1103 = vector.broadcast %broadcast_in_dim3A_1102 : i32 to vector<16xi32>
        %gather3A_1104 = tpu.vector_load_idx %arg25[%iota3A, %broadcast_in_dim3A_1103] : memref<16x128xf32, #tpu.memory_space<vmem>>[vector<16xi32>, vector<16xi32>], vector<16xf32>,
        %broadcast_in_dim3A_1105 = arith.constant 73 : i32
        %broadcast_in_dim3A_1106 = vector.broadcast %broadcast_in_dim3A_1105 : i32 to vector<16xi32>
        %mul3A_1107 = arith.mulf %gather3A_1104, %mul3A_662 : vector<16xf32>
        tpu.vector_store_idx %arg26[%iota3A, %broadcast_in_dim3A_1106], %mul3A_1107 : memref<16x128xf32, #tpu.memory_space<vmem>>[vector<16xi32>, vector<16xi32>], vector<16xf32>,
        %broadcast_in_dim3A_1108 = arith.constant 74 : i32
        %broadcast_in_dim3A_1109 = vector.broadcast %broadcast_in_dim3A_1108 : i32 to vector<16xi32>
        %gather3A_1110 = tpu.vector_load_idx %arg25[%iota3A, %broadcast_in_dim3A_1109] : memref<16x128xf32, #tpu.memory_space<vmem>>[vector<16xi32>, vector<16xi32>], vector<16xf32>,
        %broadcast_in_dim3A_1111 = arith.constant 74 : i32
        %broadcast_in_dim3A_1112 = vector.broadcast %broadcast_in_dim3A_1111 : i32 to vector<16xi32>
        %mul3A_1113 = arith.mulf %gather3A_1110, %mul3A_662 : vector<16xf32>
        tpu.vector_store_idx %arg26[%iota3A, %broadcast_in_dim3A_1112], %mul3A_1113 : memref<16x128xf32, #tpu.memory_space<vmem>>[vector<16xi32>, vector<16xi32>], vector<16xf32>,
        %broadcast_in_dim3A_1114 = arith.constant 75 : i32
        %broadcast_in_dim3A_1115 = vector.broadcast %broadcast_in_dim3A_1114 : i32 to vector<16xi32>
        %gather3A_1116 = tpu.vector_load_idx %arg25[%iota3A, %broadcast_in_dim3A_1115] : memref<16x128xf32, #tpu.memory_space<vmem>>[vector<16xi32>, vector<16xi32>], vector<16xf32>,
        %broadcast_in_dim3A_1117 = arith.constant 75 : i32
        %broadcast_in_dim3A_1118 = vector.broadcast %broadcast_in_dim3A_1117 : i32 to vector<16xi32>
        %mul3A_1119 = arith.mulf %gather3A_1116, %mul3A_662 : vector<16xf32>
        tpu.vector_store_idx %arg26[%iota3A, %broadcast_in_dim3A_1118], %mul3A_1119 : memref<16x128xf32, #tpu.memory_space<vmem>>[vector<16xi32>, vector<16xi32>], vector<16xf32>,
        %broadcast_in_dim3A_1120 = arith.constant 76 : i32
        %broadcast_in_dim3A_1121 = vector.broadcast %broadcast_in_dim3A_1120 : i32 to vector<16xi32>
        %gather3A_1122 = tpu.vector_load_idx %arg25[%iota3A, %broadcast_in_dim3A_1121] : memref<16x128xf32, #tpu.memory_space<vmem>>[vector<16xi32>, vector<16xi32>], vector<16xf32>,
        %broadcast_in_dim3A_1123 = arith.constant 76 : i32
        %broadcast_in_dim3A_1124 = vector.broadcast %broadcast_in_dim3A_1123 : i32 to vector<16xi32>
        %mul3A_1125 = arith.mulf %gather3A_1122, %mul3A_662 : vector<16xf32>
        tpu.vector_store_idx %arg26[%iota3A, %broadcast_in_dim3A_1124], %mul3A_1125 : memref<16x128xf32, #tpu.memory_space<vmem>>[vector<16xi32>, vector<16xi32>], vector<16xf32>,
        %broadcast_in_dim3A_1126 = arith.constant 77 : i32
        %broadcast_in_dim3A_1127 = vector.broadcast %broadcast_in_dim3A_1126 : i32 to vector<16xi32>
        %gather3A_1128 = tpu.vector_load_idx %arg25[%iota3A, %broadcast_in_dim3A_1127] : memref<16x128xf32, #tpu.memory_space<vmem>>[vector<16xi32>, vector<16xi32>], vector<16xf32>,
        %broadcast_in_dim3A_1129 = arith.constant 77 : i32
        %broadcast_in_dim3A_1130 = vector.broadcast %broadcast_in_dim3A_1129 : i32 to vector<16xi32>
        %mul3A_1131 = arith.mulf %gather3A_1128, %mul3A_662 : vector<16xf32>
        tpu.vector_store_idx %arg26[%iota3A, %broadcast_in_dim3A_1130], %mul3A_1131 : memref<16x128xf32, #tpu.memory_space<vmem>>[vector<16xi32>, vector<16xi32>], vector<16xf32>,
        %broadcast_in_dim3A_1132 = arith.constant 78 : i32
        %broadcast_in_dim3A_1133 = vector.broadcast %broadcast_in_dim3A_1132 : i32 to vector<16xi32>
        %gather3A_1134 = tpu.vector_load_idx %arg25[%iota3A, %broadcast_in_dim3A_1133] : memref<16x128xf32, #tpu.memory_space<vmem>>[vector<16xi32>, vector<16xi32>], vector<16xf32>,
        %broadcast_in_dim3A_1135 = arith.constant 78 : i32
        %broadcast_in_dim3A_1136 = vector.broadcast %broadcast_in_dim3A_1135 : i32 to vector<16xi32>
        %mul3A_1137 = arith.mulf %gather3A_1134, %mul3A_662 : vector<16xf32>
        tpu.vector_store_idx %arg26[%iota3A, %broadcast_in_dim3A_1136], %mul3A_1137 : memref<16x128xf32, #tpu.memory_space<vmem>>[vector<16xi32>, vector<16xi32>], vector<16xf32>,
        %broadcast_in_dim3A_1138 = arith.constant 79 : i32
        %broadcast_in_dim3A_1139 = vector.broadcast %broadcast_in_dim3A_1138 : i32 to vector<16xi32>
        %gather3A_1140 = tpu.vector_load_idx %arg25[%iota3A, %broadcast_in_dim3A_1139] : memref<16x128xf32, #tpu.memory_space<vmem>>[vector<16xi32>, vector<16xi32>], vector<16xf32>,
        %broadcast_in_dim3A_1141 = arith.constant 79 : i32
        %broadcast_in_dim3A_1142 = vector.broadcast %broadcast_in_dim3A_1141 : i32 to vector<16xi32>
        %mul3A_1143 = arith.mulf %gather3A_1140, %mul3A_662 : vector<16xf32>
        tpu.vector_store_idx %arg26[%iota3A, %broadcast_in_dim3A_1142], %mul3A_1143 : memref<16x128xf32, #tpu.memory_space<vmem>>[vector<16xi32>, vector<16xi32>], vector<16xf32>,
        %broadcast_in_dim3A_1144 = arith.constant 80 : i32
        %broadcast_in_dim3A_1145 = vector.broadcast %broadcast_in_dim3A_1144 : i32 to vector<16xi32>
        %gather3A_1146 = tpu.vector_load_idx %arg25[%iota3A, %broadcast_in_dim3A_1145] : memref<16x128xf32, #tpu.memory_space<vmem>>[vector<16xi32>, vector<16xi32>], vector<16xf32>,
        %broadcast_in_dim3A_1147 = arith.constant 80 : i32
        %broadcast_in_dim3A_1148 = vector.broadcast %broadcast_in_dim3A_1147 : i32 to vector<16xi32>
        %mul3A_1149 = arith.mulf %gather3A_1146, %mul3A_662 : vector<16xf32>
        tpu.vector_store_idx %arg26[%iota3A, %broadcast_in_dim3A_1148], %mul3A_1149 : memref<16x128xf32, #tpu.memory_space<vmem>>[vector<16xi32>, vector<16xi32>], vector<16xf32>,
        %broadcast_in_dim3A_1150 = arith.constant 81 : i32
        %broadcast_in_dim3A_1151 = vector.broadcast %broadcast_in_dim3A_1150 : i32 to vector<16xi32>
        %gather3A_1152 = tpu.vector_load_idx %arg25[%iota3A, %broadcast_in_dim3A_1151] : memref<16x128xf32, #tpu.memory_space<vmem>>[vector<16xi32>, vector<16xi32>], vector<16xf32>,
        %broadcast_in_dim3A_1153 = arith.constant 81 : i32
        %broadcast_in_dim3A_1154 = vector.broadcast %broadcast_in_dim3A_1153 : i32 to vector<16xi32>
        %mul3A_1155 = arith.mulf %gather3A_1152, %mul3A_662 : vector<16xf32>
        tpu.vector_store_idx %arg26[%iota3A, %broadcast_in_dim3A_1154], %mul3A_1155 : memref<16x128xf32, #tpu.memory_space<vmem>>[vector<16xi32>, vector<16xi32>], vector<16xf32>,
        %broadcast_in_dim3A_1156 = arith.constant 82 : i32
        %broadcast_in_dim3A_1157 = vector.broadcast %broadcast_in_dim3A_1156 : i32 to vector<16xi32>
        %gather3A_1158 = tpu.vector_load_idx %arg25[%iota3A, %broadcast_in_dim3A_1157] : memref<16x128xf32, #tpu.memory_space<vmem>>[vector<16xi32>, vector<16xi32>], vector<16xf32>,
        %broadcast_in_dim3A_1159 = arith.constant 82 : i32
        %broadcast_in_dim3A_1160 = vector.broadcast %broadcast_in_dim3A_1159 : i32 to vector<16xi32>
        %mul3A_1161 = arith.mulf %gather3A_1158, %mul3A_662 : vector<16xf32>
        tpu.vector_store_idx %arg26[%iota3A, %broadcast_in_dim3A_1160], %mul3A_1161 : memref<16x128xf32, #tpu.memory_space<vmem>>[vector<16xi32>, vector<16xi32>], vector<16xf32>,
        %broadcast_in_dim3A_1162 = arith.constant 83 : i32
        %broadcast_in_dim3A_1163 = vector.broadcast %broadcast_in_dim3A_1162 : i32 to vector<16xi32>
        %gather3A_1164 = tpu.vector_load_idx %arg25[%iota3A, %broadcast_in_dim3A_1163] : memref<16x128xf32, #tpu.memory_space<vmem>>[vector<16xi32>, vector<16xi32>], vector<16xf32>,
        %broadcast_in_dim3A_1165 = arith.constant 83 : i32
        %broadcast_in_dim3A_1166 = vector.broadcast %broadcast_in_dim3A_1165 : i32 to vector<16xi32>
        %mul3A_1167 = arith.mulf %gather3A_1164, %mul3A_662 : vector<16xf32>
        tpu.vector_store_idx %arg26[%iota3A, %broadcast_in_dim3A_1166], %mul3A_1167 : memref<16x128xf32, #tpu.memory_space<vmem>>[vector<16xi32>, vector<16xi32>], vector<16xf32>,
        %broadcast_in_dim3A_1168 = arith.constant 84 : i32
        %broadcast_in_dim3A_1169 = vector.broadcast %broadcast_in_dim3A_1168 : i32 to vector<16xi32>
        %gather3A_1170 = tpu.vector_load_idx %arg25[%iota3A, %broadcast_in_dim3A_1169] : memref<16x128xf32, #tpu.memory_space<vmem>>[vector<16xi32>, vector<16xi32>], vector<16xf32>,
        %broadcast_in_dim3A_1171 = arith.constant 84 : i32
        %broadcast_in_dim3A_1172 = vector.broadcast %broadcast_in_dim3A_1171 : i32 to vector<16xi32>
        %mul3A_1173 = arith.mulf %gather3A_1170, %mul3A_662 : vector<16xf32>
        tpu.vector_store_idx %arg26[%iota3A, %broadcast_in_dim3A_1172], %mul3A_1173 : memref<16x128xf32, #tpu.memory_space<vmem>>[vector<16xi32>, vector<16xi32>], vector<16xf32>,
        %broadcast_in_dim3A_1174 = arith.constant 85 : i32
        %broadcast_in_dim3A_1175 = vector.broadcast %broadcast_in_dim3A_1174 : i32 to vector<16xi32>
        %gather3A_1176 = tpu.vector_load_idx %arg25[%iota3A, %broadcast_in_dim3A_1175] : memref<16x128xf32, #tpu.memory_space<vmem>>[vector<16xi32>, vector<16xi32>], vector<16xf32>,
        %broadcast_in_dim3A_1177 = arith.constant 85 : i32
        %broadcast_in_dim3A_1178 = vector.broadcast %broadcast_in_dim3A_1177 : i32 to vector<16xi32>
        %mul3A_1179 = arith.mulf %gather3A_1176, %mul3A_662 : vector<16xf32>
        tpu.vector_store_idx %arg26[%iota3A, %broadcast_in_dim3A_1178], %mul3A_1179 : memref<16x128xf32, #tpu.memory_space<vmem>>[vector<16xi32>, vector<16xi32>], vector<16xf32>,
        %broadcast_in_dim3A_1180 = arith.constant 86 : i32
        %broadcast_in_dim3A_1181 = vector.broadcast %broadcast_in_dim3A_1180 : i32 to vector<16xi32>
        %gather3A_1182 = tpu.vector_load_idx %arg25[%iota3A, %broadcast_in_dim3A_1181] : memref<16x128xf32, #tpu.memory_space<vmem>>[vector<16xi32>, vector<16xi32>], vector<16xf32>,
        %broadcast_in_dim3A_1183 = arith.constant 86 : i32
        %broadcast_in_dim3A_1184 = vector.broadcast %broadcast_in_dim3A_1183 : i32 to vector<16xi32>
        %mul3A_1185 = arith.mulf %gather3A_1182, %mul3A_662 : vector<16xf32>
        tpu.vector_store_idx %arg26[%iota3A, %broadcast_in_dim3A_1184], %mul3A_1185 : memref<16x128xf32, #tpu.memory_space<vmem>>[vector<16xi32>, vector<16xi32>], vector<16xf32>,
        %broadcast_in_dim3A_1186 = arith.constant 87 : i32
        %broadcast_in_dim3A_1187 = vector.broadcast %broadcast_in_dim3A_1186 : i32 to vector<16xi32>
        %gather3A_1188 = tpu.vector_load_idx %arg25[%iota3A, %broadcast_in_dim3A_1187] : memref<16x128xf32, #tpu.memory_space<vmem>>[vector<16xi32>, vector<16xi32>], vector<16xf32>,
        %broadcast_in_dim3A_1189 = arith.constant 87 : i32
        %broadcast_in_dim3A_1190 = vector.broadcast %broadcast_in_dim3A_1189 : i32 to vector<16xi32>
        %mul3A_1191 = arith.mulf %gather3A_1188, %mul3A_662 : vector<16xf32>
        tpu.vector_store_idx %arg26[%iota3A, %broadcast_in_dim3A_1190], %mul3A_1191 : memref<16x128xf32, #tpu.memory_space<vmem>>[vector<16xi32>, vector<16xi32>], vector<16xf32>,
        %broadcast_in_dim3A_1192 = arith.constant 88 : i32
        %broadcast_in_dim3A_1193 = vector.broadcast %broadcast_in_dim3A_1192 : i32 to vector<16xi32>
        %gather3A_1194 = tpu.vector_load_idx %arg25[%iota3A, %broadcast_in_dim3A_1193] : memref<16x128xf32, #tpu.memory_space<vmem>>[vector<16xi32>, vector<16xi32>], vector<16xf32>,
        %broadcast_in_dim3A_1195 = arith.constant 88 : i32
        %broadcast_in_dim3A_1196 = vector.broadcast %broadcast_in_dim3A_1195 : i32 to vector<16xi32>
        %mul3A_1197 = arith.mulf %gather3A_1194, %mul3A_662 : vector<16xf32>
        tpu.vector_store_idx %arg26[%iota3A, %broadcast_in_dim3A_1196], %mul3A_1197 : memref<16x128xf32, #tpu.memory_space<vmem>>[vector<16xi32>, vector<16xi32>], vector<16xf32>,
        %broadcast_in_dim3A_1198 = arith.constant 89 : i32
        %broadcast_in_dim3A_1199 = vector.broadcast %broadcast_in_dim3A_1198 : i32 to vector<16xi32>
        %gather3A_1200 = tpu.vector_load_idx %arg25[%iota3A, %broadcast_in_dim3A_1199] : memref<16x128xf32, #tpu.memory_space<vmem>>[vector<16xi32>, vector<16xi32>], vector<16xf32>,
        %broadcast_in_dim3A_1201 = arith.constant 89 : i32
        %broadcast_in_dim3A_1202 = vector.broadcast %broadcast_in_dim3A_1201 : i32 to vector<16xi32>
        %mul3A_1203 = arith.mulf %gather3A_1200, %mul3A_662 : vector<16xf32>
        tpu.vector_store_idx %arg26[%iota3A, %broadcast_in_dim3A_1202], %mul3A_1203 : memref<16x128xf32, #tpu.memory_space<vmem>>[vector<16xi32>, vector<16xi32>], vector<16xf32>,
        %broadcast_in_dim3A_1204 = arith.constant 90 : i32
        %broadcast_in_dim3A_1205 = vector.broadcast %broadcast_in_dim3A_1204 : i32 to vector<16xi32>
        %gather3A_1206 = tpu.vector_load_idx %arg25[%iota3A, %broadcast_in_dim3A_1205] : memref<16x128xf32, #tpu.memory_space<vmem>>[vector<16xi32>, vector<16xi32>], vector<16xf32>,
        %broadcast_in_dim3A_1207 = arith.constant 90 : i32
        %broadcast_in_dim3A_1208 = vector.broadcast %broadcast_in_dim3A_1207 : i32 to vector<16xi32>
        %mul3A_1209 = arith.mulf %gather3A_1206, %mul3A_662 : vector<16xf32>
        tpu.vector_store_idx %arg26[%iota3A, %broadcast_in_dim3A_1208], %mul3A_1209 : memref<16x128xf32, #tpu.memory_space<vmem>>[vector<16xi32>, vector<16xi32>], vector<16xf32>,
        %broadcast_in_dim3A_1210 = arith.constant 91 : i32
        %broadcast_in_dim3A_1211 = vector.broadcast %broadcast_in_dim3A_1210 : i32 to vector<16xi32>
        %gather3A_1212 = tpu.vector_load_idx %arg25[%iota3A, %broadcast_in_dim3A_1211] : memref<16x128xf32, #tpu.memory_space<vmem>>[vector<16xi32>, vector<16xi32>], vector<16xf32>,
        %broadcast_in_dim3A_1213 = arith.constant 91 : i32
        %broadcast_in_dim3A_1214 = vector.broadcast %broadcast_in_dim3A_1213 : i32 to vector<16xi32>
        %mul3A_1215 = arith.mulf %gather3A_1212, %mul3A_662 : vector<16xf32>
        tpu.vector_store_idx %arg26[%iota3A, %broadcast_in_dim3A_1214], %mul3A_1215 : memref<16x128xf32, #tpu.memory_space<vmem>>[vector<16xi32>, vector<16xi32>], vector<16xf32>,
        %broadcast_in_dim3A_1216 = arith.constant 92 : i32
        %broadcast_in_dim3A_1217 = vector.broadcast %broadcast_in_dim3A_1216 : i32 to vector<16xi32>
        %gather3A_1218 = tpu.vector_load_idx %arg25[%iota3A, %broadcast_in_dim3A_1217] : memref<16x128xf32, #tpu.memory_space<vmem>>[vector<16xi32>, vector<16xi32>], vector<16xf32>,
        %broadcast_in_dim3A_1219 = arith.constant 92 : i32
        %broadcast_in_dim3A_1220 = vector.broadcast %broadcast_in_dim3A_1219 : i32 to vector<16xi32>
        %mul3A_1221 = arith.mulf %gather3A_1218, %mul3A_662 : vector<16xf32>
        tpu.vector_store_idx %arg26[%iota3A, %broadcast_in_dim3A_1220], %mul3A_1221 : memref<16x128xf32, #tpu.memory_space<vmem>>[vector<16xi32>, vector<16xi32>], vector<16xf32>,
        %broadcast_in_dim3A_1222 = arith.constant 93 : i32
        %broadcast_in_dim3A_1223 = vector.broadcast %broadcast_in_dim3A_1222 : i32 to vector<16xi32>
        %gather3A_1224 = tpu.vector_load_idx %arg25[%iota3A, %broadcast_in_dim3A_1223] : memref<16x128xf32, #tpu.memory_space<vmem>>[vector<16xi32>, vector<16xi32>], vector<16xf32>,
        %broadcast_in_dim3A_1225 = arith.constant 93 : i32
        %broadcast_in_dim3A_1226 = vector.broadcast %broadcast_in_dim3A_1225 : i32 to vector<16xi32>
        %mul3A_1227 = arith.mulf %gather3A_1224, %mul3A_662 : vector<16xf32>
        tpu.vector_store_idx %arg26[%iota3A, %broadcast_in_dim3A_1226], %mul3A_1227 : memref<16x128xf32, #tpu.memory_space<vmem>>[vector<16xi32>, vector<16xi32>], vector<16xf32>,
        %broadcast_in_dim3A_1228 = arith.constant 94 : i32
        %broadcast_in_dim3A_1229 = vector.broadcast %broadcast_in_dim3A_1228 : i32 to vector<16xi32>
        %gather3A_1230 = tpu.vector_load_idx %arg25[%iota3A, %broadcast_in_dim3A_1229] : memref<16x128xf32, #tpu.memory_space<vmem>>[vector<16xi32>, vector<16xi32>], vector<16xf32>,
        %broadcast_in_dim3A_1231 = arith.constant 94 : i32
        %broadcast_in_dim3A_1232 = vector.broadcast %broadcast_in_dim3A_1231 : i32 to vector<16xi32>
        %mul3A_1233 = arith.mulf %gather3A_1230, %mul3A_662 : vector<16xf32>
        tpu.vector_store_idx %arg26[%iota3A, %broadcast_in_dim3A_1232], %mul3A_1233 : memref<16x128xf32, #tpu.memory_space<vmem>>[vector<16xi32>, vector<16xi32>], vector<16xf32>,
        %broadcast_in_dim3A_1234 = arith.constant 95 : i32
        %broadcast_in_dim3A_1235 = vector.broadcast %broadcast_in_dim3A_1234 : i32 to vector<16xi32>
        %gather3A_1236 = tpu.vector_load_idx %arg25[%iota3A, %broadcast_in_dim3A_1235] : memref<16x128xf32, #tpu.memory_space<vmem>>[vector<16xi32>, vector<16xi32>], vector<16xf32>,
        %broadcast_in_dim3A_1237 = arith.constant 95 : i32
        %broadcast_in_dim3A_1238 = vector.broadcast %broadcast_in_dim3A_1237 : i32 to vector<16xi32>
        %mul3A_1239 = arith.mulf %gather3A_1236, %mul3A_662 : vector<16xf32>
        tpu.vector_store_idx %arg26[%iota3A, %broadcast_in_dim3A_1238], %mul3A_1239 : memref<16x128xf32, #tpu.memory_space<vmem>>[vector<16xi32>, vector<16xi32>], vector<16xf32>,
        %broadcast_in_dim3A_1240 = arith.constant 96 : i32
        %broadcast_in_dim3A_1241 = vector.broadcast %broadcast_in_dim3A_1240 : i32 to vector<16xi32>
        %gather3A_1242 = tpu.vector_load_idx %arg25[%iota3A, %broadcast_in_dim3A_1241] : memref<16x128xf32, #tpu.memory_space<vmem>>[vector<16xi32>, vector<16xi32>], vector<16xf32>,
        %broadcast_in_dim3A_1243 = arith.constant 96 : i32
        %broadcast_in_dim3A_1244 = vector.broadcast %broadcast_in_dim3A_1243 : i32 to vector<16xi32>
        %mul3A_1245 = arith.mulf %gather3A_1242, %mul3A_662 : vector<16xf32>
        tpu.vector_store_idx %arg26[%iota3A, %broadcast_in_dim3A_1244], %mul3A_1245 : memref<16x128xf32, #tpu.memory_space<vmem>>[vector<16xi32>, vector<16xi32>], vector<16xf32>,
        %broadcast_in_dim3A_1246 = arith.constant 97 : i32
        %broadcast_in_dim3A_1247 = vector.broadcast %broadcast_in_dim3A_1246 : i32 to vector<16xi32>
        %gather3A_1248 = tpu.vector_load_idx %arg25[%iota3A, %broadcast_in_dim3A_1247] : memref<16x128xf32, #tpu.memory_space<vmem>>[vector<16xi32>, vector<16xi32>], vector<16xf32>,
        %broadcast_in_dim3A_1249 = arith.constant 97 : i32
        %broadcast_in_dim3A_1250 = vector.broadcast %broadcast_in_dim3A_1249 : i32 to vector<16xi32>
        %mul3A_1251 = arith.mulf %gather3A_1248, %mul3A_662 : vector<16xf32>
        tpu.vector_store_idx %arg26[%iota3A, %broadcast_in_dim3A_1250], %mul3A_1251 : memref<16x128xf32, #tpu.memory_space<vmem>>[vector<16xi32>, vector<16xi32>], vector<16xf32>,
        %broadcast_in_dim3A_1252 = arith.constant 98 : i32
        %broadcast_in_dim3A_1253 = vector.broadcast %broadcast_in_dim3A_1252 : i32 to vector<16xi32>
        %gather3A_1254 = tpu.vector_load_idx %arg25[%iota3A, %broadcast_in_dim3A_1253] : memref<16x128xf32, #tpu.memory_space<vmem>>[vector<16xi32>, vector<16xi32>], vector<16xf32>,
        %broadcast_in_dim3A_1255 = arith.constant 98 : i32
        %broadcast_in_dim3A_1256 = vector.broadcast %broadcast_in_dim3A_1255 : i32 to vector<16xi32>
        %mul3A_1257 = arith.mulf %gather3A_1254, %mul3A_662 : vector<16xf32>
        tpu.vector_store_idx %arg26[%iota3A, %broadcast_in_dim3A_1256], %mul3A_1257 : memref<16x128xf32, #tpu.memory_space<vmem>>[vector<16xi32>, vector<16xi32>], vector<16xf32>,
        %broadcast_in_dim3A_1258 = arith.constant 99 : i32
        %broadcast_in_dim3A_1259 = vector.broadcast %broadcast_in_dim3A_1258 : i32 to vector<16xi32>
        %gather3A_1260 = tpu.vector_load_idx %arg25[%iota3A, %broadcast_in_dim3A_1259] : memref<16x128xf32, #tpu.memory_space<vmem>>[vector<16xi32>, vector<16xi32>], vector<16xf32>,
        %broadcast_in_dim3A_1261 = arith.constant 99 : i32
        %broadcast_in_dim3A_1262 = vector.broadcast %broadcast_in_dim3A_1261 : i32 to vector<16xi32>
        %mul3A_1263 = arith.mulf %gather3A_1260, %mul3A_662 : vector<16xf32>
        tpu.vector_store_idx %arg26[%iota3A, %broadcast_in_dim3A_1262], %mul3A_1263 : memref<16x128xf32, #tpu.memory_space<vmem>>[vector<16xi32>, vector<16xi32>], vector<16xf32>,
        %broadcast_in_dim3A_1264 = arith.constant 100 : i32
        %broadcast_in_dim3A_1265 = vector.broadcast %broadcast_in_dim3A_1264 : i32 to vector<16xi32>
        %gather3A_1266 = tpu.vector_load_idx %arg25[%iota3A, %broadcast_in_dim3A_1265] : memref<16x128xf32, #tpu.memory_space<vmem>>[vector<16xi32>, vector<16xi32>], vector<16xf32>,
        %broadcast_in_dim3A_1267 = arith.constant 100 : i32
        %broadcast_in_dim3A_1268 = vector.broadcast %broadcast_in_dim3A_1267 : i32 to vector<16xi32>
        %mul3A_1269 = arith.mulf %gather3A_1266, %mul3A_662 : vector<16xf32>
        tpu.vector_store_idx %arg26[%iota3A, %broadcast_in_dim3A_1268], %mul3A_1269 : memref<16x128xf32, #tpu.memory_space<vmem>>[vector<16xi32>, vector<16xi32>], vector<16xf32>,
        %broadcast_in_dim3A_1270 = arith.constant 101 : i32
        %broadcast_in_dim3A_1271 = vector.broadcast %broadcast_in_dim3A_1270 : i32 to vector<16xi32>
        %gather3A_1272 = tpu.vector_load_idx %arg25[%iota3A, %broadcast_in_dim3A_1271] : memref<16x128xf32, #tpu.memory_space<vmem>>[vector<16xi32>, vector<16xi32>], vector<16xf32>,
        %broadcast_in_dim3A_1273 = arith.constant 101 : i32
        %broadcast_in_dim3A_1274 = vector.broadcast %broadcast_in_dim3A_1273 : i32 to vector<16xi32>
        %mul3A_1275 = arith.mulf %gather3A_1272, %mul3A_662 : vector<16xf32>
        tpu.vector_store_idx %arg26[%iota3A, %broadcast_in_dim3A_1274], %mul3A_1275 : memref<16x128xf32, #tpu.memory_space<vmem>>[vector<16xi32>, vector<16xi32>], vector<16xf32>,
        %broadcast_in_dim3A_1276 = arith.constant 102 : i32
        %broadcast_in_dim3A_1277 = vector.broadcast %broadcast_in_dim3A_1276 : i32 to vector<16xi32>
        %gather3A_1278 = tpu.vector_load_idx %arg25[%iota3A, %broadcast_in_dim3A_1277] : memref<16x128xf32, #tpu.memory_space<vmem>>[vector<16xi32>, vector<16xi32>], vector<16xf32>,
        %broadcast_in_dim3A_1279 = arith.constant 102 : i32
        %broadcast_in_dim3A_1280 = vector.broadcast %broadcast_in_dim3A_1279 : i32 to vector<16xi32>
        %mul3A_1281 = arith.mulf %gather3A_1278, %mul3A_662 : vector<16xf32>
        tpu.vector_store_idx %arg26[%iota3A, %broadcast_in_dim3A_1280], %mul3A_1281 : memref<16x128xf32, #tpu.memory_space<vmem>>[vector<16xi32>, vector<16xi32>], vector<16xf32>,
        %broadcast_in_dim3A_1282 = arith.constant 103 : i32
        %broadcast_in_dim3A_1283 = vector.broadcast %broadcast_in_dim3A_1282 : i32 to vector<16xi32>
        %gather3A_1284 = tpu.vector_load_idx %arg25[%iota3A, %broadcast_in_dim3A_1283] : memref<16x128xf32, #tpu.memory_space<vmem>>[vector<16xi32>, vector<16xi32>], vector<16xf32>,
        %broadcast_in_dim3A_1285 = arith.constant 103 : i32
        %broadcast_in_dim3A_1286 = vector.broadcast %broadcast_in_dim3A_1285 : i32 to vector<16xi32>
        %mul3A_1287 = arith.mulf %gather3A_1284, %mul3A_662 : vector<16xf32>
        tpu.vector_store_idx %arg26[%iota3A, %broadcast_in_dim3A_1286], %mul3A_1287 : memref<16x128xf32, #tpu.memory_space<vmem>>[vector<16xi32>, vector<16xi32>], vector<16xf32>,
        %broadcast_in_dim3A_1288 = arith.constant 104 : i32
        %broadcast_in_dim3A_1289 = vector.broadcast %broadcast_in_dim3A_1288 : i32 to vector<16xi32>
        %gather3A_1290 = tpu.vector_load_idx %arg25[%iota3A, %broadcast_in_dim3A_1289] : memref<16x128xf32, #tpu.memory_space<vmem>>[vector<16xi32>, vector<16xi32>], vector<16xf32>,
        %broadcast_in_dim3A_1291 = arith.constant 104 : i32
        %broadcast_in_dim3A_1292 = vector.broadcast %broadcast_in_dim3A_1291 : i32 to vector<16xi32>
        %mul3A_1293 = arith.mulf %gather3A_1290, %mul3A_662 : vector<16xf32>
        tpu.vector_store_idx %arg26[%iota3A, %broadcast_in_dim3A_1292], %mul3A_1293 : memref<16x128xf32, #tpu.memory_space<vmem>>[vector<16xi32>, vector<16xi32>], vector<16xf32>,
        %broadcast_in_dim3A_1294 = arith.constant 105 : i32
        %broadcast_in_dim3A_1295 = vector.broadcast %broadcast_in_dim3A_1294 : i32 to vector<16xi32>
        %gather3A_1296 = tpu.vector_load_idx %arg25[%iota3A, %broadcast_in_dim3A_1295] : memref<16x128xf32, #tpu.memory_space<vmem>>[vector<16xi32>, vector<16xi32>], vector<16xf32>,
        %broadcast_in_dim3A_1297 = arith.constant 105 : i32
        %broadcast_in_dim3A_1298 = vector.broadcast %broadcast_in_dim3A_1297 : i32 to vector<16xi32>
        %mul3A_1299 = arith.mulf %gather3A_1296, %mul3A_662 : vector<16xf32>
        tpu.vector_store_idx %arg26[%iota3A, %broadcast_in_dim3A_1298], %mul3A_1299 : memref<16x128xf32, #tpu.memory_space<vmem>>[vector<16xi32>, vector<16xi32>], vector<16xf32>,
        %broadcast_in_dim3A_1300 = arith.constant 106 : i32
        %broadcast_in_dim3A_1301 = vector.broadcast %broadcast_in_dim3A_1300 : i32 to vector<16xi32>
        %gather3A_1302 = tpu.vector_load_idx %arg25[%iota3A, %broadcast_in_dim3A_1301] : memref<16x128xf32, #tpu.memory_space<vmem>>[vector<16xi32>, vector<16xi32>], vector<16xf32>,
        %broadcast_in_dim3A_1303 = arith.constant 106 : i32
        %broadcast_in_dim3A_1304 = vector.broadcast %broadcast_in_dim3A_1303 : i32 to vector<16xi32>
        %mul3A_1305 = arith.mulf %gather3A_1302, %mul3A_662 : vector<16xf32>
        tpu.vector_store_idx %arg26[%iota3A, %broadcast_in_dim3A_1304], %mul3A_1305 : memref<16x128xf32, #tpu.memory_space<vmem>>[vector<16xi32>, vector<16xi32>], vector<16xf32>,
        %broadcast_in_dim3A_1306 = arith.constant 107 : i32
        %broadcast_in_dim3A_1307 = vector.broadcast %broadcast_in_dim3A_1306 : i32 to vector<16xi32>
        %gather3A_1308 = tpu.vector_load_idx %arg25[%iota3A, %broadcast_in_dim3A_1307] : memref<16x128xf32, #tpu.memory_space<vmem>>[vector<16xi32>, vector<16xi32>], vector<16xf32>,
        %broadcast_in_dim3A_1309 = arith.constant 107 : i32
        %broadcast_in_dim3A_1310 = vector.broadcast %broadcast_in_dim3A_1309 : i32 to vector<16xi32>
        %mul3A_1311 = arith.mulf %gather3A_1308, %mul3A_662 : vector<16xf32>
        tpu.vector_store_idx %arg26[%iota3A, %broadcast_in_dim3A_1310], %mul3A_1311 : memref<16x128xf32, #tpu.memory_space<vmem>>[vector<16xi32>, vector<16xi32>], vector<16xf32>,
        %broadcast_in_dim3A_1312 = arith.constant 108 : i32
        %broadcast_in_dim3A_1313 = vector.broadcast %broadcast_in_dim3A_1312 : i32 to vector<16xi32>
        %gather3A_1314 = tpu.vector_load_idx %arg25[%iota3A, %broadcast_in_dim3A_1313] : memref<16x128xf32, #tpu.memory_space<vmem>>[vector<16xi32>, vector<16xi32>], vector<16xf32>,
        %broadcast_in_dim3A_1315 = arith.constant 108 : i32
        %broadcast_in_dim3A_1316 = vector.broadcast %broadcast_in_dim3A_1315 : i32 to vector<16xi32>
        %mul3A_1317 = arith.mulf %gather3A_1314, %mul3A_662 : vector<16xf32>
        tpu.vector_store_idx %arg26[%iota3A, %broadcast_in_dim3A_1316], %mul3A_1317 : memref<16x128xf32, #tpu.memory_space<vmem>>[vector<16xi32>, vector<16xi32>], vector<16xf32>,
        %broadcast_in_dim3A_1318 = arith.constant 109 : i32
        %broadcast_in_dim3A_1319 = vector.broadcast %broadcast_in_dim3A_1318 : i32 to vector<16xi32>
        %gather3A_1320 = tpu.vector_load_idx %arg25[%iota3A, %broadcast_in_dim3A_1319] : memref<16x128xf32, #tpu.memory_space<vmem>>[vector<16xi32>, vector<16xi32>], vector<16xf32>,
        %broadcast_in_dim3A_1321 = arith.constant 109 : i32
        %broadcast_in_dim3A_1322 = vector.broadcast %broadcast_in_dim3A_1321 : i32 to vector<16xi32>
        %mul3A_1323 = arith.mulf %gather3A_1320, %mul3A_662 : vector<16xf32>
        tpu.vector_store_idx %arg26[%iota3A, %broadcast_in_dim3A_1322], %mul3A_1323 : memref<16x128xf32, #tpu.memory_space<vmem>>[vector<16xi32>, vector<16xi32>], vector<16xf32>,
        %broadcast_in_dim3A_1324 = arith.constant 110 : i32
        %broadcast_in_dim3A_1325 = vector.broadcast %broadcast_in_dim3A_1324 : i32 to vector<16xi32>
        %gather3A_1326 = tpu.vector_load_idx %arg25[%iota3A, %broadcast_in_dim3A_1325] : memref<16x128xf32, #tpu.memory_space<vmem>>[vector<16xi32>, vector<16xi32>], vector<16xf32>,
        %broadcast_in_dim3A_1327 = arith.constant 110 : i32
        %broadcast_in_dim3A_1328 = vector.broadcast %broadcast_in_dim3A_1327 : i32 to vector<16xi32>
        %mul3A_1329 = arith.mulf %gather3A_1326, %mul3A_662 : vector<16xf32>
        tpu.vector_store_idx %arg26[%iota3A, %broadcast_in_dim3A_1328], %mul3A_1329 : memref<16x128xf32, #tpu.memory_space<vmem>>[vector<16xi32>, vector<16xi32>], vector<16xf32>,
        %broadcast_in_dim3A_1330 = arith.constant 111 : i32
        %broadcast_in_dim3A_1331 = vector.broadcast %broadcast_in_dim3A_1330 : i32 to vector<16xi32>
        %gather3A_1332 = tpu.vector_load_idx %arg25[%iota3A, %broadcast_in_dim3A_1331] : memref<16x128xf32, #tpu.memory_space<vmem>>[vector<16xi32>, vector<16xi32>], vector<16xf32>,
        %broadcast_in_dim3A_1333 = arith.constant 111 : i32
        %broadcast_in_dim3A_1334 = vector.broadcast %broadcast_in_dim3A_1333 : i32 to vector<16xi32>
        %mul3A_1335 = arith.mulf %gather3A_1332, %mul3A_662 : vector<16xf32>
        tpu.vector_store_idx %arg26[%iota3A, %broadcast_in_dim3A_1334], %mul3A_1335 : memref<16x128xf32, #tpu.memory_space<vmem>>[vector<16xi32>, vector<16xi32>], vector<16xf32>,
        %broadcast_in_dim3A_1336 = arith.constant 112 : i32
        %broadcast_in_dim3A_1337 = vector.broadcast %broadcast_in_dim3A_1336 : i32 to vector<16xi32>
        %gather3A_1338 = tpu.vector_load_idx %arg25[%iota3A, %broadcast_in_dim3A_1337] : memref<16x128xf32, #tpu.memory_space<vmem>>[vector<16xi32>, vector<16xi32>], vector<16xf32>,
        %broadcast_in_dim3A_1339 = arith.constant 112 : i32
        %broadcast_in_dim3A_1340 = vector.broadcast %broadcast_in_dim3A_1339 : i32 to vector<16xi32>
        %mul3A_1341 = arith.mulf %gather3A_1338, %mul3A_662 : vector<16xf32>
        tpu.vector_store_idx %arg26[%iota3A, %broadcast_in_dim3A_1340], %mul3A_1341 : memref<16x128xf32, #tpu.memory_space<vmem>>[vector<16xi32>, vector<16xi32>], vector<16xf32>,
        %broadcast_in_dim3A_1342 = arith.constant 113 : i32
        %broadcast_in_dim3A_1343 = vector.broadcast %broadcast_in_dim3A_1342 : i32 to vector<16xi32>
        %gather3A_1344 = tpu.vector_load_idx %arg25[%iota3A, %broadcast_in_dim3A_1343] : memref<16x128xf32, #tpu.memory_space<vmem>>[vector<16xi32>, vector<16xi32>], vector<16xf32>,
        %broadcast_in_dim3A_1345 = arith.constant 113 : i32
        %broadcast_in_dim3A_1346 = vector.broadcast %broadcast_in_dim3A_1345 : i32 to vector<16xi32>
        %mul3A_1347 = arith.mulf %gather3A_1344, %mul3A_662 : vector<16xf32>
        tpu.vector_store_idx %arg26[%iota3A, %broadcast_in_dim3A_1346], %mul3A_1347 : memref<16x128xf32, #tpu.memory_space<vmem>>[vector<16xi32>, vector<16xi32>], vector<16xf32>,
        %broadcast_in_dim3A_1348 = arith.constant 114 : i32
        %broadcast_in_dim3A_1349 = vector.broadcast %broadcast_in_dim3A_1348 : i32 to vector<16xi32>
        %gather3A_1350 = tpu.vector_load_idx %arg25[%iota3A, %broadcast_in_dim3A_1349] : memref<16x128xf32, #tpu.memory_space<vmem>>[vector<16xi32>, vector<16xi32>], vector<16xf32>,
        %broadcast_in_dim3A_1351 = arith.constant 114 : i32
        %broadcast_in_dim3A_1352 = vector.broadcast %broadcast_in_dim3A_1351 : i32 to vector<16xi32>
        %mul3A_1353 = arith.mulf %gather3A_1350, %mul3A_662 : vector<16xf32>
        tpu.vector_store_idx %arg26[%iota3A, %broadcast_in_dim3A_1352], %mul3A_1353 : memref<16x128xf32, #tpu.memory_space<vmem>>[vector<16xi32>, vector<16xi32>], vector<16xf32>,
        %broadcast_in_dim3A_1354 = arith.constant 115 : i32
        %broadcast_in_dim3A_1355 = vector.broadcast %broadcast_in_dim3A_1354 : i32 to vector<16xi32>
        %gather3A_1356 = tpu.vector_load_idx %arg25[%iota3A, %broadcast_in_dim3A_1355] : memref<16x128xf32, #tpu.memory_space<vmem>>[vector<16xi32>, vector<16xi32>], vector<16xf32>,
        %broadcast_in_dim3A_1357 = arith.constant 115 : i32
        %broadcast_in_dim3A_1358 = vector.broadcast %broadcast_in_dim3A_1357 : i32 to vector<16xi32>
        %mul3A_1359 = arith.mulf %gather3A_1356, %mul3A_662 : vector<16xf32>
        tpu.vector_store_idx %arg26[%iota3A, %broadcast_in_dim3A_1358], %mul3A_1359 : memref<16x128xf32, #tpu.memory_space<vmem>>[vector<16xi32>, vector<16xi32>], vector<16xf32>,
        %broadcast_in_dim3A_1360 = arith.constant 116 : i32
        %broadcast_in_dim3A_1361 = vector.broadcast %broadcast_in_dim3A_1360 : i32 to vector<16xi32>
        %gather3A_1362 = tpu.vector_load_idx %arg25[%iota3A, %broadcast_in_dim3A_1361] : memref<16x128xf32, #tpu.memory_space<vmem>>[vector<16xi32>, vector<16xi32>], vector<16xf32>,
        %broadcast_in_dim3A_1363 = arith.constant 116 : i32
        %broadcast_in_dim3A_1364 = vector.broadcast %broadcast_in_dim3A_1363 : i32 to vector<16xi32>
        %mul3A_1365 = arith.mulf %gather3A_1362, %mul3A_662 : vector<16xf32>
        tpu.vector_store_idx %arg26[%iota3A, %broadcast_in_dim3A_1364], %mul3A_1365 : memref<16x128xf32, #tpu.memory_space<vmem>>[vector<16xi32>, vector<16xi32>], vector<16xf32>,
        %broadcast_in_dim3A_1366 = arith.constant 117 : i32
        %broadcast_in_dim3A_1367 = vector.broadcast %broadcast_in_dim3A_1366 : i32 to vector<16xi32>
        %gather3A_1368 = tpu.vector_load_idx %arg25[%iota3A, %broadcast_in_dim3A_1367] : memref<16x128xf32, #tpu.memory_space<vmem>>[vector<16xi32>, vector<16xi32>], vector<16xf32>,
        %broadcast_in_dim3A_1369 = arith.constant 117 : i32
        %broadcast_in_dim3A_1370 = vector.broadcast %broadcast_in_dim3A_1369 : i32 to vector<16xi32>
        %mul3A_1371 = arith.mulf %gather3A_1368, %mul3A_662 : vector<16xf32>
        tpu.vector_store_idx %arg26[%iota3A, %broadcast_in_dim3A_1370], %mul3A_1371 : memref<16x128xf32, #tpu.memory_space<vmem>>[vector<16xi32>, vector<16xi32>], vector<16xf32>,
        %broadcast_in_dim3A_1372 = arith.constant 118 : i32
        %broadcast_in_dim3A_1373 = vector.broadcast %broadcast_in_dim3A_1372 : i32 to vector<16xi32>
        %gather3A_1374 = tpu.vector_load_idx %arg25[%iota3A, %broadcast_in_dim3A_1373] : memref<16x128xf32, #tpu.memory_space<vmem>>[vector<16xi32>, vector<16xi32>], vector<16xf32>,
        %broadcast_in_dim3A_1375 = arith.constant 118 : i32
        %broadcast_in_dim3A_1376 = vector.broadcast %broadcast_in_dim3A_1375 : i32 to vector<16xi32>
        %mul3A_1377 = arith.mulf %gather3A_1374, %mul3A_662 : vector<16xf32>
        tpu.vector_store_idx %arg26[%iota3A, %broadcast_in_dim3A_1376], %mul3A_1377 : memref<16x128xf32, #tpu.memory_space<vmem>>[vector<16xi32>, vector<16xi32>], vector<16xf32>,
        %broadcast_in_dim3A_1378 = arith.constant 119 : i32
        %broadcast_in_dim3A_1379 = vector.broadcast %broadcast_in_dim3A_1378 : i32 to vector<16xi32>
        %gather3A_1380 = tpu.vector_load_idx %arg25[%iota3A, %broadcast_in_dim3A_1379] : memref<16x128xf32, #tpu.memory_space<vmem>>[vector<16xi32>, vector<16xi32>], vector<16xf32>,
        %broadcast_in_dim3A_1381 = arith.constant 119 : i32
        %broadcast_in_dim3A_1382 = vector.broadcast %broadcast_in_dim3A_1381 : i32 to vector<16xi32>
        %mul3A_1383 = arith.mulf %gather3A_1380, %mul3A_662 : vector<16xf32>
        tpu.vector_store_idx %arg26[%iota3A, %broadcast_in_dim3A_1382], %mul3A_1383 : memref<16x128xf32, #tpu.memory_space<vmem>>[vector<16xi32>, vector<16xi32>], vector<16xf32>,
        %broadcast_in_dim3A_1384 = arith.constant 120 : i32
        %broadcast_in_dim3A_1385 = vector.broadcast %broadcast_in_dim3A_1384 : i32 to vector<16xi32>
        %gather3A_1386 = tpu.vector_load_idx %arg25[%iota3A, %broadcast_in_dim3A_1385] : memref<16x128xf32, #tpu.memory_space<vmem>>[vector<16xi32>, vector<16xi32>], vector<16xf32>,
        %broadcast_in_dim3A_1387 = arith.constant 120 : i32
        %broadcast_in_dim3A_1388 = vector.broadcast %broadcast_in_dim3A_1387 : i32 to vector<16xi32>
        %mul3A_1389 = arith.mulf %gather3A_1386, %mul3A_662 : vector<16xf32>
        tpu.vector_store_idx %arg26[%iota3A, %broadcast_in_dim3A_1388], %mul3A_1389 : memref<16x128xf32, #tpu.memory_space<vmem>>[vector<16xi32>, vector<16xi32>], vector<16xf32>,
        %broadcast_in_dim3A_1390 = arith.constant 121 : i32
        %broadcast_in_dim3A_1391 = vector.broadcast %broadcast_in_dim3A_1390 : i32 to vector<16xi32>
        %gather3A_1392 = tpu.vector_load_idx %arg25[%iota3A, %broadcast_in_dim3A_1391] : memref<16x128xf32, #tpu.memory_space<vmem>>[vector<16xi32>, vector<16xi32>], vector<16xf32>,
        %broadcast_in_dim3A_1393 = arith.constant 121 : i32
        %broadcast_in_dim3A_1394 = vector.broadcast %broadcast_in_dim3A_1393 : i32 to vector<16xi32>
        %mul3A_1395 = arith.mulf %gather3A_1392, %mul3A_662 : vector<16xf32>
        tpu.vector_store_idx %arg26[%iota3A, %broadcast_in_dim3A_1394], %mul3A_1395 : memref<16x128xf32, #tpu.memory_space<vmem>>[vector<16xi32>, vector<16xi32>], vector<16xf32>,
        %broadcast_in_dim3A_1396 = arith.constant 122 : i32
        %broadcast_in_dim3A_1397 = vector.broadcast %broadcast_in_dim3A_1396 : i32 to vector<16xi32>
        %gather3A_1398 = tpu.vector_load_idx %arg25[%iota3A, %broadcast_in_dim3A_1397] : memref<16x128xf32, #tpu.memory_space<vmem>>[vector<16xi32>, vector<16xi32>], vector<16xf32>,
        %broadcast_in_dim3A_1399 = arith.constant 122 : i32
        %broadcast_in_dim3A_1400 = vector.broadcast %broadcast_in_dim3A_1399 : i32 to vector<16xi32>
        %mul3A_1401 = arith.mulf %gather3A_1398, %mul3A_662 : vector<16xf32>
        tpu.vector_store_idx %arg26[%iota3A, %broadcast_in_dim3A_1400], %mul3A_1401 : memref<16x128xf32, #tpu.memory_space<vmem>>[vector<16xi32>, vector<16xi32>], vector<16xf32>,
        %broadcast_in_dim3A_1402 = arith.constant 123 : i32
        %broadcast_in_dim3A_1403 = vector.broadcast %broadcast_in_dim3A_1402 : i32 to vector<16xi32>
        %gather3A_1404 = tpu.vector_load_idx %arg25[%iota3A, %broadcast_in_dim3A_1403] : memref<16x128xf32, #tpu.memory_space<vmem>>[vector<16xi32>, vector<16xi32>], vector<16xf32>,
        %broadcast_in_dim3A_1405 = arith.constant 123 : i32
        %broadcast_in_dim3A_1406 = vector.broadcast %broadcast_in_dim3A_1405 : i32 to vector<16xi32>
        %mul3A_1407 = arith.mulf %gather3A_1404, %mul3A_662 : vector<16xf32>
        tpu.vector_store_idx %arg26[%iota3A, %broadcast_in_dim3A_1406], %mul3A_1407 : memref<16x128xf32, #tpu.memory_space<vmem>>[vector<16xi32>, vector<16xi32>], vector<16xf32>,
        %broadcast_in_dim3A_1408 = arith.constant 124 : i32
        %broadcast_in_dim3A_1409 = vector.broadcast %broadcast_in_dim3A_1408 : i32 to vector<16xi32>
        %gather3A_1410 = tpu.vector_load_idx %arg25[%iota3A, %broadcast_in_dim3A_1409] : memref<16x128xf32, #tpu.memory_space<vmem>>[vector<16xi32>, vector<16xi32>], vector<16xf32>,
        %broadcast_in_dim3A_1411 = arith.constant 124 : i32
        %broadcast_in_dim3A_1412 = vector.broadcast %broadcast_in_dim3A_1411 : i32 to vector<16xi32>
        %mul3A_1413 = arith.mulf %gather3A_1410, %mul3A_662 : vector<16xf32>
        tpu.vector_store_idx %arg26[%iota3A, %broadcast_in_dim3A_1412], %mul3A_1413 : memref<16x128xf32, #tpu.memory_space<vmem>>[vector<16xi32>, vector<16xi32>], vector<16xf32>,
        %broadcast_in_dim3A_1414 = arith.constant 125 : i32
        %broadcast_in_dim3A_1415 = vector.broadcast %broadcast_in_dim3A_1414 : i32 to vector<16xi32>
        %gather3A_1416 = tpu.vector_load_idx %arg25[%iota3A, %broadcast_in_dim3A_1415] : memref<16x128xf32, #tpu.memory_space<vmem>>[vector<16xi32>, vector<16xi32>], vector<16xf32>,
        %broadcast_in_dim3A_1417 = arith.constant 125 : i32
        %broadcast_in_dim3A_1418 = vector.broadcast %broadcast_in_dim3A_1417 : i32 to vector<16xi32>
        %mul3A_1419 = arith.mulf %gather3A_1416, %mul3A_662 : vector<16xf32>
        tpu.vector_store_idx %arg26[%iota3A, %broadcast_in_dim3A_1418], %mul3A_1419 : memref<16x128xf32, #tpu.memory_space<vmem>>[vector<16xi32>, vector<16xi32>], vector<16xf32>,
        %broadcast_in_dim3A_1420 = arith.constant 126 : i32
        %broadcast_in_dim3A_1421 = vector.broadcast %broadcast_in_dim3A_1420 : i32 to vector<16xi32>
        %gather3A_1422 = tpu.vector_load_idx %arg25[%iota3A, %broadcast_in_dim3A_1421] : memref<16x128xf32, #tpu.memory_space<vmem>>[vector<16xi32>, vector<16xi32>], vector<16xf32>,
        %broadcast_in_dim3A_1423 = arith.constant 126 : i32
        %broadcast_in_dim3A_1424 = vector.broadcast %broadcast_in_dim3A_1423 : i32 to vector<16xi32>
        %mul3A_1425 = arith.mulf %gather3A_1422, %mul3A_662 : vector<16xf32>
        tpu.vector_store_idx %arg26[%iota3A, %broadcast_in_dim3A_1424], %mul3A_1425 : memref<16x128xf32, #tpu.memory_space<vmem>>[vector<16xi32>, vector<16xi32>], vector<16xf32>,
        %broadcast_in_dim3A_1426 = arith.constant 127 : i32
        %broadcast_in_dim3A_1427 = vector.broadcast %broadcast_in_dim3A_1426 : i32 to vector<16xi32>
        %gather3A_1428 = tpu.vector_load_idx %arg25[%iota3A, %broadcast_in_dim3A_1427] : memref<16x128xf32, #tpu.memory_space<vmem>>[vector<16xi32>, vector<16xi32>], vector<16xf32>,
        %broadcast_in_dim3A_1429 = arith.constant 127 : i32
        %broadcast_in_dim3A_1430 = vector.broadcast %broadcast_in_dim3A_1429 : i32 to vector<16xi32>
        %mul3A_1431 = arith.mulf %gather3A_1428, %mul3A_662 : vector<16xf32>
        tpu.vector_store_idx %arg26[%iota3A, %broadcast_in_dim3A_1430], %mul3A_1431 : memref<16x128xf32, #tpu.memory_space<vmem>>[vector<16xi32>, vector<16xi32>], vector<16xf32>,
        "tpu.region"() ({
          %run_scoped3A = tpu.sem_alloc : memref<!tpu.dma_semaphore, #tpu.memory_space<semaphore_mem>>
          %dma_start3A = arith.constant 0 : i32
          %dma_start3A_1442 = tpu.memref_slice %arg9[%mul3A_626, %dma_start3A] : memref<10000x128xf32, #tpu.memory_space<hbm>> -> memref<16x128xf32, #tpu.memory_space<hbm>>
          %dma_start3A_1443 = arith.constant 0 : i32
          %dma_start3A_1444 = tpu.memref_slice %arg9[%mul3A_626, %dma_start3A_1443] : memref<10000x128xf32, #tpu.memory_space<hbm>> -> memref<16x128xf32, #tpu.memory_space<hbm>>
          tpu.enqueue_dma source(%arg26 : memref<16x128xf32, #tpu.memory_space<vmem>>) target(%dma_start3A_1444 : memref<16x128xf32, #tpu.memory_space<hbm>>) target_semaphore(%run_scoped3A : memref<!tpu.dma_semaphore, #tpu.memory_space<semaphore_mem>>)
          %dma_wait3A = arith.constant 0 : i32
          %dma_wait3A_1445 = tpu.memref_slice %arg9[%mul3A_626, %dma_wait3A] : memref<10000x128xf32, #tpu.memory_space<hbm>> -> memref<16x128xf32, #tpu.memory_space<hbm>>
          %dma_wait3A_1446 = arith.constant 0 : i32
          %dma_wait3A_1447 = tpu.memref_slice %arg9[%mul3A_626, %dma_wait3A_1446] : memref<10000x128xf32, #tpu.memory_space<hbm>> -> memref<16x128xf32, #tpu.memory_space<hbm>>
          tpu.wait_dma2 semaphore(%run_scoped3A : memref<!tpu.dma_semaphore, #tpu.memory_space<semaphore_mem>>) src(%arg26 : memref<16x128xf32, #tpu.memory_space<vmem>>) dst(%dma_wait3A_1447 : memref<16x128xf32, #tpu.memory_space<hbm>>)
          tpu.yield
        }) : () -> ()
        %eq3A_1432 = arith.constant 0 : i32
        %eq3A_1433 = arith.cmpi eq, %arg0, %eq3A_1432 : i32
        %convert_element_type3A_1434 = arith.extui %eq3A_1433 : i1 to i32
        %cond3A_1435 = arith.constant 0 : i32
        %cond3A_1436 = arith.cmpi ne, %convert_element_type3A_1434, %cond3A_1435 : i32
        scf.if %cond3A_1436 {
          "tpu.region"() ({
            %run_scoped3A = tpu.sem_alloc : memref<!tpu.dma_semaphore, #tpu.memory_space<semaphore_mem>>
            %dma_start3A = arith.constant 0 : i32
            %dma_start3A_1442 = tpu.memref_slice %arg11[%mul3A_626, %dma_start3A] : memref<10000x128xf32, #tpu.memory_space<vmem_shared>> -> memref<16x128xf32, #tpu.memory_space<vmem_shared>>
            %dma_start3A_1443 = arith.constant 0 : i32
            %dma_start3A_1444 = tpu.memref_slice %arg11[%mul3A_626, %dma_start3A_1443] : memref<10000x128xf32, #tpu.memory_space<vmem_shared>> -> memref<16x128xf32, #tpu.memory_space<vmem_shared>>
            tpu.enqueue_dma source(%arg26 : memref<16x128xf32, #tpu.memory_space<vmem>>) target(%dma_start3A_1444 : memref<16x128xf32, #tpu.memory_space<vmem_shared>>) target_semaphore(%run_scoped3A : memref<!tpu.dma_semaphore, #tpu.memory_space<semaphore_mem>>)
            %dma_wait3A = arith.constant 0 : i32
            %dma_wait3A_1445 = tpu.memref_slice %arg11[%mul3A_626, %dma_wait3A] : memref<10000x128xf32, #tpu.memory_space<vmem_shared>> -> memref<16x128xf32, #tpu.memory_space<vmem_shared>>
            %dma_wait3A_1446 = arith.constant 0 : i32
            %dma_wait3A_1447 = tpu.memref_slice %arg11[%mul3A_626, %dma_wait3A_1446] : memref<10000x128xf32, #tpu.memory_space<vmem_shared>> -> memref<16x128xf32, #tpu.memory_space<vmem_shared>>
            tpu.wait_dma2 semaphore(%run_scoped3A : memref<!tpu.dma_semaphore, #tpu.memory_space<semaphore_mem>>) src(%arg26 : memref<16x128xf32, #tpu.memory_space<vmem>>) dst(%dma_wait3A_1447 : memref<16x128xf32, #tpu.memory_space<vmem_shared>>)
            tpu.yield
          }) : () -> ()
          "tpu.region"() ({
            %run_scoped3A = tpu.sem_alloc : memref<!tpu.dma_semaphore, #tpu.memory_space<semaphore_mem>>
            %dma_start3A = tpu.memref_slice %arg8[%mul3A_626] : memref<10000xf32, #tpu.memory_space<hbm>> -> memref<16xf32, #tpu.memory_space<hbm>>
            %dma_start3A_1442 = tpu.memref_slice %arg8[%mul3A_626] : memref<10000xf32, #tpu.memory_space<hbm>> -> memref<16xf32, #tpu.memory_space<hbm>>
            tpu.enqueue_dma source(%arg29 : memref<16xf32, #tpu.memory_space<vmem>>) target(%dma_start3A_1442 : memref<16xf32, #tpu.memory_space<hbm>>) target_semaphore(%run_scoped3A : memref<!tpu.dma_semaphore, #tpu.memory_space<semaphore_mem>>)
            %dma_wait3A = tpu.memref_slice %arg8[%mul3A_626] : memref<10000xf32, #tpu.memory_space<hbm>> -> memref<16xf32, #tpu.memory_space<hbm>>
            %dma_wait3A_1443 = tpu.memref_slice %arg8[%mul3A_626] : memref<10000xf32, #tpu.memory_space<hbm>> -> memref<16xf32, #tpu.memory_space<hbm>>
            tpu.wait_dma2 semaphore(%run_scoped3A : memref<!tpu.dma_semaphore, #tpu.memory_space<semaphore_mem>>) src(%arg29 : memref<16xf32, #tpu.memory_space<vmem>>) dst(%dma_wait3A_1443 : memref<16xf32, #tpu.memory_space<hbm>>)
            tpu.yield
          }) : () -> ()
        } else {
        }
        %eq3A_1437 = arith.constant 1 : i32
        %eq3A_1438 = arith.cmpi eq, %arg0, %eq3A_1437 : i32
        %convert_element_type3A_1439 = arith.extui %eq3A_1438 : i1 to i32
        %cond3A_1440 = arith.constant 0 : i32
        %cond3A_1441 = arith.cmpi ne, %convert_element_type3A_1439, %cond3A_1440 : i32
        scf.if %cond3A_1441 {
          "tpu.region"() ({
            %run_scoped3A = tpu.sem_alloc : memref<!tpu.dma_semaphore, #tpu.memory_space<semaphore_mem>>
            %dma_start3A = arith.constant 0 : i32
            %dma_start3A_1442 = tpu.memref_slice %arg11[%mul3A_626, %dma_start3A] : memref<10000x128xf32, #tpu.memory_space<vmem_shared>> -> memref<16x128xf32, #tpu.memory_space<vmem_shared>>
            %dma_start3A_1443 = arith.constant 0 : i32
            %dma_start3A_1444 = tpu.memref_slice %arg11[%mul3A_626, %dma_start3A_1443] : memref<10000x128xf32, #tpu.memory_space<vmem_shared>> -> memref<16x128xf32, #tpu.memory_space<vmem_shared>>
            tpu.enqueue_dma source(%arg27 : memref<16x128xf32, #tpu.memory_space<vmem>>) target(%dma_start3A_1444 : memref<16x128xf32, #tpu.memory_space<vmem_shared>>) target_semaphore(%run_scoped3A : memref<!tpu.dma_semaphore, #tpu.memory_space<semaphore_mem>>)
            %dma_wait3A = arith.constant 0 : i32
            %dma_wait3A_1445 = tpu.memref_slice %arg11[%mul3A_626, %dma_wait3A] : memref<10000x128xf32, #tpu.memory_space<vmem_shared>> -> memref<16x128xf32, #tpu.memory_space<vmem_shared>>
            %dma_wait3A_1446 = arith.constant 0 : i32
            %dma_wait3A_1447 = tpu.memref_slice %arg11[%mul3A_626, %dma_wait3A_1446] : memref<10000x128xf32, #tpu.memory_space<vmem_shared>> -> memref<16x128xf32, #tpu.memory_space<vmem_shared>>
            tpu.wait_dma2 semaphore(%run_scoped3A : memref<!tpu.dma_semaphore, #tpu.memory_space<semaphore_mem>>) src(%arg27 : memref<16x128xf32, #tpu.memory_space<vmem>>) dst(%dma_wait3A_1447 : memref<16x128xf32, #tpu.memory_space<vmem_shared>>)
            tpu.yield
          }) : () -> ()
        } else {
        }
      } else {
      }
    }
    %scan3A_604 = arith.constant 40 : i32
    %barrier3A_605 = arith.constant 0 : index
    tpu.barrier barrier_id(%barrier3A_605)
    %mul3A_606 = arith.constant 16 : i32
    %mul3A_607 = arith.muli %arg0, %mul3A_606 : i32
    %add3A = arith.addi %mul3A_607, %arg1 : i32
    %mul3A_608 = arith.constant 10000 : i32
    %mul3A_609 = arith.muli %add3A, %mul3A_608 : i32
    %barrier3A_610 = arith.constant 0 : index
    tpu.barrier barrier_id(%barrier3A_610)
    %scan3A_611 = arith.constant 0 : i32
    %scan3A_612 = arith.constant 0 : i32
    %scan3A_613 = arith.constant 40 : i32
    %scan3A_614 = arith.addi %scan3A_612, %scan3A_613 : i32
    %scan3A_615 = arith.constant 1 : i32
    scf.for %scan3A_617 = %scan3A_612 to %scan3A_614 step %scan3A_615  : i32 {
      %mul3A_618 = arith.constant 16 : i32
      %mul3A_619 = arith.muli %mul3A_618, %scan3A_617 : i32
      %add3A_620 = arith.addi %arg1, %mul3A_619 : i32
      %lt3A = arith.constant 625 : i32
      %lt3A_621 = arith.cmpi slt, %add3A_620, %lt3A : i32
      %convert_element_type3A_622 = arith.extui %lt3A_621 : i1 to i32
      %cond3A_623 = arith.constant 0 : i32
      %cond3A_624 = arith.cmpi ne, %convert_element_type3A_622, %cond3A_623 : i32
      scf.if %cond3A_624 {
        %mul3A_625 = arith.constant 16 : i32
        %mul3A_626 = arith.muli %add3A_620, %mul3A_625 : i32
        "tpu.region"() ({
          %run_scoped3A = tpu.sem_alloc : memref<!tpu.dma_semaphore, #tpu.memory_space<semaphore_mem>>
          %dma_start3A = arith.constant 0 : i32
          %dma_start3A_637 = tpu.memref_slice %arg11[%mul3A_626, %dma_start3A] : memref<10000x128xf32, #tpu.memory_space<vmem_shared>> -> memref<16x128xf32, #tpu.memory_space<vmem_shared>>
          %dma_start3A_638 = arith.constant 0 : i32
          %dma_start3A_639 = tpu.memref_slice %arg11[%mul3A_626, %dma_start3A_638] : memref<10000x128xf32, #tpu.memory_space<vmem_shared>> -> memref<16x128xf32, #tpu.memory_space<vmem_shared>>
          tpu.enqueue_dma source(%dma_start3A_639 : memref<16x128xf32, #tpu.memory_space<vmem_shared>>) target(%arg26 : memref<16x128xf32, #tpu.memory_space<vmem>>) target_semaphore(%run_scoped3A : memref<!tpu.dma_semaphore, #tpu.memory_space<semaphore_mem>>)
          %dma_wait3A = arith.constant 0 : i32
          %dma_wait3A_640 = tpu.memref_slice %arg11[%mul3A_626, %dma_wait3A] : memref<10000x128xf32, #tpu.memory_space<vmem_shared>> -> memref<16x128xf32, #tpu.memory_space<vmem_shared>>
          %dma_wait3A_641 = arith.constant 0 : i32
          %dma_wait3A_642 = tpu.memref_slice %arg11[%mul3A_626, %dma_wait3A_641] : memref<10000x128xf32, #tpu.memory_space<vmem_shared>> -> memref<16x128xf32, #tpu.memory_space<vmem_shared>>
          tpu.wait_dma2 semaphore(%run_scoped3A : memref<!tpu.dma_semaphore, #tpu.memory_space<semaphore_mem>>) src(%dma_wait3A_642 : memref<16x128xf32, #tpu.memory_space<vmem_shared>>) dst(%arg26 : memref<16x128xf32, #tpu.memory_space<vmem>>)
          tpu.yield
        }) : () -> ()
        %eq3A_627 = arith.constant 0 : i32
        %eq3A_628 = arith.cmpi eq, %arg0, %eq3A_627 : i32
        %convert_element_type3A_629 = arith.extui %eq3A_628 : i1 to i32
        %cond3A_630 = arith.constant 0 : i32
        %cond3A_631 = arith.cmpi ne, %convert_element_type3A_629, %cond3A_630 : i32
        scf.if %cond3A_631 {
          "tpu.region"() ({
            %run_scoped3A = tpu.sem_alloc : memref<!tpu.dma_semaphore, #tpu.memory_space<semaphore_mem>>
            %dma_start3A = arith.constant 0 : i32
            %dma_start3A_637 = tpu.memref_slice %arg6[%mul3A_626, %dma_start3A] : memref<10000x128xf32, #tpu.memory_space<hbm>> -> memref<16x128xf32, #tpu.memory_space<hbm>>
            %dma_start3A_638 = arith.constant 0 : i32
            %dma_start3A_639 = tpu.memref_slice %arg6[%mul3A_626, %dma_start3A_638] : memref<10000x128xf32, #tpu.memory_space<hbm>> -> memref<16x128xf32, #tpu.memory_space<hbm>>
            tpu.enqueue_dma source(%arg26 : memref<16x128xf32, #tpu.memory_space<vmem>>) target(%dma_start3A_639 : memref<16x128xf32, #tpu.memory_space<hbm>>) target_semaphore(%run_scoped3A : memref<!tpu.dma_semaphore, #tpu.memory_space<semaphore_mem>>)
            %dma_wait3A = arith.constant 0 : i32
            %dma_wait3A_640 = tpu.memref_slice %arg6[%mul3A_626, %dma_wait3A] : memref<10000x128xf32, #tpu.memory_space<hbm>> -> memref<16x128xf32, #tpu.memory_space<hbm>>
            %dma_wait3A_641 = arith.constant 0 : i32
            %dma_wait3A_642 = tpu.memref_slice %arg6[%mul3A_626, %dma_wait3A_641] : memref<10000x128xf32, #tpu.memory_space<hbm>> -> memref<16x128xf32, #tpu.memory_space<hbm>>
            tpu.wait_dma2 semaphore(%run_scoped3A : memref<!tpu.dma_semaphore, #tpu.memory_space<semaphore_mem>>) src(%arg26 : memref<16x128xf32, #tpu.memory_space<vmem>>) dst(%dma_wait3A_642 : memref<16x128xf32, #tpu.memory_space<hbm>>)
            tpu.yield
          }) : () -> ()
        } else {
        }
        %eq3A_632 = arith.constant 1 : i32
        %eq3A_633 = arith.cmpi eq, %arg0, %eq3A_632 : i32
        %convert_element_type3A_634 = arith.extui %eq3A_633 : i1 to i32
        %cond3A_635 = arith.constant 0 : i32
        %cond3A_636 = arith.cmpi ne, %convert_element_type3A_634, %cond3A_635 : i32
        scf.if %cond3A_636 {
          "tpu.region"() ({
            %run_scoped3A = tpu.sem_alloc : memref<!tpu.dma_semaphore, #tpu.memory_space<semaphore_mem>>
            %dma_start3A = arith.constant 0 : i32
            %dma_start3A_637 = tpu.memref_slice %arg7[%mul3A_626, %dma_start3A] : memref<10000x128xf32, #tpu.memory_space<hbm>> -> memref<16x128xf32, #tpu.memory_space<hbm>>
            %dma_start3A_638 = arith.constant 0 : i32
            %dma_start3A_639 = tpu.memref_slice %arg7[%mul3A_626, %dma_start3A_638] : memref<10000x128xf32, #tpu.memory_space<hbm>> -> memref<16x128xf32, #tpu.memory_space<hbm>>
            tpu.enqueue_dma source(%arg26 : memref<16x128xf32, #tpu.memory_space<vmem>>) target(%dma_start3A_639 : memref<16x128xf32, #tpu.memory_space<hbm>>) target_semaphore(%run_scoped3A : memref<!tpu.dma_semaphore, #tpu.memory_space<semaphore_mem>>)
            %dma_wait3A = arith.constant 0 : i32
            %dma_wait3A_640 = tpu.memref_slice %arg7[%mul3A_626, %dma_wait3A] : memref<10000x128xf32, #tpu.memory_space<hbm>> -> memref<16x128xf32, #tpu.memory_space<hbm>>
            %dma_wait3A_641 = arith.constant 0 : i32
            %dma_wait3A_642 = tpu.memref_slice %arg7[%mul3A_626, %dma_wait3A_641] : memref<10000x128xf32, #tpu.memory_space<hbm>> -> memref<16x128xf32, #tpu.memory_space<hbm>>
            tpu.wait_dma2 semaphore(%run_scoped3A : memref<!tpu.dma_semaphore, #tpu.memory_space<semaphore_mem>>) src(%arg26 : memref<16x128xf32, #tpu.memory_space<vmem>>) dst(%dma_wait3A_642 : memref<16x128xf32, #tpu.memory_space<hbm>>)
            tpu.yield
          }) : () -> ()
        } else {
        }
      } else {
      }
    }
    %scan3A_616 = arith.constant 40 : i32
    return
  }
}

module attributes {stable_mosaic.version = 14 : i64} {
  func.func @_combine_body(%arg0: i32, %arg1: memref<400x128xf32, #tpu.memory_space<vmem>>, %arg2: memref<400x128xf32, #tpu.memory_space<vmem>>, %arg3: memref<400x1xf32, #tpu.memory_space<vmem>>, %arg4: memref<400x128xf32, #tpu.memory_space<vmem>>) attributes {dimension_semantics = [#tpu.dimension_semantics<arbitrary>], iteration_bounds = array<i64: 25>, scalar_prefetch = 0 : i64, scratch_operands = 0 : i64, tpu.core_type = #tpu.core_type<tc>, window_params = [{transform_indices = @transform_0, window_bounds = array<i64: 400, 128>}, {transform_indices = @transform_1, window_bounds = array<i64: 400, 128>}, {transform_indices = @transform_2, window_bounds = array<i64: 400, 1>}, {transform_indices = @transform_3, window_bounds = array<i64: 400, 128>}]} {
    %get3A = arith.constant 0 : index
    %get3A_0 = arith.constant 0 : index
    %get3A_1 = vector.load %arg1[%get3A, %get3A_0] : memref<400x128xf32, #tpu.memory_space<vmem>>, vector<400x128xf32>
    %get3A_2 = arith.constant 0 : index
    %get3A_3 = arith.constant 0 : index
    %get3A_4 = vector.load %arg2[%get3A_2, %get3A_3] : memref<400x128xf32, #tpu.memory_space<vmem>>, vector<400x128xf32>
    %add3A = arith.addf %get3A_1, %get3A_4 : vector<400x128xf32>
    %get3A_5 = arith.constant 0 : index
    %get3A_6 = arith.constant 0 : index
    %get3A_7 = vector.load %arg3[%get3A_5, %get3A_6] : memref<400x1xf32, #tpu.memory_space<vmem>>, vector<400x1xf32>
    %mul3A = vector.broadcast %get3A_7 : vector<400x1xf32> to vector<400x128xf32>
    %mul3A_8 = arith.mulf %add3A, %mul3A : vector<400x128xf32>
    %swap3A = arith.constant 0 : index
    %swap3A_9 = arith.constant 0 : index
    %swap3A_10 = vector.load %arg4[%swap3A, %swap3A_9] : memref<400x128xf32, #tpu.memory_space<vmem>>, vector<400x128xf32>
    tpu.vector_store %arg4[%swap3A, %swap3A_9], %mul3A_8 {strides = array<i32>} : memref<400x128xf32, #tpu.memory_space<vmem>>, vector<400x128xf32>,
    return
  }
  func.func @transform_0(%arg0: i32) -> (i32, i32) {
    %c0_i32 = arith.constant 0 : i32
    %c0_i32_0 = arith.constant 0 : i32
    return %arg0, %c0_i32 : i32, i32
  }
  func.func @transform_1(%arg0: i32) -> (i32, i32) {
    %c0_i32 = arith.constant 0 : i32
    %c0_i32_0 = arith.constant 0 : i32
    return %arg0, %c0_i32 : i32, i32
  }
  func.func @transform_2(%arg0: i32) -> (i32, i32) {
    %c0_i32 = arith.constant 0 : i32
    %c0_i32_0 = arith.constant 0 : i32
    return %arg0, %c0_i32 : i32, i32
  }
  func.func @transform_3(%arg0: i32) -> (i32, i32) {
    %c0_i32 = arith.constant 0 : i32
    %c0_i32_0 = arith.constant 0 : i32
    return %arg0, %c0_i32 : i32, i32
  }
}

</mosaic_0001>

<sc_bundles>
// kernel: kernel.4.cloned.1.call-start
scs
__scs_entry_jumppad:
0x0: {  	(pc) =	sbr.rel $0x88, $3  }
0x1: {  	(tag) =	ssettag $0x0;
	lr =	simm.s32 $0x1  }
0x2: {  	[smem:$0x3F9E] =	sst lr;
	_ =	strace $0xD0000000  }
0x3: {  	_ = 	snop  }
0x4: {  	_ = 	snop  }
0x5: {  	_ = 	snop  }
0x6: {  	_ = 	snop  }
0x7: {  	_ = 	snop  }
__scs_overlays_trampoline_lowered:
0x8: {  	[smem:$0x3FAD] =	sst s0  }
0x9: {  	[smem:$0x3FAE] =	sst s1  }
0xa: {  	[smem:$0x3FAF] =	sst s2  }
0xb: {  	[smem:$0x3FB0] =	sst s3  }
0xc: {  	[smem:$0x3FB1] =	sst s4  }
0xd: {  	[smem:$0x3FB2] =	sst s5  }
0xe: {  	[smem:$0x3FB3] =	sst s6  }
0xf: {  	[smem:$0x3FB4] =	sst s7  }
0x10: {  	[smem:$0x3FB5] =	sst s8  }
0x11: {  	[smem:$0x3FB6] =	sst s9;
	s0 =	simm.s32 @!p0 $0x0  }
0x12: {  	s1 =	sld [smem:$0x3F9C];
	s0 =	simm.s32 @p0 $0x1  }
0x13: {  	[smem:$0x3FB7] =	sst s0;
	s0 =	simm.s32 @!p1 $0x0  }
0x14: {  	s2 =	sld [smem:$0x3F9B];
	s0 =	simm.s32 @p1 $0x1  }
0x15: {  	[smem:$0x3FB8] =	sst s0;
	s0 =	simm.s32 @!p2 $0x0  }
0x16: {  	s3 =	sld [smem:$0x3FDB];
	s0 =	simm.s32 @p2 $0x1  }
0x17: {  	s4 =	simm.s32 $0x1BF5;
	[smem:$0x3FBA] =	sst s0  }
0x18: {  	s0 =	sld [smem:$0x3F9D];
	_ =	swait.ge [sflag:s4], $0x0  }
0x19: {  	s7 =	sld [smem:$0x3F9E]  }
0x1a: {  	s8 =	sadd.s32 $0xFFFFE003, lr  }
0x1b: {  	s9 =	sadd.s32 $0xFFFFFEF7, lr;
	s5 =	simm.s32 $0xFFFFFFFF;
	p2 =	slt.u32 s8, $0xFFFFF086  }
0x1c: {  	p1 =	slt.u32 s9, $0xF7A;
	s5 =	simm.s32 @!p2 $0x0  }
0x1d: {  	s5 =	simm.s32 @p1 $0x1;
	p0 =	seq.s32 s7, s2  }
0x1e: {  	s7 =	smul.u32 @!p0 $0xF7A, s2;
	p2 =	seq.s32 @!p0 s5, $0x0  }
0x1f: {  	s9 =	smul.u32 $0xF7A, s1;
	s8 =	simm.s32 @!p0 $0x1BF5;
	p2 =	por !p2, p0  }
0x20: {  	[sflag:s8] =	ssyncset.s32 @!p0 $0xFFFFF086;
	s6 =	sadd.s32 @!p0 s3, s7;
	s7 =	simm.s32 @!p0 $0x108  }
0x21: {  	s3 =	sadd.s32 s3, s9;
	s6 =	sadd.s32 @!p0 $0x88, s6;
	s7 =	simm.s32 @p2 $0x1082  }
0x22: {  	[simem:s7], [sflag:s8] =	dma.local @!p0 [hbm:s6], $0xF7A  }
0x23: {  	s9 =	sor.u32 $0xD0000000, s2;
	s6 =	simm.s32 $0x108;
	_ =	swait.ge @!p0 [sflag:s8], $0x0  }
0x24: {  	s3 =	sadd.s32 $0x88, s3;
	s6 =	simm.s32 @!p1 $0x1082;
	[sflag:s4] =	ssyncset.s32 $0xFFFFF086  }
0x25: {  	[simem:s6], [sflag:s4] =	dma.local [hbm:s3], $0xF7A  }
0x26: {  	[smem:$0x3F9E] =	sst s1;
	(tag) =	ssettag s2;
	_ =	strace s9  }
0x27: {  	s1 =	sld [smem:$0x3FAE]  }
0x28: {  	s2 =	sld [smem:$0x3FAF]  }
0x29: {  	s4 =	sld [smem:$0x3FB1]  }
0x2a: {  	p0 =	seq.s32 s5, $0x0;
	s5 =	sld [smem:$0x3FB2]  }
0x2b: {  	s6 =	sld [smem:$0x3FB3]  }
0x2c: {  	s7 =	sld [smem:$0x3FB4]  }
0x2d: {  	s3 =	simm.s32 $0x108;
	s8 =	sld [smem:$0x3FB5]  }
0x2e: {  	s3 =	simm.s32 @!p0 $0x1082;
	s9 =	sld [smem:$0x3FB6]  }
0x2f: {  	lr =	sadd.s32 s0, s3;
	s0 =	sld [smem:$0x3FAD]  }
0x30: {  	s3 =	sld [smem:$0x3FB0]  }
0x31: {  	[smem:$0x3FB9] =	sst s10  }
0x32: {  	s10 =	sld [smem:$0x3FB7];
	_ =	sdelay $0x3  }
0x33: {  	p0 =	seq.s32 s10, $0x1;
	s10 =	sld [smem:$0x3FB9];
	_ =	sdelay $0x3  }
0x34: {  	[smem:$0x3FB9] =	sst s10  }
0x35: {  	s10 =	sld [smem:$0x3FB8];
	_ =	sdelay $0x3  }
0x36: {  	p1 =	seq.s32 s10, $0x1;
	s10 =	sld [smem:$0x3FB9];
	_ =	sdelay $0x3  }
0x37: {  	[smem:$0x3FB9] =	sst s10  }
0x38: {  	s10 =	sld [smem:$0x3FBA]  }
0x39: {  	_ = 	snop;
	(pc) =	sbr.ind lr, $3  }
0x3a: {  	_ = 	snop  }
0x3b: {  	_ = 	snop  }
0x3c: {  	p2 =	seq.s32 s10, $0x1;
	s10 =	sld [smem:$0x3FB9]  }
0x3d: {  	_ =	shalt  }
0x3e: {  	_ =	shalt  }
0x3f: {  	_ =	shalt  }
0x40: {  	_ =	shalt  }
0x41: {  	_ =	shalt  }
0x42: {  	_ =	shalt  }
0x43: {  	_ =	shalt  }
0x44: {  	_ =	shalt  }
0x45: {  	_ =	shalt  }
0x46: {  	_ =	shalt  }
0x47: {  	_ =	shalt  }
0x48: {  	_ =	shalt  }
0x49: {  	_ =	shalt  }
0x4a: {  	_ =	shalt  }
0x4b: {  	_ =	shalt  }
0x4c: {  	_ =	shalt  }
0x4d: {  	_ =	shalt  }
0x4e: {  	_ =	shalt  }
0x4f: {  	_ =	shalt  }
0x50: {  	_ =	shalt  }
0x51: {  	_ =	shalt  }
0x52: {  	_ =	shalt  }
0x53: {  	_ =	shalt  }
0x54: {  	_ =	shalt  }
0x55: {  	_ =	shalt  }
0x56: {  	_ =	shalt  }
0x57: {  	_ =	shalt  }
0x58: {  	_ =	shalt  }
0x59: {  	_ =	shalt  }
0x5a: {  	_ =	shalt  }
0x5b: {  	_ =	shalt  }
0x5c: {  	_ =	shalt  }
0x5d: {  	_ =	shalt  }
0x5e: {  	_ =	shalt  }
0x5f: {  	_ =	shalt  }
0x60: {  	_ =	shalt  }
0x61: {  	_ =	shalt  }
0x62: {  	_ =	shalt  }
0x63: {  	_ =	shalt  }
0x64: {  	_ =	shalt  }
0x65: {  	_ =	shalt  }
0x66: {  	_ =	shalt  }
0x67: {  	_ =	shalt  }
0x68: {  	_ =	shalt  }
0x69: {  	_ =	shalt  }
0x6a: {  	_ =	shalt  }
0x6b: {  	_ =	shalt  }
0x6c: {  	_ =	shalt  }
0x6d: {  	_ =	shalt  }
0x6e: {  	_ =	shalt  }
0x6f: {  	_ =	shalt  }
0x70: {  	_ =	shalt  }
0x71: {  	_ =	shalt  }
0x72: {  	_ =	shalt  }
0x73: {  	_ =	shalt  }
0x74: {  	_ =	shalt  }
0x75: {  	_ =	shalt  }
0x76: {  	_ =	shalt  }
0x77: {  	_ =	shalt  }
0x78: {  	_ =	shalt  }
0x79: {  	_ =	shalt  }
0x7a: {  	_ =	shalt  }
0x7b: {  	_ =	shalt  }
0x7c: {  	_ =	shalt  }
0x7d: {  	_ =	shalt  }
0x7e: {  	_ =	shalt  }
0x7f: {  	_ =	shalt  }
0x80: {  	_ =	shalt  }
0x81: {  	_ =	shalt  }
0x82: {  	_ =	shalt  }
0x83: {  	_ =	shalt  }
0x84: {  	_ =	shalt  }
0x85: {  	_ =	shalt  }
0x86: {  	_ =	shalt  }
0x87: {  	_ =	shalt  }
.Lfunc_end0:
.L_simem_size_0:
called_computation_lowered:
.L_overlay_start_0:
0x88: {  	s2 =	sld [smem:$0x3FD9]  }
0x89: {  	s3 =	sld [smem:$0x3FFE];
	_ =	sdelay $0x1  }
0x8a: {  	s1 =	srdreg.scid  }
0x8b: {  	s0 =	sand.u32 $0x1, s1  }
0x8c: {  	s18 =	sshll.u32 s0, $0xA;
	s2 =	sadd.s32 s3, s2  }
0x8d: {  	s3 =	sadd.s32 s2, s18  }
0x8e: {  	[smem:$0x3FC5] =	sst s3  }
0x8f: {  	_ = 	snop  }
0x90: {  	s3 =	sld [smem:$0x3FC9]  }
0x91: {  	s4 =	sld [smem:$0x3FC7]  }
0x92: {  	s5 =	sld [smem:$0x3FD0];
	(tm) =	ssettm $0x1  }
0x93: {  	s6 =	sld [smem:$0x3FFB];
	_ =	sdelay $0x3  }
0x94: {  	_ =	strace s6  }
0x95: {  	s6 =	sld [smem:$0x3FFC];
	_ =	sdelay $0x3  }
0x96: {  	_ =	strace s6  }
0x97: {  	s6 =	sld [smem:$0x3FFD];
	_ =	sdelay $0x3  }
0x98: {  	_ =	strace s6  }
0x99: {  	_ =	strace $0x8FFFFFFF  }
0x9a: {  	s19 =	sld [smem:$0x3FDB];
	_ =	sdelay $0x1  }
0x9b: {  	s7 =	simm.s32 $_scs_section_size  }
0x9c: {  	s8 =	simm.s32 $_size__tile_overlayer_lowered;
	s9 =	simm.s32 $_tile_overlayer_lowered  }
0x9d: {  	s22 =	simm.s32 $0x1BFF;
	s21 =	sshll.u32 s9, $0x1;
	s6 =	sadd.s32 s7, s19  }
0x9e: {  	s10 =	simm.s32 $0x0;
	s20 =	sshll.u32 s8, $0x1;
	s8 =	sadd.s32 s21, s6  }
0x9f: {  	[timem:s10], [sflag:s22] =	dma.local [hbm:s8], s20  }
0xa0: {  	_ =	swait.ge [sflag:s22], s20  }
0xa1: {  	s7 =	ssub.s32 $0x0, s20;
	[sflag:s22] =	ssyncset.done $0x0  }
0xa2: {  	[sflag:s22] =	ssyncadd.s32 s7;
	_ =	sdelay $0x1  }
0xa3: {  	s23 =	simm.s32 $0x1B8B  }
0xa4: {  	_ =	swait.ge [sflag:s23], $0x1  }
0xa5: {  	[sflag:s23] =	ssyncset.done $0x0  }
0xa6: {  	s25 =	simm.s32 $0x1B8E;
	s24 =	sld [smem:$0x3FFE];
	[sflag:s23] =	ssyncadd.s32 $0xFFFFFFFF  }
0xa7: {  	s26 =	simm.s32 $execute0_lowered;
	[smem:$0x3FD2] =	sst s25  }
0xa8: {  	s8 =	sshll.u32 s26, $0x1;
	_ =	strace $0x80000046;
	[dreg:$0x1] =	wrdreg $0xFFFFFFFF  }
0xa9: {  	s28 =	simm.s32 $_size_execute0_lowered;
	s6 =	sadd.s32 s6, s8;
	[dreg:$0x0] =	wrdreg $0x0  }
0xaa: {  	s8 =	sshll.u32 s28, $0x1;
	[dreg:$0x2] =	wrdreg s6  }
0xab: {  	[dreg:$0x3] =	wrdreg s8  }
0xac: {  	[dreg:$0x4] =	wrdreg $0xC0  }
0xad: {  	_ =	task [dreg:s10], $0x5FFFF  }
0xae: {  	[dreg:$0x1] =	wrdreg $0xFFFFFFFF  }
0xaf: {  	[dreg:$0x0] =	wrdreg $0x60  }
0xb0: {  	[dreg:$0x2] =	wrdreg s3  }
0xb1: {  	[dreg:$0x3] =	wrdreg s24  }
0xb2: {  	[dreg:$0x4] =	wrdreg s4  }
0xb3: {  	s2 =	sadd.s32 $0x800, s2;
	[dreg:$0x5] =	wrdreg s5  }
0xb4: {  	[dreg:$0x6] =	wrdreg s2  }
0xb5: {  	[dreg:$0x7] =	wrdreg $0x2780  }
0xb6: {  	[dreg:$0x8] =	wrdreg $0x0  }
0xb7: {  	[dreg:$0x9] =	wrdreg $0x9  }
0xb8: {  	_ =	task.clear_ibuf [dreg:s10], $0xAFFFF;
	_ =	strace $0x90000046  }
0xb9: {  	s29 =	simm.s32 $0x9;
	_ =	strace $0x80000048  }
0xba: {  	_ =	swait.ge [sflag:s29], $0x1  }
0xbb: {  	[sflag:s29] =	ssyncadd.s32 $0xFFFFFFFF  }
0xbc: {  	_ =	strace $0x90000048  }
0xbd: {  	_ =	sfence  }
0xbe: {  	s30 =	sld [smem:$0x0];
	_ =	sdelay $0x2  }
0xbf: {  	s31 =	sshll.u32 s1, $0xD;
	s1 =	sshrl.u32 s1, $0x2  }
0xc0: {  	s3 =	sand.u32 $0x4000, s31;
	s1 =	sadd.s32 s1, s30  }
0xc1: {  	s0 =	sor.u32 s3, s0;
	s1 =	sshll.u32 s1, $0x11  }
0xc2: {  	s0 =	sor.u32 s1, s0  }
0xc3: {  	s0 =	sadd.s32 $0x8F2B, s0  }
0xc4: {  	[sflag:s0] =	ssyncadd.remote.s32 $0x1  }
0xc5: {  	_ =	sfence.sel $0xFFFF  }
0xc6: {  	[dreg:$0x0] =	wrdreg $0xFFFFFFFF;
	(pc) =	sbr.abs _section_cstart, $3  }
0xc7: {  	[dreg:$0x1] =	wrdreg $0xFFFFFFFF  }
0xc8: {  	_ =	task.clear_ibuf [dreg:s10], $0x2FFFF;
	_ =	strace $0x9FFFFFFF  }
0xc9: {  	(tm) =	ssettm $0x7FFFFFFF  }
tec
execute0_lowered:
.L_overlay_start_1:
0x0: {  	(tag) =	ssettag $0x1  }
0x1: {  	s1 =	rddreg [dreg:$0x1];
	v0 =	vlaneseq.u32  }
0x2: {  	s2 =	rddreg [dreg:$0x2];
	v0 =	vmul.u32 $0x80, v0  }
0x3: {  	s0 =	rddreg [dreg:$0x3]  }
0x4: {  	s6 =	rddreg [dreg:$0x5];
	v1 =	vimm.f32 $0.0e+00;
	v6 =	vor.u32 $0x1, v0;
	v2 =	vor.u32 $0x2, v0  }
0x5: {  	s3 =	rddreg [dreg:$0x6];
	s4 =	simm.s32 $0x0;
	s5 =	stileid.u32;
	v7 =	vor.u32 $0x6, v0;
	v8 =	vor.u32 $0x7, v0;
	v9 =	vor.u32 $0x8, v0  }
0x6: {  	s8 =	srdreg.scid;
	s19 =	simm.s32 $0x50;
	s29 =	simm.s32 $0x14768;
	v10 =	vor.u32 $0x9, v0;
	v11 =	vor.u32 $0xA, v0;
	v12 =	vor.u32 $0xB, v0  }
0x7: {  	s30 =	simm.s32 $0x13CF8;
	s31 =	simm.s32 $0x147B8;
	s15 =	simm.s32 $0x14808;
	v13 =	vor.u32 $0xC, v0;
	v14 =	vor.u32 $0xD, v0;
	v15 =	vor.u32 $0xE, v0  }
0x8: {  	s18 =	simm.s32 $0x13E78;
	s16 =	simm.s32 $0x14718;
	s28 =	simm.s32 $0x13C78;
	v16 =	vor.u32 $0xF, v0;
	v17 =	vor.u32 $0x10, v0;
	v18 =	vor.u32 $0x11, v0  }
0x9: {  	[smem:$0x7FF] =	sst s4;
	s7 =	smul.u32 $0x9C4, s5;
	s8 =	sand.u32 $0x1, s8;
	v19 =	vor.u32 $0x12, v0;
	v20 =	vor.u32 $0x13, v0;
	v21 =	vor.u32 $0x14, v0  }
0xa: {  	s9 =	smul.u32 $0x9C0, s5;
	s11 =	sadd.s32 $0x14600, s1;
	s13 =	sshll.u32 s5, $0x1;
	v22 =	vor.u32 $0x15, v0;
	v23 =	vor.u32 $0x16, v0;
	v24 =	vor.u32 $0x17, v0  }
0xb: {  	s21 =	sadd.s32 $0x2700, s3;
	s23 =	sshll.u32 s5, $0xB;
	s24 =	sshll.u32 s5, $0x4;
	v25 =	vor.u32 $0x18, v0;
	v26 =	vor.u32 $0x19, v0;
	[tilespmem:$0x1FFB0] =	vst v2;
	v2 =	vor.u32 $0x3, v0  }
0xc: {  	s26 =	sshll.u32 s5, $0x8;
	p1 =	sne.s32 s5, $0x0;
	s12 =	ssub.s32 $0x2, s8;
	v27 =	vor.u32 $0x1A, v0;
	v28 =	vor.u32 $0x1B, v0;
	[tilespmem:$0x1FFC0] =	vst v2;
	v2 =	vor.u32 $0x4, v0  }
0xd: {  	p0 =	seq.s32 s8, $0x1;
	s25 =	sadd.s32 s24, s3;
	s9 =	sshrl.u32 s9, $0x2;
	v29 =	vor.u32 $0x1C, v0;
	v30 =	vor.u32 $0x1D, v0;
	[tilespmem:$0x1FFD0] =	vst v2;
	v2 =	vor.u32 $0x5, v0  }
0xe: {  	s10 =	sadd.s32 s7, s1;
	s14 =	sshrl.u32 s12, $0x1;
	v31 =	vor.u32 $0x1E, v0;
	v32 =	vor.u32 $0x1F, v0;
	v33 =	vor.u32 $0x20, v0;
	s9 =	sadd.s32 s9, s3;
	[tilespmem:$0x1FFE0] =	vst v2  }
0xf: {  	v34 =	vor.u32 $0x21, v0;
	v35 =	vor.u32 $0x22, v0;
	v36 =	vor.u32 $0x23, v0;
	s12 =	ssub.s32 s12, s14;
	_ =	strace $0x80000047;
	[dreg:$0x9] =	wrdreg s9  }
0x10: {  	s1 =	sadd.s32 s13, s1;
	v37 =	vor.u32 $0x24, v0;
	v38 =	vor.u32 $0x25, v0;
	v39 =	vor.u32 $0x26, v0;
	s22 =	smax.u32 s12, $0x1;
	[dreg:$0xa] =	wrdreg s21  }
0x11: {  	s2 =	sadd.s32 s7, s2;
	s0 =	smov.u32 @p0 s11;
	v40 =	vor.u32 $0x27, v0;
	v41 =	vor.u32 $0x28, v0;
	v42 =	vor.u32 $0x29, v0;
	[dreg:$0xb] =	wrdreg s22  }
0x12: {  	v43 =	vor.u32 $0x2A, v0;
	v44 =	vor.u32 $0x2B, v0;
	v45 =	vor.u32 $0x2C, v0;
	s7 =	simm.s32 $0x14858;
	s11 =	simm.s32 $0x148A8;
	[dreg:$0x8] =	wrdreg s2  }
0x13: {  	v46 =	vor.u32 $0x2D, v0;
	v47 =	vor.u32 $0x2E, v0;
	v48 =	vor.u32 $0x2F, v0;
	s13 =	simm.s32 $0x13EF8;
	s1 =	sadd.s32 $0x14000, s1;
	[dreg:$0xd] =	wrdreg s25  }
0x14: {  	v49 =	vor.u32 $0x30, v0;
	v50 =	vor.u32 $0x31, v0;
	v51 =	vor.u32 $0x32, v0;
	s8 =	sadd.s32 $0x400, s10;
	s0 =	sadd.s32 s26, s0;
	[dreg:$0xf] =	wrdreg s1  }
0x15: {  	v52 =	vor.u32 $0x33, v0;
	v53 =	vor.u32 $0x34, v0;
	v54 =	vor.u32 $0x35, v0;
	s10 =	simm.s32 $0x151F8;
	s14 =	simm.s32 $0x0;
	[dreg:$0xe] =	wrdreg s26  }
0x16: {  	v55 =	vor.u32 $0x36, v0;
	v56 =	vor.u32 $0x37, v0;
	v57 =	vor.u32 $0x38, v0;
	s12 =	simm.s32 $0x148F8;
	s2 =	sadd.s32 s23, s6;
	[dreg:$0x10] =	wrdreg s0  }
0x17: {  	v58 =	vor.u32 $0x39, v0;
	v59 =	vor.u32 $0x3A, v0;
	v60 =	vor.u32 $0x3B, v0;
	s1 =	simm.s32 $0x2;
	s0 =	simm.s32 $0x0;
	s6 =	simm.s32 $0x13DF8  }
0x18: {  	v61 =	vor.u32 $0x3C, v0;
	v62 =	vor.u32 $0x3D, v0;
	v63 =	vor.u32 $0x3E, v0;
	[tilespmem:$0x1FFF0] =	vst v6;
	s9 =	simm.s32 $0x13F78;
	[dreg:$0xc] =	wrdreg s2;
	s2 =	simm.s32 $0x149F8  }
.LBB2_1:
0x19: {  	[tilespmem:$0x162F8] =	vst v1  }
0x1a: {  	[tilespmem:$0x16308] =	vst v1  }
0x1b: {  	[tilespmem:$0x16318] =	vst v1  }
0x1c: {  	[tilespmem:$0x16328] =	vst v1  }
0x1d: {  	[tilespmem:$0x16338] =	vst v1  }
0x1e: {  	[tilespmem:$0x16348] =	vst v1  }
0x1f: {  	[tilespmem:$0x16358] =	vst v1  }
0x20: {  	[tilespmem:$0x16368] =	vst v1  }
0x21: {  	[tilespmem:$0x16378] =	vst v1  }
0x22: {  	[tilespmem:$0x16388] =	vst v1  }
0x23: {  	[tilespmem:$0x16398] =	vst v1  }
0x24: {  	[tilespmem:$0x163A8] =	vst v1  }
0x25: {  	[tilespmem:$0x163B8] =	vst v1  }
0x26: {  	[tilespmem:$0x163C8] =	vst v1  }
0x27: {  	[tilespmem:$0x163D8] =	vst v1  }
0x28: {  	[tilespmem:$0x163E8] =	vst v1  }
0x29: {  	[tilespmem:$0x163F8] =	vst v1  }
0x2a: {  	[tilespmem:$0x16408] =	vst v1  }
0x2b: {  	[tilespmem:$0x16418] =	vst v1  }
0x2c: {  	[tilespmem:$0x16428] =	vst v1  }
0x2d: {  	[tilespmem:$0x16438] =	vst v1  }
0x2e: {  	[tilespmem:$0x16448] =	vst v1  }
0x2f: {  	[tilespmem:$0x16458] =	vst v1  }
0x30: {  	[tilespmem:$0x16468] =	vst v1  }
0x31: {  	[tilespmem:$0x16478] =	vst v1  }
0x32: {  	[tilespmem:$0x16488] =	vst v1  }
0x33: {  	[tilespmem:$0x16498] =	vst v1  }
0x34: {  	[tilespmem:$0x164A8] =	vst v1  }
0x35: {  	[tilespmem:$0x164B8] =	vst v1  }
0x36: {  	[tilespmem:$0x164C8] =	vst v1  }
0x37: {  	[tilespmem:$0x164D8] =	vst v1  }
0x38: {  	[tilespmem:$0x164E8] =	vst v1  }
0x39: {  	[tilespmem:$0x164F8] =	vst v1  }
0x3a: {  	[tilespmem:$0x16508] =	vst v1  }
0x3b: {  	[tilespmem:$0x16518] =	vst v1  }
0x3c: {  	[tilespmem:$0x16528] =	vst v1  }
0x3d: {  	[tilespmem:$0x16538] =	vst v1  }
0x3e: {  	[tilespmem:$0x16548] =	vst v1  }
0x3f: {  	[tilespmem:$0x16558] =	vst v1  }
0x40: {  	[tilespmem:$0x159F8] =	vst v1  }
0x41: {  	[tilespmem:$0x15A08] =	vst v1  }
0x42: {  	[tilespmem:$0x15A18] =	vst v1  }
0x43: {  	[tilespmem:$0x15A28] =	vst v1  }
0x44: {  	[tilespmem:$0x15A38] =	vst v1  }
0x45: {  	[tilespmem:$0x15A48] =	vst v1  }
0x46: {  	[tilespmem:$0x15A58] =	vst v1  }
0x47: {  	[tilespmem:$0x15A68] =	vst v1  }
0x48: {  	[tilespmem:$0x15A78] =	vst v1  }
0x49: {  	[tilespmem:$0x15A88] =	vst v1  }
0x4a: {  	[tilespmem:$0x15A98] =	vst v1  }
0x4b: {  	[tilespmem:$0x15AA8] =	vst v1  }
0x4c: {  	[tilespmem:$0x15AB8] =	vst v1  }
0x4d: {  	[tilespmem:$0x15AC8] =	vst v1  }
0x4e: {  	[tilespmem:$0x15AD8] =	vst v1  }
0x4f: {  	[tilespmem:$0x15AE8] =	vst v1  }
0x50: {  	[tilespmem:$0x15AF8] =	vst v1  }
0x51: {  	[tilespmem:$0x15B08] =	vst v1  }
0x52: {  	[tilespmem:$0x15B18] =	vst v1  }
0x53: {  	[tilespmem:$0x15B28] =	vst v1  }
0x54: {  	[tilespmem:$0x15B38] =	vst v1  }
0x55: {  	[tilespmem:$0x15B48] =	vst v1  }
0x56: {  	[tilespmem:$0x15B58] =	vst v1  }
0x57: {  	[tilespmem:$0x15B68] =	vst v1  }
0x58: {  	[tilespmem:$0x15B78] =	vst v1  }
0x59: {  	[tilespmem:$0x15B88] =	vst v1  }
0x5a: {  	[tilespmem:$0x15B98] =	vst v1  }
0x5b: {  	[tilespmem:$0x15BA8] =	vst v1  }
0x5c: {  	[tilespmem:$0x15BB8] =	vst v1  }
0x5d: {  	[tilespmem:$0x15BC8] =	vst v1  }
0x5e: {  	[tilespmem:$0x15BD8] =	vst v1  }
0x5f: {  	[tilespmem:$0x15BE8] =	vst v1  }
0x60: {  	[tilespmem:$0x15BF8] =	vst v1  }
0x61: {  	[tilespmem:$0x15C08] =	vst v1  }
0x62: {  	[tilespmem:$0x15C18] =	vst v1  }
0x63: {  	[tilespmem:$0x15C28] =	vst v1  }
0x64: {  	[tilespmem:$0x15C38] =	vst v1  }
0x65: {  	[tilespmem:$0x15C48] =	vst v1  }
0x66: {  	[tilespmem:$0x15C58] =	vst v1  }
0x67: {  	[tilespmem:$0x15C68] =	vst v1  }
0x68: {  	[tilespmem:$0x15C78] =	vst v1  }
0x69: {  	[tilespmem:$0x15C88] =	vst v1  }
0x6a: {  	[tilespmem:$0x15C98] =	vst v1  }
0x6b: {  	[tilespmem:$0x15CA8] =	vst v1  }
0x6c: {  	[tilespmem:$0x15CB8] =	vst v1  }
0x6d: {  	[tilespmem:$0x15CC8] =	vst v1  }
0x6e: {  	[tilespmem:$0x15CD8] =	vst v1  }
0x6f: {  	[tilespmem:$0x15CE8] =	vst v1  }
0x70: {  	[tilespmem:$0x15CF8] =	vst v1  }
0x71: {  	[tilespmem:$0x15D08] =	vst v1  }
0x72: {  	[tilespmem:$0x15D18] =	vst v1  }
0x73: {  	[tilespmem:$0x15D28] =	vst v1  }
0x74: {  	[tilespmem:$0x15D38] =	vst v1  }
0x75: {  	[tilespmem:$0x15D48] =	vst v1  }
0x76: {  	[tilespmem:$0x15D58] =	vst v1  }
0x77: {  	[tilespmem:$0x15D68] =	vst v1  }
0x78: {  	[tilespmem:$0x15D78] =	vst v1  }
0x79: {  	[tilespmem:$0x15D88] =	vst v1  }
0x7a: {  	[tilespmem:$0x15D98] =	vst v1  }
0x7b: {  	[tilespmem:$0x15DA8] =	vst v1  }
0x7c: {  	[tilespmem:$0x15DB8] =	vst v1  }
0x7d: {  	[tilespmem:$0x15DC8] =	vst v1  }
0x7e: {  	[tilespmem:$0x15DD8] =	vst v1  }
0x7f: {  	[tilespmem:$0x15DE8] =	vst v1  }
0x80: {  	[tilespmem:$0x15DF8] =	vst v1  }
0x81: {  	[tilespmem:$0x15E08] =	vst v1  }
0x82: {  	[tilespmem:$0x15E18] =	vst v1  }
0x83: {  	[tilespmem:$0x15E28] =	vst v1  }
0x84: {  	[tilespmem:$0x15E38] =	vst v1  }
0x85: {  	[tilespmem:$0x15E48] =	vst v1  }
0x86: {  	[tilespmem:$0x15E58] =	vst v1  }
0x87: {  	[tilespmem:$0x15E68] =	vst v1  }
0x88: {  	[tilespmem:$0x15E78] =	vst v1  }
0x89: {  	[tilespmem:$0x15E88] =	vst v1  }
0x8a: {  	[tilespmem:$0x15E98] =	vst v1  }
0x8b: {  	[tilespmem:$0x15EA8] =	vst v1  }
0x8c: {  	[tilespmem:$0x15EB8] =	vst v1  }
0x8d: {  	[tilespmem:$0x15EC8] =	vst v1  }
0x8e: {  	[tilespmem:$0x15ED8] =	vst v1  }
0x8f: {  	[tilespmem:$0x15EE8] =	vst v1  }
0x90: {  	[tilespmem:$0x15EF8] =	vst v1  }
0x91: {  	[tilespmem:$0x15F08] =	vst v1  }
0x92: {  	[tilespmem:$0x15F18] =	vst v1  }
0x93: {  	[tilespmem:$0x15F28] =	vst v1  }
0x94: {  	[tilespmem:$0x15F38] =	vst v1  }
0x95: {  	[tilespmem:$0x15F48] =	vst v1  }
0x96: {  	[tilespmem:$0x15F58] =	vst v1  }
0x97: {  	[tilespmem:$0x15F68] =	vst v1  }
0x98: {  	[tilespmem:$0x15F78] =	vst v1  }
0x99: {  	[tilespmem:$0x15F88] =	vst v1  }
0x9a: {  	[tilespmem:$0x15F98] =	vst v1  }
0x9b: {  	[tilespmem:$0x15FA8] =	vst v1  }
0x9c: {  	[tilespmem:$0x15FB8] =	vst v1  }
0x9d: {  	[tilespmem:$0x15FC8] =	vst v1  }
0x9e: {  	[tilespmem:$0x15FD8] =	vst v1  }
0x9f: {  	[tilespmem:$0x15FE8] =	vst v1  }
0xa0: {  	[tilespmem:$0x15FF8] =	vst v1  }
0xa1: {  	[tilespmem:$0x16008] =	vst v1  }
0xa2: {  	[tilespmem:$0x16018] =	vst v1  }
0xa3: {  	[tilespmem:$0x16028] =	vst v1  }
0xa4: {  	[tilespmem:$0x16038] =	vst v1  }
0xa5: {  	[tilespmem:$0x16048] =	vst v1  }
0xa6: {  	[tilespmem:$0x16058] =	vst v1  }
0xa7: {  	[tilespmem:$0x16068] =	vst v1  }
0xa8: {  	[tilespmem:$0x16078] =	vst v1  }
0xa9: {  	[tilespmem:$0x16088] =	vst v1  }
0xaa: {  	[tilespmem:$0x16098] =	vst v1  }
0xab: {  	[tilespmem:$0x160A8] =	vst v1  }
0xac: {  	[tilespmem:$0x160B8] =	vst v1  }
0xad: {  	[tilespmem:$0x160C8] =	vst v1  }
0xae: {  	[tilespmem:$0x160D8] =	vst v1  }
0xaf: {  	[tilespmem:$0x160E8] =	vst v1  }
0xb0: {  	[tilespmem:$0x160F8] =	vst v1  }
0xb1: {  	[tilespmem:$0x16108] =	vst v1  }
0xb2: {  	[tilespmem:$0x16118] =	vst v1  }
0xb3: {  	[tilespmem:$0x16128] =	vst v1  }
0xb4: {  	[tilespmem:$0x16138] =	vst v1  }
0xb5: {  	[tilespmem:$0x16148] =	vst v1  }
0xb6: {  	[tilespmem:$0x16158] =	vst v1  }
0xb7: {  	[tilespmem:$0x16168] =	vst v1  }
0xb8: {  	[tilespmem:$0x16178] =	vst v1  }
0xb9: {  	[tilespmem:$0x16188] =	vst v1  }
0xba: {  	[tilespmem:$0x16198] =	vst v1  }
0xbb: {  	[tilespmem:$0x161A8] =	vst v1  }
0xbc: {  	[tilespmem:$0x161B8] =	vst v1  }
0xbd: {  	[tilespmem:$0x161C8] =	vst v1  }
0xbe: {  	[dreg:$0x11] =	wrdreg s0;
	[tilespmem:$0x161D8] =	vst v1  }
0xbf: {  	[tilespmem:$0x161E8] =	vst v1;
	s17 =	rddreg [dreg:$0x9];
	s20 =	simm.s32 $0x162F8  }
0xc0: {  	[spmem:s17] =	stream.linear.scatter [tilespmem:s20], [sflag:$0x2], $0x270, $0x38;
	[tilespmem:$0x16578] =	vst v63  }
0xc1: {  	_ =	swait.ge [sflag:s1], $0x270  }
0xc2: {  	[sflag:s1] =	ssyncset.done $0x0  }
0xc3: {  	s17 =	simm.s32 @!p1 $0x162F8;
	s20 =	rddreg [dreg:$0xa];
	[sflag:s1] =	ssyncadd.s32 $0xFFFFFD90  }
0xc4: {  	[spmem:s20] =	stream.linear.scatter @!p1 [tilespmem:s17], [sflag:$0x2], $0x10, $0x38;
	[tilespmem:$0x16578] =	vst v63  }
0xc5: {  	s21 =	simm.s32 $0x1;
	s0 =	simm.s32 $0x14948;
	s17 =	simm.s32 @!p1 $0x2  }
0xc6: {  	s4 =	simm.s32 $0x14678;
	s22 =	simm.s32 $0x142F8;
	_ =	swait.ge @!p1 [sflag:s17], $0x10  }
0xc7: {  	s23 =	simm.s32 $0x13AF8;
	s24 =	simm.s32 $0x13B78;
	[sflag:s17] =	ssyncset.done @!p1 $0x0  }
0xc8: {  	s25 =	simm.s32 $0x146C8;
	s26 =	simm.s32 $0x2;
	[sflag:s17] =	ssyncadd.s32 @!p1 $0xFFFFFFF0  }
0xc9: {  	s1 =	simm.s32 $0x13D78;
	s17 =	simm.s32 $0x0;
	[bflag:$0x0] =	sbarrier.arrive $0xFFFF  }
.LBB2_2:
0xca: {  	s20 =	sadd.s32 s17, s8  }
0xcb: {  	[tilespmem:s22], [sflag:$0x2] =	stream.linear.gather [hbm4b:s20+s14], $0x320, $0x38;
	[tilespmem:$0x16578] =	vst v63  }
0xcc: {  	_ =	swait.ge [sflag:s26], $0x320  }
0xcd: {  	s20 =	rddreg [dreg:$0x8];
	[sflag:s26] =	ssyncset.done $0x0  }
0xce: {  	[sflag:s26] =	ssyncadd.s32 $0xFFFFFCE0;
	s20 =	sadd.s32 s17, s20  }
0xcf: {  	[tilespmem:s4], [sflag:$0x2] =	stream.linear.gather [hbm4b:s20+s14], $0x320, $0x38;
	[tilespmem:$0x16578] =	vst v63  }
0xd0: {  	_ =	swait.ge [sflag:s26], $0x320  }
0xd1: {  	[sflag:s26] =	ssyncset.done $0x0  }
0xd2: {  	[sflag:s26] =	ssyncadd.s32 $0xFFFFFCE0  }
0xd3: {  	v2 =	vld [tilespmem:$0x142F8]  }
0xd4: {  	v3 =	vld [tilespmem:$0x14308]  }
0xd5: {  	v4 =	vld [tilespmem:$0x14318]  }
0xd6: {  	v5 =	vld [tilespmem:$0x14328]  }
0xd7: {  	v6 =	vld [tilespmem:$0x14338]  }
0xd8: {  	[tilespmem:$0x13AF8] =	vst v2;
	v2 =	vld [tilespmem:$0x14348]  }
0xd9: {  	[tilespmem:$0x13B08] =	vst v3;
	v3 =	vld [tilespmem:$0x14358]  }
0xda: {  	[tilespmem:$0x13B18] =	vst v4;
	v4 =	vld [tilespmem:$0x14368]  }
0xdb: {  	[tilespmem:$0x13B28] =	vst v5;
	v5 =	vld [tilespmem:$0x14378]  }
0xdc: {  	[tilespmem:$0x13B38] =	vst v6;
	v6 =	vld [tilespmem:$0x14388]  }
0xdd: {  	[tilespmem:$0x13B78] =	vst v2;
	v2 =	vld [tilespmem:$0x14398]  }
0xde: {  	[tilespmem:$0x13B88] =	vst v3;
	v3 =	vld [tilespmem:$0x143A8]  }
0xdf: {  	[tilespmem:$0x13B98] =	vst v4;
	v4 =	vld [tilespmem:$0x143B8]  }
0xe0: {  	[tilespmem:$0x13BA8] =	vst v5;
	v5 =	vld [tilespmem:$0x143C8]  }
0xe1: {  	[tilespmem:$0x13BB8] =	vst v6;
	v6 =	vld [tilespmem:$0x143D8]  }
0xe2: {  	[tilespmem:$0x13BF8] =	vst v2;
	v2 =	vld [tilespmem:$0x143E8]  }
0xe3: {  	[tilespmem:$0x13C08] =	vst v3;
	v3 =	vld [tilespmem:$0x143F8]  }
0xe4: {  	[tilespmem:$0x13C18] =	vst v4;
	v4 =	vld [tilespmem:$0x14408]  }
0xe5: {  	[tilespmem:$0x13C28] =	vst v5;
	v5 =	vld [tilespmem:$0x14418]  }
0xe6: {  	[tilespmem:$0x13C38] =	vst v6;
	v6 =	vld [tilespmem:$0x14428]  }
0xe7: {  	[tilespmem:$0x13C78] =	vst v2;
	v2 =	vld [tilespmem:$0x14438]  }
0xe8: {  	[tilespmem:$0x13C88] =	vst v3;
	v3 =	vld [tilespmem:$0x14448]  }
0xe9: {  	[tilespmem:$0x13C98] =	vst v4;
	v4 =	vld [tilespmem:$0x14458]  }
0xea: {  	[tilespmem:$0x13CA8] =	vst v5;
	v5 =	vld [tilespmem:$0x14468]  }
0xeb: {  	[tilespmem:$0x13CB8] =	vst v6;
	v6 =	vld [tilespmem:$0x14478]  }
0xec: {  	[tilespmem:$0x13CF8] =	vst v2;
	v2 =	vld [tilespmem:$0x14488]  }
0xed: {  	[tilespmem:$0x13D08] =	vst v3;
	v3 =	vld [tilespmem:$0x14498]  }
0xee: {  	[tilespmem:$0x13D18] =	vst v4;
	v4 =	vld [tilespmem:$0x144A8]  }
0xef: {  	[tilespmem:$0x13D28] =	vst v5;
	v5 =	vld [tilespmem:$0x144B8]  }
0xf0: {  	[tilespmem:$0x13D38] =	vst v6;
	v6 =	vld [tilespmem:$0x144C8]  }
0xf1: {  	[tilespmem:$0x13D78] =	vst v2;
	v2 =	vld [tilespmem:$0x144D8]  }
0xf2: {  	[tilespmem:$0x13D88] =	vst v3;
	v3 =	vld [tilespmem:$0x144E8]  }
0xf3: {  	[tilespmem:$0x13D98] =	vst v4;
	v4 =	vld [tilespmem:$0x144F8]  }
0xf4: {  	[tilespmem:$0x13DA8] =	vst v5;
	v5 =	vld [tilespmem:$0x14508]  }
0xf5: {  	[tilespmem:$0x13DB8] =	vst v6;
	v6 =	vld [tilespmem:$0x14518]  }
0xf6: {  	[tilespmem:$0x13DF8] =	vst v2;
	v2 =	vld [tilespmem:$0x14528]  }
0xf7: {  	[tilespmem:$0x13E08] =	vst v3;
	v3 =	vld [tilespmem:$0x14538]  }
0xf8: {  	[tilespmem:$0x13E18] =	vst v4;
	v4 =	vld [tilespmem:$0x14548]  }
0xf9: {  	[tilespmem:$0x13E28] =	vst v5;
	v5 =	vld [tilespmem:$0x14558]  }
0xfa: {  	[tilespmem:$0x13E38] =	vst v6;
	v6 =	vld [tilespmem:$0x14568]  }
0xfb: {  	[tilespmem:$0x13E78] =	vst v2;
	v2 =	vld [tilespmem:$0x14578]  }
0xfc: {  	[tilespmem:$0x13E88] =	vst v3;
	v3 =	vld [tilespmem:$0x14588]  }
0xfd: {  	[tilespmem:$0x13E98] =	vst v4;
	v4 =	vld [tilespmem:$0x14598]  }
0xfe: {  	[tilespmem:$0x13EA8] =	vst v5;
	v5 =	vld [tilespmem:$0x145A8]  }
0xff: {  	[tilespmem:$0x13EB8] =	vst v6;
	v6 =	vld [tilespmem:$0x145B8]  }
0x100: {  	[tilespmem:$0x13EF8] =	vst v2;
	v2 =	vld [tilespmem:$0x145C8]  }
0x101: {  	[tilespmem:$0x13F08] =	vst v3;
	v3 =	vld [tilespmem:$0x145D8]  }
0x102: {  	[tilespmem:$0x13F18] =	vst v4;
	v4 =	vld [tilespmem:$0x145E8]  }
0x103: {  	[tilespmem:$0x13F28] =	vst v5;
	v5 =	vld [tilespmem:$0x145F8]  }
0x104: {  	[tilespmem:$0x13F38] =	vst v6;
	v6 =	vld [tilespmem:$0x14608]  }
0x105: {  	[tilespmem:$0x13F78] =	vst v2  }
0x106: {  	[tilespmem:$0x13F88] =	vst v3  }
0x107: {  	[tilespmem:$0x13F98] =	vst v4  }
0x108: {  	[tilespmem:$0x13FA8] =	vst v5  }
0x109: {  	[tilespmem:$0x13FB8] =	vst v6  }
0x10a: {  	[spmem:s3] =	stream.indirect.scatter.add.f32 [tilespmem:s4], [sflag:$0x1], $0x1, s23, s19, $0xb8;
	[tilespmem:$0x16578] =	vst v63  }
0x10b: {  	_ = 	snop  }
0x10c: {  	[spmem:s3] =	stream.indirect.scatter.add.f32 [tilespmem:s25], [sflag:$0x1], $0x1, s24, s19, $0xb8;
	[tilespmem:$0x16578] =	vst v63  }
0x10d: {  	s20 =	simm.s32 $0x13BF8  }
0x10e: {  	[spmem:s3] =	stream.indirect.scatter.add.f32 [tilespmem:s16], [sflag:$0x1], $0x1, s20, s19, $0xb8;
	[tilespmem:$0x16578] =	vst v63  }
0x10f: {  	_ = 	snop  }
0x110: {  	[spmem:s3] =	stream.indirect.scatter.add.f32 [tilespmem:s29], [sflag:$0x1], $0x1, s28, s19, $0xb8;
	[tilespmem:$0x16578] =	vst v63  }
0x111: {  	_ = 	snop  }
0x112: {  	[spmem:s3] =	stream.indirect.scatter.add.f32 [tilespmem:s31], [sflag:$0x1], $0x1, s30, s19, $0xb8;
	[tilespmem:$0x16578] =	vst v63  }
0x113: {  	_ = 	snop  }
0x114: {  	[spmem:s3] =	stream.indirect.scatter.add.f32 [tilespmem:s15], [sflag:$0x1], $0x1, s1, s19, $0xb8;
	[tilespmem:$0x16578] =	vst v63  }
0x115: {  	_ = 	snop  }
0x116: {  	[spmem:s3] =	stream.indirect.scatter.add.f32 [tilespmem:s7], [sflag:$0x1], $0x1, s6, s19, $0xb8;
	[tilespmem:$0x16578] =	vst v63  }
0x117: {  	_ = 	snop  }
0x118: {  	[spmem:s3] =	stream.indirect.scatter.add.f32 [tilespmem:s11], [sflag:$0x1], $0x1, s18, s19, $0xb8;
	[tilespmem:$0x16578] =	vst v63  }
0x119: {  	p2 =	sne.s32 s17, $0x960  }
0x11a: {  	[spmem:s3] =	stream.indirect.scatter.add.f32 [tilespmem:s12], [sflag:$0x1], $0x1, s13, s19, $0xb8;
	[tilespmem:$0x16578] =	vst v63  }
.Ltmp0:
0x11b: {  	_ = 	snop;
	(pc) =	sbr.rel @p2 .LBB2_2-.Ltmp0, $4  }
0x11c: {  	[spmem:s3] =	stream.indirect.scatter.add.f32 [tilespmem:s0], [sflag:$0x1], $0x1, s9, s19, $0xb8;
	[tilespmem:$0x16578] =	vst v63  }
0x11d: {  	_ =	swait.ge [sflag:s21], $0x320  }
0x11e: {  	[sflag:s21] =	ssyncset.done $0x0  }
0x11f: {  	s17 =	sadd.s32 $0x64, s17;
	[sflag:s21] =	ssyncadd.s32 $0xFFFFFCE0  }
.Ltmp1:
0x120: {  	[bflag:$0x0] =	sbarrier.arrive $0xFFFF;
	(pc) =	sbr.rel .LBB2_4-.Ltmp1, $4  }
0x121: {  	s20 =	rddreg [dreg:$0xf]  }
0x122: {  	s21 =	rddreg [dreg:$0xe]  }
0x123: {  	s17 =	simm.s32 $0x0;
	s1 =	simm.s32 $0x0;
	s22 =	rddreg [dreg:$0xd]  }
0x124: {  	s0 =	simm.s32 $0x161F8;
	s4 =	simm.s32 $0x3;
	s23 =	rddreg [dreg:$0xc];
	v6 =	vld [tilespmem:$0x1FFF0]  }
.LBB2_6:
0x125: {  	s17 =	sadd.s32 $0x10, s17  }
0x126: {  	p2 =	sne.s32 s17, $0x280  }
.Ltmp2:
0x127: {  	_ = 	snop;
	(pc) =	sbr.rel @!p2 .LBB2_7-.Ltmp2, $3  }
0x128: {  	_ =	sdelay $0x1  }
0x129: {  	s23 =	sadd.s32 $0x8000, s23  }
0x12a: {  	s22 =	sadd.s32 $0x100, s22;
	s21 =	sadd.s32 $0x1000, s21;
	s20 =	sadd.s32 $0x20, s20  }
.LBB2_4:
0x12b: {  	s24 =	sadd.s32 s17, s5  }
0x12c: {  	p2 =	sgt.u32 s24, $0x270  }
.Ltmp3:
0x12d: {  	_ = 	snop;
	(pc) =	sbr.rel @p2 .LBB2_6-.Ltmp3, $1  }
0x12e: {  	_ =	sdelay $0x3  }
0x12f: {  	[tilespmem:s0], [sflag:$0x3] =	stream.linear.gather [spmem:s22], $0x10, $0x38;
	[tilespmem:$0x16578] =	vst v63  }
0x130: {  	_ =	swait.ge [sflag:s4], $0x10  }
0x131: {  	[sflag:s4] =	ssyncset.done $0x0  }
0x132: {  	[sflag:s4] =	ssyncadd.s32 $0xFFFFFFF0  }
0x133: {  	v2 =	vld [tilespmem:$0x161F8];
	_ =	sdelay $0x4  }
0x134: {  	v2 =	vadd.f32 $1.000000000e+00, v2;
	_ =	sdelay $0x1  }
0x135: {  	v3 =	vshrl.u32 v2, $0x1;
	v2 =	vmul.f32 $5.000000000e-01, v2  }
0x136: {  	v3 =	vsub.s32 $0x5F3759DF, v3  }
0x137: {  	v4 =	vmul.f32 v3, v2;
	_ =	sdelay $0x1  }
0x138: {  	v4 =	vmul.f32 v3, v4;
	_ =	sdelay $0x1  }
0x139: {  	v4 =	vsub.f32 $1.500000000e+00, v4;
	_ =	sdelay $0x1  }
0x13a: {  	v3 =	vmul.f32 v3, v4;
	_ =	sdelay $0x1  }
0x13b: {  	v4 =	vmul.f32 v3, v2;
	_ =	sdelay $0x1  }
0x13c: {  	v4 =	vmul.f32 v4, v3;
	_ =	sdelay $0x1  }
0x13d: {  	v4 =	vsub.f32 $1.500000000e+00, v4;
	_ =	sdelay $0x1  }
0x13e: {  	v3 =	vmul.f32 v4, v3;
	_ =	sdelay $0x1  }
0x13f: {  	v2 =	vmul.f32 v3, v2;
	_ =	sdelay $0x1  }
0x140: {  	v2 =	vmul.f32 v2, v3;
	_ =	sdelay $0x1  }
0x141: {  	v2 =	vsub.f32 $1.500000000e+00, v2;
	_ =	sdelay $0x1  }
0x142: {  	v2 =	vmul.f32 v2, v3  }
0x143: {  	s24 =	rddreg [dreg:$0x0]  }
0x144: {  	s24 =	sadd.s32 s21, s24;
	[tilespmem:$0x16278] =	vst v2  }
0x145: {  	[tilespmem:s2], [sflag:$0x3] =	stream.linear.gather [hbm4b:s24+s1], $0x800, $0x38;
	[tilespmem:$0x16578] =	vst v63  }
0x146: {  	_ =	swait.ge [sflag:s4], $0x800  }
0x147: {  	[sflag:s4] =	ssyncset.done $0x0  }
0x148: {  	[sflag:s4] =	ssyncadd.s32 $0xFFFFF800  }
0x149: {  	v3 =	vld.idx.msk [tilespmem:v0+s2+$0x0], $0xffff;
	_ =	sdelay $0x4  }
0x14a: {  	v3 =	vmul.f32 v2, v3;
	_ =	sdelay $0x1  }
0x14b: {  	v4 =	vld [tilespmem:$0x1FFB0];
	[tilespmem:v0+s10+$0x0] =	vst.idx.msk $0xffff, v3  }
0x14c: {  	v3 =	vld.idx.msk [tilespmem:v6+s2+$0x0], $0xffff;
	_ =	sdelay $0x4  }
0x14d: {  	v3 =	vmul.f32 v2, v3;
	_ =	sdelay $0x1  }
0x14e: {  	[tilespmem:v6+s10+$0x0] =	vst.idx.msk $0xffff, v3  }
0x14f: {  	v3 =	vld.idx.msk [tilespmem:v4+s2+$0x0], $0xffff;
	_ =	sdelay $0x4  }
0x150: {  	v3 =	vmul.f32 v2, v3;
	_ =	sdelay $0x1  }
0x151: {  	[tilespmem:v4+s10+$0x0] =	vst.idx.msk $0xffff, v3;
	v4 =	vld [tilespmem:$0x1FFC0];
	_ =	sdelay $0x7  }
0x152: {  	v3 =	vld.idx.msk [tilespmem:v4+s2+$0x0], $0xffff;
	_ =	sdelay $0x4  }
0x153: {  	v3 =	vmul.f32 v2, v3;
	_ =	sdelay $0x1  }
0x154: {  	[tilespmem:v4+s10+$0x0] =	vst.idx.msk $0xffff, v3;
	v4 =	vld [tilespmem:$0x1FFD0];
	_ =	sdelay $0x7  }
0x155: {  	v3 =	vld.idx.msk [tilespmem:v4+s2+$0x0], $0xffff;
	_ =	sdelay $0x4  }
0x156: {  	v3 =	vmul.f32 v2, v3;
	_ =	sdelay $0x1  }
0x157: {  	[tilespmem:v4+s10+$0x0] =	vst.idx.msk $0xffff, v3;
	v4 =	vld [tilespmem:$0x1FFE0];
	_ =	sdelay $0x7  }
0x158: {  	v3 =	vld.idx.msk [tilespmem:v4+s2+$0x0], $0xffff;
	_ =	sdelay $0x4  }
0x159: {  	v3 =	vmul.f32 v3, v2;
	_ =	sdelay $0x1  }
0x15a: {  	[tilespmem:v4+s10+$0x0] =	vst.idx.msk $0xffff, v3  }
0x15b: {  	v3 =	vld.idx.msk [tilespmem:v7+s2+$0x0], $0xffff;
	_ =	sdelay $0x4  }
0x15c: {  	v3 =	vmul.f32 v3, v2;
	_ =	sdelay $0x1  }
0x15d: {  	[tilespmem:v7+s10+$0x0] =	vst.idx.msk $0xffff, v3  }
0x15e: {  	v3 =	vld.idx.msk [tilespmem:v8+s2+$0x0], $0xffff;
	_ =	sdelay $0x4  }
0x15f: {  	v3 =	vmul.f32 v3, v2;
	_ =	sdelay $0x1  }
0x160: {  	[tilespmem:v8+s10+$0x0] =	vst.idx.msk $0xffff, v3  }
0x161: {  	v3 =	vld.idx.msk [tilespmem:v9+s2+$0x0], $0xffff;
	_ =	sdelay $0x4  }
0x162: {  	v3 =	vmul.f32 v3, v2;
	_ =	sdelay $0x1  }
0x163: {  	[tilespmem:v9+s10+$0x0] =	vst.idx.msk $0xffff, v3  }
0x164: {  	v3 =	vld.idx.msk [tilespmem:v10+s2+$0x0], $0xffff;
	_ =	sdelay $0x4  }
0x165: {  	v3 =	vmul.f32 v3, v2;
	_ =	sdelay $0x1  }
0x166: {  	[tilespmem:v10+s10+$0x0] =	vst.idx.msk $0xffff, v3  }
0x167: {  	v3 =	vld.idx.msk [tilespmem:v11+s2+$0x0], $0xffff;
	_ =	sdelay $0x4  }
0x168: {  	v3 =	vmul.f32 v3, v2;
	_ =	sdelay $0x1  }
0x169: {  	[tilespmem:v11+s10+$0x0] =	vst.idx.msk $0xffff, v3  }
0x16a: {  	v3 =	vld.idx.msk [tilespmem:v12+s2+$0x0], $0xffff;
	_ =	sdelay $0x4  }
0x16b: {  	v3 =	vmul.f32 v3, v2;
	_ =	sdelay $0x1  }
0x16c: {  	[tilespmem:v12+s10+$0x0] =	vst.idx.msk $0xffff, v3  }
0x16d: {  	v3 =	vld.idx.msk [tilespmem:v13+s2+$0x0], $0xffff;
	_ =	sdelay $0x4  }
0x16e: {  	v3 =	vmul.f32 v3, v2;
	_ =	sdelay $0x1  }
0x16f: {  	[tilespmem:v13+s10+$0x0] =	vst.idx.msk $0xffff, v3  }
0x170: {  	v3 =	vld.idx.msk [tilespmem:v14+s2+$0x0], $0xffff;
	_ =	sdelay $0x4  }
0x171: {  	v3 =	vmul.f32 v3, v2;
	_ =	sdelay $0x1  }
0x172: {  	[tilespmem:v14+s10+$0x0] =	vst.idx.msk $0xffff, v3  }
0x173: {  	v3 =	vld.idx.msk [tilespmem:v15+s2+$0x0], $0xffff;
	_ =	sdelay $0x4  }
0x174: {  	v3 =	vmul.f32 v3, v2;
	_ =	sdelay $0x1  }
0x175: {  	[tilespmem:v15+s10+$0x0] =	vst.idx.msk $0xffff, v3  }
0x176: {  	v3 =	vld.idx.msk [tilespmem:v16+s2+$0x0], $0xffff;
	_ =	sdelay $0x4  }
0x177: {  	v3 =	vmul.f32 v3, v2;
	_ =	sdelay $0x1  }
0x178: {  	[tilespmem:v16+s10+$0x0] =	vst.idx.msk $0xffff, v3  }
0x179: {  	v3 =	vld.idx.msk [tilespmem:v17+s2+$0x0], $0xffff;
	_ =	sdelay $0x4  }
0x17a: {  	v3 =	vmul.f32 v3, v2;
	_ =	sdelay $0x1  }
0x17b: {  	[tilespmem:v17+s10+$0x0] =	vst.idx.msk $0xffff, v3  }
0x17c: {  	v3 =	vld.idx.msk [tilespmem:v18+s2+$0x0], $0xffff;
	_ =	sdelay $0x4  }
0x17d: {  	v3 =	vmul.f32 v3, v2;
	_ =	sdelay $0x1  }
0x17e: {  	[tilespmem:v18+s10+$0x0] =	vst.idx.msk $0xffff, v3  }
0x17f: {  	v3 =	vld.idx.msk [tilespmem:v19+s2+$0x0], $0xffff;
	_ =	sdelay $0x4  }
0x180: {  	v3 =	vmul.f32 v3, v2;
	_ =	sdelay $0x1  }
0x181: {  	[tilespmem:v19+s10+$0x0] =	vst.idx.msk $0xffff, v3  }
0x182: {  	v3 =	vld.idx.msk [tilespmem:v20+s2+$0x0], $0xffff;
	_ =	sdelay $0x4  }
0x183: {  	v3 =	vmul.f32 v3, v2;
	_ =	sdelay $0x1  }
0x184: {  	[tilespmem:v20+s10+$0x0] =	vst.idx.msk $0xffff, v3  }
0x185: {  	v3 =	vld.idx.msk [tilespmem:v21+s2+$0x0], $0xffff;
	_ =	sdelay $0x4  }
0x186: {  	v3 =	vmul.f32 v3, v2;
	_ =	sdelay $0x1  }
0x187: {  	[tilespmem:v21+s10+$0x0] =	vst.idx.msk $0xffff, v3  }
0x188: {  	v3 =	vld.idx.msk [tilespmem:v22+s2+$0x0], $0xffff;
	_ =	sdelay $0x4  }
0x189: {  	v3 =	vmul.f32 v3, v2;
	_ =	sdelay $0x1  }
0x18a: {  	[tilespmem:v22+s10+$0x0] =	vst.idx.msk $0xffff, v3  }
0x18b: {  	v3 =	vld.idx.msk [tilespmem:v23+s2+$0x0], $0xffff;
	_ =	sdelay $0x4  }
0x18c: {  	v3 =	vmul.f32 v3, v2;
	_ =	sdelay $0x1  }
0x18d: {  	[tilespmem:v23+s10+$0x0] =	vst.idx.msk $0xffff, v3  }
0x18e: {  	v3 =	vld.idx.msk [tilespmem:v24+s2+$0x0], $0xffff;
	_ =	sdelay $0x4  }
0x18f: {  	v3 =	vmul.f32 v3, v2;
	_ =	sdelay $0x1  }
0x190: {  	[tilespmem:v24+s10+$0x0] =	vst.idx.msk $0xffff, v3  }
0x191: {  	v3 =	vld.idx.msk [tilespmem:v25+s2+$0x0], $0xffff;
	_ =	sdelay $0x4  }
0x192: {  	v3 =	vmul.f32 v3, v2;
	_ =	sdelay $0x1  }
0x193: {  	[tilespmem:v25+s10+$0x0] =	vst.idx.msk $0xffff, v3  }
0x194: {  	v3 =	vld.idx.msk [tilespmem:v26+s2+$0x0], $0xffff;
	_ =	sdelay $0x4  }
0x195: {  	v3 =	vmul.f32 v3, v2;
	_ =	sdelay $0x1  }
0x196: {  	[tilespmem:v26+s10+$0x0] =	vst.idx.msk $0xffff, v3  }
0x197: {  	v3 =	vld.idx.msk [tilespmem:v27+s2+$0x0], $0xffff;
	_ =	sdelay $0x4  }
0x198: {  	v3 =	vmul.f32 v3, v2;
	_ =	sdelay $0x1  }
0x199: {  	[tilespmem:v27+s10+$0x0] =	vst.idx.msk $0xffff, v3  }
0x19a: {  	v3 =	vld.idx.msk [tilespmem:v28+s2+$0x0], $0xffff;
	_ =	sdelay $0x4  }
0x19b: {  	v3 =	vmul.f32 v3, v2;
	_ =	sdelay $0x1  }
0x19c: {  	[tilespmem:v28+s10+$0x0] =	vst.idx.msk $0xffff, v3  }
0x19d: {  	v3 =	vld.idx.msk [tilespmem:v29+s2+$0x0], $0xffff;
	_ =	sdelay $0x4  }
0x19e: {  	v3 =	vmul.f32 v3, v2;
	_ =	sdelay $0x1  }
0x19f: {  	[tilespmem:v29+s10+$0x0] =	vst.idx.msk $0xffff, v3  }
0x1a0: {  	v3 =	vld.idx.msk [tilespmem:v30+s2+$0x0], $0xffff;
	_ =	sdelay $0x4  }
0x1a1: {  	v3 =	vmul.f32 v3, v2;
	_ =	sdelay $0x1  }
0x1a2: {  	[tilespmem:v30+s10+$0x0] =	vst.idx.msk $0xffff, v3  }
0x1a3: {  	v3 =	vld.idx.msk [tilespmem:v31+s2+$0x0], $0xffff;
	_ =	sdelay $0x4  }
0x1a4: {  	v3 =	vmul.f32 v3, v2;
	_ =	sdelay $0x1  }
0x1a5: {  	[tilespmem:v31+s10+$0x0] =	vst.idx.msk $0xffff, v3  }
0x1a6: {  	v3 =	vld.idx.msk [tilespmem:v32+s2+$0x0], $0xffff;
	_ =	sdelay $0x4  }
0x1a7: {  	v3 =	vmul.f32 v3, v2;
	_ =	sdelay $0x1  }
0x1a8: {  	[tilespmem:v32+s10+$0x0] =	vst.idx.msk $0xffff, v3  }
0x1a9: {  	v3 =	vld.idx.msk [tilespmem:v33+s2+$0x0], $0xffff;
	_ =	sdelay $0x4  }
0x1aa: {  	v3 =	vmul.f32 v3, v2;
	_ =	sdelay $0x1  }
0x1ab: {  	[tilespmem:v33+s10+$0x0] =	vst.idx.msk $0xffff, v3  }
0x1ac: {  	v3 =	vld.idx.msk [tilespmem:v34+s2+$0x0], $0xffff;
	_ =	sdelay $0x4  }
0x1ad: {  	v3 =	vmul.f32 v3, v2;
	_ =	sdelay $0x1  }
0x1ae: {  	[tilespmem:v34+s10+$0x0] =	vst.idx.msk $0xffff, v3  }
0x1af: {  	v3 =	vld.idx.msk [tilespmem:v35+s2+$0x0], $0xffff;
	_ =	sdelay $0x4  }
0x1b0: {  	v3 =	vmul.f32 v3, v2;
	_ =	sdelay $0x1  }
0x1b1: {  	[tilespmem:v35+s10+$0x0] =	vst.idx.msk $0xffff, v3  }
0x1b2: {  	v3 =	vld.idx.msk [tilespmem:v36+s2+$0x0], $0xffff;
	_ =	sdelay $0x4  }
0x1b3: {  	v3 =	vmul.f32 v3, v2;
	_ =	sdelay $0x1  }
0x1b4: {  	[tilespmem:v36+s10+$0x0] =	vst.idx.msk $0xffff, v3  }
0x1b5: {  	v3 =	vld.idx.msk [tilespmem:v37+s2+$0x0], $0xffff;
	_ =	sdelay $0x4  }
0x1b6: {  	v3 =	vmul.f32 v3, v2;
	_ =	sdelay $0x1  }
0x1b7: {  	[tilespmem:v37+s10+$0x0] =	vst.idx.msk $0xffff, v3  }
0x1b8: {  	v3 =	vld.idx.msk [tilespmem:v38+s2+$0x0], $0xffff;
	_ =	sdelay $0x4  }
0x1b9: {  	v3 =	vmul.f32 v3, v2;
	_ =	sdelay $0x1  }
0x1ba: {  	[tilespmem:v38+s10+$0x0] =	vst.idx.msk $0xffff, v3  }
0x1bb: {  	v3 =	vld.idx.msk [tilespmem:v39+s2+$0x0], $0xffff;
	_ =	sdelay $0x4  }
0x1bc: {  	v3 =	vmul.f32 v3, v2;
	_ =	sdelay $0x1  }
0x1bd: {  	[tilespmem:v39+s10+$0x0] =	vst.idx.msk $0xffff, v3  }
0x1be: {  	v3 =	vld.idx.msk [tilespmem:v40+s2+$0x0], $0xffff;
	_ =	sdelay $0x4  }
0x1bf: {  	v3 =	vmul.f32 v3, v2;
	_ =	sdelay $0x1  }
0x1c0: {  	[tilespmem:v40+s10+$0x0] =	vst.idx.msk $0xffff, v3  }
0x1c1: {  	v3 =	vld.idx.msk [tilespmem:v41+s2+$0x0], $0xffff;
	_ =	sdelay $0x4  }
0x1c2: {  	v3 =	vmul.f32 v3, v2;
	_ =	sdelay $0x1  }
0x1c3: {  	[tilespmem:v41+s10+$0x0] =	vst.idx.msk $0xffff, v3  }
0x1c4: {  	v3 =	vld.idx.msk [tilespmem:v42+s2+$0x0], $0xffff;
	_ =	sdelay $0x4  }
0x1c5: {  	v3 =	vmul.f32 v3, v2;
	_ =	sdelay $0x1  }
0x1c6: {  	[tilespmem:v42+s10+$0x0] =	vst.idx.msk $0xffff, v3  }
0x1c7: {  	v3 =	vld.idx.msk [tilespmem:v43+s2+$0x0], $0xffff;
	_ =	sdelay $0x4  }
0x1c8: {  	v3 =	vmul.f32 v3, v2;
	_ =	sdelay $0x1  }
0x1c9: {  	[tilespmem:v43+s10+$0x0] =	vst.idx.msk $0xffff, v3  }
0x1ca: {  	v3 =	vld.idx.msk [tilespmem:v44+s2+$0x0], $0xffff;
	_ =	sdelay $0x4  }
0x1cb: {  	v3 =	vmul.f32 v3, v2;
	_ =	sdelay $0x1  }
0x1cc: {  	[tilespmem:v44+s10+$0x0] =	vst.idx.msk $0xffff, v3  }
0x1cd: {  	v3 =	vld.idx.msk [tilespmem:v45+s2+$0x0], $0xffff;
	_ =	sdelay $0x4  }
0x1ce: {  	v3 =	vmul.f32 v3, v2;
	_ =	sdelay $0x1  }
0x1cf: {  	[tilespmem:v45+s10+$0x0] =	vst.idx.msk $0xffff, v3  }
0x1d0: {  	v3 =	vld.idx.msk [tilespmem:v46+s2+$0x0], $0xffff;
	_ =	sdelay $0x4  }
0x1d1: {  	v3 =	vmul.f32 v3, v2;
	_ =	sdelay $0x1  }
0x1d2: {  	[tilespmem:v46+s10+$0x0] =	vst.idx.msk $0xffff, v3  }
0x1d3: {  	v3 =	vld.idx.msk [tilespmem:v47+s2+$0x0], $0xffff;
	_ =	sdelay $0x4  }
0x1d4: {  	v3 =	vmul.f32 v3, v2;
	_ =	sdelay $0x1  }
0x1d5: {  	[tilespmem:v47+s10+$0x0] =	vst.idx.msk $0xffff, v3  }
0x1d6: {  	v3 =	vld.idx.msk [tilespmem:v48+s2+$0x0], $0xffff;
	_ =	sdelay $0x4  }
0x1d7: {  	v3 =	vmul.f32 v3, v2;
	_ =	sdelay $0x1  }
0x1d8: {  	[tilespmem:v48+s10+$0x0] =	vst.idx.msk $0xffff, v3  }
0x1d9: {  	v3 =	vld.idx.msk [tilespmem:v49+s2+$0x0], $0xffff;
	_ =	sdelay $0x4  }
0x1da: {  	v3 =	vmul.f32 v3, v2;
	_ =	sdelay $0x1  }
0x1db: {  	[tilespmem:v49+s10+$0x0] =	vst.idx.msk $0xffff, v3  }
0x1dc: {  	v3 =	vld.idx.msk [tilespmem:v50+s2+$0x0], $0xffff;
	_ =	sdelay $0x4  }
0x1dd: {  	v3 =	vmul.f32 v3, v2;
	_ =	sdelay $0x1  }
0x1de: {  	[tilespmem:v50+s10+$0x0] =	vst.idx.msk $0xffff, v3  }
0x1df: {  	v3 =	vld.idx.msk [tilespmem:v51+s2+$0x0], $0xffff;
	_ =	sdelay $0x4  }
0x1e0: {  	v3 =	vmul.f32 v3, v2;
	_ =	sdelay $0x1  }
0x1e1: {  	[tilespmem:v51+s10+$0x0] =	vst.idx.msk $0xffff, v3  }
0x1e2: {  	v3 =	vld.idx.msk [tilespmem:v52+s2+$0x0], $0xffff;
	_ =	sdelay $0x4  }
0x1e3: {  	v3 =	vmul.f32 v3, v2;
	_ =	sdelay $0x1  }
0x1e4: {  	[tilespmem:v52+s10+$0x0] =	vst.idx.msk $0xffff, v3  }
0x1e5: {  	v3 =	vld.idx.msk [tilespmem:v53+s2+$0x0], $0xffff;
	_ =	sdelay $0x4  }
0x1e6: {  	v3 =	vmul.f32 v3, v2;
	_ =	sdelay $0x1  }
0x1e7: {  	[tilespmem:v53+s10+$0x0] =	vst.idx.msk $0xffff, v3  }
0x1e8: {  	v3 =	vld.idx.msk [tilespmem:v54+s2+$0x0], $0xffff;
	_ =	sdelay $0x4  }
0x1e9: {  	v3 =	vmul.f32 v3, v2;
	_ =	sdelay $0x1  }
0x1ea: {  	[tilespmem:v54+s10+$0x0] =	vst.idx.msk $0xffff, v3  }
0x1eb: {  	v3 =	vld.idx.msk [tilespmem:v55+s2+$0x0], $0xffff;
	_ =	sdelay $0x4  }
0x1ec: {  	v3 =	vmul.f32 v3, v2;
	_ =	sdelay $0x1  }
0x1ed: {  	[tilespmem:v55+s10+$0x0] =	vst.idx.msk $0xffff, v3  }
0x1ee: {  	v3 =	vld.idx.msk [tilespmem:v56+s2+$0x0], $0xffff;
	_ =	sdelay $0x4  }
0x1ef: {  	v3 =	vmul.f32 v3, v2;
	_ =	sdelay $0x1  }
0x1f0: {  	[tilespmem:v56+s10+$0x0] =	vst.idx.msk $0xffff, v3  }
0x1f1: {  	v3 =	vld.idx.msk [tilespmem:v57+s2+$0x0], $0xffff;
	_ =	sdelay $0x4  }
0x1f2: {  	v3 =	vmul.f32 v3, v2;
	_ =	sdelay $0x1  }
0x1f3: {  	[tilespmem:v57+s10+$0x0] =	vst.idx.msk $0xffff, v3  }
0x1f4: {  	v3 =	vld.idx.msk [tilespmem:v58+s2+$0x0], $0xffff;
	_ =	sdelay $0x4  }
0x1f5: {  	v3 =	vmul.f32 v3, v2;
	_ =	sdelay $0x1  }
0x1f6: {  	[tilespmem:v58+s10+$0x0] =	vst.idx.msk $0xffff, v3  }
0x1f7: {  	v3 =	vld.idx.msk [tilespmem:v59+s2+$0x0], $0xffff;
	_ =	sdelay $0x4  }
0x1f8: {  	v3 =	vmul.f32 v3, v2;
	_ =	sdelay $0x1  }
0x1f9: {  	[tilespmem:v59+s10+$0x0] =	vst.idx.msk $0xffff, v3  }
0x1fa: {  	v3 =	vld.idx.msk [tilespmem:v60+s2+$0x0], $0xffff;
	_ =	sdelay $0x4  }
0x1fb: {  	v3 =	vmul.f32 v3, v2;
	_ =	sdelay $0x1  }
0x1fc: {  	[tilespmem:v60+s10+$0x0] =	vst.idx.msk $0xffff, v3  }
0x1fd: {  	v3 =	vld.idx.msk [tilespmem:v61+s2+$0x0], $0xffff;
	_ =	sdelay $0x4  }
0x1fe: {  	v3 =	vmul.f32 v3, v2;
	_ =	sdelay $0x1  }
0x1ff: {  	[tilespmem:v61+s10+$0x0] =	vst.idx.msk $0xffff, v3  }
0x200: {  	v3 =	vld.idx.msk [tilespmem:v62+s2+$0x0], $0xffff;
	_ =	sdelay $0x4  }
0x201: {  	v3 =	vmul.f32 v3, v2;
	_ =	sdelay $0x1  }
0x202: {  	[tilespmem:v62+s10+$0x0] =	vst.idx.msk $0xffff, v3  }
0x203: {  	v3 =	vld.idx.msk [tilespmem:v63+s2+$0x0], $0xffff;
	_ =	sdelay $0x2  }
0x204: {  	v4 =	vor.u32 $0x3F, v0;
	_ =	sdelay $0x1  }
0x205: {  	v3 =	vmul.f32 v3, v2;
	_ =	sdelay $0x1  }
0x206: {  	[tilespmem:v63+s10+$0x0] =	vst.idx.msk $0xffff, v3  }
0x207: {  	v3 =	vld.idx.msk [tilespmem:v4+s2+$0x0], $0xffff;
	_ =	sdelay $0x2  }
0x208: {  	v5 =	vor.u32 $0x40, v0;
	_ =	sdelay $0x1  }
0x209: {  	v3 =	vmul.f32 v3, v2;
	_ =	sdelay $0x1  }
0x20a: {  	[tilespmem:v4+s10+$0x0] =	vst.idx.msk $0xffff, v3  }
0x20b: {  	v3 =	vld.idx.msk [tilespmem:v5+s2+$0x0], $0xffff;
	_ =	sdelay $0x2  }
0x20c: {  	v4 =	vor.u32 $0x41, v0;
	_ =	sdelay $0x1  }
0x20d: {  	v3 =	vmul.f32 v3, v2;
	_ =	sdelay $0x1  }
0x20e: {  	[tilespmem:v5+s10+$0x0] =	vst.idx.msk $0xffff, v3  }
0x20f: {  	v3 =	vld.idx.msk [tilespmem:v4+s2+$0x0], $0xffff;
	_ =	sdelay $0x2  }
0x210: {  	v5 =	vor.u32 $0x42, v0;
	_ =	sdelay $0x1  }
0x211: {  	v3 =	vmul.f32 v3, v2;
	_ =	sdelay $0x1  }
0x212: {  	[tilespmem:v4+s10+$0x0] =	vst.idx.msk $0xffff, v3  }
0x213: {  	v3 =	vld.idx.msk [tilespmem:v5+s2+$0x0], $0xffff;
	_ =	sdelay $0x2  }
0x214: {  	v4 =	vor.u32 $0x43, v0;
	_ =	sdelay $0x1  }
0x215: {  	v3 =	vmul.f32 v3, v2;
	_ =	sdelay $0x1  }
0x216: {  	[tilespmem:v5+s10+$0x0] =	vst.idx.msk $0xffff, v3  }
0x217: {  	v3 =	vld.idx.msk [tilespmem:v4+s2+$0x0], $0xffff;
	_ =	sdelay $0x2  }
0x218: {  	v5 =	vor.u32 $0x44, v0;
	_ =	sdelay $0x1  }
0x219: {  	v3 =	vmul.f32 v3, v2;
	_ =	sdelay $0x1  }
0x21a: {  	[tilespmem:v4+s10+$0x0] =	vst.idx.msk $0xffff, v3  }
0x21b: {  	v3 =	vld.idx.msk [tilespmem:v5+s2+$0x0], $0xffff;
	_ =	sdelay $0x2  }
0x21c: {  	v4 =	vor.u32 $0x45, v0;
	_ =	sdelay $0x1  }
0x21d: {  	v3 =	vmul.f32 v3, v2;
	_ =	sdelay $0x1  }
0x21e: {  	[tilespmem:v5+s10+$0x0] =	vst.idx.msk $0xffff, v3  }
0x21f: {  	v3 =	vld.idx.msk [tilespmem:v4+s2+$0x0], $0xffff;
	_ =	sdelay $0x2  }
0x220: {  	v5 =	vor.u32 $0x46, v0;
	_ =	sdelay $0x1  }
0x221: {  	v3 =	vmul.f32 v3, v2;
	_ =	sdelay $0x1  }
0x222: {  	[tilespmem:v4+s10+$0x0] =	vst.idx.msk $0xffff, v3  }
0x223: {  	v3 =	vld.idx.msk [tilespmem:v5+s2+$0x0], $0xffff;
	_ =	sdelay $0x2  }
0x224: {  	v4 =	vor.u32 $0x47, v0;
	_ =	sdelay $0x1  }
0x225: {  	v3 =	vmul.f32 v3, v2;
	_ =	sdelay $0x1  }
0x226: {  	[tilespmem:v5+s10+$0x0] =	vst.idx.msk $0xffff, v3  }
0x227: {  	v3 =	vld.idx.msk [tilespmem:v4+s2+$0x0], $0xffff;
	_ =	sdelay $0x2  }
0x228: {  	v5 =	vor.u32 $0x48, v0;
	_ =	sdelay $0x1  }
0x229: {  	v3 =	vmul.f32 v3, v2;
	_ =	sdelay $0x1  }
0x22a: {  	[tilespmem:v4+s10+$0x0] =	vst.idx.msk $0xffff, v3  }
0x22b: {  	v3 =	vld.idx.msk [tilespmem:v5+s2+$0x0], $0xffff;
	_ =	sdelay $0x2  }
0x22c: {  	v4 =	vor.u32 $0x49, v0;
	_ =	sdelay $0x1  }
0x22d: {  	v3 =	vmul.f32 v3, v2;
	_ =	sdelay $0x1  }
0x22e: {  	[tilespmem:v5+s10+$0x0] =	vst.idx.msk $0xffff, v3  }
0x22f: {  	v3 =	vld.idx.msk [tilespmem:v4+s2+$0x0], $0xffff;
	_ =	sdelay $0x2  }
0x230: {  	v5 =	vor.u32 $0x4A, v0;
	_ =	sdelay $0x1  }
0x231: {  	v3 =	vmul.f32 v3, v2;
	_ =	sdelay $0x1  }
0x232: {  	[tilespmem:v4+s10+$0x0] =	vst.idx.msk $0xffff, v3  }
0x233: {  	v3 =	vld.idx.msk [tilespmem:v5+s2+$0x0], $0xffff;
	_ =	sdelay $0x2  }
0x234: {  	v4 =	vor.u32 $0x4B, v0;
	_ =	sdelay $0x1  }
0x235: {  	v3 =	vmul.f32 v3, v2;
	_ =	sdelay $0x1  }
0x236: {  	[tilespmem:v5+s10+$0x0] =	vst.idx.msk $0xffff, v3  }
0x237: {  	v3 =	vld.idx.msk [tilespmem:v4+s2+$0x0], $0xffff;
	_ =	sdelay $0x2  }
0x238: {  	v5 =	vor.u32 $0x4C, v0;
	_ =	sdelay $0x1  }
0x239: {  	v3 =	vmul.f32 v3, v2;
	_ =	sdelay $0x1  }
0x23a: {  	[tilespmem:v4+s10+$0x0] =	vst.idx.msk $0xffff, v3  }
0x23b: {  	v3 =	vld.idx.msk [tilespmem:v5+s2+$0x0], $0xffff;
	_ =	sdelay $0x2  }
0x23c: {  	v4 =	vor.u32 $0x4D, v0;
	_ =	sdelay $0x1  }
0x23d: {  	v3 =	vmul.f32 v3, v2;
	_ =	sdelay $0x1  }
0x23e: {  	[tilespmem:v5+s10+$0x0] =	vst.idx.msk $0xffff, v3  }
0x23f: {  	v3 =	vld.idx.msk [tilespmem:v4+s2+$0x0], $0xffff;
	_ =	sdelay $0x2  }
0x240: {  	v5 =	vor.u32 $0x4E, v0;
	_ =	sdelay $0x1  }
0x241: {  	v3 =	vmul.f32 v3, v2;
	_ =	sdelay $0x1  }
0x242: {  	[tilespmem:v4+s10+$0x0] =	vst.idx.msk $0xffff, v3  }
0x243: {  	v3 =	vld.idx.msk [tilespmem:v5+s2+$0x0], $0xffff;
	_ =	sdelay $0x2  }
0x244: {  	v4 =	vor.u32 $0x4F, v0;
	_ =	sdelay $0x1  }
0x245: {  	v3 =	vmul.f32 v3, v2;
	_ =	sdelay $0x1  }
0x246: {  	[tilespmem:v5+s10+$0x0] =	vst.idx.msk $0xffff, v3  }
0x247: {  	v3 =	vld.idx.msk [tilespmem:v4+s2+$0x0], $0xffff;
	_ =	sdelay $0x2  }
0x248: {  	v5 =	vor.u32 $0x50, v0;
	_ =	sdelay $0x1  }
0x249: {  	v3 =	vmul.f32 v3, v2;
	_ =	sdelay $0x1  }
0x24a: {  	[tilespmem:v4+s10+$0x0] =	vst.idx.msk $0xffff, v3  }
0x24b: {  	v3 =	vld.idx.msk [tilespmem:v5+s2+$0x0], $0xffff;
	_ =	sdelay $0x2  }
0x24c: {  	v4 =	vor.u32 $0x51, v0;
	_ =	sdelay $0x1  }
0x24d: {  	v3 =	vmul.f32 v3, v2;
	_ =	sdelay $0x1  }
0x24e: {  	[tilespmem:v5+s10+$0x0] =	vst.idx.msk $0xffff, v3  }
0x24f: {  	v3 =	vld.idx.msk [tilespmem:v4+s2+$0x0], $0xffff;
	_ =	sdelay $0x2  }
0x250: {  	v5 =	vor.u32 $0x52, v0;
	_ =	sdelay $0x1  }
0x251: {  	v3 =	vmul.f32 v3, v2;
	_ =	sdelay $0x1  }
0x252: {  	[tilespmem:v4+s10+$0x0] =	vst.idx.msk $0xffff, v3  }
0x253: {  	v3 =	vld.idx.msk [tilespmem:v5+s2+$0x0], $0xffff;
	_ =	sdelay $0x2  }
0x254: {  	v4 =	vor.u32 $0x53, v0;
	_ =	sdelay $0x1  }
0x255: {  	v3 =	vmul.f32 v3, v2;
	_ =	sdelay $0x1  }
0x256: {  	[tilespmem:v5+s10+$0x0] =	vst.idx.msk $0xffff, v3  }
0x257: {  	v3 =	vld.idx.msk [tilespmem:v4+s2+$0x0], $0xffff;
	_ =	sdelay $0x2  }
0x258: {  	v5 =	vor.u32 $0x54, v0;
	_ =	sdelay $0x1  }
0x259: {  	v3 =	vmul.f32 v3, v2;
	_ =	sdelay $0x1  }
0x25a: {  	[tilespmem:v4+s10+$0x0] =	vst.idx.msk $0xffff, v3  }
0x25b: {  	v3 =	vld.idx.msk [tilespmem:v5+s2+$0x0], $0xffff;
	_ =	sdelay $0x2  }
0x25c: {  	v4 =	vor.u32 $0x55, v0;
	_ =	sdelay $0x1  }
0x25d: {  	v3 =	vmul.f32 v3, v2;
	_ =	sdelay $0x1  }
0x25e: {  	[tilespmem:v5+s10+$0x0] =	vst.idx.msk $0xffff, v3  }
0x25f: {  	v3 =	vld.idx.msk [tilespmem:v4+s2+$0x0], $0xffff;
	_ =	sdelay $0x2  }
0x260: {  	v5 =	vor.u32 $0x56, v0;
	_ =	sdelay $0x1  }
0x261: {  	v3 =	vmul.f32 v3, v2;
	_ =	sdelay $0x1  }
0x262: {  	[tilespmem:v4+s10+$0x0] =	vst.idx.msk $0xffff, v3  }
0x263: {  	v3 =	vld.idx.msk [tilespmem:v5+s2+$0x0], $0xffff;
	_ =	sdelay $0x2  }
0x264: {  	v4 =	vor.u32 $0x57, v0;
	_ =	sdelay $0x1  }
0x265: {  	v3 =	vmul.f32 v3, v2;
	_ =	sdelay $0x1  }
0x266: {  	[tilespmem:v5+s10+$0x0] =	vst.idx.msk $0xffff, v3  }
0x267: {  	v3 =	vld.idx.msk [tilespmem:v4+s2+$0x0], $0xffff;
	_ =	sdelay $0x2  }
0x268: {  	v5 =	vor.u32 $0x58, v0;
	_ =	sdelay $0x1  }
0x269: {  	v3 =	vmul.f32 v3, v2;
	_ =	sdelay $0x1  }
0x26a: {  	[tilespmem:v4+s10+$0x0] =	vst.idx.msk $0xffff, v3  }
0x26b: {  	v3 =	vld.idx.msk [tilespmem:v5+s2+$0x0], $0xffff;
	_ =	sdelay $0x2  }
0x26c: {  	v4 =	vor.u32 $0x59, v0;
	_ =	sdelay $0x1  }
0x26d: {  	v3 =	vmul.f32 v3, v2;
	_ =	sdelay $0x1  }
0x26e: {  	[tilespmem:v5+s10+$0x0] =	vst.idx.msk $0xffff, v3  }
0x26f: {  	v3 =	vld.idx.msk [tilespmem:v4+s2+$0x0], $0xffff;
	_ =	sdelay $0x2  }
0x270: {  	v5 =	vor.u32 $0x5A, v0;
	_ =	sdelay $0x1  }
0x271: {  	v3 =	vmul.f32 v3, v2;
	_ =	sdelay $0x1  }
0x272: {  	[tilespmem:v4+s10+$0x0] =	vst.idx.msk $0xffff, v3  }
0x273: {  	v3 =	vld.idx.msk [tilespmem:v5+s2+$0x0], $0xffff;
	_ =	sdelay $0x2  }
0x274: {  	v4 =	vor.u32 $0x5B, v0;
	_ =	sdelay $0x1  }
0x275: {  	v3 =	vmul.f32 v3, v2;
	_ =	sdelay $0x1  }
0x276: {  	[tilespmem:v5+s10+$0x0] =	vst.idx.msk $0xffff, v3  }
0x277: {  	v3 =	vld.idx.msk [tilespmem:v4+s2+$0x0], $0xffff;
	_ =	sdelay $0x2  }
0x278: {  	v5 =	vor.u32 $0x5C, v0;
	_ =	sdelay $0x1  }
0x279: {  	v3 =	vmul.f32 v3, v2;
	_ =	sdelay $0x1  }
0x27a: {  	[tilespmem:v4+s10+$0x0] =	vst.idx.msk $0xffff, v3  }
0x27b: {  	v3 =	vld.idx.msk [tilespmem:v5+s2+$0x0], $0xffff;
	_ =	sdelay $0x2  }
0x27c: {  	v4 =	vor.u32 $0x5D, v0;
	_ =	sdelay $0x1  }
0x27d: {  	v3 =	vmul.f32 v3, v2;
	_ =	sdelay $0x1  }
0x27e: {  	[tilespmem:v5+s10+$0x0] =	vst.idx.msk $0xffff, v3  }
0x27f: {  	v3 =	vld.idx.msk [tilespmem:v4+s2+$0x0], $0xffff;
	_ =	sdelay $0x2  }
0x280: {  	v5 =	vor.u32 $0x5E, v0;
	_ =	sdelay $0x1  }
0x281: {  	v3 =	vmul.f32 v3, v2;
	_ =	sdelay $0x1  }
0x282: {  	[tilespmem:v4+s10+$0x0] =	vst.idx.msk $0xffff, v3  }
0x283: {  	v3 =	vld.idx.msk [tilespmem:v5+s2+$0x0], $0xffff;
	_ =	sdelay $0x2  }
0x284: {  	v4 =	vor.u32 $0x5F, v0;
	_ =	sdelay $0x1  }
0x285: {  	v3 =	vmul.f32 v3, v2;
	_ =	sdelay $0x1  }
0x286: {  	[tilespmem:v5+s10+$0x0] =	vst.idx.msk $0xffff, v3  }
0x287: {  	v3 =	vld.idx.msk [tilespmem:v4+s2+$0x0], $0xffff;
	_ =	sdelay $0x2  }
0x288: {  	v5 =	vor.u32 $0x60, v0;
	_ =	sdelay $0x1  }
0x289: {  	v3 =	vmul.f32 v3, v2;
	_ =	sdelay $0x1  }
0x28a: {  	[tilespmem:v4+s10+$0x0] =	vst.idx.msk $0xffff, v3  }
0x28b: {  	v3 =	vld.idx.msk [tilespmem:v5+s2+$0x0], $0xffff;
	_ =	sdelay $0x2  }
0x28c: {  	v4 =	vor.u32 $0x61, v0;
	_ =	sdelay $0x1  }
0x28d: {  	v3 =	vmul.f32 v3, v2;
	_ =	sdelay $0x1  }
0x28e: {  	[tilespmem:v5+s10+$0x0] =	vst.idx.msk $0xffff, v3  }
0x28f: {  	v3 =	vld.idx.msk [tilespmem:v4+s2+$0x0], $0xffff;
	_ =	sdelay $0x2  }
0x290: {  	v5 =	vor.u32 $0x62, v0;
	_ =	sdelay $0x1  }
0x291: {  	v3 =	vmul.f32 v3, v2;
	_ =	sdelay $0x1  }
0x292: {  	[tilespmem:v4+s10+$0x0] =	vst.idx.msk $0xffff, v3  }
0x293: {  	v3 =	vld.idx.msk [tilespmem:v5+s2+$0x0], $0xffff;
	_ =	sdelay $0x2  }
0x294: {  	v4 =	vor.u32 $0x63, v0;
	_ =	sdelay $0x1  }
0x295: {  	v3 =	vmul.f32 v3, v2;
	_ =	sdelay $0x1  }
0x296: {  	[tilespmem:v5+s10+$0x0] =	vst.idx.msk $0xffff, v3  }
0x297: {  	v3 =	vld.idx.msk [tilespmem:v4+s2+$0x0], $0xffff;
	_ =	sdelay $0x2  }
0x298: {  	v5 =	vor.u32 $0x64, v0;
	_ =	sdelay $0x1  }
0x299: {  	v3 =	vmul.f32 v3, v2;
	_ =	sdelay $0x1  }
0x29a: {  	[tilespmem:v4+s10+$0x0] =	vst.idx.msk $0xffff, v3  }
0x29b: {  	v3 =	vld.idx.msk [tilespmem:v5+s2+$0x0], $0xffff;
	_ =	sdelay $0x2  }
0x29c: {  	v4 =	vor.u32 $0x65, v0;
	_ =	sdelay $0x1  }
0x29d: {  	v3 =	vmul.f32 v3, v2;
	_ =	sdelay $0x1  }
0x29e: {  	[tilespmem:v5+s10+$0x0] =	vst.idx.msk $0xffff, v3  }
0x29f: {  	v3 =	vld.idx.msk [tilespmem:v4+s2+$0x0], $0xffff;
	_ =	sdelay $0x2  }
0x2a0: {  	v5 =	vor.u32 $0x66, v0;
	_ =	sdelay $0x1  }
0x2a1: {  	v3 =	vmul.f32 v3, v2;
	_ =	sdelay $0x1  }
0x2a2: {  	[tilespmem:v4+s10+$0x0] =	vst.idx.msk $0xffff, v3  }
0x2a3: {  	v3 =	vld.idx.msk [tilespmem:v5+s2+$0x0], $0xffff;
	_ =	sdelay $0x2  }
0x2a4: {  	v4 =	vor.u32 $0x67, v0;
	_ =	sdelay $0x1  }
0x2a5: {  	v3 =	vmul.f32 v3, v2;
	_ =	sdelay $0x1  }
0x2a6: {  	[tilespmem:v5+s10+$0x0] =	vst.idx.msk $0xffff, v3  }
0x2a7: {  	v3 =	vld.idx.msk [tilespmem:v4+s2+$0x0], $0xffff;
	_ =	sdelay $0x2  }
0x2a8: {  	v5 =	vor.u32 $0x68, v0;
	_ =	sdelay $0x1  }
0x2a9: {  	v3 =	vmul.f32 v3, v2;
	_ =	sdelay $0x1  }
0x2aa: {  	[tilespmem:v4+s10+$0x0] =	vst.idx.msk $0xffff, v3  }
0x2ab: {  	v3 =	vld.idx.msk [tilespmem:v5+s2+$0x0], $0xffff;
	_ =	sdelay $0x2  }
0x2ac: {  	v4 =	vor.u32 $0x69, v0;
	_ =	sdelay $0x1  }
0x2ad: {  	v3 =	vmul.f32 v3, v2;
	_ =	sdelay $0x1  }
0x2ae: {  	[tilespmem:v5+s10+$0x0] =	vst.idx.msk $0xffff, v3  }
0x2af: {  	v3 =	vld.idx.msk [tilespmem:v4+s2+$0x0], $0xffff;
	_ =	sdelay $0x2  }
0x2b0: {  	v5 =	vor.u32 $0x6A, v0;
	_ =	sdelay $0x1  }
0x2b1: {  	v3 =	vmul.f32 v3, v2;
	_ =	sdelay $0x1  }
0x2b2: {  	[tilespmem:v4+s10+$0x0] =	vst.idx.msk $0xffff, v3  }
0x2b3: {  	v3 =	vld.idx.msk [tilespmem:v5+s2+$0x0], $0xffff;
	_ =	sdelay $0x2  }
0x2b4: {  	v4 =	vor.u32 $0x6B, v0;
	_ =	sdelay $0x1  }
0x2b5: {  	v3 =	vmul.f32 v3, v2;
	_ =	sdelay $0x1  }
0x2b6: {  	[tilespmem:v5+s10+$0x0] =	vst.idx.msk $0xffff, v3  }
0x2b7: {  	v3 =	vld.idx.msk [tilespmem:v4+s2+$0x0], $0xffff;
	_ =	sdelay $0x2  }
0x2b8: {  	v5 =	vor.u32 $0x6C, v0;
	_ =	sdelay $0x1  }
0x2b9: {  	v3 =	vmul.f32 v3, v2;
	_ =	sdelay $0x1  }
0x2ba: {  	[tilespmem:v4+s10+$0x0] =	vst.idx.msk $0xffff, v3  }
0x2bb: {  	v3 =	vld.idx.msk [tilespmem:v5+s2+$0x0], $0xffff;
	_ =	sdelay $0x2  }
0x2bc: {  	v4 =	vor.u32 $0x6D, v0;
	_ =	sdelay $0x1  }
0x2bd: {  	v3 =	vmul.f32 v3, v2;
	_ =	sdelay $0x1  }
0x2be: {  	[tilespmem:v5+s10+$0x0] =	vst.idx.msk $0xffff, v3  }
0x2bf: {  	v3 =	vld.idx.msk [tilespmem:v4+s2+$0x0], $0xffff;
	_ =	sdelay $0x2  }
0x2c0: {  	v5 =	vor.u32 $0x6E, v0;
	_ =	sdelay $0x1  }
0x2c1: {  	v3 =	vmul.f32 v3, v2;
	_ =	sdelay $0x1  }
0x2c2: {  	[tilespmem:v4+s10+$0x0] =	vst.idx.msk $0xffff, v3  }
0x2c3: {  	v3 =	vld.idx.msk [tilespmem:v5+s2+$0x0], $0xffff;
	_ =	sdelay $0x2  }
0x2c4: {  	v4 =	vor.u32 $0x6F, v0;
	_ =	sdelay $0x1  }
0x2c5: {  	v3 =	vmul.f32 v3, v2;
	_ =	sdelay $0x1  }
0x2c6: {  	[tilespmem:v5+s10+$0x0] =	vst.idx.msk $0xffff, v3  }
0x2c7: {  	v3 =	vld.idx.msk [tilespmem:v4+s2+$0x0], $0xffff;
	_ =	sdelay $0x2  }
0x2c8: {  	v5 =	vor.u32 $0x70, v0;
	_ =	sdelay $0x1  }
0x2c9: {  	v3 =	vmul.f32 v3, v2;
	_ =	sdelay $0x1  }
0x2ca: {  	[tilespmem:v4+s10+$0x0] =	vst.idx.msk $0xffff, v3  }
0x2cb: {  	v3 =	vld.idx.msk [tilespmem:v5+s2+$0x0], $0xffff;
	_ =	sdelay $0x2  }
0x2cc: {  	v4 =	vor.u32 $0x71, v0;
	_ =	sdelay $0x1  }
0x2cd: {  	v3 =	vmul.f32 v3, v2;
	_ =	sdelay $0x1  }
0x2ce: {  	[tilespmem:v5+s10+$0x0] =	vst.idx.msk $0xffff, v3  }
0x2cf: {  	v3 =	vld.idx.msk [tilespmem:v4+s2+$0x0], $0xffff;
	_ =	sdelay $0x2  }
0x2d0: {  	v5 =	vor.u32 $0x72, v0;
	_ =	sdelay $0x1  }
0x2d1: {  	v3 =	vmul.f32 v3, v2;
	_ =	sdelay $0x1  }
0x2d2: {  	[tilespmem:v4+s10+$0x0] =	vst.idx.msk $0xffff, v3  }
0x2d3: {  	v3 =	vld.idx.msk [tilespmem:v5+s2+$0x0], $0xffff;
	_ =	sdelay $0x2  }
0x2d4: {  	v4 =	vor.u32 $0x73, v0;
	_ =	sdelay $0x1  }
0x2d5: {  	v3 =	vmul.f32 v3, v2;
	_ =	sdelay $0x1  }
0x2d6: {  	[tilespmem:v5+s10+$0x0] =	vst.idx.msk $0xffff, v3  }
0x2d7: {  	v3 =	vld.idx.msk [tilespmem:v4+s2+$0x0], $0xffff;
	_ =	sdelay $0x2  }
0x2d8: {  	v5 =	vor.u32 $0x74, v0;
	_ =	sdelay $0x1  }
0x2d9: {  	v3 =	vmul.f32 v3, v2;
	_ =	sdelay $0x1  }
0x2da: {  	[tilespmem:v4+s10+$0x0] =	vst.idx.msk $0xffff, v3  }
0x2db: {  	v3 =	vld.idx.msk [tilespmem:v5+s2+$0x0], $0xffff;
	_ =	sdelay $0x2  }
0x2dc: {  	v4 =	vor.u32 $0x75, v0;
	_ =	sdelay $0x1  }
0x2dd: {  	v3 =	vmul.f32 v3, v2;
	_ =	sdelay $0x1  }
0x2de: {  	[tilespmem:v5+s10+$0x0] =	vst.idx.msk $0xffff, v3  }
0x2df: {  	v3 =	vld.idx.msk [tilespmem:v4+s2+$0x0], $0xffff;
	_ =	sdelay $0x2  }
0x2e0: {  	v5 =	vor.u32 $0x76, v0;
	_ =	sdelay $0x1  }
0x2e1: {  	v3 =	vmul.f32 v3, v2;
	_ =	sdelay $0x1  }
0x2e2: {  	[tilespmem:v4+s10+$0x0] =	vst.idx.msk $0xffff, v3  }
0x2e3: {  	v3 =	vld.idx.msk [tilespmem:v5+s2+$0x0], $0xffff;
	_ =	sdelay $0x2  }
0x2e4: {  	v4 =	vor.u32 $0x77, v0;
	_ =	sdelay $0x1  }
0x2e5: {  	v3 =	vmul.f32 v3, v2;
	_ =	sdelay $0x1  }
0x2e6: {  	[tilespmem:v5+s10+$0x0] =	vst.idx.msk $0xffff, v3  }
0x2e7: {  	v3 =	vld.idx.msk [tilespmem:v4+s2+$0x0], $0xffff;
	_ =	sdelay $0x2  }
0x2e8: {  	v5 =	vor.u32 $0x78, v0;
	_ =	sdelay $0x1  }
0x2e9: {  	v3 =	vmul.f32 v3, v2;
	_ =	sdelay $0x1  }
0x2ea: {  	[tilespmem:v4+s10+$0x0] =	vst.idx.msk $0xffff, v3  }
0x2eb: {  	v3 =	vld.idx.msk [tilespmem:v5+s2+$0x0], $0xffff;
	_ =	sdelay $0x2  }
0x2ec: {  	v4 =	vor.u32 $0x79, v0;
	_ =	sdelay $0x1  }
0x2ed: {  	v3 =	vmul.f32 v3, v2;
	_ =	sdelay $0x1  }
0x2ee: {  	[tilespmem:v5+s10+$0x0] =	vst.idx.msk $0xffff, v3  }
0x2ef: {  	v3 =	vld.idx.msk [tilespmem:v4+s2+$0x0], $0xffff;
	_ =	sdelay $0x2  }
0x2f0: {  	v5 =	vor.u32 $0x7A, v0;
	_ =	sdelay $0x1  }
0x2f1: {  	v3 =	vmul.f32 v3, v2;
	_ =	sdelay $0x1  }
0x2f2: {  	[tilespmem:v4+s10+$0x0] =	vst.idx.msk $0xffff, v3  }
0x2f3: {  	v3 =	vld.idx.msk [tilespmem:v5+s2+$0x0], $0xffff;
	_ =	sdelay $0x2  }
0x2f4: {  	v4 =	vor.u32 $0x7B, v0;
	_ =	sdelay $0x1  }
0x2f5: {  	v3 =	vmul.f32 v3, v2;
	_ =	sdelay $0x1  }
0x2f6: {  	[tilespmem:v5+s10+$0x0] =	vst.idx.msk $0xffff, v3  }
0x2f7: {  	v3 =	vld.idx.msk [tilespmem:v4+s2+$0x0], $0xffff;
	_ =	sdelay $0x2  }
0x2f8: {  	v5 =	vor.u32 $0x7C, v0;
	_ =	sdelay $0x1  }
0x2f9: {  	v3 =	vmul.f32 v3, v2;
	_ =	sdelay $0x1  }
0x2fa: {  	[tilespmem:v4+s10+$0x0] =	vst.idx.msk $0xffff, v3  }
0x2fb: {  	v3 =	vld.idx.msk [tilespmem:v5+s2+$0x0], $0xffff;
	_ =	sdelay $0x2  }
0x2fc: {  	v4 =	vor.u32 $0x7D, v0;
	_ =	sdelay $0x1  }
0x2fd: {  	v3 =	vmul.f32 v3, v2;
	_ =	sdelay $0x1  }
0x2fe: {  	[tilespmem:v5+s10+$0x0] =	vst.idx.msk $0xffff, v3  }
0x2ff: {  	v3 =	vld.idx.msk [tilespmem:v4+s2+$0x0], $0xffff;
	_ =	sdelay $0x2  }
0x300: {  	v5 =	vor.u32 $0x7E, v0;
	_ =	sdelay $0x1  }
0x301: {  	v3 =	vmul.f32 v3, v2;
	_ =	sdelay $0x1  }
0x302: {  	[tilespmem:v4+s10+$0x0] =	vst.idx.msk $0xffff, v3  }
0x303: {  	v3 =	vld.idx.msk [tilespmem:v5+s2+$0x0], $0xffff;
	_ =	sdelay $0x2  }
0x304: {  	v4 =	vor.u32 $0x7F, v0;
	_ =	sdelay $0x1  }
0x305: {  	v3 =	vmul.f32 v3, v2;
	_ =	sdelay $0x1  }
0x306: {  	[tilespmem:v5+s10+$0x0] =	vst.idx.msk $0xffff, v3  }
0x307: {  	v3 =	vld.idx.msk [tilespmem:v4+s2+$0x0], $0xffff;
	_ =	sdelay $0x4  }
0x308: {  	v2 =	vmul.f32 v3, v2  }
0x309: {  	s26 =	rddreg [dreg:$0x4]  }
0x30a: {  	s24 =	sadd.s32 s21, s26;
	[tilespmem:v4+s10+$0x0] =	vst.idx.msk $0xffff, v2  }
0x30b: {  	[hbm4b:s24+s1] =	stream.linear.scatter [tilespmem:s10], [sflag:$0x3], $0x800, $0x38;
	[tilespmem:$0x16578] =	vst v63  }
0x30c: {  	_ =	swait.ge [sflag:s4], $0x800  }
0x30d: {  	[sflag:s4] =	ssyncset.done $0x0  }
0x30e: {  	s24 =	simm.s32 @p0 $0x159F8;
	[sflag:s4] =	ssyncadd.s32 $0xFFFFF800  }
0x30f: {  	[spmem:s23] =	stream.linear.scatter @p0 [tilespmem:s24], [sflag:$0x2], $0x800, $0x38;
	[tilespmem:$0x16578] =	vst v63  }
0x310: {  	s24 =	simm.s32 @p0 $0x2  }
0x311: {  	_ =	swait.ge @p0 [sflag:s24], $0x800  }
0x312: {  	[sflag:s24] =	ssyncset.done @p0 $0x0  }
0x313: {  	[sflag:s24] =	ssyncadd.s32 @p0 $0xFFFFF800;
	s24 =	simm.s32 @!p0 $0x151F8  }
0x314: {  	[spmem:s23] =	stream.linear.scatter @!p0 [tilespmem:s24], [sflag:$0x3], $0x800, $0x38;
	[tilespmem:$0x16578] =	vst v63  }
0x315: {  	s24 =	simm.s32 @!p0 $0x3  }
0x316: {  	_ =	swait.ge @!p0 [sflag:s24], $0x800  }
0x317: {  	s25 =	simm.s32 @!p0 $0x0;
	[sflag:s24] =	ssyncset.done @!p0 $0x0  }
.Ltmp4:
0x318: {  	s26 =	simm.s32 @!p0 $0x16278;
	[sflag:s24] =	ssyncadd.s32 @!p0 $0xFFFFF800;
	(pc) =	sbr.rel .LBB2_6-.Ltmp4, $4  }
0x319: {  	[hbm4b:s20+s25] =	stream.linear.scatter @!p0 [tilespmem:s26], [sflag:$0x3], $0x10, $0x38;
	[tilespmem:$0x16578] =	vst v63  }
0x31a: {  	_ =	swait.ge @!p0 [sflag:s24], $0x10  }
0x31b: {  	[sflag:s24] =	ssyncset.done @!p0 $0x0  }
0x31c: {  	[sflag:s24] =	ssyncadd.s32 @!p0 $0xFFFFFFF0  }
.LBB2_7:
0x31d: {  	s17 =	sadd.s32 $0x0, s5;
	[bflag:$0x0] =	sbarrier.arrive $0xFFFF  }
0x31e: {  	p2 =	sgt.u32 s17, $0x270;
	[bflag:$0x0] =	sbarrier.arrive $0xFFFF  }
0x31f: {  	s17 =	simm.s32 @!p2 $0x151F8;
	s21 =	simm.s32 @!p2 $0x3;
	s24 =	rddreg [dreg:$0xc]  }
0x320: {  	[tilespmem:s17], [sflag:$0x3] =	stream.linear.gather @!p2 [spmem:s24], $0x800, $0x38;
	[tilespmem:$0x16578] =	vst v63  }
0x321: {  	s20 =	simm.s32 @!p2 $0x2;
	p3 =	por !p0, p2;
	_ =	swait.ge @!p2 [sflag:s21], $0x800  }
0x322: {  	s20 =	simm.s32 @p3 $0x3;
	[sflag:s21] =	ssyncset.done @!p2 $0x0  }
0x323: {  	s23 =	rddreg [dreg:$0x10];
	[sflag:s21] =	ssyncadd.s32 @!p2 $0xFFFFF800;
	s21 =	simm.s32 @!p2 $0x0  }
0x324: {  	[hbm4b:s23+s21] =	stream.linear.scatter @!p2 [tilespmem:s17], [sflag:s20], $0x800, $0x38;
	[tilespmem:$0x16578] =	vst v63  }
0x325: {  	s22 =	simm.s32 $0x20;
	s17 =	sadd.s32 $0x1000, s23;
	_ =	swait.ge @!p2 [sflag:s20], $0x800  }
0x326: {  	s23 =	sadd.s32 $0x10, s5;
	s21 =	sadd.s32 $0x8000, s24;
	[sflag:s20] =	ssyncset.done @!p2 $0x0  }
.LBB2_8:
0x327: {  	[sflag:s20] =	ssyncadd.s32 @!p2 $0xFFFFF800  }
0x328: {  	p2 =	sgt.u32 s23, $0x270;
	s23 =	smov.u32 s22;
	s22 =	sadd.s32 $0x10, s22  }
0x329: {  	s24 =	simm.s32 @!p2 $0x151F8;
	s25 =	simm.s32 @!p2 $0x3;
	s20 =	simm.s32 @!p2 $0x2  }
0x32a: {  	[tilespmem:s24], [sflag:$0x3] =	stream.linear.gather @!p2 [spmem:s21], $0x800, $0x38;
	[tilespmem:$0x16578] =	vst v63  }
0x32b: {  	p3 =	sne.s32 s22, $0x280;
	p4 =	por !p0, p2;
	_ =	swait.ge @!p2 [sflag:s25], $0x800  }
.Ltmp5:
0x32c: {  	[sflag:s25] =	ssyncset.done @!p2 $0x0;
	(pc) =	sbr.rel @p3 .LBB2_8-.Ltmp5, $4  }
0x32d: {  	s20 =	simm.s32 @p4 $0x3;
	[sflag:s25] =	ssyncadd.s32 @!p2 $0xFFFFF800;
	s25 =	simm.s32 @!p2 $0x0  }
0x32e: {  	[hbm4b:s17+s25] =	stream.linear.scatter @!p2 [tilespmem:s24], [sflag:s20], $0x800, $0x38;
	[tilespmem:$0x16578] =	vst v63  }
0x32f: {  	s17 =	sadd.s32 $0x1000, s17;
	_ =	swait.ge @!p2 [sflag:s20], $0x800  }
0x330: {  	s23 =	sadd.s32 s23, s5;
	s21 =	sadd.s32 $0x8000, s21;
	[sflag:s20] =	ssyncset.done @!p2 $0x0  }
0x331: {  	p3 =	sgt.u32 s23, $0x270  }
0x332: {  	[sflag:s20] =	ssyncadd.s32 @!p2 $0xFFFFF800;
	s20 =	simm.s32 @!p3 $0x151F8;
	s22 =	simm.s32 @!p3 $0x3  }
0x333: {  	[tilespmem:s20], [sflag:$0x3] =	stream.linear.gather @!p3 [spmem:s21], $0x800, $0x38;
	[tilespmem:$0x16578] =	vst v63  }
0x334: {  	_ =	swait.ge @!p3 [sflag:s22], $0x800  }
0x335: {  	p2 =	por !p0, p3;
	s21 =	simm.s32 @!p3 $0x2;
	[sflag:s22] =	ssyncset.done @!p3 $0x0  }
0x336: {  	s21 =	simm.s32 @p2 $0x3;
	[sflag:s22] =	ssyncadd.s32 @!p3 $0xFFFFF800;
	s22 =	simm.s32 @!p3 $0x0  }
0x337: {  	[hbm4b:s17+s22] =	stream.linear.scatter @!p3 [tilespmem:s20], [sflag:s21], $0x800, $0x38;
	[tilespmem:$0x16578] =	vst v63  }
0x338: {  	_ =	swait.ge @!p3 [sflag:s21], $0x800  }
0x339: {  	s0 =	rddreg [dreg:$0x11]  }
0x33a: {  	s26 =	rddreg [dreg:$0xb];
	s0 =	sadd.s32 $0x1, s0  }
0x33b: {  	p2 =	sne.s32 s0, s26  }
.Ltmp6:
0x33c: {  	_ = 	snop;
	(pc) =	sbr.rel @p2 .LBB2_1-.Ltmp6, $3  }
0x33d: {  	_ =	sdelay $0x1  }
0x33e: {  	[sflag:s21] =	ssyncset.done @!p3 $0x0  }
0x33f: {  	s1 =	simm.s32 $0x2;
	[sflag:s21] =	ssyncadd.s32 @!p3 $0xFFFFF800  }
0x340: {  	_ =	sfence.sel $0x180000  }
0x341: {  	[bflag:$0x0] =	sbarrier.arrive $0xFFFF  }
0x342: {  	_ =	strace $0x90000047  }
0x343: {  	[bflag:$0x2] =	sbarrier.arrive $0xFFFF  }
0x344: {  	s0 =	rddreg [dreg:$0x7]  }
0x345: {  	s0 =	sadd.s32 @!p1 $0x100000, s0  }
0x346: {  	[sflag:s0] =	ssyncadd.tile.s32 @!p1 $0x1;
	_ =	shalt  }
.Lfunc_end2:
_tile_overlayer_lowered:
.L_overlay_start_2:
0x347: {  	(tag) =	ssettag $0x2  }
0x348: {  	s0 =	rddreg [dreg:$0x0];
	s2 =	stileid.u32  }
0x349: {  	s1 =	rddreg [dreg:$0x1];
	p0 =	sne.s32 s2, $0x0  }
0x34a: {  	s3 =	rddreg [dreg:$0x2];
	[bflag:$0x3] =	sbarrier.arrive $0xFFFF;
	s2 =	simm.s32 @!p0 $0x1C02  }
0x34b: {  	[timem:s3], [sflag:s2] =	dma.local @!p0 [hbm:s0], s1  }
0x34c: {  	s0 =	simm.s32 @!p0 $0x2  }
0x34d: {  	_ =	swait.ge @!p0 [sflag:s0], s1  }
0x34e: {  	s1 =	ssub.s32 @!p0 $0x0, s1;
	[sflag:s0] =	ssyncset.done @!p0 $0x0  }
0x34f: {  	[sflag:s0] =	ssyncadd.s32 @!p0 s1  }
0x350: {  	[bflag:$0x3] =	sbarrier.arrive $0xFFFF  }
0x351: {  	_ =	shalt  }

</sc_bundles>
